<compile_context>
chip_gen: v7x
topology: tpu7x:2x2x1
jax: 0.10.2.dev20260603
libtpu: 0.0.44.dev20260713+nightly
codegen_flags: <defaults>
</compile_context>

<pallas_src>
import jax
import jax.numpy as jnp
from jax import lax
from jax.experimental import pallas as pl
from jax.experimental.pallas import tpu as pltpu
from jax.experimental.pallas import tpu_sc as plsc

T = 2048
D = 768
E = 8
K = 2
H2 = 1536

BK = 128
BKLOG = 7
NB = (K * T) // BK + E
NBP = 48
NP = NB * BK

NC = 2
NS = 16
NW = NC * NS
SLOTS = K * T
SPW = SLOTS // NW
LANES = 16
NCH = SPW // LANES
CHUNK = 64
NHC = SPW // CHUNK
TPW = T // NW


def _dispatch_body(idx_hbm, tok_hbm, x_hbm, xg_hbm, pos_hbm, be_hbm, ex_hbm,
                   idx_v, tok_v, pos_v, cnt_v, all_cnt_v, be_v, rows_v,
                   sem, sem2):
    sid = lax.axis_index("s")
    cid = lax.axis_index("c")
    wid = sid * NC + cid
    base = wid * SPW
    lanes = lax.iota(jnp.int32, LANES)
    zeros = jnp.zeros((LANES,), jnp.int32)

    pltpu.sync_copy(idx_hbm.at[pl.ds(sid * (NC * SPW), NC * SPW)], idx_v)
    pltpu.sync_copy(tok_hbm.at[wid], tok_v)

    gathers = [pltpu.async_copy(x_hbm.at[tok_v.at[h]], rows_v.at[h], sem)
               for h in range(NHC)]

    for seg in range(NC):
        cntv = zeros
        for c in range(NCH):
            v = idx_v[pl.ds(seg * SPW + c * LANES, LANES)]
            for e in range(E):
                se = jnp.sum((v == e).astype(jnp.int32))
                cntv = cntv + jnp.where(
                    lanes == e, jnp.full((LANES,), se, jnp.int32), zeros)
        cnt_v[seg] = cntv

    pltpu.sync_copy(cnt_v, ex_hbm.at[pl.ds(sid * NC, NC)])
    plsc.subcore_barrier()
    pltpu.sync_copy(ex_hbm, all_cnt_v)

    tot_v = zeros
    bef_v = zeros
    for w in range(NW):
        row = all_cnt_v[w]
        tot_v = tot_v + row
        bef_v = bef_v + jnp.where(w < wid, row, zeros)

    cursor = []
    bend = []
    acc_blocks = 0
    for e in range(E):
        tot_e = jnp.sum(jnp.where(lanes == e, tot_v, zeros))
        bef_e = jnp.sum(jnp.where(lanes == e, bef_v, zeros))
        cursor.append(acc_blocks * BK + bef_e)
        acc_blocks = acc_blocks + ((tot_e + (BK - 1)) >> BKLOG)
        bend.append(acc_blocks)

    npmax = jnp.full((LANES,), NP - 1, jnp.int32)
    for c in range(NCH):
        v = idx_v[pl.ds(cid * SPW + c * LANES, LANES)]
        pos_c = zeros
        for e in range(E):
            m = v == e
            mi = m.astype(jnp.int32)
            ranks = plsc.cumsum(mi) - mi
            pos_c = jnp.where(m, cursor[e] + ranks, pos_c)
            cursor[e] = cursor[e] + jnp.sum(mi)
        pos_c = jnp.minimum(jnp.maximum(pos_c, zeros), npmax)
        g = base + c * LANES + lanes
        plsc.store_scatter(pos_v, [g & 1, (g >> 1) - wid * TPW], pos_c)

    pltpu.sync_copy(pos_v, pos_hbm.at[wid])

    for h in range(NHC):
        gathers[h].wait()
        pltpu.async_copy(rows_v.at[h], xg_hbm.at[pos_v.at[h]], sem2).wait()

    @pl.when(wid == 0)
    def _():
        for cb in range(NBP // LANES):
            bi = cb * LANES + lanes
            acc = zeros
            for e in range(E):
                acc = acc + (bend[e] <= bi).astype(jnp.int32)
            be_v[pl.ds(cb * LANES, LANES)] = jnp.minimum(
                acc, jnp.full((LANES,), E - 1, jnp.int32))
        pltpu.sync_copy(be_v, be_hbm)


def _dispatch(idx_flat, tok_flat, xf):
    mesh = plsc.VectorSubcoreMesh(core_axis_name="c", subcore_axis_name="s")
    return pl.kernel(
        _dispatch_body,
        out_type=[
            jax.ShapeDtypeStruct((NP, D), jnp.float32),
            jax.ShapeDtypeStruct((NW, NHC, CHUNK), jnp.int32),
            jax.ShapeDtypeStruct((NBP,), jnp.int32),
            jax.ShapeDtypeStruct((NW, LANES), jnp.int32),
        ],
        mesh=mesh,
        compiler_params=pltpu.CompilerParams(needs_layout_passes=False),
        scratch_types=[
            pltpu.VMEM((NC * SPW,), jnp.int32),
            pltpu.VMEM((NHC, CHUNK), jnp.int32),
            pltpu.VMEM((NHC, CHUNK), jnp.int32),
            pltpu.VMEM((NC, LANES), jnp.int32),
            pltpu.VMEM((NW, LANES), jnp.int32),
            pltpu.VMEM((NBP,), jnp.int32),
            pltpu.VMEM((NHC, CHUNK, D), jnp.float32),
            pltpu.SemaphoreType.DMA,
            pltpu.SemaphoreType.DMA,
        ],
    )(idx_flat, tok_flat, xf)


def _moe_blk(be_ref, xg_ref, w1_ref, w2_ref, y_ref):
    del be_ref
    x = xg_ref[...].astype(jnp.bfloat16)
    w1 = w1_ref[0]
    h = jax.lax.dot_general(
        x, w1, (((1,), (1,)), ((), ())),
        preferred_element_type=jnp.float32)
    h = 0.5 * h * (1.0 + jax.lax.erf(h * 0.7071067811865476))
    hb = h.astype(jnp.bfloat16)
    w2 = w2_ref[0]
    y_ref[...] = jax.lax.dot_general(
        hb, w2, (((1,), (1,)), ((), ())),
        preferred_element_type=jnp.float32)


def _grouped_mlp(be, xg, W1b, W2b):
    grid_spec = pltpu.PrefetchScalarGridSpec(
        num_scalar_prefetch=1,
        grid=(NB,),
        in_specs=[
            pl.BlockSpec((BK, D), lambda b, be: (b, 0)),
            pl.BlockSpec((1, H2, D), lambda b, be: (be[b], 0, 0)),
            pl.BlockSpec((1, D, H2), lambda b, be: (be[b], 0, 0)),
        ],
        out_specs=pl.BlockSpec((BK, D), lambda b, be: (b, 0)),
    )
    return pl.pallas_call(
        _moe_blk,
        grid_spec=grid_spec,
        out_shape=jax.ShapeDtypeStruct((NP, D), jnp.float32),
    )(be, xg, W1b, W2b)


def _gather_body(y_hbm, pos_hbm, yg_hbm, pos_v, rows_v, sem):
    wid = lax.axis_index("s") * NC + lax.axis_index("c")
    pltpu.sync_copy(pos_hbm.at[wid], pos_v)
    for h in range(NHC):
        pltpu.async_copy(y_hbm.at[pos_v.at[h]], rows_v, sem).wait()
        pltpu.sync_copy(rows_v, yg_hbm.at[pl.ds(h * T + wid * TPW, CHUNK)])


def _gather_back(y, pos):
    mesh = plsc.VectorSubcoreMesh(core_axis_name="c", subcore_axis_name="s")
    return pl.kernel(
        _gather_body,
        out_type=jax.ShapeDtypeStruct((SLOTS, D), jnp.float32),
        mesh=mesh,
        compiler_params=pltpu.CompilerParams(needs_layout_passes=False),
        scratch_types=[
            pltpu.VMEM((NHC, CHUNK), jnp.int32),
            pltpu.VMEM((CHUNK, D), jnp.float32),
            pltpu.SemaphoreType.DMA,
        ],
    )(y, pos)


BT = 128


def _combine_blk(y0_ref, y1_ref, w_ref, out_ref):
    w0 = w_ref[:, 0:1]
    w1 = w_ref[:, 1:2]
    out_ref[...] = w0 * y0_ref[...] + w1 * y1_ref[...]


def _combine(yg, w):
    return pl.pallas_call(
        _combine_blk,
        grid=(T // BT,),
        in_specs=[
            pl.BlockSpec((BT, D), lambda b: (b, 0)),
            pl.BlockSpec((BT, D), lambda b: (b + T // BT, 0)),
            pl.BlockSpec((BT, K), lambda b: (b, 0)),
        ],
        out_specs=pl.BlockSpec((BT, D), lambda b: (b, 0)),
        out_shape=jax.ShapeDtypeStruct((T, D), jnp.float32),
    )(yg, yg, w)


def kernel(x, Wg, W1, W2):
    logits = jnp.einsum('btd,ed->bte', x, Wg)
    scores, indices = jax.lax.top_k(logits, K)
    weights = jax.nn.softmax(scores, axis=-1)

    xf = x[0]
    idx_flat = indices[0].reshape(-1).astype(jnp.int32)
    tok_flat = jnp.broadcast_to(
        (jnp.arange(NW, dtype=jnp.int32) * TPW)[:, None, None]
        + jnp.arange(CHUNK, dtype=jnp.int32)[None, None, :],
        (NW, NHC, CHUNK)).astype(jnp.int32)

    xg, pos, be, _ = _dispatch(idx_flat, tok_flat, xf)
    y = _grouped_mlp(be[:NB], xg,
                     W1.astype(jnp.bfloat16), W2.astype(jnp.bfloat16))
    yg = _gather_back(y, pos)
    out = _combine(yg, weights[0])
    return out[None]

# --- scband reference (transcript-rebuilt; emitter-appended) ---
"""Pipeline reference for scband-mo-elayer-5677946765398 (READ-ONLY COPY).

The authoritative reference and input builder live on the scoring server;
editing this copy changes nothing except your own understanding.
"""

import jax, jax.numpy as jnp
import numpy as np

TOKEN_DIM = 768
N_EXPERTS = 8
TOP_K = 2
EXPERT_DIM = 768
B, T = 1, 2048


def setup_inputs(seed: int = 0) -> dict:
    key = jax.random.key(seed)
    ks = jax.random.split(key, 4)
    x = jax.random.normal(ks[0], (B, T, TOKEN_DIM), dtype=jnp.float32)
    # router gate weight, torch nn.Linear(token_dim, n_experts, bias=False): weight [E, D]
    Wg = jax.random.normal(ks[1], (N_EXPERTS, TOKEN_DIM), dtype=jnp.float32) * 0.02
    # per-expert MLP weights: W1 [E, 2*expert_dim, D], W2 [E, D, 2*expert_dim]
    W1 = jax.random.normal(ks[2], (N_EXPERTS, 2 * EXPERT_DIM, TOKEN_DIM), dtype=jnp.float32) * 0.02
    W2 = jax.random.normal(ks[3], (N_EXPERTS, TOKEN_DIM, 2 * EXPERT_DIM), dtype=jnp.float32) * 0.02
    return {"x": x, "Wg": Wg, "W1": W1, "W2": W2}


def reference(x, Wg, W1, W2):
    # Router: logits = x @ Wg.T -> [B, T, E]
    logits = jnp.einsum('btd,ed->bte', x, Wg)
    scores, indices = jax.lax.top_k(logits, TOP_K)  # [B, T, K]
    weights = jax.nn.softmax(scores, axis=-1)       # [B, T, K]
    # Dense-equivalent expert computation (math identical to masked dispatch):
    # h = GELU(x @ W1[e].T) for every expert e, then expert_out = h @ W2[e].T
    h = jax.nn.gelu(jnp.einsum('btd,ehd->bteh', x, W1), approximate=False)  # [B,T,E,2H]
    expert_out = jnp.einsum('bteh,edh->bted', h, W2)                        # [B,T,E,D]
    # Gather top-k expert outputs per token and combine with router weights
    gathered = jnp.take_along_axis(expert_out, indices[..., None], axis=2)  # [B,T,K,D]
    out = jnp.sum(weights[..., None] * gathered, axis=2)                    # [B,T,D]
    return out

if __name__ == "__main__":
    import jax
    _d = setup_inputs()
    print(jax.jit(kernel)(*tuple(_d.values())))

</pallas_src>

<mosaic_0001>
#map = affine_map<(d0, d1) -> (0, 0)>
#map1 = affine_map<(d0, d1) -> (0, 0, 0)>
module attributes {stable_mosaic.version = 14 : i64} {
  func.func @_gather_body(%arg0: i32, %arg1: i32, %arg2: memref<5120x768xf32, #tpu.memory_space<hbm>>, %arg3: memref<32x2x64xi32, #tpu.memory_space<hbm>>, %arg4: memref<4096x768xf32, #tpu.memory_space<hbm>>, %arg5: memref<2x64xi32, #tpu.memory_space<vmem>>, %arg6: memref<64x768xf32, #tpu.memory_space<vmem>>, %arg7: memref<!tpu.dma_semaphore, #tpu.memory_space<semaphore_mem>>) attributes {dimension_semantics = [#tpu.dimension_semantics<core_parallel>, #tpu.dimension_semantics<subcore_parallel>], iteration_bounds = array<i64: 2, 16>, scalar_prefetch = 0 : i64, scratch_operands = 3 : i64, tpu.core_type = #tpu.core_type<sc_vector_subcore>, window_params = [{transform_indices = #map}, {transform_indices = #map1}, {transform_indices = #map}]} {
    %mul3A = arith.constant 2 : i32
    %mul3A_0 = arith.muli %arg1, %mul3A : i32
    %add3A = arith.addi %mul3A_0, %arg0 : i32
    "tpu.region"() ({
      %run_scoped3A = tpu.sem_alloc : memref<!tpu.dma_semaphore, #tpu.memory_space<semaphore_mem>>
      %dma_start3A_35 = arith.constant 0 : i32
      %dma_start3A_36 = arith.constant 0 : i32
      %dma_start3A_37 = tpu.memref_slice %arg3[%add3A, %dma_start3A_35, %dma_start3A_36] : memref<32x2x64xi32, #tpu.memory_space<hbm>> -> memref<1x2x64xi32, #tpu.memory_space<hbm>>
      %dma_start3A_38 = tpu.memref_squeeze %dma_start3A_37 : memref<1x2x64xi32, #tpu.memory_space<hbm>> -> memref<2x64xi32, #tpu.memory_space<hbm>>
      %dma_start3A_39 = arith.constant 0 : i32
      %dma_start3A_40 = arith.constant 0 : i32
      %dma_start3A_41 = tpu.memref_slice %arg3[%add3A, %dma_start3A_39, %dma_start3A_40] : memref<32x2x64xi32, #tpu.memory_space<hbm>> -> memref<1x2x64xi32, #tpu.memory_space<hbm>>
      %dma_start3A_42 = tpu.memref_squeeze %dma_start3A_41 : memref<1x2x64xi32, #tpu.memory_space<hbm>> -> memref<2x64xi32, #tpu.memory_space<hbm>>
      tpu.enqueue_dma source(%dma_start3A_42 : memref<2x64xi32, #tpu.memory_space<hbm>>) target(%arg5 : memref<2x64xi32, #tpu.memory_space<vmem>>) target_semaphore(%run_scoped3A : memref<!tpu.dma_semaphore, #tpu.memory_space<semaphore_mem>>)
      %dma_wait3A_43 = arith.constant 0 : i32
      %dma_wait3A_44 = arith.constant 0 : i32
      %dma_wait3A_45 = tpu.memref_slice %arg3[%add3A, %dma_wait3A_43, %dma_wait3A_44] : memref<32x2x64xi32, #tpu.memory_space<hbm>> -> memref<1x2x64xi32, #tpu.memory_space<hbm>>
      %dma_wait3A_46 = tpu.memref_squeeze %dma_wait3A_45 : memref<1x2x64xi32, #tpu.memory_space<hbm>> -> memref<2x64xi32, #tpu.memory_space<hbm>>
      %dma_wait3A_47 = arith.constant 0 : i32
      %dma_wait3A_48 = arith.constant 0 : i32
      %dma_wait3A_49 = tpu.memref_slice %arg3[%add3A, %dma_wait3A_47, %dma_wait3A_48] : memref<32x2x64xi32, #tpu.memory_space<hbm>> -> memref<1x2x64xi32, #tpu.memory_space<hbm>>
      %dma_wait3A_50 = tpu.memref_squeeze %dma_wait3A_49 : memref<1x2x64xi32, #tpu.memory_space<hbm>> -> memref<2x64xi32, #tpu.memory_space<hbm>>
      tpu.wait_dma2 semaphore(%run_scoped3A : memref<!tpu.dma_semaphore, #tpu.memory_space<semaphore_mem>>) src(%dma_wait3A_50 : memref<2x64xi32, #tpu.memory_space<hbm>>) dst(%arg5 : memref<2x64xi32, #tpu.memory_space<vmem>>)
      tpu.yield
    }) : () -> ()
    %dma_start3A = arith.constant 0 : i32
    %dma_start3A_1 = arith.constant 0 : i32
    %dma_start3A_2 = tpu.memref_slice %arg5[%dma_start3A, %dma_start3A_1] : memref<2x64xi32, #tpu.memory_space<vmem>> -> memref<1x64xi32, #tpu.memory_space<vmem>>
    %dma_start3A_3 = tpu.memref_squeeze %dma_start3A_2 : memref<1x64xi32, #tpu.memory_space<vmem>> -> memref<64xi32, #tpu.memory_space<vmem>>
    %dma_start3A_4 = arith.constant 0 : i32
    %dma_start3A_5 = arith.constant 0 : i32
    %dma_start3A_6 = tpu.memref_slice %arg2[%dma_start3A_4, %dma_start3A_5] : memref<5120x768xf32, #tpu.memory_space<hbm>> -> memref<5120x768xf32, #tpu.memory_space<hbm>>
    tpu.enqueue_indirect_dma source(%dma_start3A_6 : memref<5120x768xf32, #tpu.memory_space<hbm>>) target(%arg6 : memref<64x768xf32, #tpu.memory_space<vmem>>) offsets(%dma_start3A_3 : memref<64xi32, #tpu.memory_space<vmem>>) semaphore(%arg7 : memref<!tpu.dma_semaphore, #tpu.memory_space<semaphore_mem>>)
    %dma_wait3A = arith.constant 0 : i32
    %dma_wait3A_7 = arith.constant 0 : i32
    %dma_wait3A_8 = tpu.memref_slice %arg5[%dma_wait3A, %dma_wait3A_7] : memref<2x64xi32, #tpu.memory_space<vmem>> -> memref<1x64xi32, #tpu.memory_space<vmem>>
    %dma_wait3A_9 = tpu.memref_squeeze %dma_wait3A_8 : memref<1x64xi32, #tpu.memory_space<vmem>> -> memref<64xi32, #tpu.memory_space<vmem>>
    %dma_wait3A_10 = arith.constant 0 : i32
    %dma_wait3A_11 = arith.constant 0 : i32
    %dma_wait3A_12 = tpu.memref_slice %arg2[%dma_wait3A_10, %dma_wait3A_11] : memref<5120x768xf32, #tpu.memory_space<hbm>> -> memref<5120x768xf32, #tpu.memory_space<hbm>>
    tpu.wait_indirect_dma semaphore(%arg7 : memref<!tpu.dma_semaphore, #tpu.memory_space<semaphore_mem>>) src(%dma_wait3A_12 : memref<5120x768xf32, #tpu.memory_space<hbm>>) dst(%arg6 : memref<64x768xf32, #tpu.memory_space<vmem>>)
    %mul3A_13 = arith.constant 64 : i32
    %mul3A_14 = arith.muli %add3A, %mul3A_13 : i32
    %add3A_15 = arith.constant 0 : i32
    %add3A_16 = arith.addi %add3A_15, %mul3A_14 : i32
    "tpu.region"() ({
      %run_scoped3A = tpu.sem_alloc : memref<!tpu.dma_semaphore, #tpu.memory_space<semaphore_mem>>
      %dma_start3A_35 = arith.constant 0 : i32
      %dma_start3A_36 = tpu.memref_slice %arg4[%add3A_16, %dma_start3A_35] : memref<4096x768xf32, #tpu.memory_space<hbm>> -> memref<64x768xf32, #tpu.memory_space<hbm>>
      %dma_start3A_37 = arith.constant 0 : i32
      %dma_start3A_38 = tpu.memref_slice %arg4[%add3A_16, %dma_start3A_37] : memref<4096x768xf32, #tpu.memory_space<hbm>> -> memref<64x768xf32, #tpu.memory_space<hbm>>
      tpu.enqueue_dma source(%arg6 : memref<64x768xf32, #tpu.memory_space<vmem>>) target(%dma_start3A_38 : memref<64x768xf32, #tpu.memory_space<hbm>>) target_semaphore(%run_scoped3A : memref<!tpu.dma_semaphore, #tpu.memory_space<semaphore_mem>>)
      %dma_wait3A_39 = arith.constant 0 : i32
      %dma_wait3A_40 = tpu.memref_slice %arg4[%add3A_16, %dma_wait3A_39] : memref<4096x768xf32, #tpu.memory_space<hbm>> -> memref<64x768xf32, #tpu.memory_space<hbm>>
      %dma_wait3A_41 = arith.constant 0 : i32
      %dma_wait3A_42 = tpu.memref_slice %arg4[%add3A_16, %dma_wait3A_41] : memref<4096x768xf32, #tpu.memory_space<hbm>> -> memref<64x768xf32, #tpu.memory_space<hbm>>
      tpu.wait_dma2 semaphore(%run_scoped3A : memref<!tpu.dma_semaphore, #tpu.memory_space<semaphore_mem>>) src(%arg6 : memref<64x768xf32, #tpu.memory_space<vmem>>) dst(%dma_wait3A_42 : memref<64x768xf32, #tpu.memory_space<hbm>>)
      tpu.yield
    }) : () -> ()
    %dma_start3A_17 = arith.constant 1 : i32
    %dma_start3A_18 = arith.constant 0 : i32
    %dma_start3A_19 = tpu.memref_slice %arg5[%dma_start3A_17, %dma_start3A_18] : memref<2x64xi32, #tpu.memory_space<vmem>> -> memref<1x64xi32, #tpu.memory_space<vmem>>
    %dma_start3A_20 = tpu.memref_squeeze %dma_start3A_19 : memref<1x64xi32, #tpu.memory_space<vmem>> -> memref<64xi32, #tpu.memory_space<vmem>>
    %dma_start3A_21 = arith.constant 0 : i32
    %dma_start3A_22 = arith.constant 0 : i32
    %dma_start3A_23 = tpu.memref_slice %arg2[%dma_start3A_21, %dma_start3A_22] : memref<5120x768xf32, #tpu.memory_space<hbm>> -> memref<5120x768xf32, #tpu.memory_space<hbm>>
    tpu.enqueue_indirect_dma source(%dma_start3A_23 : memref<5120x768xf32, #tpu.memory_space<hbm>>) target(%arg6 : memref<64x768xf32, #tpu.memory_space<vmem>>) offsets(%dma_start3A_20 : memref<64xi32, #tpu.memory_space<vmem>>) semaphore(%arg7 : memref<!tpu.dma_semaphore, #tpu.memory_space<semaphore_mem>>)
    %dma_wait3A_24 = arith.constant 1 : i32
    %dma_wait3A_25 = arith.constant 0 : i32
    %dma_wait3A_26 = tpu.memref_slice %arg5[%dma_wait3A_24, %dma_wait3A_25] : memref<2x64xi32, #tpu.memory_space<vmem>> -> memref<1x64xi32, #tpu.memory_space<vmem>>
    %dma_wait3A_27 = tpu.memref_squeeze %dma_wait3A_26 : memref<1x64xi32, #tpu.memory_space<vmem>> -> memref<64xi32, #tpu.memory_space<vmem>>
    %dma_wait3A_28 = arith.constant 0 : i32
    %dma_wait3A_29 = arith.constant 0 : i32
    %dma_wait3A_30 = tpu.memref_slice %arg2[%dma_wait3A_28, %dma_wait3A_29] : memref<5120x768xf32, #tpu.memory_space<hbm>> -> memref<5120x768xf32, #tpu.memory_space<hbm>>
    tpu.wait_indirect_dma semaphore(%arg7 : memref<!tpu.dma_semaphore, #tpu.memory_space<semaphore_mem>>) src(%dma_wait3A_30 : memref<5120x768xf32, #tpu.memory_space<hbm>>) dst(%arg6 : memref<64x768xf32, #tpu.memory_space<vmem>>)
    %mul3A_31 = arith.constant 64 : i32
    %mul3A_32 = arith.muli %add3A, %mul3A_31 : i32
    %add3A_33 = arith.constant 2048 : i32
    %add3A_34 = arith.addi %add3A_33, %mul3A_32 : i32
    "tpu.region"() ({
      %run_scoped3A = tpu.sem_alloc : memref<!tpu.dma_semaphore, #tpu.memory_space<semaphore_mem>>
      %dma_start3A_35 = arith.constant 0 : i32
      %dma_start3A_36 = tpu.memref_slice %arg4[%add3A_34, %dma_start3A_35] : memref<4096x768xf32, #tpu.memory_space<hbm>> -> memref<64x768xf32, #tpu.memory_space<hbm>>
      %dma_start3A_37 = arith.constant 0 : i32
      %dma_start3A_38 = tpu.memref_slice %arg4[%add3A_34, %dma_start3A_37] : memref<4096x768xf32, #tpu.memory_space<hbm>> -> memref<64x768xf32, #tpu.memory_space<hbm>>
      tpu.enqueue_dma source(%arg6 : memref<64x768xf32, #tpu.memory_space<vmem>>) target(%dma_start3A_38 : memref<64x768xf32, #tpu.memory_space<hbm>>) target_semaphore(%run_scoped3A : memref<!tpu.dma_semaphore, #tpu.memory_space<semaphore_mem>>)
      %dma_wait3A_39 = arith.constant 0 : i32
      %dma_wait3A_40 = tpu.memref_slice %arg4[%add3A_34, %dma_wait3A_39] : memref<4096x768xf32, #tpu.memory_space<hbm>> -> memref<64x768xf32, #tpu.memory_space<hbm>>
      %dma_wait3A_41 = arith.constant 0 : i32
      %dma_wait3A_42 = tpu.memref_slice %arg4[%add3A_34, %dma_wait3A_41] : memref<4096x768xf32, #tpu.memory_space<hbm>> -> memref<64x768xf32, #tpu.memory_space<hbm>>
      tpu.wait_dma2 semaphore(%run_scoped3A : memref<!tpu.dma_semaphore, #tpu.memory_space<semaphore_mem>>) src(%arg6 : memref<64x768xf32, #tpu.memory_space<vmem>>) dst(%dma_wait3A_42 : memref<64x768xf32, #tpu.memory_space<hbm>>)
      tpu.yield
    }) : () -> ()
    return
  }
}

#map = affine_map<(d0, d1) -> (0)>
#map1 = affine_map<(d0, d1) -> (0, 0, 0)>
#map2 = affine_map<(d0, d1) -> (0, 0)>
module attributes {stable_mosaic.version = 14 : i64} {
  func.func @_dispatch_body(%arg0: i32, %arg1: i32, %arg2: memref<4096xi32, #tpu.memory_space<hbm>>, %arg3: memref<32x2x64xi32, #tpu.memory_space<hbm>>, %arg4: memref<2048x768xf32, #tpu.memory_space<hbm>>, %arg5: memref<5120x768xf32, #tpu.memory_space<hbm>>, %arg6: memref<32x2x64xi32, #tpu.memory_space<hbm>>, %arg7: memref<48xi32, #tpu.memory_space<hbm>>, %arg8: memref<32x16xi32, #tpu.memory_space<hbm>>, %arg9: memref<256xi32, #tpu.memory_space<vmem>>, %arg10: memref<2x64xi32, #tpu.memory_space<vmem>>, %arg11: memref<2x64xi32, #tpu.memory_space<vmem>>, %arg12: memref<2x16xi32, #tpu.memory_space<vmem>>, %arg13: memref<32x16xi32, #tpu.memory_space<vmem>>, %arg14: memref<48xi32, #tpu.memory_space<vmem>>, %arg15: memref<2x64x768xf32, #tpu.memory_space<vmem>>, %arg16: memref<!tpu.dma_semaphore, #tpu.memory_space<semaphore_mem>>, %arg17: memref<!tpu.dma_semaphore, #tpu.memory_space<semaphore_mem>>) attributes {dimension_semantics = [#tpu.dimension_semantics<core_parallel>, #tpu.dimension_semantics<subcore_parallel>], iteration_bounds = array<i64: 2, 16>, scalar_prefetch = 0 : i64, scratch_operands = 9 : i64, tpu.core_type = #tpu.core_type<sc_vector_subcore>, window_params = [{transform_indices = #map}, {transform_indices = #map1}, {transform_indices = #map2}, {transform_indices = #map2}, {transform_indices = #map1}, {transform_indices = #map}, {transform_indices = #map2}]} {
    %mul3A = arith.constant 2 : i32
    %mul3A_0 = arith.muli %arg1, %mul3A : i32
    %add3A = arith.addi %mul3A_0, %arg0 : i32
    %mul3A_1 = arith.constant 128 : i32
    %mul3A_2 = arith.muli %add3A, %mul3A_1 : i32
    %iota3A = tpu.iota {dimensions = array<i32: 0>} : vector<16xi32>
    %broadcast_in_dim3A = arith.constant 0 : i32
    %broadcast_in_dim3A_3 = vector.broadcast %broadcast_in_dim3A : i32 to vector<16xi32>
    %mul3A_4 = arith.constant 256 : i32
    %mul3A_5 = arith.muli %arg1, %mul3A_4 : i32
    "tpu.region"() ({
      %run_scoped3A = tpu.sem_alloc : memref<!tpu.dma_semaphore, #tpu.memory_space<semaphore_mem>>
      %dma_start3A_3607 = tpu.memref_slice %arg2[%mul3A_5] : memref<4096xi32, #tpu.memory_space<hbm>> -> memref<256xi32, #tpu.memory_space<hbm>>
      %dma_start3A_3608 = tpu.memref_slice %arg2[%mul3A_5] : memref<4096xi32, #tpu.memory_space<hbm>> -> memref<256xi32, #tpu.memory_space<hbm>>
      tpu.enqueue_dma source(%dma_start3A_3608 : memref<256xi32, #tpu.memory_space<hbm>>) target(%arg9 : memref<256xi32, #tpu.memory_space<vmem>>) target_semaphore(%run_scoped3A : memref<!tpu.dma_semaphore, #tpu.memory_space<semaphore_mem>>)
      %dma_wait3A_3609 = tpu.memref_slice %arg2[%mul3A_5] : memref<4096xi32, #tpu.memory_space<hbm>> -> memref<256xi32, #tpu.memory_space<hbm>>
      %dma_wait3A_3610 = tpu.memref_slice %arg2[%mul3A_5] : memref<4096xi32, #tpu.memory_space<hbm>> -> memref<256xi32, #tpu.memory_space<hbm>>
      tpu.wait_dma2 semaphore(%run_scoped3A : memref<!tpu.dma_semaphore, #tpu.memory_space<semaphore_mem>>) src(%dma_wait3A_3610 : memref<256xi32, #tpu.memory_space<hbm>>) dst(%arg9 : memref<256xi32, #tpu.memory_space<vmem>>)
      tpu.yield
    }) : () -> ()
    "tpu.region"() ({
      %run_scoped3A = tpu.sem_alloc : memref<!tpu.dma_semaphore, #tpu.memory_space<semaphore_mem>>
      %dma_start3A_3607 = arith.constant 0 : i32
      %dma_start3A_3608 = arith.constant 0 : i32
      %dma_start3A_3609 = tpu.memref_slice %arg3[%add3A, %dma_start3A_3607, %dma_start3A_3608] : memref<32x2x64xi32, #tpu.memory_space<hbm>> -> memref<1x2x64xi32, #tpu.memory_space<hbm>>
      %dma_start3A_3610 = tpu.memref_squeeze %dma_start3A_3609 : memref<1x2x64xi32, #tpu.memory_space<hbm>> -> memref<2x64xi32, #tpu.memory_space<hbm>>
      %dma_start3A_3611 = arith.constant 0 : i32
      %dma_start3A_3612 = arith.constant 0 : i32
      %dma_start3A_3613 = tpu.memref_slice %arg3[%add3A, %dma_start3A_3611, %dma_start3A_3612] : memref<32x2x64xi32, #tpu.memory_space<hbm>> -> memref<1x2x64xi32, #tpu.memory_space<hbm>>
      %dma_start3A_3614 = tpu.memref_squeeze %dma_start3A_3613 : memref<1x2x64xi32, #tpu.memory_space<hbm>> -> memref<2x64xi32, #tpu.memory_space<hbm>>
      tpu.enqueue_dma source(%dma_start3A_3614 : memref<2x64xi32, #tpu.memory_space<hbm>>) target(%arg10 : memref<2x64xi32, #tpu.memory_space<vmem>>) target_semaphore(%run_scoped3A : memref<!tpu.dma_semaphore, #tpu.memory_space<semaphore_mem>>)
      %dma_wait3A_3615 = arith.constant 0 : i32
      %dma_wait3A_3616 = arith.constant 0 : i32
      %dma_wait3A_3617 = tpu.memref_slice %arg3[%add3A, %dma_wait3A_3615, %dma_wait3A_3616] : memref<32x2x64xi32, #tpu.memory_space<hbm>> -> memref<1x2x64xi32, #tpu.memory_space<hbm>>
      %dma_wait3A_3618 = tpu.memref_squeeze %dma_wait3A_3617 : memref<1x2x64xi32, #tpu.memory_space<hbm>> -> memref<2x64xi32, #tpu.memory_space<hbm>>
      %dma_wait3A_3619 = arith.constant 0 : i32
      %dma_wait3A_3620 = arith.constant 0 : i32
      %dma_wait3A_3621 = tpu.memref_slice %arg3[%add3A, %dma_wait3A_3619, %dma_wait3A_3620] : memref<32x2x64xi32, #tpu.memory_space<hbm>> -> memref<1x2x64xi32, #tpu.memory_space<hbm>>
      %dma_wait3A_3622 = tpu.memref_squeeze %dma_wait3A_3621 : memref<1x2x64xi32, #tpu.memory_space<hbm>> -> memref<2x64xi32, #tpu.memory_space<hbm>>
      tpu.wait_dma2 semaphore(%run_scoped3A : memref<!tpu.dma_semaphore, #tpu.memory_space<semaphore_mem>>) src(%dma_wait3A_3622 : memref<2x64xi32, #tpu.memory_space<hbm>>) dst(%arg10 : memref<2x64xi32, #tpu.memory_space<vmem>>)
      tpu.yield
    }) : () -> ()
    %dma_start3A = arith.constant 0 : i32
    %dma_start3A_6 = arith.constant 0 : i32
    %dma_start3A_7 = arith.constant 0 : i32
    %dma_start3A_8 = arith.constant 0 : i32
    %dma_start3A_9 = tpu.memref_slice %arg15[%dma_start3A_6, %dma_start3A_7, %dma_start3A_8] : memref<2x64x768xf32, #tpu.memory_space<vmem>> -> memref<1x64x768xf32, #tpu.memory_space<vmem>>
    %dma_start3A_10 = tpu.memref_squeeze %dma_start3A_9 : memref<1x64x768xf32, #tpu.memory_space<vmem>> -> memref<64x768xf32, #tpu.memory_space<vmem>>
    %dma_start3A_11 = arith.constant 0 : i32
    %dma_start3A_12 = tpu.memref_slice %arg10[%dma_start3A, %dma_start3A_11] : memref<2x64xi32, #tpu.memory_space<vmem>> -> memref<1x64xi32, #tpu.memory_space<vmem>>
    %dma_start3A_13 = tpu.memref_squeeze %dma_start3A_12 : memref<1x64xi32, #tpu.memory_space<vmem>> -> memref<64xi32, #tpu.memory_space<vmem>>
    %dma_start3A_14 = arith.constant 0 : i32
    %dma_start3A_15 = arith.constant 0 : i32
    %dma_start3A_16 = tpu.memref_slice %arg4[%dma_start3A_14, %dma_start3A_15] : memref<2048x768xf32, #tpu.memory_space<hbm>> -> memref<2048x768xf32, #tpu.memory_space<hbm>>
    tpu.enqueue_indirect_dma source(%dma_start3A_16 : memref<2048x768xf32, #tpu.memory_space<hbm>>) target(%dma_start3A_10 : memref<64x768xf32, #tpu.memory_space<vmem>>) offsets(%dma_start3A_13 : memref<64xi32, #tpu.memory_space<vmem>>) semaphore(%arg16 : memref<!tpu.dma_semaphore, #tpu.memory_space<semaphore_mem>>)
    %dma_start3A_17 = arith.constant 1 : i32
    %dma_start3A_18 = arith.constant 1 : i32
    %dma_start3A_19 = arith.constant 0 : i32
    %dma_start3A_20 = arith.constant 0 : i32
    %dma_start3A_21 = tpu.memref_slice %arg15[%dma_start3A_18, %dma_start3A_19, %dma_start3A_20] : memref<2x64x768xf32, #tpu.memory_space<vmem>> -> memref<1x64x768xf32, #tpu.memory_space<vmem>>
    %dma_start3A_22 = tpu.memref_squeeze %dma_start3A_21 : memref<1x64x768xf32, #tpu.memory_space<vmem>> -> memref<64x768xf32, #tpu.memory_space<vmem>>
    %dma_start3A_23 = arith.constant 0 : i32
    %dma_start3A_24 = tpu.memref_slice %arg10[%dma_start3A_17, %dma_start3A_23] : memref<2x64xi32, #tpu.memory_space<vmem>> -> memref<1x64xi32, #tpu.memory_space<vmem>>
    %dma_start3A_25 = tpu.memref_squeeze %dma_start3A_24 : memref<1x64xi32, #tpu.memory_space<vmem>> -> memref<64xi32, #tpu.memory_space<vmem>>
    %dma_start3A_26 = arith.constant 0 : i32
    %dma_start3A_27 = arith.constant 0 : i32
    %dma_start3A_28 = tpu.memref_slice %arg4[%dma_start3A_26, %dma_start3A_27] : memref<2048x768xf32, #tpu.memory_space<hbm>> -> memref<2048x768xf32, #tpu.memory_space<hbm>>
    tpu.enqueue_indirect_dma source(%dma_start3A_28 : memref<2048x768xf32, #tpu.memory_space<hbm>>) target(%dma_start3A_22 : memref<64x768xf32, #tpu.memory_space<vmem>>) offsets(%dma_start3A_25 : memref<64xi32, #tpu.memory_space<vmem>>) semaphore(%arg16 : memref<!tpu.dma_semaphore, #tpu.memory_space<semaphore_mem>>)
    %get3A = arith.constant 0 : index
    %get3A_29 = tpu.vector_load %arg9[%get3A] {strides = array<i32>} : memref<256xi32, #tpu.memory_space<vmem>>, vector<16xi32>,
    %eq3A = arith.constant 0 : i32
    %eq3A_30 = vector.broadcast %eq3A : i32 to vector<16xi32>
    %eq3A_31 = arith.cmpi eq, %get3A_29, %eq3A_30 : vector<16xi32>
    %convert_element_type3A = arith.extui %eq3A_31 : vector<16xi1> to vector<16xi32>
    %reduce_sum3A = arith.constant true
    %reduce_sum3A_32 = vector.broadcast %reduce_sum3A : i1 to vector<16xi1>
    %reduce_sum3A_33 = tpu.scan <sum>, %convert_element_type3A masked %reduce_sum3A_32 : vector<16xi32>, vector<16xi1> -> vector<16xi32>
    %reduce_sum3A_34 = vector.extract %reduce_sum3A_33[15] : i32 from vector<16xi32>
    %eq3A_35 = arith.constant 0 : i32
    %eq3A_36 = vector.broadcast %eq3A_35 : i32 to vector<16xi32>
    %eq3A_37 = arith.cmpi eq, %iota3A, %eq3A_36 : vector<16xi32>
    %broadcast_in_dim3A_38 = vector.broadcast %reduce_sum3A_34 : i32 to vector<16xi32>
    %select_n3A = arith.select %eq3A_37, %broadcast_in_dim3A_38, %broadcast_in_dim3A_3 : vector<16xi1>, vector<16xi32>
    %add3A_39 = arith.addi %broadcast_in_dim3A_3, %select_n3A : vector<16xi32>
    %eq3A_40 = arith.constant 1 : i32
    %eq3A_41 = vector.broadcast %eq3A_40 : i32 to vector<16xi32>
    %eq3A_42 = arith.cmpi eq, %get3A_29, %eq3A_41 : vector<16xi32>
    %convert_element_type3A_43 = arith.extui %eq3A_42 : vector<16xi1> to vector<16xi32>
    %reduce_sum3A_44 = arith.constant true
    %reduce_sum3A_45 = vector.broadcast %reduce_sum3A_44 : i1 to vector<16xi1>
    %reduce_sum3A_46 = tpu.scan <sum>, %convert_element_type3A_43 masked %reduce_sum3A_45 : vector<16xi32>, vector<16xi1> -> vector<16xi32>
    %reduce_sum3A_47 = vector.extract %reduce_sum3A_46[15] : i32 from vector<16xi32>
    %eq3A_48 = arith.constant 1 : i32
    %eq3A_49 = vector.broadcast %eq3A_48 : i32 to vector<16xi32>
    %eq3A_50 = arith.cmpi eq, %iota3A, %eq3A_49 : vector<16xi32>
    %broadcast_in_dim3A_51 = vector.broadcast %reduce_sum3A_47 : i32 to vector<16xi32>
    %select_n3A_52 = arith.select %eq3A_50, %broadcast_in_dim3A_51, %broadcast_in_dim3A_3 : vector<16xi1>, vector<16xi32>
    %add3A_53 = arith.addi %add3A_39, %select_n3A_52 : vector<16xi32>
    %eq3A_54 = arith.constant 2 : i32
    %eq3A_55 = vector.broadcast %eq3A_54 : i32 to vector<16xi32>
    %eq3A_56 = arith.cmpi eq, %get3A_29, %eq3A_55 : vector<16xi32>
    %convert_element_type3A_57 = arith.extui %eq3A_56 : vector<16xi1> to vector<16xi32>
    %reduce_sum3A_58 = arith.constant true
    %reduce_sum3A_59 = vector.broadcast %reduce_sum3A_58 : i1 to vector<16xi1>
    %reduce_sum3A_60 = tpu.scan <sum>, %convert_element_type3A_57 masked %reduce_sum3A_59 : vector<16xi32>, vector<16xi1> -> vector<16xi32>
    %reduce_sum3A_61 = vector.extract %reduce_sum3A_60[15] : i32 from vector<16xi32>
    %eq3A_62 = arith.constant 2 : i32
    %eq3A_63 = vector.broadcast %eq3A_62 : i32 to vector<16xi32>
    %eq3A_64 = arith.cmpi eq, %iota3A, %eq3A_63 : vector<16xi32>
    %broadcast_in_dim3A_65 = vector.broadcast %reduce_sum3A_61 : i32 to vector<16xi32>
    %select_n3A_66 = arith.select %eq3A_64, %broadcast_in_dim3A_65, %broadcast_in_dim3A_3 : vector<16xi1>, vector<16xi32>
    %add3A_67 = arith.addi %add3A_53, %select_n3A_66 : vector<16xi32>
    %eq3A_68 = arith.constant 3 : i32
    %eq3A_69 = vector.broadcast %eq3A_68 : i32 to vector<16xi32>
    %eq3A_70 = arith.cmpi eq, %get3A_29, %eq3A_69 : vector<16xi32>
    %convert_element_type3A_71 = arith.extui %eq3A_70 : vector<16xi1> to vector<16xi32>
    %reduce_sum3A_72 = arith.constant true
    %reduce_sum3A_73 = vector.broadcast %reduce_sum3A_72 : i1 to vector<16xi1>
    %reduce_sum3A_74 = tpu.scan <sum>, %convert_element_type3A_71 masked %reduce_sum3A_73 : vector<16xi32>, vector<16xi1> -> vector<16xi32>
    %reduce_sum3A_75 = vector.extract %reduce_sum3A_74[15] : i32 from vector<16xi32>
    %eq3A_76 = arith.constant 3 : i32
    %eq3A_77 = vector.broadcast %eq3A_76 : i32 to vector<16xi32>
    %eq3A_78 = arith.cmpi eq, %iota3A, %eq3A_77 : vector<16xi32>
    %broadcast_in_dim3A_79 = vector.broadcast %reduce_sum3A_75 : i32 to vector<16xi32>
    %select_n3A_80 = arith.select %eq3A_78, %broadcast_in_dim3A_79, %broadcast_in_dim3A_3 : vector<16xi1>, vector<16xi32>
    %add3A_81 = arith.addi %add3A_67, %select_n3A_80 : vector<16xi32>
    %eq3A_82 = arith.constant 4 : i32
    %eq3A_83 = vector.broadcast %eq3A_82 : i32 to vector<16xi32>
    %eq3A_84 = arith.cmpi eq, %get3A_29, %eq3A_83 : vector<16xi32>
    %convert_element_type3A_85 = arith.extui %eq3A_84 : vector<16xi1> to vector<16xi32>
    %reduce_sum3A_86 = arith.constant true
    %reduce_sum3A_87 = vector.broadcast %reduce_sum3A_86 : i1 to vector<16xi1>
    %reduce_sum3A_88 = tpu.scan <sum>, %convert_element_type3A_85 masked %reduce_sum3A_87 : vector<16xi32>, vector<16xi1> -> vector<16xi32>
    %reduce_sum3A_89 = vector.extract %reduce_sum3A_88[15] : i32 from vector<16xi32>
    %eq3A_90 = arith.constant 4 : i32
    %eq3A_91 = vector.broadcast %eq3A_90 : i32 to vector<16xi32>
    %eq3A_92 = arith.cmpi eq, %iota3A, %eq3A_91 : vector<16xi32>
    %broadcast_in_dim3A_93 = vector.broadcast %reduce_sum3A_89 : i32 to vector<16xi32>
    %select_n3A_94 = arith.select %eq3A_92, %broadcast_in_dim3A_93, %broadcast_in_dim3A_3 : vector<16xi1>, vector<16xi32>
    %add3A_95 = arith.addi %add3A_81, %select_n3A_94 : vector<16xi32>
    %eq3A_96 = arith.constant 5 : i32
    %eq3A_97 = vector.broadcast %eq3A_96 : i32 to vector<16xi32>
    %eq3A_98 = arith.cmpi eq, %get3A_29, %eq3A_97 : vector<16xi32>
    %convert_element_type3A_99 = arith.extui %eq3A_98 : vector<16xi1> to vector<16xi32>
    %reduce_sum3A_100 = arith.constant true
    %reduce_sum3A_101 = vector.broadcast %reduce_sum3A_100 : i1 to vector<16xi1>
    %reduce_sum3A_102 = tpu.scan <sum>, %convert_element_type3A_99 masked %reduce_sum3A_101 : vector<16xi32>, vector<16xi1> -> vector<16xi32>
    %reduce_sum3A_103 = vector.extract %reduce_sum3A_102[15] : i32 from vector<16xi32>
    %eq3A_104 = arith.constant 5 : i32
    %eq3A_105 = vector.broadcast %eq3A_104 : i32 to vector<16xi32>
    %eq3A_106 = arith.cmpi eq, %iota3A, %eq3A_105 : vector<16xi32>
    %broadcast_in_dim3A_107 = vector.broadcast %reduce_sum3A_103 : i32 to vector<16xi32>
    %select_n3A_108 = arith.select %eq3A_106, %broadcast_in_dim3A_107, %broadcast_in_dim3A_3 : vector<16xi1>, vector<16xi32>
    %add3A_109 = arith.addi %add3A_95, %select_n3A_108 : vector<16xi32>
    %eq3A_110 = arith.constant 6 : i32
    %eq3A_111 = vector.broadcast %eq3A_110 : i32 to vector<16xi32>
    %eq3A_112 = arith.cmpi eq, %get3A_29, %eq3A_111 : vector<16xi32>
    %convert_element_type3A_113 = arith.extui %eq3A_112 : vector<16xi1> to vector<16xi32>
    %reduce_sum3A_114 = arith.constant true
    %reduce_sum3A_115 = vector.broadcast %reduce_sum3A_114 : i1 to vector<16xi1>
    %reduce_sum3A_116 = tpu.scan <sum>, %convert_element_type3A_113 masked %reduce_sum3A_115 : vector<16xi32>, vector<16xi1> -> vector<16xi32>
    %reduce_sum3A_117 = vector.extract %reduce_sum3A_116[15] : i32 from vector<16xi32>
    %eq3A_118 = arith.constant 6 : i32
    %eq3A_119 = vector.broadcast %eq3A_118 : i32 to vector<16xi32>
    %eq3A_120 = arith.cmpi eq, %iota3A, %eq3A_119 : vector<16xi32>
    %broadcast_in_dim3A_121 = vector.broadcast %reduce_sum3A_117 : i32 to vector<16xi32>
    %select_n3A_122 = arith.select %eq3A_120, %broadcast_in_dim3A_121, %broadcast_in_dim3A_3 : vector<16xi1>, vector<16xi32>
    %add3A_123 = arith.addi %add3A_109, %select_n3A_122 : vector<16xi32>
    %eq3A_124 = arith.constant 7 : i32
    %eq3A_125 = vector.broadcast %eq3A_124 : i32 to vector<16xi32>
    %eq3A_126 = arith.cmpi eq, %get3A_29, %eq3A_125 : vector<16xi32>
    %convert_element_type3A_127 = arith.extui %eq3A_126 : vector<16xi1> to vector<16xi32>
    %reduce_sum3A_128 = arith.constant true
    %reduce_sum3A_129 = vector.broadcast %reduce_sum3A_128 : i1 to vector<16xi1>
    %reduce_sum3A_130 = tpu.scan <sum>, %convert_element_type3A_127 masked %reduce_sum3A_129 : vector<16xi32>, vector<16xi1> -> vector<16xi32>
    %reduce_sum3A_131 = vector.extract %reduce_sum3A_130[15] : i32 from vector<16xi32>
    %eq3A_132 = arith.constant 7 : i32
    %eq3A_133 = vector.broadcast %eq3A_132 : i32 to vector<16xi32>
    %eq3A_134 = arith.cmpi eq, %iota3A, %eq3A_133 : vector<16xi32>
    %broadcast_in_dim3A_135 = vector.broadcast %reduce_sum3A_131 : i32 to vector<16xi32>
    %select_n3A_136 = arith.select %eq3A_134, %broadcast_in_dim3A_135, %broadcast_in_dim3A_3 : vector<16xi1>, vector<16xi32>
    %add3A_137 = arith.addi %add3A_123, %select_n3A_136 : vector<16xi32>
    %get3A_138 = arith.constant 16 : index
    %get3A_139 = tpu.vector_load %arg9[%get3A_138] {strides = array<i32>} : memref<256xi32, #tpu.memory_space<vmem>>, vector<16xi32>,
    %eq3A_140 = arith.constant 0 : i32
    %eq3A_141 = vector.broadcast %eq3A_140 : i32 to vector<16xi32>
    %eq3A_142 = arith.cmpi eq, %get3A_139, %eq3A_141 : vector<16xi32>
    %convert_element_type3A_143 = arith.extui %eq3A_142 : vector<16xi1> to vector<16xi32>
    %reduce_sum3A_144 = arith.constant true
    %reduce_sum3A_145 = vector.broadcast %reduce_sum3A_144 : i1 to vector<16xi1>
    %reduce_sum3A_146 = tpu.scan <sum>, %convert_element_type3A_143 masked %reduce_sum3A_145 : vector<16xi32>, vector<16xi1> -> vector<16xi32>
    %reduce_sum3A_147 = vector.extract %reduce_sum3A_146[15] : i32 from vector<16xi32>
    %eq3A_148 = arith.constant 0 : i32
    %eq3A_149 = vector.broadcast %eq3A_148 : i32 to vector<16xi32>
    %eq3A_150 = arith.cmpi eq, %iota3A, %eq3A_149 : vector<16xi32>
    %broadcast_in_dim3A_151 = vector.broadcast %reduce_sum3A_147 : i32 to vector<16xi32>
    %select_n3A_152 = arith.select %eq3A_150, %broadcast_in_dim3A_151, %broadcast_in_dim3A_3 : vector<16xi1>, vector<16xi32>
    %add3A_153 = arith.addi %add3A_137, %select_n3A_152 : vector<16xi32>
    %eq3A_154 = arith.constant 1 : i32
    %eq3A_155 = vector.broadcast %eq3A_154 : i32 to vector<16xi32>
    %eq3A_156 = arith.cmpi eq, %get3A_139, %eq3A_155 : vector<16xi32>
    %convert_element_type3A_157 = arith.extui %eq3A_156 : vector<16xi1> to vector<16xi32>
    %reduce_sum3A_158 = arith.constant true
    %reduce_sum3A_159 = vector.broadcast %reduce_sum3A_158 : i1 to vector<16xi1>
    %reduce_sum3A_160 = tpu.scan <sum>, %convert_element_type3A_157 masked %reduce_sum3A_159 : vector<16xi32>, vector<16xi1> -> vector<16xi32>
    %reduce_sum3A_161 = vector.extract %reduce_sum3A_160[15] : i32 from vector<16xi32>
    %eq3A_162 = arith.constant 1 : i32
    %eq3A_163 = vector.broadcast %eq3A_162 : i32 to vector<16xi32>
    %eq3A_164 = arith.cmpi eq, %iota3A, %eq3A_163 : vector<16xi32>
    %broadcast_in_dim3A_165 = vector.broadcast %reduce_sum3A_161 : i32 to vector<16xi32>
    %select_n3A_166 = arith.select %eq3A_164, %broadcast_in_dim3A_165, %broadcast_in_dim3A_3 : vector<16xi1>, vector<16xi32>
    %add3A_167 = arith.addi %add3A_153, %select_n3A_166 : vector<16xi32>
    %eq3A_168 = arith.constant 2 : i32
    %eq3A_169 = vector.broadcast %eq3A_168 : i32 to vector<16xi32>
    %eq3A_170 = arith.cmpi eq, %get3A_139, %eq3A_169 : vector<16xi32>
    %convert_element_type3A_171 = arith.extui %eq3A_170 : vector<16xi1> to vector<16xi32>
    %reduce_sum3A_172 = arith.constant true
    %reduce_sum3A_173 = vector.broadcast %reduce_sum3A_172 : i1 to vector<16xi1>
    %reduce_sum3A_174 = tpu.scan <sum>, %convert_element_type3A_171 masked %reduce_sum3A_173 : vector<16xi32>, vector<16xi1> -> vector<16xi32>
    %reduce_sum3A_175 = vector.extract %reduce_sum3A_174[15] : i32 from vector<16xi32>
    %eq3A_176 = arith.constant 2 : i32
    %eq3A_177 = vector.broadcast %eq3A_176 : i32 to vector<16xi32>
    %eq3A_178 = arith.cmpi eq, %iota3A, %eq3A_177 : vector<16xi32>
    %broadcast_in_dim3A_179 = vector.broadcast %reduce_sum3A_175 : i32 to vector<16xi32>
    %select_n3A_180 = arith.select %eq3A_178, %broadcast_in_dim3A_179, %broadcast_in_dim3A_3 : vector<16xi1>, vector<16xi32>
    %add3A_181 = arith.addi %add3A_167, %select_n3A_180 : vector<16xi32>
    %eq3A_182 = arith.constant 3 : i32
    %eq3A_183 = vector.broadcast %eq3A_182 : i32 to vector<16xi32>
    %eq3A_184 = arith.cmpi eq, %get3A_139, %eq3A_183 : vector<16xi32>
    %convert_element_type3A_185 = arith.extui %eq3A_184 : vector<16xi1> to vector<16xi32>
    %reduce_sum3A_186 = arith.constant true
    %reduce_sum3A_187 = vector.broadcast %reduce_sum3A_186 : i1 to vector<16xi1>
    %reduce_sum3A_188 = tpu.scan <sum>, %convert_element_type3A_185 masked %reduce_sum3A_187 : vector<16xi32>, vector<16xi1> -> vector<16xi32>
    %reduce_sum3A_189 = vector.extract %reduce_sum3A_188[15] : i32 from vector<16xi32>
    %eq3A_190 = arith.constant 3 : i32
    %eq3A_191 = vector.broadcast %eq3A_190 : i32 to vector<16xi32>
    %eq3A_192 = arith.cmpi eq, %iota3A, %eq3A_191 : vector<16xi32>
    %broadcast_in_dim3A_193 = vector.broadcast %reduce_sum3A_189 : i32 to vector<16xi32>
    %select_n3A_194 = arith.select %eq3A_192, %broadcast_in_dim3A_193, %broadcast_in_dim3A_3 : vector<16xi1>, vector<16xi32>
    %add3A_195 = arith.addi %add3A_181, %select_n3A_194 : vector<16xi32>
    %eq3A_196 = arith.constant 4 : i32
    %eq3A_197 = vector.broadcast %eq3A_196 : i32 to vector<16xi32>
    %eq3A_198 = arith.cmpi eq, %get3A_139, %eq3A_197 : vector<16xi32>
    %convert_element_type3A_199 = arith.extui %eq3A_198 : vector<16xi1> to vector<16xi32>
    %reduce_sum3A_200 = arith.constant true
    %reduce_sum3A_201 = vector.broadcast %reduce_sum3A_200 : i1 to vector<16xi1>
    %reduce_sum3A_202 = tpu.scan <sum>, %convert_element_type3A_199 masked %reduce_sum3A_201 : vector<16xi32>, vector<16xi1> -> vector<16xi32>
    %reduce_sum3A_203 = vector.extract %reduce_sum3A_202[15] : i32 from vector<16xi32>
    %eq3A_204 = arith.constant 4 : i32
    %eq3A_205 = vector.broadcast %eq3A_204 : i32 to vector<16xi32>
    %eq3A_206 = arith.cmpi eq, %iota3A, %eq3A_205 : vector<16xi32>
    %broadcast_in_dim3A_207 = vector.broadcast %reduce_sum3A_203 : i32 to vector<16xi32>
    %select_n3A_208 = arith.select %eq3A_206, %broadcast_in_dim3A_207, %broadcast_in_dim3A_3 : vector<16xi1>, vector<16xi32>
    %add3A_209 = arith.addi %add3A_195, %select_n3A_208 : vector<16xi32>
    %eq3A_210 = arith.constant 5 : i32
    %eq3A_211 = vector.broadcast %eq3A_210 : i32 to vector<16xi32>
    %eq3A_212 = arith.cmpi eq, %get3A_139, %eq3A_211 : vector<16xi32>
    %convert_element_type3A_213 = arith.extui %eq3A_212 : vector<16xi1> to vector<16xi32>
    %reduce_sum3A_214 = arith.constant true
    %reduce_sum3A_215 = vector.broadcast %reduce_sum3A_214 : i1 to vector<16xi1>
    %reduce_sum3A_216 = tpu.scan <sum>, %convert_element_type3A_213 masked %reduce_sum3A_215 : vector<16xi32>, vector<16xi1> -> vector<16xi32>
    %reduce_sum3A_217 = vector.extract %reduce_sum3A_216[15] : i32 from vector<16xi32>
    %eq3A_218 = arith.constant 5 : i32
    %eq3A_219 = vector.broadcast %eq3A_218 : i32 to vector<16xi32>
    %eq3A_220 = arith.cmpi eq, %iota3A, %eq3A_219 : vector<16xi32>
    %broadcast_in_dim3A_221 = vector.broadcast %reduce_sum3A_217 : i32 to vector<16xi32>
    %select_n3A_222 = arith.select %eq3A_220, %broadcast_in_dim3A_221, %broadcast_in_dim3A_3 : vector<16xi1>, vector<16xi32>
    %add3A_223 = arith.addi %add3A_209, %select_n3A_222 : vector<16xi32>
    %eq3A_224 = arith.constant 6 : i32
    %eq3A_225 = vector.broadcast %eq3A_224 : i32 to vector<16xi32>
    %eq3A_226 = arith.cmpi eq, %get3A_139, %eq3A_225 : vector<16xi32>
    %convert_element_type3A_227 = arith.extui %eq3A_226 : vector<16xi1> to vector<16xi32>
    %reduce_sum3A_228 = arith.constant true
    %reduce_sum3A_229 = vector.broadcast %reduce_sum3A_228 : i1 to vector<16xi1>
    %reduce_sum3A_230 = tpu.scan <sum>, %convert_element_type3A_227 masked %reduce_sum3A_229 : vector<16xi32>, vector<16xi1> -> vector<16xi32>
    %reduce_sum3A_231 = vector.extract %reduce_sum3A_230[15] : i32 from vector<16xi32>
    %eq3A_232 = arith.constant 6 : i32
    %eq3A_233 = vector.broadcast %eq3A_232 : i32 to vector<16xi32>
    %eq3A_234 = arith.cmpi eq, %iota3A, %eq3A_233 : vector<16xi32>
    %broadcast_in_dim3A_235 = vector.broadcast %reduce_sum3A_231 : i32 to vector<16xi32>
    %select_n3A_236 = arith.select %eq3A_234, %broadcast_in_dim3A_235, %broadcast_in_dim3A_3 : vector<16xi1>, vector<16xi32>
    %add3A_237 = arith.addi %add3A_223, %select_n3A_236 : vector<16xi32>
    %eq3A_238 = arith.constant 7 : i32
    %eq3A_239 = vector.broadcast %eq3A_238 : i32 to vector<16xi32>
    %eq3A_240 = arith.cmpi eq, %get3A_139, %eq3A_239 : vector<16xi32>
    %convert_element_type3A_241 = arith.extui %eq3A_240 : vector<16xi1> to vector<16xi32>
    %reduce_sum3A_242 = arith.constant true
    %reduce_sum3A_243 = vector.broadcast %reduce_sum3A_242 : i1 to vector<16xi1>
    %reduce_sum3A_244 = tpu.scan <sum>, %convert_element_type3A_241 masked %reduce_sum3A_243 : vector<16xi32>, vector<16xi1> -> vector<16xi32>
    %reduce_sum3A_245 = vector.extract %reduce_sum3A_244[15] : i32 from vector<16xi32>
    %eq3A_246 = arith.constant 7 : i32
    %eq3A_247 = vector.broadcast %eq3A_246 : i32 to vector<16xi32>
    %eq3A_248 = arith.cmpi eq, %iota3A, %eq3A_247 : vector<16xi32>
    %broadcast_in_dim3A_249 = vector.broadcast %reduce_sum3A_245 : i32 to vector<16xi32>
    %select_n3A_250 = arith.select %eq3A_248, %broadcast_in_dim3A_249, %broadcast_in_dim3A_3 : vector<16xi1>, vector<16xi32>
    %add3A_251 = arith.addi %add3A_237, %select_n3A_250 : vector<16xi32>
    %get3A_252 = arith.constant 32 : index
    %get3A_253 = tpu.vector_load %arg9[%get3A_252] {strides = array<i32>} : memref<256xi32, #tpu.memory_space<vmem>>, vector<16xi32>,
    %eq3A_254 = arith.constant 0 : i32
    %eq3A_255 = vector.broadcast %eq3A_254 : i32 to vector<16xi32>
    %eq3A_256 = arith.cmpi eq, %get3A_253, %eq3A_255 : vector<16xi32>
    %convert_element_type3A_257 = arith.extui %eq3A_256 : vector<16xi1> to vector<16xi32>
    %reduce_sum3A_258 = arith.constant true
    %reduce_sum3A_259 = vector.broadcast %reduce_sum3A_258 : i1 to vector<16xi1>
    %reduce_sum3A_260 = tpu.scan <sum>, %convert_element_type3A_257 masked %reduce_sum3A_259 : vector<16xi32>, vector<16xi1> -> vector<16xi32>
    %reduce_sum3A_261 = vector.extract %reduce_sum3A_260[15] : i32 from vector<16xi32>
    %eq3A_262 = arith.constant 0 : i32
    %eq3A_263 = vector.broadcast %eq3A_262 : i32 to vector<16xi32>
    %eq3A_264 = arith.cmpi eq, %iota3A, %eq3A_263 : vector<16xi32>
    %broadcast_in_dim3A_265 = vector.broadcast %reduce_sum3A_261 : i32 to vector<16xi32>
    %select_n3A_266 = arith.select %eq3A_264, %broadcast_in_dim3A_265, %broadcast_in_dim3A_3 : vector<16xi1>, vector<16xi32>
    %add3A_267 = arith.addi %add3A_251, %select_n3A_266 : vector<16xi32>
    %eq3A_268 = arith.constant 1 : i32
    %eq3A_269 = vector.broadcast %eq3A_268 : i32 to vector<16xi32>
    %eq3A_270 = arith.cmpi eq, %get3A_253, %eq3A_269 : vector<16xi32>
    %convert_element_type3A_271 = arith.extui %eq3A_270 : vector<16xi1> to vector<16xi32>
    %reduce_sum3A_272 = arith.constant true
    %reduce_sum3A_273 = vector.broadcast %reduce_sum3A_272 : i1 to vector<16xi1>
    %reduce_sum3A_274 = tpu.scan <sum>, %convert_element_type3A_271 masked %reduce_sum3A_273 : vector<16xi32>, vector<16xi1> -> vector<16xi32>
    %reduce_sum3A_275 = vector.extract %reduce_sum3A_274[15] : i32 from vector<16xi32>
    %eq3A_276 = arith.constant 1 : i32
    %eq3A_277 = vector.broadcast %eq3A_276 : i32 to vector<16xi32>
    %eq3A_278 = arith.cmpi eq, %iota3A, %eq3A_277 : vector<16xi32>
    %broadcast_in_dim3A_279 = vector.broadcast %reduce_sum3A_275 : i32 to vector<16xi32>
    %select_n3A_280 = arith.select %eq3A_278, %broadcast_in_dim3A_279, %broadcast_in_dim3A_3 : vector<16xi1>, vector<16xi32>
    %add3A_281 = arith.addi %add3A_267, %select_n3A_280 : vector<16xi32>
    %eq3A_282 = arith.constant 2 : i32
    %eq3A_283 = vector.broadcast %eq3A_282 : i32 to vector<16xi32>
    %eq3A_284 = arith.cmpi eq, %get3A_253, %eq3A_283 : vector<16xi32>
    %convert_element_type3A_285 = arith.extui %eq3A_284 : vector<16xi1> to vector<16xi32>
    %reduce_sum3A_286 = arith.constant true
    %reduce_sum3A_287 = vector.broadcast %reduce_sum3A_286 : i1 to vector<16xi1>
    %reduce_sum3A_288 = tpu.scan <sum>, %convert_element_type3A_285 masked %reduce_sum3A_287 : vector<16xi32>, vector<16xi1> -> vector<16xi32>
    %reduce_sum3A_289 = vector.extract %reduce_sum3A_288[15] : i32 from vector<16xi32>
    %eq3A_290 = arith.constant 2 : i32
    %eq3A_291 = vector.broadcast %eq3A_290 : i32 to vector<16xi32>
    %eq3A_292 = arith.cmpi eq, %iota3A, %eq3A_291 : vector<16xi32>
    %broadcast_in_dim3A_293 = vector.broadcast %reduce_sum3A_289 : i32 to vector<16xi32>
    %select_n3A_294 = arith.select %eq3A_292, %broadcast_in_dim3A_293, %broadcast_in_dim3A_3 : vector<16xi1>, vector<16xi32>
    %add3A_295 = arith.addi %add3A_281, %select_n3A_294 : vector<16xi32>
    %eq3A_296 = arith.constant 3 : i32
    %eq3A_297 = vector.broadcast %eq3A_296 : i32 to vector<16xi32>
    %eq3A_298 = arith.cmpi eq, %get3A_253, %eq3A_297 : vector<16xi32>
    %convert_element_type3A_299 = arith.extui %eq3A_298 : vector<16xi1> to vector<16xi32>
    %reduce_sum3A_300 = arith.constant true
    %reduce_sum3A_301 = vector.broadcast %reduce_sum3A_300 : i1 to vector<16xi1>
    %reduce_sum3A_302 = tpu.scan <sum>, %convert_element_type3A_299 masked %reduce_sum3A_301 : vector<16xi32>, vector<16xi1> -> vector<16xi32>
    %reduce_sum3A_303 = vector.extract %reduce_sum3A_302[15] : i32 from vector<16xi32>
    %eq3A_304 = arith.constant 3 : i32
    %eq3A_305 = vector.broadcast %eq3A_304 : i32 to vector<16xi32>
    %eq3A_306 = arith.cmpi eq, %iota3A, %eq3A_305 : vector<16xi32>
    %broadcast_in_dim3A_307 = vector.broadcast %reduce_sum3A_303 : i32 to vector<16xi32>
    %select_n3A_308 = arith.select %eq3A_306, %broadcast_in_dim3A_307, %broadcast_in_dim3A_3 : vector<16xi1>, vector<16xi32>
    %add3A_309 = arith.addi %add3A_295, %select_n3A_308 : vector<16xi32>
    %eq3A_310 = arith.constant 4 : i32
    %eq3A_311 = vector.broadcast %eq3A_310 : i32 to vector<16xi32>
    %eq3A_312 = arith.cmpi eq, %get3A_253, %eq3A_311 : vector<16xi32>
    %convert_element_type3A_313 = arith.extui %eq3A_312 : vector<16xi1> to vector<16xi32>
    %reduce_sum3A_314 = arith.constant true
    %reduce_sum3A_315 = vector.broadcast %reduce_sum3A_314 : i1 to vector<16xi1>
    %reduce_sum3A_316 = tpu.scan <sum>, %convert_element_type3A_313 masked %reduce_sum3A_315 : vector<16xi32>, vector<16xi1> -> vector<16xi32>
    %reduce_sum3A_317 = vector.extract %reduce_sum3A_316[15] : i32 from vector<16xi32>
    %eq3A_318 = arith.constant 4 : i32
    %eq3A_319 = vector.broadcast %eq3A_318 : i32 to vector<16xi32>
    %eq3A_320 = arith.cmpi eq, %iota3A, %eq3A_319 : vector<16xi32>
    %broadcast_in_dim3A_321 = vector.broadcast %reduce_sum3A_317 : i32 to vector<16xi32>
    %select_n3A_322 = arith.select %eq3A_320, %broadcast_in_dim3A_321, %broadcast_in_dim3A_3 : vector<16xi1>, vector<16xi32>
    %add3A_323 = arith.addi %add3A_309, %select_n3A_322 : vector<16xi32>
    %eq3A_324 = arith.constant 5 : i32
    %eq3A_325 = vector.broadcast %eq3A_324 : i32 to vector<16xi32>
    %eq3A_326 = arith.cmpi eq, %get3A_253, %eq3A_325 : vector<16xi32>
    %convert_element_type3A_327 = arith.extui %eq3A_326 : vector<16xi1> to vector<16xi32>
    %reduce_sum3A_328 = arith.constant true
    %reduce_sum3A_329 = vector.broadcast %reduce_sum3A_328 : i1 to vector<16xi1>
    %reduce_sum3A_330 = tpu.scan <sum>, %convert_element_type3A_327 masked %reduce_sum3A_329 : vector<16xi32>, vector<16xi1> -> vector<16xi32>
    %reduce_sum3A_331 = vector.extract %reduce_sum3A_330[15] : i32 from vector<16xi32>
    %eq3A_332 = arith.constant 5 : i32
    %eq3A_333 = vector.broadcast %eq3A_332 : i32 to vector<16xi32>
    %eq3A_334 = arith.cmpi eq, %iota3A, %eq3A_333 : vector<16xi32>
    %broadcast_in_dim3A_335 = vector.broadcast %reduce_sum3A_331 : i32 to vector<16xi32>
    %select_n3A_336 = arith.select %eq3A_334, %broadcast_in_dim3A_335, %broadcast_in_dim3A_3 : vector<16xi1>, vector<16xi32>
    %add3A_337 = arith.addi %add3A_323, %select_n3A_336 : vector<16xi32>
    %eq3A_338 = arith.constant 6 : i32
    %eq3A_339 = vector.broadcast %eq3A_338 : i32 to vector<16xi32>
    %eq3A_340 = arith.cmpi eq, %get3A_253, %eq3A_339 : vector<16xi32>
    %convert_element_type3A_341 = arith.extui %eq3A_340 : vector<16xi1> to vector<16xi32>
    %reduce_sum3A_342 = arith.constant true
    %reduce_sum3A_343 = vector.broadcast %reduce_sum3A_342 : i1 to vector<16xi1>
    %reduce_sum3A_344 = tpu.scan <sum>, %convert_element_type3A_341 masked %reduce_sum3A_343 : vector<16xi32>, vector<16xi1> -> vector<16xi32>
    %reduce_sum3A_345 = vector.extract %reduce_sum3A_344[15] : i32 from vector<16xi32>
    %eq3A_346 = arith.constant 6 : i32
    %eq3A_347 = vector.broadcast %eq3A_346 : i32 to vector<16xi32>
    %eq3A_348 = arith.cmpi eq, %iota3A, %eq3A_347 : vector<16xi32>
    %broadcast_in_dim3A_349 = vector.broadcast %reduce_sum3A_345 : i32 to vector<16xi32>
    %select_n3A_350 = arith.select %eq3A_348, %broadcast_in_dim3A_349, %broadcast_in_dim3A_3 : vector<16xi1>, vector<16xi32>
    %add3A_351 = arith.addi %add3A_337, %select_n3A_350 : vector<16xi32>
    %eq3A_352 = arith.constant 7 : i32
    %eq3A_353 = vector.broadcast %eq3A_352 : i32 to vector<16xi32>
    %eq3A_354 = arith.cmpi eq, %get3A_253, %eq3A_353 : vector<16xi32>
    %convert_element_type3A_355 = arith.extui %eq3A_354 : vector<16xi1> to vector<16xi32>
    %reduce_sum3A_356 = arith.constant true
    %reduce_sum3A_357 = vector.broadcast %reduce_sum3A_356 : i1 to vector<16xi1>
    %reduce_sum3A_358 = tpu.scan <sum>, %convert_element_type3A_355 masked %reduce_sum3A_357 : vector<16xi32>, vector<16xi1> -> vector<16xi32>
    %reduce_sum3A_359 = vector.extract %reduce_sum3A_358[15] : i32 from vector<16xi32>
    %eq3A_360 = arith.constant 7 : i32
    %eq3A_361 = vector.broadcast %eq3A_360 : i32 to vector<16xi32>
    %eq3A_362 = arith.cmpi eq, %iota3A, %eq3A_361 : vector<16xi32>
    %broadcast_in_dim3A_363 = vector.broadcast %reduce_sum3A_359 : i32 to vector<16xi32>
    %select_n3A_364 = arith.select %eq3A_362, %broadcast_in_dim3A_363, %broadcast_in_dim3A_3 : vector<16xi1>, vector<16xi32>
    %add3A_365 = arith.addi %add3A_351, %select_n3A_364 : vector<16xi32>
    %get3A_366 = arith.constant 48 : index
    %get3A_367 = tpu.vector_load %arg9[%get3A_366] {strides = array<i32>} : memref<256xi32, #tpu.memory_space<vmem>>, vector<16xi32>,
    %eq3A_368 = arith.constant 0 : i32
    %eq3A_369 = vector.broadcast %eq3A_368 : i32 to vector<16xi32>
    %eq3A_370 = arith.cmpi eq, %get3A_367, %eq3A_369 : vector<16xi32>
    %convert_element_type3A_371 = arith.extui %eq3A_370 : vector<16xi1> to vector<16xi32>
    %reduce_sum3A_372 = arith.constant true
    %reduce_sum3A_373 = vector.broadcast %reduce_sum3A_372 : i1 to vector<16xi1>
    %reduce_sum3A_374 = tpu.scan <sum>, %convert_element_type3A_371 masked %reduce_sum3A_373 : vector<16xi32>, vector<16xi1> -> vector<16xi32>
    %reduce_sum3A_375 = vector.extract %reduce_sum3A_374[15] : i32 from vector<16xi32>
    %eq3A_376 = arith.constant 0 : i32
    %eq3A_377 = vector.broadcast %eq3A_376 : i32 to vector<16xi32>
    %eq3A_378 = arith.cmpi eq, %iota3A, %eq3A_377 : vector<16xi32>
    %broadcast_in_dim3A_379 = vector.broadcast %reduce_sum3A_375 : i32 to vector<16xi32>
    %select_n3A_380 = arith.select %eq3A_378, %broadcast_in_dim3A_379, %broadcast_in_dim3A_3 : vector<16xi1>, vector<16xi32>
    %add3A_381 = arith.addi %add3A_365, %select_n3A_380 : vector<16xi32>
    %eq3A_382 = arith.constant 1 : i32
    %eq3A_383 = vector.broadcast %eq3A_382 : i32 to vector<16xi32>
    %eq3A_384 = arith.cmpi eq, %get3A_367, %eq3A_383 : vector<16xi32>
    %convert_element_type3A_385 = arith.extui %eq3A_384 : vector<16xi1> to vector<16xi32>
    %reduce_sum3A_386 = arith.constant true
    %reduce_sum3A_387 = vector.broadcast %reduce_sum3A_386 : i1 to vector<16xi1>
    %reduce_sum3A_388 = tpu.scan <sum>, %convert_element_type3A_385 masked %reduce_sum3A_387 : vector<16xi32>, vector<16xi1> -> vector<16xi32>
    %reduce_sum3A_389 = vector.extract %reduce_sum3A_388[15] : i32 from vector<16xi32>
    %eq3A_390 = arith.constant 1 : i32
    %eq3A_391 = vector.broadcast %eq3A_390 : i32 to vector<16xi32>
    %eq3A_392 = arith.cmpi eq, %iota3A, %eq3A_391 : vector<16xi32>
    %broadcast_in_dim3A_393 = vector.broadcast %reduce_sum3A_389 : i32 to vector<16xi32>
    %select_n3A_394 = arith.select %eq3A_392, %broadcast_in_dim3A_393, %broadcast_in_dim3A_3 : vector<16xi1>, vector<16xi32>
    %add3A_395 = arith.addi %add3A_381, %select_n3A_394 : vector<16xi32>
    %eq3A_396 = arith.constant 2 : i32
    %eq3A_397 = vector.broadcast %eq3A_396 : i32 to vector<16xi32>
    %eq3A_398 = arith.cmpi eq, %get3A_367, %eq3A_397 : vector<16xi32>
    %convert_element_type3A_399 = arith.extui %eq3A_398 : vector<16xi1> to vector<16xi32>
    %reduce_sum3A_400 = arith.constant true
    %reduce_sum3A_401 = vector.broadcast %reduce_sum3A_400 : i1 to vector<16xi1>
    %reduce_sum3A_402 = tpu.scan <sum>, %convert_element_type3A_399 masked %reduce_sum3A_401 : vector<16xi32>, vector<16xi1> -> vector<16xi32>
    %reduce_sum3A_403 = vector.extract %reduce_sum3A_402[15] : i32 from vector<16xi32>
    %eq3A_404 = arith.constant 2 : i32
    %eq3A_405 = vector.broadcast %eq3A_404 : i32 to vector<16xi32>
    %eq3A_406 = arith.cmpi eq, %iota3A, %eq3A_405 : vector<16xi32>
    %broadcast_in_dim3A_407 = vector.broadcast %reduce_sum3A_403 : i32 to vector<16xi32>
    %select_n3A_408 = arith.select %eq3A_406, %broadcast_in_dim3A_407, %broadcast_in_dim3A_3 : vector<16xi1>, vector<16xi32>
    %add3A_409 = arith.addi %add3A_395, %select_n3A_408 : vector<16xi32>
    %eq3A_410 = arith.constant 3 : i32
    %eq3A_411 = vector.broadcast %eq3A_410 : i32 to vector<16xi32>
    %eq3A_412 = arith.cmpi eq, %get3A_367, %eq3A_411 : vector<16xi32>
    %convert_element_type3A_413 = arith.extui %eq3A_412 : vector<16xi1> to vector<16xi32>
    %reduce_sum3A_414 = arith.constant true
    %reduce_sum3A_415 = vector.broadcast %reduce_sum3A_414 : i1 to vector<16xi1>
    %reduce_sum3A_416 = tpu.scan <sum>, %convert_element_type3A_413 masked %reduce_sum3A_415 : vector<16xi32>, vector<16xi1> -> vector<16xi32>
    %reduce_sum3A_417 = vector.extract %reduce_sum3A_416[15] : i32 from vector<16xi32>
    %eq3A_418 = arith.constant 3 : i32
    %eq3A_419 = vector.broadcast %eq3A_418 : i32 to vector<16xi32>
    %eq3A_420 = arith.cmpi eq, %iota3A, %eq3A_419 : vector<16xi32>
    %broadcast_in_dim3A_421 = vector.broadcast %reduce_sum3A_417 : i32 to vector<16xi32>
    %select_n3A_422 = arith.select %eq3A_420, %broadcast_in_dim3A_421, %broadcast_in_dim3A_3 : vector<16xi1>, vector<16xi32>
    %add3A_423 = arith.addi %add3A_409, %select_n3A_422 : vector<16xi32>
    %eq3A_424 = arith.constant 4 : i32
    %eq3A_425 = vector.broadcast %eq3A_424 : i32 to vector<16xi32>
    %eq3A_426 = arith.cmpi eq, %get3A_367, %eq3A_425 : vector<16xi32>
    %convert_element_type3A_427 = arith.extui %eq3A_426 : vector<16xi1> to vector<16xi32>
    %reduce_sum3A_428 = arith.constant true
    %reduce_sum3A_429 = vector.broadcast %reduce_sum3A_428 : i1 to vector<16xi1>
    %reduce_sum3A_430 = tpu.scan <sum>, %convert_element_type3A_427 masked %reduce_sum3A_429 : vector<16xi32>, vector<16xi1> -> vector<16xi32>
    %reduce_sum3A_431 = vector.extract %reduce_sum3A_430[15] : i32 from vector<16xi32>
    %eq3A_432 = arith.constant 4 : i32
    %eq3A_433 = vector.broadcast %eq3A_432 : i32 to vector<16xi32>
    %eq3A_434 = arith.cmpi eq, %iota3A, %eq3A_433 : vector<16xi32>
    %broadcast_in_dim3A_435 = vector.broadcast %reduce_sum3A_431 : i32 to vector<16xi32>
    %select_n3A_436 = arith.select %eq3A_434, %broadcast_in_dim3A_435, %broadcast_in_dim3A_3 : vector<16xi1>, vector<16xi32>
    %add3A_437 = arith.addi %add3A_423, %select_n3A_436 : vector<16xi32>
    %eq3A_438 = arith.constant 5 : i32
    %eq3A_439 = vector.broadcast %eq3A_438 : i32 to vector<16xi32>
    %eq3A_440 = arith.cmpi eq, %get3A_367, %eq3A_439 : vector<16xi32>
    %convert_element_type3A_441 = arith.extui %eq3A_440 : vector<16xi1> to vector<16xi32>
    %reduce_sum3A_442 = arith.constant true
    %reduce_sum3A_443 = vector.broadcast %reduce_sum3A_442 : i1 to vector<16xi1>
    %reduce_sum3A_444 = tpu.scan <sum>, %convert_element_type3A_441 masked %reduce_sum3A_443 : vector<16xi32>, vector<16xi1> -> vector<16xi32>
    %reduce_sum3A_445 = vector.extract %reduce_sum3A_444[15] : i32 from vector<16xi32>
    %eq3A_446 = arith.constant 5 : i32
    %eq3A_447 = vector.broadcast %eq3A_446 : i32 to vector<16xi32>
    %eq3A_448 = arith.cmpi eq, %iota3A, %eq3A_447 : vector<16xi32>
    %broadcast_in_dim3A_449 = vector.broadcast %reduce_sum3A_445 : i32 to vector<16xi32>
    %select_n3A_450 = arith.select %eq3A_448, %broadcast_in_dim3A_449, %broadcast_in_dim3A_3 : vector<16xi1>, vector<16xi32>
    %add3A_451 = arith.addi %add3A_437, %select_n3A_450 : vector<16xi32>
    %eq3A_452 = arith.constant 6 : i32
    %eq3A_453 = vector.broadcast %eq3A_452 : i32 to vector<16xi32>
    %eq3A_454 = arith.cmpi eq, %get3A_367, %eq3A_453 : vector<16xi32>
    %convert_element_type3A_455 = arith.extui %eq3A_454 : vector<16xi1> to vector<16xi32>
    %reduce_sum3A_456 = arith.constant true
    %reduce_sum3A_457 = vector.broadcast %reduce_sum3A_456 : i1 to vector<16xi1>
    %reduce_sum3A_458 = tpu.scan <sum>, %convert_element_type3A_455 masked %reduce_sum3A_457 : vector<16xi32>, vector<16xi1> -> vector<16xi32>
    %reduce_sum3A_459 = vector.extract %reduce_sum3A_458[15] : i32 from vector<16xi32>
    %eq3A_460 = arith.constant 6 : i32
    %eq3A_461 = vector.broadcast %eq3A_460 : i32 to vector<16xi32>
    %eq3A_462 = arith.cmpi eq, %iota3A, %eq3A_461 : vector<16xi32>
    %broadcast_in_dim3A_463 = vector.broadcast %reduce_sum3A_459 : i32 to vector<16xi32>
    %select_n3A_464 = arith.select %eq3A_462, %broadcast_in_dim3A_463, %broadcast_in_dim3A_3 : vector<16xi1>, vector<16xi32>
    %add3A_465 = arith.addi %add3A_451, %select_n3A_464 : vector<16xi32>
    %eq3A_466 = arith.constant 7 : i32
    %eq3A_467 = vector.broadcast %eq3A_466 : i32 to vector<16xi32>
    %eq3A_468 = arith.cmpi eq, %get3A_367, %eq3A_467 : vector<16xi32>
    %convert_element_type3A_469 = arith.extui %eq3A_468 : vector<16xi1> to vector<16xi32>
    %reduce_sum3A_470 = arith.constant true
    %reduce_sum3A_471 = vector.broadcast %reduce_sum3A_470 : i1 to vector<16xi1>
    %reduce_sum3A_472 = tpu.scan <sum>, %convert_element_type3A_469 masked %reduce_sum3A_471 : vector<16xi32>, vector<16xi1> -> vector<16xi32>
    %reduce_sum3A_473 = vector.extract %reduce_sum3A_472[15] : i32 from vector<16xi32>
    %eq3A_474 = arith.constant 7 : i32
    %eq3A_475 = vector.broadcast %eq3A_474 : i32 to vector<16xi32>
    %eq3A_476 = arith.cmpi eq, %iota3A, %eq3A_475 : vector<16xi32>
    %broadcast_in_dim3A_477 = vector.broadcast %reduce_sum3A_473 : i32 to vector<16xi32>
    %select_n3A_478 = arith.select %eq3A_476, %broadcast_in_dim3A_477, %broadcast_in_dim3A_3 : vector<16xi1>, vector<16xi32>
    %add3A_479 = arith.addi %add3A_465, %select_n3A_478 : vector<16xi32>
    %get3A_480 = arith.constant 64 : index
    %get3A_481 = tpu.vector_load %arg9[%get3A_480] {strides = array<i32>} : memref<256xi32, #tpu.memory_space<vmem>>, vector<16xi32>,
    %eq3A_482 = arith.constant 0 : i32
    %eq3A_483 = vector.broadcast %eq3A_482 : i32 to vector<16xi32>
    %eq3A_484 = arith.cmpi eq, %get3A_481, %eq3A_483 : vector<16xi32>
    %convert_element_type3A_485 = arith.extui %eq3A_484 : vector<16xi1> to vector<16xi32>
    %reduce_sum3A_486 = arith.constant true
    %reduce_sum3A_487 = vector.broadcast %reduce_sum3A_486 : i1 to vector<16xi1>
    %reduce_sum3A_488 = tpu.scan <sum>, %convert_element_type3A_485 masked %reduce_sum3A_487 : vector<16xi32>, vector<16xi1> -> vector<16xi32>
    %reduce_sum3A_489 = vector.extract %reduce_sum3A_488[15] : i32 from vector<16xi32>
    %eq3A_490 = arith.constant 0 : i32
    %eq3A_491 = vector.broadcast %eq3A_490 : i32 to vector<16xi32>
    %eq3A_492 = arith.cmpi eq, %iota3A, %eq3A_491 : vector<16xi32>
    %broadcast_in_dim3A_493 = vector.broadcast %reduce_sum3A_489 : i32 to vector<16xi32>
    %select_n3A_494 = arith.select %eq3A_492, %broadcast_in_dim3A_493, %broadcast_in_dim3A_3 : vector<16xi1>, vector<16xi32>
    %add3A_495 = arith.addi %add3A_479, %select_n3A_494 : vector<16xi32>
    %eq3A_496 = arith.constant 1 : i32
    %eq3A_497 = vector.broadcast %eq3A_496 : i32 to vector<16xi32>
    %eq3A_498 = arith.cmpi eq, %get3A_481, %eq3A_497 : vector<16xi32>
    %convert_element_type3A_499 = arith.extui %eq3A_498 : vector<16xi1> to vector<16xi32>
    %reduce_sum3A_500 = arith.constant true
    %reduce_sum3A_501 = vector.broadcast %reduce_sum3A_500 : i1 to vector<16xi1>
    %reduce_sum3A_502 = tpu.scan <sum>, %convert_element_type3A_499 masked %reduce_sum3A_501 : vector<16xi32>, vector<16xi1> -> vector<16xi32>
    %reduce_sum3A_503 = vector.extract %reduce_sum3A_502[15] : i32 from vector<16xi32>
    %eq3A_504 = arith.constant 1 : i32
    %eq3A_505 = vector.broadcast %eq3A_504 : i32 to vector<16xi32>
    %eq3A_506 = arith.cmpi eq, %iota3A, %eq3A_505 : vector<16xi32>
    %broadcast_in_dim3A_507 = vector.broadcast %reduce_sum3A_503 : i32 to vector<16xi32>
    %select_n3A_508 = arith.select %eq3A_506, %broadcast_in_dim3A_507, %broadcast_in_dim3A_3 : vector<16xi1>, vector<16xi32>
    %add3A_509 = arith.addi %add3A_495, %select_n3A_508 : vector<16xi32>
    %eq3A_510 = arith.constant 2 : i32
    %eq3A_511 = vector.broadcast %eq3A_510 : i32 to vector<16xi32>
    %eq3A_512 = arith.cmpi eq, %get3A_481, %eq3A_511 : vector<16xi32>
    %convert_element_type3A_513 = arith.extui %eq3A_512 : vector<16xi1> to vector<16xi32>
    %reduce_sum3A_514 = arith.constant true
    %reduce_sum3A_515 = vector.broadcast %reduce_sum3A_514 : i1 to vector<16xi1>
    %reduce_sum3A_516 = tpu.scan <sum>, %convert_element_type3A_513 masked %reduce_sum3A_515 : vector<16xi32>, vector<16xi1> -> vector<16xi32>
    %reduce_sum3A_517 = vector.extract %reduce_sum3A_516[15] : i32 from vector<16xi32>
    %eq3A_518 = arith.constant 2 : i32
    %eq3A_519 = vector.broadcast %eq3A_518 : i32 to vector<16xi32>
    %eq3A_520 = arith.cmpi eq, %iota3A, %eq3A_519 : vector<16xi32>
    %broadcast_in_dim3A_521 = vector.broadcast %reduce_sum3A_517 : i32 to vector<16xi32>
    %select_n3A_522 = arith.select %eq3A_520, %broadcast_in_dim3A_521, %broadcast_in_dim3A_3 : vector<16xi1>, vector<16xi32>
    %add3A_523 = arith.addi %add3A_509, %select_n3A_522 : vector<16xi32>
    %eq3A_524 = arith.constant 3 : i32
    %eq3A_525 = vector.broadcast %eq3A_524 : i32 to vector<16xi32>
    %eq3A_526 = arith.cmpi eq, %get3A_481, %eq3A_525 : vector<16xi32>
    %convert_element_type3A_527 = arith.extui %eq3A_526 : vector<16xi1> to vector<16xi32>
    %reduce_sum3A_528 = arith.constant true
    %reduce_sum3A_529 = vector.broadcast %reduce_sum3A_528 : i1 to vector<16xi1>
    %reduce_sum3A_530 = tpu.scan <sum>, %convert_element_type3A_527 masked %reduce_sum3A_529 : vector<16xi32>, vector<16xi1> -> vector<16xi32>
    %reduce_sum3A_531 = vector.extract %reduce_sum3A_530[15] : i32 from vector<16xi32>
    %eq3A_532 = arith.constant 3 : i32
    %eq3A_533 = vector.broadcast %eq3A_532 : i32 to vector<16xi32>
    %eq3A_534 = arith.cmpi eq, %iota3A, %eq3A_533 : vector<16xi32>
    %broadcast_in_dim3A_535 = vector.broadcast %reduce_sum3A_531 : i32 to vector<16xi32>
    %select_n3A_536 = arith.select %eq3A_534, %broadcast_in_dim3A_535, %broadcast_in_dim3A_3 : vector<16xi1>, vector<16xi32>
    %add3A_537 = arith.addi %add3A_523, %select_n3A_536 : vector<16xi32>
    %eq3A_538 = arith.constant 4 : i32
    %eq3A_539 = vector.broadcast %eq3A_538 : i32 to vector<16xi32>
    %eq3A_540 = arith.cmpi eq, %get3A_481, %eq3A_539 : vector<16xi32>
    %convert_element_type3A_541 = arith.extui %eq3A_540 : vector<16xi1> to vector<16xi32>
    %reduce_sum3A_542 = arith.constant true
    %reduce_sum3A_543 = vector.broadcast %reduce_sum3A_542 : i1 to vector<16xi1>
    %reduce_sum3A_544 = tpu.scan <sum>, %convert_element_type3A_541 masked %reduce_sum3A_543 : vector<16xi32>, vector<16xi1> -> vector<16xi32>
    %reduce_sum3A_545 = vector.extract %reduce_sum3A_544[15] : i32 from vector<16xi32>
    %eq3A_546 = arith.constant 4 : i32
    %eq3A_547 = vector.broadcast %eq3A_546 : i32 to vector<16xi32>
    %eq3A_548 = arith.cmpi eq, %iota3A, %eq3A_547 : vector<16xi32>
    %broadcast_in_dim3A_549 = vector.broadcast %reduce_sum3A_545 : i32 to vector<16xi32>
    %select_n3A_550 = arith.select %eq3A_548, %broadcast_in_dim3A_549, %broadcast_in_dim3A_3 : vector<16xi1>, vector<16xi32>
    %add3A_551 = arith.addi %add3A_537, %select_n3A_550 : vector<16xi32>
    %eq3A_552 = arith.constant 5 : i32
    %eq3A_553 = vector.broadcast %eq3A_552 : i32 to vector<16xi32>
    %eq3A_554 = arith.cmpi eq, %get3A_481, %eq3A_553 : vector<16xi32>
    %convert_element_type3A_555 = arith.extui %eq3A_554 : vector<16xi1> to vector<16xi32>
    %reduce_sum3A_556 = arith.constant true
    %reduce_sum3A_557 = vector.broadcast %reduce_sum3A_556 : i1 to vector<16xi1>
    %reduce_sum3A_558 = tpu.scan <sum>, %convert_element_type3A_555 masked %reduce_sum3A_557 : vector<16xi32>, vector<16xi1> -> vector<16xi32>
    %reduce_sum3A_559 = vector.extract %reduce_sum3A_558[15] : i32 from vector<16xi32>
    %eq3A_560 = arith.constant 5 : i32
    %eq3A_561 = vector.broadcast %eq3A_560 : i32 to vector<16xi32>
    %eq3A_562 = arith.cmpi eq, %iota3A, %eq3A_561 : vector<16xi32>
    %broadcast_in_dim3A_563 = vector.broadcast %reduce_sum3A_559 : i32 to vector<16xi32>
    %select_n3A_564 = arith.select %eq3A_562, %broadcast_in_dim3A_563, %broadcast_in_dim3A_3 : vector<16xi1>, vector<16xi32>
    %add3A_565 = arith.addi %add3A_551, %select_n3A_564 : vector<16xi32>
    %eq3A_566 = arith.constant 6 : i32
    %eq3A_567 = vector.broadcast %eq3A_566 : i32 to vector<16xi32>
    %eq3A_568 = arith.cmpi eq, %get3A_481, %eq3A_567 : vector<16xi32>
    %convert_element_type3A_569 = arith.extui %eq3A_568 : vector<16xi1> to vector<16xi32>
    %reduce_sum3A_570 = arith.constant true
    %reduce_sum3A_571 = vector.broadcast %reduce_sum3A_570 : i1 to vector<16xi1>
    %reduce_sum3A_572 = tpu.scan <sum>, %convert_element_type3A_569 masked %reduce_sum3A_571 : vector<16xi32>, vector<16xi1> -> vector<16xi32>
    %reduce_sum3A_573 = vector.extract %reduce_sum3A_572[15] : i32 from vector<16xi32>
    %eq3A_574 = arith.constant 6 : i32
    %eq3A_575 = vector.broadcast %eq3A_574 : i32 to vector<16xi32>
    %eq3A_576 = arith.cmpi eq, %iota3A, %eq3A_575 : vector<16xi32>
    %broadcast_in_dim3A_577 = vector.broadcast %reduce_sum3A_573 : i32 to vector<16xi32>
    %select_n3A_578 = arith.select %eq3A_576, %broadcast_in_dim3A_577, %broadcast_in_dim3A_3 : vector<16xi1>, vector<16xi32>
    %add3A_579 = arith.addi %add3A_565, %select_n3A_578 : vector<16xi32>
    %eq3A_580 = arith.constant 7 : i32
    %eq3A_581 = vector.broadcast %eq3A_580 : i32 to vector<16xi32>
    %eq3A_582 = arith.cmpi eq, %get3A_481, %eq3A_581 : vector<16xi32>
    %convert_element_type3A_583 = arith.extui %eq3A_582 : vector<16xi1> to vector<16xi32>
    %reduce_sum3A_584 = arith.constant true
    %reduce_sum3A_585 = vector.broadcast %reduce_sum3A_584 : i1 to vector<16xi1>
    %reduce_sum3A_586 = tpu.scan <sum>, %convert_element_type3A_583 masked %reduce_sum3A_585 : vector<16xi32>, vector<16xi1> -> vector<16xi32>
    %reduce_sum3A_587 = vector.extract %reduce_sum3A_586[15] : i32 from vector<16xi32>
    %eq3A_588 = arith.constant 7 : i32
    %eq3A_589 = vector.broadcast %eq3A_588 : i32 to vector<16xi32>
    %eq3A_590 = arith.cmpi eq, %iota3A, %eq3A_589 : vector<16xi32>
    %broadcast_in_dim3A_591 = vector.broadcast %reduce_sum3A_587 : i32 to vector<16xi32>
    %select_n3A_592 = arith.select %eq3A_590, %broadcast_in_dim3A_591, %broadcast_in_dim3A_3 : vector<16xi1>, vector<16xi32>
    %add3A_593 = arith.addi %add3A_579, %select_n3A_592 : vector<16xi32>
    %get3A_594 = arith.constant 80 : index
    %get3A_595 = tpu.vector_load %arg9[%get3A_594] {strides = array<i32>} : memref<256xi32, #tpu.memory_space<vmem>>, vector<16xi32>,
    %eq3A_596 = arith.constant 0 : i32
    %eq3A_597 = vector.broadcast %eq3A_596 : i32 to vector<16xi32>
    %eq3A_598 = arith.cmpi eq, %get3A_595, %eq3A_597 : vector<16xi32>
    %convert_element_type3A_599 = arith.extui %eq3A_598 : vector<16xi1> to vector<16xi32>
    %reduce_sum3A_600 = arith.constant true
    %reduce_sum3A_601 = vector.broadcast %reduce_sum3A_600 : i1 to vector<16xi1>
    %reduce_sum3A_602 = tpu.scan <sum>, %convert_element_type3A_599 masked %reduce_sum3A_601 : vector<16xi32>, vector<16xi1> -> vector<16xi32>
    %reduce_sum3A_603 = vector.extract %reduce_sum3A_602[15] : i32 from vector<16xi32>
    %eq3A_604 = arith.constant 0 : i32
    %eq3A_605 = vector.broadcast %eq3A_604 : i32 to vector<16xi32>
    %eq3A_606 = arith.cmpi eq, %iota3A, %eq3A_605 : vector<16xi32>
    %broadcast_in_dim3A_607 = vector.broadcast %reduce_sum3A_603 : i32 to vector<16xi32>
    %select_n3A_608 = arith.select %eq3A_606, %broadcast_in_dim3A_607, %broadcast_in_dim3A_3 : vector<16xi1>, vector<16xi32>
    %add3A_609 = arith.addi %add3A_593, %select_n3A_608 : vector<16xi32>
    %eq3A_610 = arith.constant 1 : i32
    %eq3A_611 = vector.broadcast %eq3A_610 : i32 to vector<16xi32>
    %eq3A_612 = arith.cmpi eq, %get3A_595, %eq3A_611 : vector<16xi32>
    %convert_element_type3A_613 = arith.extui %eq3A_612 : vector<16xi1> to vector<16xi32>
    %reduce_sum3A_614 = arith.constant true
    %reduce_sum3A_615 = vector.broadcast %reduce_sum3A_614 : i1 to vector<16xi1>
    %reduce_sum3A_616 = tpu.scan <sum>, %convert_element_type3A_613 masked %reduce_sum3A_615 : vector<16xi32>, vector<16xi1> -> vector<16xi32>
    %reduce_sum3A_617 = vector.extract %reduce_sum3A_616[15] : i32 from vector<16xi32>
    %eq3A_618 = arith.constant 1 : i32
    %eq3A_619 = vector.broadcast %eq3A_618 : i32 to vector<16xi32>
    %eq3A_620 = arith.cmpi eq, %iota3A, %eq3A_619 : vector<16xi32>
    %broadcast_in_dim3A_621 = vector.broadcast %reduce_sum3A_617 : i32 to vector<16xi32>
    %select_n3A_622 = arith.select %eq3A_620, %broadcast_in_dim3A_621, %broadcast_in_dim3A_3 : vector<16xi1>, vector<16xi32>
    %add3A_623 = arith.addi %add3A_609, %select_n3A_622 : vector<16xi32>
    %eq3A_624 = arith.constant 2 : i32
    %eq3A_625 = vector.broadcast %eq3A_624 : i32 to vector<16xi32>
    %eq3A_626 = arith.cmpi eq, %get3A_595, %eq3A_625 : vector<16xi32>
    %convert_element_type3A_627 = arith.extui %eq3A_626 : vector<16xi1> to vector<16xi32>
    %reduce_sum3A_628 = arith.constant true
    %reduce_sum3A_629 = vector.broadcast %reduce_sum3A_628 : i1 to vector<16xi1>
    %reduce_sum3A_630 = tpu.scan <sum>, %convert_element_type3A_627 masked %reduce_sum3A_629 : vector<16xi32>, vector<16xi1> -> vector<16xi32>
    %reduce_sum3A_631 = vector.extract %reduce_sum3A_630[15] : i32 from vector<16xi32>
    %eq3A_632 = arith.constant 2 : i32
    %eq3A_633 = vector.broadcast %eq3A_632 : i32 to vector<16xi32>
    %eq3A_634 = arith.cmpi eq, %iota3A, %eq3A_633 : vector<16xi32>
    %broadcast_in_dim3A_635 = vector.broadcast %reduce_sum3A_631 : i32 to vector<16xi32>
    %select_n3A_636 = arith.select %eq3A_634, %broadcast_in_dim3A_635, %broadcast_in_dim3A_3 : vector<16xi1>, vector<16xi32>
    %add3A_637 = arith.addi %add3A_623, %select_n3A_636 : vector<16xi32>
    %eq3A_638 = arith.constant 3 : i32
    %eq3A_639 = vector.broadcast %eq3A_638 : i32 to vector<16xi32>
    %eq3A_640 = arith.cmpi eq, %get3A_595, %eq3A_639 : vector<16xi32>
    %convert_element_type3A_641 = arith.extui %eq3A_640 : vector<16xi1> to vector<16xi32>
    %reduce_sum3A_642 = arith.constant true
    %reduce_sum3A_643 = vector.broadcast %reduce_sum3A_642 : i1 to vector<16xi1>
    %reduce_sum3A_644 = tpu.scan <sum>, %convert_element_type3A_641 masked %reduce_sum3A_643 : vector<16xi32>, vector<16xi1> -> vector<16xi32>
    %reduce_sum3A_645 = vector.extract %reduce_sum3A_644[15] : i32 from vector<16xi32>
    %eq3A_646 = arith.constant 3 : i32
    %eq3A_647 = vector.broadcast %eq3A_646 : i32 to vector<16xi32>
    %eq3A_648 = arith.cmpi eq, %iota3A, %eq3A_647 : vector<16xi32>
    %broadcast_in_dim3A_649 = vector.broadcast %reduce_sum3A_645 : i32 to vector<16xi32>
    %select_n3A_650 = arith.select %eq3A_648, %broadcast_in_dim3A_649, %broadcast_in_dim3A_3 : vector<16xi1>, vector<16xi32>
    %add3A_651 = arith.addi %add3A_637, %select_n3A_650 : vector<16xi32>
    %eq3A_652 = arith.constant 4 : i32
    %eq3A_653 = vector.broadcast %eq3A_652 : i32 to vector<16xi32>
    %eq3A_654 = arith.cmpi eq, %get3A_595, %eq3A_653 : vector<16xi32>
    %convert_element_type3A_655 = arith.extui %eq3A_654 : vector<16xi1> to vector<16xi32>
    %reduce_sum3A_656 = arith.constant true
    %reduce_sum3A_657 = vector.broadcast %reduce_sum3A_656 : i1 to vector<16xi1>
    %reduce_sum3A_658 = tpu.scan <sum>, %convert_element_type3A_655 masked %reduce_sum3A_657 : vector<16xi32>, vector<16xi1> -> vector<16xi32>
    %reduce_sum3A_659 = vector.extract %reduce_sum3A_658[15] : i32 from vector<16xi32>
    %eq3A_660 = arith.constant 4 : i32
    %eq3A_661 = vector.broadcast %eq3A_660 : i32 to vector<16xi32>
    %eq3A_662 = arith.cmpi eq, %iota3A, %eq3A_661 : vector<16xi32>
    %broadcast_in_dim3A_663 = vector.broadcast %reduce_sum3A_659 : i32 to vector<16xi32>
    %select_n3A_664 = arith.select %eq3A_662, %broadcast_in_dim3A_663, %broadcast_in_dim3A_3 : vector<16xi1>, vector<16xi32>
    %add3A_665 = arith.addi %add3A_651, %select_n3A_664 : vector<16xi32>
    %eq3A_666 = arith.constant 5 : i32
    %eq3A_667 = vector.broadcast %eq3A_666 : i32 to vector<16xi32>
    %eq3A_668 = arith.cmpi eq, %get3A_595, %eq3A_667 : vector<16xi32>
    %convert_element_type3A_669 = arith.extui %eq3A_668 : vector<16xi1> to vector<16xi32>
    %reduce_sum3A_670 = arith.constant true
    %reduce_sum3A_671 = vector.broadcast %reduce_sum3A_670 : i1 to vector<16xi1>
    %reduce_sum3A_672 = tpu.scan <sum>, %convert_element_type3A_669 masked %reduce_sum3A_671 : vector<16xi32>, vector<16xi1> -> vector<16xi32>
    %reduce_sum3A_673 = vector.extract %reduce_sum3A_672[15] : i32 from vector<16xi32>
    %eq3A_674 = arith.constant 5 : i32
    %eq3A_675 = vector.broadcast %eq3A_674 : i32 to vector<16xi32>
    %eq3A_676 = arith.cmpi eq, %iota3A, %eq3A_675 : vector<16xi32>
    %broadcast_in_dim3A_677 = vector.broadcast %reduce_sum3A_673 : i32 to vector<16xi32>
    %select_n3A_678 = arith.select %eq3A_676, %broadcast_in_dim3A_677, %broadcast_in_dim3A_3 : vector<16xi1>, vector<16xi32>
    %add3A_679 = arith.addi %add3A_665, %select_n3A_678 : vector<16xi32>
    %eq3A_680 = arith.constant 6 : i32
    %eq3A_681 = vector.broadcast %eq3A_680 : i32 to vector<16xi32>
    %eq3A_682 = arith.cmpi eq, %get3A_595, %eq3A_681 : vector<16xi32>
    %convert_element_type3A_683 = arith.extui %eq3A_682 : vector<16xi1> to vector<16xi32>
    %reduce_sum3A_684 = arith.constant true
    %reduce_sum3A_685 = vector.broadcast %reduce_sum3A_684 : i1 to vector<16xi1>
    %reduce_sum3A_686 = tpu.scan <sum>, %convert_element_type3A_683 masked %reduce_sum3A_685 : vector<16xi32>, vector<16xi1> -> vector<16xi32>
    %reduce_sum3A_687 = vector.extract %reduce_sum3A_686[15] : i32 from vector<16xi32>
    %eq3A_688 = arith.constant 6 : i32
    %eq3A_689 = vector.broadcast %eq3A_688 : i32 to vector<16xi32>
    %eq3A_690 = arith.cmpi eq, %iota3A, %eq3A_689 : vector<16xi32>
    %broadcast_in_dim3A_691 = vector.broadcast %reduce_sum3A_687 : i32 to vector<16xi32>
    %select_n3A_692 = arith.select %eq3A_690, %broadcast_in_dim3A_691, %broadcast_in_dim3A_3 : vector<16xi1>, vector<16xi32>
    %add3A_693 = arith.addi %add3A_679, %select_n3A_692 : vector<16xi32>
    %eq3A_694 = arith.constant 7 : i32
    %eq3A_695 = vector.broadcast %eq3A_694 : i32 to vector<16xi32>
    %eq3A_696 = arith.cmpi eq, %get3A_595, %eq3A_695 : vector<16xi32>
    %convert_element_type3A_697 = arith.extui %eq3A_696 : vector<16xi1> to vector<16xi32>
    %reduce_sum3A_698 = arith.constant true
    %reduce_sum3A_699 = vector.broadcast %reduce_sum3A_698 : i1 to vector<16xi1>
    %reduce_sum3A_700 = tpu.scan <sum>, %convert_element_type3A_697 masked %reduce_sum3A_699 : vector<16xi32>, vector<16xi1> -> vector<16xi32>
    %reduce_sum3A_701 = vector.extract %reduce_sum3A_700[15] : i32 from vector<16xi32>
    %eq3A_702 = arith.constant 7 : i32
    %eq3A_703 = vector.broadcast %eq3A_702 : i32 to vector<16xi32>
    %eq3A_704 = arith.cmpi eq, %iota3A, %eq3A_703 : vector<16xi32>
    %broadcast_in_dim3A_705 = vector.broadcast %reduce_sum3A_701 : i32 to vector<16xi32>
    %select_n3A_706 = arith.select %eq3A_704, %broadcast_in_dim3A_705, %broadcast_in_dim3A_3 : vector<16xi1>, vector<16xi32>
    %add3A_707 = arith.addi %add3A_693, %select_n3A_706 : vector<16xi32>
    %get3A_708 = arith.constant 96 : index
    %get3A_709 = tpu.vector_load %arg9[%get3A_708] {strides = array<i32>} : memref<256xi32, #tpu.memory_space<vmem>>, vector<16xi32>,
    %eq3A_710 = arith.constant 0 : i32
    %eq3A_711 = vector.broadcast %eq3A_710 : i32 to vector<16xi32>
    %eq3A_712 = arith.cmpi eq, %get3A_709, %eq3A_711 : vector<16xi32>
    %convert_element_type3A_713 = arith.extui %eq3A_712 : vector<16xi1> to vector<16xi32>
    %reduce_sum3A_714 = arith.constant true
    %reduce_sum3A_715 = vector.broadcast %reduce_sum3A_714 : i1 to vector<16xi1>
    %reduce_sum3A_716 = tpu.scan <sum>, %convert_element_type3A_713 masked %reduce_sum3A_715 : vector<16xi32>, vector<16xi1> -> vector<16xi32>
    %reduce_sum3A_717 = vector.extract %reduce_sum3A_716[15] : i32 from vector<16xi32>
    %eq3A_718 = arith.constant 0 : i32
    %eq3A_719 = vector.broadcast %eq3A_718 : i32 to vector<16xi32>
    %eq3A_720 = arith.cmpi eq, %iota3A, %eq3A_719 : vector<16xi32>
    %broadcast_in_dim3A_721 = vector.broadcast %reduce_sum3A_717 : i32 to vector<16xi32>
    %select_n3A_722 = arith.select %eq3A_720, %broadcast_in_dim3A_721, %broadcast_in_dim3A_3 : vector<16xi1>, vector<16xi32>
    %add3A_723 = arith.addi %add3A_707, %select_n3A_722 : vector<16xi32>
    %eq3A_724 = arith.constant 1 : i32
    %eq3A_725 = vector.broadcast %eq3A_724 : i32 to vector<16xi32>
    %eq3A_726 = arith.cmpi eq, %get3A_709, %eq3A_725 : vector<16xi32>
    %convert_element_type3A_727 = arith.extui %eq3A_726 : vector<16xi1> to vector<16xi32>
    %reduce_sum3A_728 = arith.constant true
    %reduce_sum3A_729 = vector.broadcast %reduce_sum3A_728 : i1 to vector<16xi1>
    %reduce_sum3A_730 = tpu.scan <sum>, %convert_element_type3A_727 masked %reduce_sum3A_729 : vector<16xi32>, vector<16xi1> -> vector<16xi32>
    %reduce_sum3A_731 = vector.extract %reduce_sum3A_730[15] : i32 from vector<16xi32>
    %eq3A_732 = arith.constant 1 : i32
    %eq3A_733 = vector.broadcast %eq3A_732 : i32 to vector<16xi32>
    %eq3A_734 = arith.cmpi eq, %iota3A, %eq3A_733 : vector<16xi32>
    %broadcast_in_dim3A_735 = vector.broadcast %reduce_sum3A_731 : i32 to vector<16xi32>
    %select_n3A_736 = arith.select %eq3A_734, %broadcast_in_dim3A_735, %broadcast_in_dim3A_3 : vector<16xi1>, vector<16xi32>
    %add3A_737 = arith.addi %add3A_723, %select_n3A_736 : vector<16xi32>
    %eq3A_738 = arith.constant 2 : i32
    %eq3A_739 = vector.broadcast %eq3A_738 : i32 to vector<16xi32>
    %eq3A_740 = arith.cmpi eq, %get3A_709, %eq3A_739 : vector<16xi32>
    %convert_element_type3A_741 = arith.extui %eq3A_740 : vector<16xi1> to vector<16xi32>
    %reduce_sum3A_742 = arith.constant true
    %reduce_sum3A_743 = vector.broadcast %reduce_sum3A_742 : i1 to vector<16xi1>
    %reduce_sum3A_744 = tpu.scan <sum>, %convert_element_type3A_741 masked %reduce_sum3A_743 : vector<16xi32>, vector<16xi1> -> vector<16xi32>
    %reduce_sum3A_745 = vector.extract %reduce_sum3A_744[15] : i32 from vector<16xi32>
    %eq3A_746 = arith.constant 2 : i32
    %eq3A_747 = vector.broadcast %eq3A_746 : i32 to vector<16xi32>
    %eq3A_748 = arith.cmpi eq, %iota3A, %eq3A_747 : vector<16xi32>
    %broadcast_in_dim3A_749 = vector.broadcast %reduce_sum3A_745 : i32 to vector<16xi32>
    %select_n3A_750 = arith.select %eq3A_748, %broadcast_in_dim3A_749, %broadcast_in_dim3A_3 : vector<16xi1>, vector<16xi32>
    %add3A_751 = arith.addi %add3A_737, %select_n3A_750 : vector<16xi32>
    %eq3A_752 = arith.constant 3 : i32
    %eq3A_753 = vector.broadcast %eq3A_752 : i32 to vector<16xi32>
    %eq3A_754 = arith.cmpi eq, %get3A_709, %eq3A_753 : vector<16xi32>
    %convert_element_type3A_755 = arith.extui %eq3A_754 : vector<16xi1> to vector<16xi32>
    %reduce_sum3A_756 = arith.constant true
    %reduce_sum3A_757 = vector.broadcast %reduce_sum3A_756 : i1 to vector<16xi1>
    %reduce_sum3A_758 = tpu.scan <sum>, %convert_element_type3A_755 masked %reduce_sum3A_757 : vector<16xi32>, vector<16xi1> -> vector<16xi32>
    %reduce_sum3A_759 = vector.extract %reduce_sum3A_758[15] : i32 from vector<16xi32>
    %eq3A_760 = arith.constant 3 : i32
    %eq3A_761 = vector.broadcast %eq3A_760 : i32 to vector<16xi32>
    %eq3A_762 = arith.cmpi eq, %iota3A, %eq3A_761 : vector<16xi32>
    %broadcast_in_dim3A_763 = vector.broadcast %reduce_sum3A_759 : i32 to vector<16xi32>
    %select_n3A_764 = arith.select %eq3A_762, %broadcast_in_dim3A_763, %broadcast_in_dim3A_3 : vector<16xi1>, vector<16xi32>
    %add3A_765 = arith.addi %add3A_751, %select_n3A_764 : vector<16xi32>
    %eq3A_766 = arith.constant 4 : i32
    %eq3A_767 = vector.broadcast %eq3A_766 : i32 to vector<16xi32>
    %eq3A_768 = arith.cmpi eq, %get3A_709, %eq3A_767 : vector<16xi32>
    %convert_element_type3A_769 = arith.extui %eq3A_768 : vector<16xi1> to vector<16xi32>
    %reduce_sum3A_770 = arith.constant true
    %reduce_sum3A_771 = vector.broadcast %reduce_sum3A_770 : i1 to vector<16xi1>
    %reduce_sum3A_772 = tpu.scan <sum>, %convert_element_type3A_769 masked %reduce_sum3A_771 : vector<16xi32>, vector<16xi1> -> vector<16xi32>
    %reduce_sum3A_773 = vector.extract %reduce_sum3A_772[15] : i32 from vector<16xi32>
    %eq3A_774 = arith.constant 4 : i32
    %eq3A_775 = vector.broadcast %eq3A_774 : i32 to vector<16xi32>
    %eq3A_776 = arith.cmpi eq, %iota3A, %eq3A_775 : vector<16xi32>
    %broadcast_in_dim3A_777 = vector.broadcast %reduce_sum3A_773 : i32 to vector<16xi32>
    %select_n3A_778 = arith.select %eq3A_776, %broadcast_in_dim3A_777, %broadcast_in_dim3A_3 : vector<16xi1>, vector<16xi32>
    %add3A_779 = arith.addi %add3A_765, %select_n3A_778 : vector<16xi32>
    %eq3A_780 = arith.constant 5 : i32
    %eq3A_781 = vector.broadcast %eq3A_780 : i32 to vector<16xi32>
    %eq3A_782 = arith.cmpi eq, %get3A_709, %eq3A_781 : vector<16xi32>
    %convert_element_type3A_783 = arith.extui %eq3A_782 : vector<16xi1> to vector<16xi32>
    %reduce_sum3A_784 = arith.constant true
    %reduce_sum3A_785 = vector.broadcast %reduce_sum3A_784 : i1 to vector<16xi1>
    %reduce_sum3A_786 = tpu.scan <sum>, %convert_element_type3A_783 masked %reduce_sum3A_785 : vector<16xi32>, vector<16xi1> -> vector<16xi32>
    %reduce_sum3A_787 = vector.extract %reduce_sum3A_786[15] : i32 from vector<16xi32>
    %eq3A_788 = arith.constant 5 : i32
    %eq3A_789 = vector.broadcast %eq3A_788 : i32 to vector<16xi32>
    %eq3A_790 = arith.cmpi eq, %iota3A, %eq3A_789 : vector<16xi32>
    %broadcast_in_dim3A_791 = vector.broadcast %reduce_sum3A_787 : i32 to vector<16xi32>
    %select_n3A_792 = arith.select %eq3A_790, %broadcast_in_dim3A_791, %broadcast_in_dim3A_3 : vector<16xi1>, vector<16xi32>
    %add3A_793 = arith.addi %add3A_779, %select_n3A_792 : vector<16xi32>
    %eq3A_794 = arith.constant 6 : i32
    %eq3A_795 = vector.broadcast %eq3A_794 : i32 to vector<16xi32>
    %eq3A_796 = arith.cmpi eq, %get3A_709, %eq3A_795 : vector<16xi32>
    %convert_element_type3A_797 = arith.extui %eq3A_796 : vector<16xi1> to vector<16xi32>
    %reduce_sum3A_798 = arith.constant true
    %reduce_sum3A_799 = vector.broadcast %reduce_sum3A_798 : i1 to vector<16xi1>
    %reduce_sum3A_800 = tpu.scan <sum>, %convert_element_type3A_797 masked %reduce_sum3A_799 : vector<16xi32>, vector<16xi1> -> vector<16xi32>
    %reduce_sum3A_801 = vector.extract %reduce_sum3A_800[15] : i32 from vector<16xi32>
    %eq3A_802 = arith.constant 6 : i32
    %eq3A_803 = vector.broadcast %eq3A_802 : i32 to vector<16xi32>
    %eq3A_804 = arith.cmpi eq, %iota3A, %eq3A_803 : vector<16xi32>
    %broadcast_in_dim3A_805 = vector.broadcast %reduce_sum3A_801 : i32 to vector<16xi32>
    %select_n3A_806 = arith.select %eq3A_804, %broadcast_in_dim3A_805, %broadcast_in_dim3A_3 : vector<16xi1>, vector<16xi32>
    %add3A_807 = arith.addi %add3A_793, %select_n3A_806 : vector<16xi32>
    %eq3A_808 = arith.constant 7 : i32
    %eq3A_809 = vector.broadcast %eq3A_808 : i32 to vector<16xi32>
    %eq3A_810 = arith.cmpi eq, %get3A_709, %eq3A_809 : vector<16xi32>
    %convert_element_type3A_811 = arith.extui %eq3A_810 : vector<16xi1> to vector<16xi32>
    %reduce_sum3A_812 = arith.constant true
    %reduce_sum3A_813 = vector.broadcast %reduce_sum3A_812 : i1 to vector<16xi1>
    %reduce_sum3A_814 = tpu.scan <sum>, %convert_element_type3A_811 masked %reduce_sum3A_813 : vector<16xi32>, vector<16xi1> -> vector<16xi32>
    %reduce_sum3A_815 = vector.extract %reduce_sum3A_814[15] : i32 from vector<16xi32>
    %eq3A_816 = arith.constant 7 : i32
    %eq3A_817 = vector.broadcast %eq3A_816 : i32 to vector<16xi32>
    %eq3A_818 = arith.cmpi eq, %iota3A, %eq3A_817 : vector<16xi32>
    %broadcast_in_dim3A_819 = vector.broadcast %reduce_sum3A_815 : i32 to vector<16xi32>
    %select_n3A_820 = arith.select %eq3A_818, %broadcast_in_dim3A_819, %broadcast_in_dim3A_3 : vector<16xi1>, vector<16xi32>
    %add3A_821 = arith.addi %add3A_807, %select_n3A_820 : vector<16xi32>
    %get3A_822 = arith.constant 112 : index
    %get3A_823 = tpu.vector_load %arg9[%get3A_822] {strides = array<i32>} : memref<256xi32, #tpu.memory_space<vmem>>, vector<16xi32>,
    %eq3A_824 = arith.constant 0 : i32
    %eq3A_825 = vector.broadcast %eq3A_824 : i32 to vector<16xi32>
    %eq3A_826 = arith.cmpi eq, %get3A_823, %eq3A_825 : vector<16xi32>
    %convert_element_type3A_827 = arith.extui %eq3A_826 : vector<16xi1> to vector<16xi32>
    %reduce_sum3A_828 = arith.constant true
    %reduce_sum3A_829 = vector.broadcast %reduce_sum3A_828 : i1 to vector<16xi1>
    %reduce_sum3A_830 = tpu.scan <sum>, %convert_element_type3A_827 masked %reduce_sum3A_829 : vector<16xi32>, vector<16xi1> -> vector<16xi32>
    %reduce_sum3A_831 = vector.extract %reduce_sum3A_830[15] : i32 from vector<16xi32>
    %eq3A_832 = arith.constant 0 : i32
    %eq3A_833 = vector.broadcast %eq3A_832 : i32 to vector<16xi32>
    %eq3A_834 = arith.cmpi eq, %iota3A, %eq3A_833 : vector<16xi32>
    %broadcast_in_dim3A_835 = vector.broadcast %reduce_sum3A_831 : i32 to vector<16xi32>
    %select_n3A_836 = arith.select %eq3A_834, %broadcast_in_dim3A_835, %broadcast_in_dim3A_3 : vector<16xi1>, vector<16xi32>
    %add3A_837 = arith.addi %add3A_821, %select_n3A_836 : vector<16xi32>
    %eq3A_838 = arith.constant 1 : i32
    %eq3A_839 = vector.broadcast %eq3A_838 : i32 to vector<16xi32>
    %eq3A_840 = arith.cmpi eq, %get3A_823, %eq3A_839 : vector<16xi32>
    %convert_element_type3A_841 = arith.extui %eq3A_840 : vector<16xi1> to vector<16xi32>
    %reduce_sum3A_842 = arith.constant true
    %reduce_sum3A_843 = vector.broadcast %reduce_sum3A_842 : i1 to vector<16xi1>
    %reduce_sum3A_844 = tpu.scan <sum>, %convert_element_type3A_841 masked %reduce_sum3A_843 : vector<16xi32>, vector<16xi1> -> vector<16xi32>
    %reduce_sum3A_845 = vector.extract %reduce_sum3A_844[15] : i32 from vector<16xi32>
    %eq3A_846 = arith.constant 1 : i32
    %eq3A_847 = vector.broadcast %eq3A_846 : i32 to vector<16xi32>
    %eq3A_848 = arith.cmpi eq, %iota3A, %eq3A_847 : vector<16xi32>
    %broadcast_in_dim3A_849 = vector.broadcast %reduce_sum3A_845 : i32 to vector<16xi32>
    %select_n3A_850 = arith.select %eq3A_848, %broadcast_in_dim3A_849, %broadcast_in_dim3A_3 : vector<16xi1>, vector<16xi32>
    %add3A_851 = arith.addi %add3A_837, %select_n3A_850 : vector<16xi32>
    %eq3A_852 = arith.constant 2 : i32
    %eq3A_853 = vector.broadcast %eq3A_852 : i32 to vector<16xi32>
    %eq3A_854 = arith.cmpi eq, %get3A_823, %eq3A_853 : vector<16xi32>
    %convert_element_type3A_855 = arith.extui %eq3A_854 : vector<16xi1> to vector<16xi32>
    %reduce_sum3A_856 = arith.constant true
    %reduce_sum3A_857 = vector.broadcast %reduce_sum3A_856 : i1 to vector<16xi1>
    %reduce_sum3A_858 = tpu.scan <sum>, %convert_element_type3A_855 masked %reduce_sum3A_857 : vector<16xi32>, vector<16xi1> -> vector<16xi32>
    %reduce_sum3A_859 = vector.extract %reduce_sum3A_858[15] : i32 from vector<16xi32>
    %eq3A_860 = arith.constant 2 : i32
    %eq3A_861 = vector.broadcast %eq3A_860 : i32 to vector<16xi32>
    %eq3A_862 = arith.cmpi eq, %iota3A, %eq3A_861 : vector<16xi32>
    %broadcast_in_dim3A_863 = vector.broadcast %reduce_sum3A_859 : i32 to vector<16xi32>
    %select_n3A_864 = arith.select %eq3A_862, %broadcast_in_dim3A_863, %broadcast_in_dim3A_3 : vector<16xi1>, vector<16xi32>
    %add3A_865 = arith.addi %add3A_851, %select_n3A_864 : vector<16xi32>
    %eq3A_866 = arith.constant 3 : i32
    %eq3A_867 = vector.broadcast %eq3A_866 : i32 to vector<16xi32>
    %eq3A_868 = arith.cmpi eq, %get3A_823, %eq3A_867 : vector<16xi32>
    %convert_element_type3A_869 = arith.extui %eq3A_868 : vector<16xi1> to vector<16xi32>
    %reduce_sum3A_870 = arith.constant true
    %reduce_sum3A_871 = vector.broadcast %reduce_sum3A_870 : i1 to vector<16xi1>
    %reduce_sum3A_872 = tpu.scan <sum>, %convert_element_type3A_869 masked %reduce_sum3A_871 : vector<16xi32>, vector<16xi1> -> vector<16xi32>
    %reduce_sum3A_873 = vector.extract %reduce_sum3A_872[15] : i32 from vector<16xi32>
    %eq3A_874 = arith.constant 3 : i32
    %eq3A_875 = vector.broadcast %eq3A_874 : i32 to vector<16xi32>
    %eq3A_876 = arith.cmpi eq, %iota3A, %eq3A_875 : vector<16xi32>
    %broadcast_in_dim3A_877 = vector.broadcast %reduce_sum3A_873 : i32 to vector<16xi32>
    %select_n3A_878 = arith.select %eq3A_876, %broadcast_in_dim3A_877, %broadcast_in_dim3A_3 : vector<16xi1>, vector<16xi32>
    %add3A_879 = arith.addi %add3A_865, %select_n3A_878 : vector<16xi32>
    %eq3A_880 = arith.constant 4 : i32
    %eq3A_881 = vector.broadcast %eq3A_880 : i32 to vector<16xi32>
    %eq3A_882 = arith.cmpi eq, %get3A_823, %eq3A_881 : vector<16xi32>
    %convert_element_type3A_883 = arith.extui %eq3A_882 : vector<16xi1> to vector<16xi32>
    %reduce_sum3A_884 = arith.constant true
    %reduce_sum3A_885 = vector.broadcast %reduce_sum3A_884 : i1 to vector<16xi1>
    %reduce_sum3A_886 = tpu.scan <sum>, %convert_element_type3A_883 masked %reduce_sum3A_885 : vector<16xi32>, vector<16xi1> -> vector<16xi32>
    %reduce_sum3A_887 = vector.extract %reduce_sum3A_886[15] : i32 from vector<16xi32>
    %eq3A_888 = arith.constant 4 : i32
    %eq3A_889 = vector.broadcast %eq3A_888 : i32 to vector<16xi32>
    %eq3A_890 = arith.cmpi eq, %iota3A, %eq3A_889 : vector<16xi32>
    %broadcast_in_dim3A_891 = vector.broadcast %reduce_sum3A_887 : i32 to vector<16xi32>
    %select_n3A_892 = arith.select %eq3A_890, %broadcast_in_dim3A_891, %broadcast_in_dim3A_3 : vector<16xi1>, vector<16xi32>
    %add3A_893 = arith.addi %add3A_879, %select_n3A_892 : vector<16xi32>
    %eq3A_894 = arith.constant 5 : i32
    %eq3A_895 = vector.broadcast %eq3A_894 : i32 to vector<16xi32>
    %eq3A_896 = arith.cmpi eq, %get3A_823, %eq3A_895 : vector<16xi32>
    %convert_element_type3A_897 = arith.extui %eq3A_896 : vector<16xi1> to vector<16xi32>
    %reduce_sum3A_898 = arith.constant true
    %reduce_sum3A_899 = vector.broadcast %reduce_sum3A_898 : i1 to vector<16xi1>
    %reduce_sum3A_900 = tpu.scan <sum>, %convert_element_type3A_897 masked %reduce_sum3A_899 : vector<16xi32>, vector<16xi1> -> vector<16xi32>
    %reduce_sum3A_901 = vector.extract %reduce_sum3A_900[15] : i32 from vector<16xi32>
    %eq3A_902 = arith.constant 5 : i32
    %eq3A_903 = vector.broadcast %eq3A_902 : i32 to vector<16xi32>
    %eq3A_904 = arith.cmpi eq, %iota3A, %eq3A_903 : vector<16xi32>
    %broadcast_in_dim3A_905 = vector.broadcast %reduce_sum3A_901 : i32 to vector<16xi32>
    %select_n3A_906 = arith.select %eq3A_904, %broadcast_in_dim3A_905, %broadcast_in_dim3A_3 : vector<16xi1>, vector<16xi32>
    %add3A_907 = arith.addi %add3A_893, %select_n3A_906 : vector<16xi32>
    %eq3A_908 = arith.constant 6 : i32
    %eq3A_909 = vector.broadcast %eq3A_908 : i32 to vector<16xi32>
    %eq3A_910 = arith.cmpi eq, %get3A_823, %eq3A_909 : vector<16xi32>
    %convert_element_type3A_911 = arith.extui %eq3A_910 : vector<16xi1> to vector<16xi32>
    %reduce_sum3A_912 = arith.constant true
    %reduce_sum3A_913 = vector.broadcast %reduce_sum3A_912 : i1 to vector<16xi1>
    %reduce_sum3A_914 = tpu.scan <sum>, %convert_element_type3A_911 masked %reduce_sum3A_913 : vector<16xi32>, vector<16xi1> -> vector<16xi32>
    %reduce_sum3A_915 = vector.extract %reduce_sum3A_914[15] : i32 from vector<16xi32>
    %eq3A_916 = arith.constant 6 : i32
    %eq3A_917 = vector.broadcast %eq3A_916 : i32 to vector<16xi32>
    %eq3A_918 = arith.cmpi eq, %iota3A, %eq3A_917 : vector<16xi32>
    %broadcast_in_dim3A_919 = vector.broadcast %reduce_sum3A_915 : i32 to vector<16xi32>
    %select_n3A_920 = arith.select %eq3A_918, %broadcast_in_dim3A_919, %broadcast_in_dim3A_3 : vector<16xi1>, vector<16xi32>
    %add3A_921 = arith.addi %add3A_907, %select_n3A_920 : vector<16xi32>
    %eq3A_922 = arith.constant 7 : i32
    %eq3A_923 = vector.broadcast %eq3A_922 : i32 to vector<16xi32>
    %eq3A_924 = arith.cmpi eq, %get3A_823, %eq3A_923 : vector<16xi32>
    %convert_element_type3A_925 = arith.extui %eq3A_924 : vector<16xi1> to vector<16xi32>
    %reduce_sum3A_926 = arith.constant true
    %reduce_sum3A_927 = vector.broadcast %reduce_sum3A_926 : i1 to vector<16xi1>
    %reduce_sum3A_928 = tpu.scan <sum>, %convert_element_type3A_925 masked %reduce_sum3A_927 : vector<16xi32>, vector<16xi1> -> vector<16xi32>
    %reduce_sum3A_929 = vector.extract %reduce_sum3A_928[15] : i32 from vector<16xi32>
    %eq3A_930 = arith.constant 7 : i32
    %eq3A_931 = vector.broadcast %eq3A_930 : i32 to vector<16xi32>
    %eq3A_932 = arith.cmpi eq, %iota3A, %eq3A_931 : vector<16xi32>
    %broadcast_in_dim3A_933 = vector.broadcast %reduce_sum3A_929 : i32 to vector<16xi32>
    %select_n3A_934 = arith.select %eq3A_932, %broadcast_in_dim3A_933, %broadcast_in_dim3A_3 : vector<16xi1>, vector<16xi32>
    %add3A_935 = arith.addi %add3A_921, %select_n3A_934 : vector<16xi32>
    %swap3A = arith.constant 0 : i32
    %swap3A_936 = arith.index_cast %swap3A : i32 to index
    %swap3A_937 = arith.constant 0 : index
    %swap3A_938 = tpu.vector_load %arg12[%swap3A_936, %swap3A_937] {strides = array<i32>} : memref<2x16xi32, #tpu.memory_space<vmem>>, vector<16xi32>,
    tpu.vector_store %arg12[%swap3A_936, %swap3A_937], %add3A_935 {strides = array<i32>} : memref<2x16xi32, #tpu.memory_space<vmem>>, vector<16xi32>,
    %get3A_939 = arith.constant 128 : index
    %get3A_940 = tpu.vector_load %arg9[%get3A_939] {strides = array<i32>} : memref<256xi32, #tpu.memory_space<vmem>>, vector<16xi32>,
    %eq3A_941 = arith.constant 0 : i32
    %eq3A_942 = vector.broadcast %eq3A_941 : i32 to vector<16xi32>
    %eq3A_943 = arith.cmpi eq, %get3A_940, %eq3A_942 : vector<16xi32>
    %convert_element_type3A_944 = arith.extui %eq3A_943 : vector<16xi1> to vector<16xi32>
    %reduce_sum3A_945 = arith.constant true
    %reduce_sum3A_946 = vector.broadcast %reduce_sum3A_945 : i1 to vector<16xi1>
    %reduce_sum3A_947 = tpu.scan <sum>, %convert_element_type3A_944 masked %reduce_sum3A_946 : vector<16xi32>, vector<16xi1> -> vector<16xi32>
    %reduce_sum3A_948 = vector.extract %reduce_sum3A_947[15] : i32 from vector<16xi32>
    %eq3A_949 = arith.constant 0 : i32
    %eq3A_950 = vector.broadcast %eq3A_949 : i32 to vector<16xi32>
    %eq3A_951 = arith.cmpi eq, %iota3A, %eq3A_950 : vector<16xi32>
    %broadcast_in_dim3A_952 = vector.broadcast %reduce_sum3A_948 : i32 to vector<16xi32>
    %select_n3A_953 = arith.select %eq3A_951, %broadcast_in_dim3A_952, %broadcast_in_dim3A_3 : vector<16xi1>, vector<16xi32>
    %add3A_954 = arith.addi %broadcast_in_dim3A_3, %select_n3A_953 : vector<16xi32>
    %eq3A_955 = arith.constant 1 : i32
    %eq3A_956 = vector.broadcast %eq3A_955 : i32 to vector<16xi32>
    %eq3A_957 = arith.cmpi eq, %get3A_940, %eq3A_956 : vector<16xi32>
    %convert_element_type3A_958 = arith.extui %eq3A_957 : vector<16xi1> to vector<16xi32>
    %reduce_sum3A_959 = arith.constant true
    %reduce_sum3A_960 = vector.broadcast %reduce_sum3A_959 : i1 to vector<16xi1>
    %reduce_sum3A_961 = tpu.scan <sum>, %convert_element_type3A_958 masked %reduce_sum3A_960 : vector<16xi32>, vector<16xi1> -> vector<16xi32>
    %reduce_sum3A_962 = vector.extract %reduce_sum3A_961[15] : i32 from vector<16xi32>
    %eq3A_963 = arith.constant 1 : i32
    %eq3A_964 = vector.broadcast %eq3A_963 : i32 to vector<16xi32>
    %eq3A_965 = arith.cmpi eq, %iota3A, %eq3A_964 : vector<16xi32>
    %broadcast_in_dim3A_966 = vector.broadcast %reduce_sum3A_962 : i32 to vector<16xi32>
    %select_n3A_967 = arith.select %eq3A_965, %broadcast_in_dim3A_966, %broadcast_in_dim3A_3 : vector<16xi1>, vector<16xi32>
    %add3A_968 = arith.addi %add3A_954, %select_n3A_967 : vector<16xi32>
    %eq3A_969 = arith.constant 2 : i32
    %eq3A_970 = vector.broadcast %eq3A_969 : i32 to vector<16xi32>
    %eq3A_971 = arith.cmpi eq, %get3A_940, %eq3A_970 : vector<16xi32>
    %convert_element_type3A_972 = arith.extui %eq3A_971 : vector<16xi1> to vector<16xi32>
    %reduce_sum3A_973 = arith.constant true
    %reduce_sum3A_974 = vector.broadcast %reduce_sum3A_973 : i1 to vector<16xi1>
    %reduce_sum3A_975 = tpu.scan <sum>, %convert_element_type3A_972 masked %reduce_sum3A_974 : vector<16xi32>, vector<16xi1> -> vector<16xi32>
    %reduce_sum3A_976 = vector.extract %reduce_sum3A_975[15] : i32 from vector<16xi32>
    %eq3A_977 = arith.constant 2 : i32
    %eq3A_978 = vector.broadcast %eq3A_977 : i32 to vector<16xi32>
    %eq3A_979 = arith.cmpi eq, %iota3A, %eq3A_978 : vector<16xi32>
    %broadcast_in_dim3A_980 = vector.broadcast %reduce_sum3A_976 : i32 to vector<16xi32>
    %select_n3A_981 = arith.select %eq3A_979, %broadcast_in_dim3A_980, %broadcast_in_dim3A_3 : vector<16xi1>, vector<16xi32>
    %add3A_982 = arith.addi %add3A_968, %select_n3A_981 : vector<16xi32>
    %eq3A_983 = arith.constant 3 : i32
    %eq3A_984 = vector.broadcast %eq3A_983 : i32 to vector<16xi32>
    %eq3A_985 = arith.cmpi eq, %get3A_940, %eq3A_984 : vector<16xi32>
    %convert_element_type3A_986 = arith.extui %eq3A_985 : vector<16xi1> to vector<16xi32>
    %reduce_sum3A_987 = arith.constant true
    %reduce_sum3A_988 = vector.broadcast %reduce_sum3A_987 : i1 to vector<16xi1>
    %reduce_sum3A_989 = tpu.scan <sum>, %convert_element_type3A_986 masked %reduce_sum3A_988 : vector<16xi32>, vector<16xi1> -> vector<16xi32>
    %reduce_sum3A_990 = vector.extract %reduce_sum3A_989[15] : i32 from vector<16xi32>
    %eq3A_991 = arith.constant 3 : i32
    %eq3A_992 = vector.broadcast %eq3A_991 : i32 to vector<16xi32>
    %eq3A_993 = arith.cmpi eq, %iota3A, %eq3A_992 : vector<16xi32>
    %broadcast_in_dim3A_994 = vector.broadcast %reduce_sum3A_990 : i32 to vector<16xi32>
    %select_n3A_995 = arith.select %eq3A_993, %broadcast_in_dim3A_994, %broadcast_in_dim3A_3 : vector<16xi1>, vector<16xi32>
    %add3A_996 = arith.addi %add3A_982, %select_n3A_995 : vector<16xi32>
    %eq3A_997 = arith.constant 4 : i32
    %eq3A_998 = vector.broadcast %eq3A_997 : i32 to vector<16xi32>
    %eq3A_999 = arith.cmpi eq, %get3A_940, %eq3A_998 : vector<16xi32>
    %convert_element_type3A_1000 = arith.extui %eq3A_999 : vector<16xi1> to vector<16xi32>
    %reduce_sum3A_1001 = arith.constant true
    %reduce_sum3A_1002 = vector.broadcast %reduce_sum3A_1001 : i1 to vector<16xi1>
    %reduce_sum3A_1003 = tpu.scan <sum>, %convert_element_type3A_1000 masked %reduce_sum3A_1002 : vector<16xi32>, vector<16xi1> -> vector<16xi32>
    %reduce_sum3A_1004 = vector.extract %reduce_sum3A_1003[15] : i32 from vector<16xi32>
    %eq3A_1005 = arith.constant 4 : i32
    %eq3A_1006 = vector.broadcast %eq3A_1005 : i32 to vector<16xi32>
    %eq3A_1007 = arith.cmpi eq, %iota3A, %eq3A_1006 : vector<16xi32>
    %broadcast_in_dim3A_1008 = vector.broadcast %reduce_sum3A_1004 : i32 to vector<16xi32>
    %select_n3A_1009 = arith.select %eq3A_1007, %broadcast_in_dim3A_1008, %broadcast_in_dim3A_3 : vector<16xi1>, vector<16xi32>
    %add3A_1010 = arith.addi %add3A_996, %select_n3A_1009 : vector<16xi32>
    %eq3A_1011 = arith.constant 5 : i32
    %eq3A_1012 = vector.broadcast %eq3A_1011 : i32 to vector<16xi32>
    %eq3A_1013 = arith.cmpi eq, %get3A_940, %eq3A_1012 : vector<16xi32>
    %convert_element_type3A_1014 = arith.extui %eq3A_1013 : vector<16xi1> to vector<16xi32>
    %reduce_sum3A_1015 = arith.constant true
    %reduce_sum3A_1016 = vector.broadcast %reduce_sum3A_1015 : i1 to vector<16xi1>
    %reduce_sum3A_1017 = tpu.scan <sum>, %convert_element_type3A_1014 masked %reduce_sum3A_1016 : vector<16xi32>, vector<16xi1> -> vector<16xi32>
    %reduce_sum3A_1018 = vector.extract %reduce_sum3A_1017[15] : i32 from vector<16xi32>
    %eq3A_1019 = arith.constant 5 : i32
    %eq3A_1020 = vector.broadcast %eq3A_1019 : i32 to vector<16xi32>
    %eq3A_1021 = arith.cmpi eq, %iota3A, %eq3A_1020 : vector<16xi32>
    %broadcast_in_dim3A_1022 = vector.broadcast %reduce_sum3A_1018 : i32 to vector<16xi32>
    %select_n3A_1023 = arith.select %eq3A_1021, %broadcast_in_dim3A_1022, %broadcast_in_dim3A_3 : vector<16xi1>, vector<16xi32>
    %add3A_1024 = arith.addi %add3A_1010, %select_n3A_1023 : vector<16xi32>
    %eq3A_1025 = arith.constant 6 : i32
    %eq3A_1026 = vector.broadcast %eq3A_1025 : i32 to vector<16xi32>
    %eq3A_1027 = arith.cmpi eq, %get3A_940, %eq3A_1026 : vector<16xi32>
    %convert_element_type3A_1028 = arith.extui %eq3A_1027 : vector<16xi1> to vector<16xi32>
    %reduce_sum3A_1029 = arith.constant true
    %reduce_sum3A_1030 = vector.broadcast %reduce_sum3A_1029 : i1 to vector<16xi1>
    %reduce_sum3A_1031 = tpu.scan <sum>, %convert_element_type3A_1028 masked %reduce_sum3A_1030 : vector<16xi32>, vector<16xi1> -> vector<16xi32>
    %reduce_sum3A_1032 = vector.extract %reduce_sum3A_1031[15] : i32 from vector<16xi32>
    %eq3A_1033 = arith.constant 6 : i32
    %eq3A_1034 = vector.broadcast %eq3A_1033 : i32 to vector<16xi32>
    %eq3A_1035 = arith.cmpi eq, %iota3A, %eq3A_1034 : vector<16xi32>
    %broadcast_in_dim3A_1036 = vector.broadcast %reduce_sum3A_1032 : i32 to vector<16xi32>
    %select_n3A_1037 = arith.select %eq3A_1035, %broadcast_in_dim3A_1036, %broadcast_in_dim3A_3 : vector<16xi1>, vector<16xi32>
    %add3A_1038 = arith.addi %add3A_1024, %select_n3A_1037 : vector<16xi32>
    %eq3A_1039 = arith.constant 7 : i32
    %eq3A_1040 = vector.broadcast %eq3A_1039 : i32 to vector<16xi32>
    %eq3A_1041 = arith.cmpi eq, %get3A_940, %eq3A_1040 : vector<16xi32>
    %convert_element_type3A_1042 = arith.extui %eq3A_1041 : vector<16xi1> to vector<16xi32>
    %reduce_sum3A_1043 = arith.constant true
    %reduce_sum3A_1044 = vector.broadcast %reduce_sum3A_1043 : i1 to vector<16xi1>
    %reduce_sum3A_1045 = tpu.scan <sum>, %convert_element_type3A_1042 masked %reduce_sum3A_1044 : vector<16xi32>, vector<16xi1> -> vector<16xi32>
    %reduce_sum3A_1046 = vector.extract %reduce_sum3A_1045[15] : i32 from vector<16xi32>
    %eq3A_1047 = arith.constant 7 : i32
    %eq3A_1048 = vector.broadcast %eq3A_1047 : i32 to vector<16xi32>
    %eq3A_1049 = arith.cmpi eq, %iota3A, %eq3A_1048 : vector<16xi32>
    %broadcast_in_dim3A_1050 = vector.broadcast %reduce_sum3A_1046 : i32 to vector<16xi32>
    %select_n3A_1051 = arith.select %eq3A_1049, %broadcast_in_dim3A_1050, %broadcast_in_dim3A_3 : vector<16xi1>, vector<16xi32>
    %add3A_1052 = arith.addi %add3A_1038, %select_n3A_1051 : vector<16xi32>
    %get3A_1053 = arith.constant 144 : index
    %get3A_1054 = tpu.vector_load %arg9[%get3A_1053] {strides = array<i32>} : memref<256xi32, #tpu.memory_space<vmem>>, vector<16xi32>,
    %eq3A_1055 = arith.constant 0 : i32
    %eq3A_1056 = vector.broadcast %eq3A_1055 : i32 to vector<16xi32>
    %eq3A_1057 = arith.cmpi eq, %get3A_1054, %eq3A_1056 : vector<16xi32>
    %convert_element_type3A_1058 = arith.extui %eq3A_1057 : vector<16xi1> to vector<16xi32>
    %reduce_sum3A_1059 = arith.constant true
    %reduce_sum3A_1060 = vector.broadcast %reduce_sum3A_1059 : i1 to vector<16xi1>
    %reduce_sum3A_1061 = tpu.scan <sum>, %convert_element_type3A_1058 masked %reduce_sum3A_1060 : vector<16xi32>, vector<16xi1> -> vector<16xi32>
    %reduce_sum3A_1062 = vector.extract %reduce_sum3A_1061[15] : i32 from vector<16xi32>
    %eq3A_1063 = arith.constant 0 : i32
    %eq3A_1064 = vector.broadcast %eq3A_1063 : i32 to vector<16xi32>
    %eq3A_1065 = arith.cmpi eq, %iota3A, %eq3A_1064 : vector<16xi32>
    %broadcast_in_dim3A_1066 = vector.broadcast %reduce_sum3A_1062 : i32 to vector<16xi32>
    %select_n3A_1067 = arith.select %eq3A_1065, %broadcast_in_dim3A_1066, %broadcast_in_dim3A_3 : vector<16xi1>, vector<16xi32>
    %add3A_1068 = arith.addi %add3A_1052, %select_n3A_1067 : vector<16xi32>
    %eq3A_1069 = arith.constant 1 : i32
    %eq3A_1070 = vector.broadcast %eq3A_1069 : i32 to vector<16xi32>
    %eq3A_1071 = arith.cmpi eq, %get3A_1054, %eq3A_1070 : vector<16xi32>
    %convert_element_type3A_1072 = arith.extui %eq3A_1071 : vector<16xi1> to vector<16xi32>
    %reduce_sum3A_1073 = arith.constant true
    %reduce_sum3A_1074 = vector.broadcast %reduce_sum3A_1073 : i1 to vector<16xi1>
    %reduce_sum3A_1075 = tpu.scan <sum>, %convert_element_type3A_1072 masked %reduce_sum3A_1074 : vector<16xi32>, vector<16xi1> -> vector<16xi32>
    %reduce_sum3A_1076 = vector.extract %reduce_sum3A_1075[15] : i32 from vector<16xi32>
    %eq3A_1077 = arith.constant 1 : i32
    %eq3A_1078 = vector.broadcast %eq3A_1077 : i32 to vector<16xi32>
    %eq3A_1079 = arith.cmpi eq, %iota3A, %eq3A_1078 : vector<16xi32>
    %broadcast_in_dim3A_1080 = vector.broadcast %reduce_sum3A_1076 : i32 to vector<16xi32>
    %select_n3A_1081 = arith.select %eq3A_1079, %broadcast_in_dim3A_1080, %broadcast_in_dim3A_3 : vector<16xi1>, vector<16xi32>
    %add3A_1082 = arith.addi %add3A_1068, %select_n3A_1081 : vector<16xi32>
    %eq3A_1083 = arith.constant 2 : i32
    %eq3A_1084 = vector.broadcast %eq3A_1083 : i32 to vector<16xi32>
    %eq3A_1085 = arith.cmpi eq, %get3A_1054, %eq3A_1084 : vector<16xi32>
    %convert_element_type3A_1086 = arith.extui %eq3A_1085 : vector<16xi1> to vector<16xi32>
    %reduce_sum3A_1087 = arith.constant true
    %reduce_sum3A_1088 = vector.broadcast %reduce_sum3A_1087 : i1 to vector<16xi1>
    %reduce_sum3A_1089 = tpu.scan <sum>, %convert_element_type3A_1086 masked %reduce_sum3A_1088 : vector<16xi32>, vector<16xi1> -> vector<16xi32>
    %reduce_sum3A_1090 = vector.extract %reduce_sum3A_1089[15] : i32 from vector<16xi32>
    %eq3A_1091 = arith.constant 2 : i32
    %eq3A_1092 = vector.broadcast %eq3A_1091 : i32 to vector<16xi32>
    %eq3A_1093 = arith.cmpi eq, %iota3A, %eq3A_1092 : vector<16xi32>
    %broadcast_in_dim3A_1094 = vector.broadcast %reduce_sum3A_1090 : i32 to vector<16xi32>
    %select_n3A_1095 = arith.select %eq3A_1093, %broadcast_in_dim3A_1094, %broadcast_in_dim3A_3 : vector<16xi1>, vector<16xi32>
    %add3A_1096 = arith.addi %add3A_1082, %select_n3A_1095 : vector<16xi32>
    %eq3A_1097 = arith.constant 3 : i32
    %eq3A_1098 = vector.broadcast %eq3A_1097 : i32 to vector<16xi32>
    %eq3A_1099 = arith.cmpi eq, %get3A_1054, %eq3A_1098 : vector<16xi32>
    %convert_element_type3A_1100 = arith.extui %eq3A_1099 : vector<16xi1> to vector<16xi32>
    %reduce_sum3A_1101 = arith.constant true
    %reduce_sum3A_1102 = vector.broadcast %reduce_sum3A_1101 : i1 to vector<16xi1>
    %reduce_sum3A_1103 = tpu.scan <sum>, %convert_element_type3A_1100 masked %reduce_sum3A_1102 : vector<16xi32>, vector<16xi1> -> vector<16xi32>
    %reduce_sum3A_1104 = vector.extract %reduce_sum3A_1103[15] : i32 from vector<16xi32>
    %eq3A_1105 = arith.constant 3 : i32
    %eq3A_1106 = vector.broadcast %eq3A_1105 : i32 to vector<16xi32>
    %eq3A_1107 = arith.cmpi eq, %iota3A, %eq3A_1106 : vector<16xi32>
    %broadcast_in_dim3A_1108 = vector.broadcast %reduce_sum3A_1104 : i32 to vector<16xi32>
    %select_n3A_1109 = arith.select %eq3A_1107, %broadcast_in_dim3A_1108, %broadcast_in_dim3A_3 : vector<16xi1>, vector<16xi32>
    %add3A_1110 = arith.addi %add3A_1096, %select_n3A_1109 : vector<16xi32>
    %eq3A_1111 = arith.constant 4 : i32
    %eq3A_1112 = vector.broadcast %eq3A_1111 : i32 to vector<16xi32>
    %eq3A_1113 = arith.cmpi eq, %get3A_1054, %eq3A_1112 : vector<16xi32>
    %convert_element_type3A_1114 = arith.extui %eq3A_1113 : vector<16xi1> to vector<16xi32>
    %reduce_sum3A_1115 = arith.constant true
    %reduce_sum3A_1116 = vector.broadcast %reduce_sum3A_1115 : i1 to vector<16xi1>
    %reduce_sum3A_1117 = tpu.scan <sum>, %convert_element_type3A_1114 masked %reduce_sum3A_1116 : vector<16xi32>, vector<16xi1> -> vector<16xi32>
    %reduce_sum3A_1118 = vector.extract %reduce_sum3A_1117[15] : i32 from vector<16xi32>
    %eq3A_1119 = arith.constant 4 : i32
    %eq3A_1120 = vector.broadcast %eq3A_1119 : i32 to vector<16xi32>
    %eq3A_1121 = arith.cmpi eq, %iota3A, %eq3A_1120 : vector<16xi32>
    %broadcast_in_dim3A_1122 = vector.broadcast %reduce_sum3A_1118 : i32 to vector<16xi32>
    %select_n3A_1123 = arith.select %eq3A_1121, %broadcast_in_dim3A_1122, %broadcast_in_dim3A_3 : vector<16xi1>, vector<16xi32>
    %add3A_1124 = arith.addi %add3A_1110, %select_n3A_1123 : vector<16xi32>
    %eq3A_1125 = arith.constant 5 : i32
    %eq3A_1126 = vector.broadcast %eq3A_1125 : i32 to vector<16xi32>
    %eq3A_1127 = arith.cmpi eq, %get3A_1054, %eq3A_1126 : vector<16xi32>
    %convert_element_type3A_1128 = arith.extui %eq3A_1127 : vector<16xi1> to vector<16xi32>
    %reduce_sum3A_1129 = arith.constant true
    %reduce_sum3A_1130 = vector.broadcast %reduce_sum3A_1129 : i1 to vector<16xi1>
    %reduce_sum3A_1131 = tpu.scan <sum>, %convert_element_type3A_1128 masked %reduce_sum3A_1130 : vector<16xi32>, vector<16xi1> -> vector<16xi32>
    %reduce_sum3A_1132 = vector.extract %reduce_sum3A_1131[15] : i32 from vector<16xi32>
    %eq3A_1133 = arith.constant 5 : i32
    %eq3A_1134 = vector.broadcast %eq3A_1133 : i32 to vector<16xi32>
    %eq3A_1135 = arith.cmpi eq, %iota3A, %eq3A_1134 : vector<16xi32>
    %broadcast_in_dim3A_1136 = vector.broadcast %reduce_sum3A_1132 : i32 to vector<16xi32>
    %select_n3A_1137 = arith.select %eq3A_1135, %broadcast_in_dim3A_1136, %broadcast_in_dim3A_3 : vector<16xi1>, vector<16xi32>
    %add3A_1138 = arith.addi %add3A_1124, %select_n3A_1137 : vector<16xi32>
    %eq3A_1139 = arith.constant 6 : i32
    %eq3A_1140 = vector.broadcast %eq3A_1139 : i32 to vector<16xi32>
    %eq3A_1141 = arith.cmpi eq, %get3A_1054, %eq3A_1140 : vector<16xi32>
    %convert_element_type3A_1142 = arith.extui %eq3A_1141 : vector<16xi1> to vector<16xi32>
    %reduce_sum3A_1143 = arith.constant true
    %reduce_sum3A_1144 = vector.broadcast %reduce_sum3A_1143 : i1 to vector<16xi1>
    %reduce_sum3A_1145 = tpu.scan <sum>, %convert_element_type3A_1142 masked %reduce_sum3A_1144 : vector<16xi32>, vector<16xi1> -> vector<16xi32>
    %reduce_sum3A_1146 = vector.extract %reduce_sum3A_1145[15] : i32 from vector<16xi32>
    %eq3A_1147 = arith.constant 6 : i32
    %eq3A_1148 = vector.broadcast %eq3A_1147 : i32 to vector<16xi32>
    %eq3A_1149 = arith.cmpi eq, %iota3A, %eq3A_1148 : vector<16xi32>
    %broadcast_in_dim3A_1150 = vector.broadcast %reduce_sum3A_1146 : i32 to vector<16xi32>
    %select_n3A_1151 = arith.select %eq3A_1149, %broadcast_in_dim3A_1150, %broadcast_in_dim3A_3 : vector<16xi1>, vector<16xi32>
    %add3A_1152 = arith.addi %add3A_1138, %select_n3A_1151 : vector<16xi32>
    %eq3A_1153 = arith.constant 7 : i32
    %eq3A_1154 = vector.broadcast %eq3A_1153 : i32 to vector<16xi32>
    %eq3A_1155 = arith.cmpi eq, %get3A_1054, %eq3A_1154 : vector<16xi32>
    %convert_element_type3A_1156 = arith.extui %eq3A_1155 : vector<16xi1> to vector<16xi32>
    %reduce_sum3A_1157 = arith.constant true
    %reduce_sum3A_1158 = vector.broadcast %reduce_sum3A_1157 : i1 to vector<16xi1>
    %reduce_sum3A_1159 = tpu.scan <sum>, %convert_element_type3A_1156 masked %reduce_sum3A_1158 : vector<16xi32>, vector<16xi1> -> vector<16xi32>
    %reduce_sum3A_1160 = vector.extract %reduce_sum3A_1159[15] : i32 from vector<16xi32>
    %eq3A_1161 = arith.constant 7 : i32
    %eq3A_1162 = vector.broadcast %eq3A_1161 : i32 to vector<16xi32>
    %eq3A_1163 = arith.cmpi eq, %iota3A, %eq3A_1162 : vector<16xi32>
    %broadcast_in_dim3A_1164 = vector.broadcast %reduce_sum3A_1160 : i32 to vector<16xi32>
    %select_n3A_1165 = arith.select %eq3A_1163, %broadcast_in_dim3A_1164, %broadcast_in_dim3A_3 : vector<16xi1>, vector<16xi32>
    %add3A_1166 = arith.addi %add3A_1152, %select_n3A_1165 : vector<16xi32>
    %get3A_1167 = arith.constant 160 : index
    %get3A_1168 = tpu.vector_load %arg9[%get3A_1167] {strides = array<i32>} : memref<256xi32, #tpu.memory_space<vmem>>, vector<16xi32>,
    %eq3A_1169 = arith.constant 0 : i32
    %eq3A_1170 = vector.broadcast %eq3A_1169 : i32 to vector<16xi32>
    %eq3A_1171 = arith.cmpi eq, %get3A_1168, %eq3A_1170 : vector<16xi32>
    %convert_element_type3A_1172 = arith.extui %eq3A_1171 : vector<16xi1> to vector<16xi32>
    %reduce_sum3A_1173 = arith.constant true
    %reduce_sum3A_1174 = vector.broadcast %reduce_sum3A_1173 : i1 to vector<16xi1>
    %reduce_sum3A_1175 = tpu.scan <sum>, %convert_element_type3A_1172 masked %reduce_sum3A_1174 : vector<16xi32>, vector<16xi1> -> vector<16xi32>
    %reduce_sum3A_1176 = vector.extract %reduce_sum3A_1175[15] : i32 from vector<16xi32>
    %eq3A_1177 = arith.constant 0 : i32
    %eq3A_1178 = vector.broadcast %eq3A_1177 : i32 to vector<16xi32>
    %eq3A_1179 = arith.cmpi eq, %iota3A, %eq3A_1178 : vector<16xi32>
    %broadcast_in_dim3A_1180 = vector.broadcast %reduce_sum3A_1176 : i32 to vector<16xi32>
    %select_n3A_1181 = arith.select %eq3A_1179, %broadcast_in_dim3A_1180, %broadcast_in_dim3A_3 : vector<16xi1>, vector<16xi32>
    %add3A_1182 = arith.addi %add3A_1166, %select_n3A_1181 : vector<16xi32>
    %eq3A_1183 = arith.constant 1 : i32
    %eq3A_1184 = vector.broadcast %eq3A_1183 : i32 to vector<16xi32>
    %eq3A_1185 = arith.cmpi eq, %get3A_1168, %eq3A_1184 : vector<16xi32>
    %convert_element_type3A_1186 = arith.extui %eq3A_1185 : vector<16xi1> to vector<16xi32>
    %reduce_sum3A_1187 = arith.constant true
    %reduce_sum3A_1188 = vector.broadcast %reduce_sum3A_1187 : i1 to vector<16xi1>
    %reduce_sum3A_1189 = tpu.scan <sum>, %convert_element_type3A_1186 masked %reduce_sum3A_1188 : vector<16xi32>, vector<16xi1> -> vector<16xi32>
    %reduce_sum3A_1190 = vector.extract %reduce_sum3A_1189[15] : i32 from vector<16xi32>
    %eq3A_1191 = arith.constant 1 : i32
    %eq3A_1192 = vector.broadcast %eq3A_1191 : i32 to vector<16xi32>
    %eq3A_1193 = arith.cmpi eq, %iota3A, %eq3A_1192 : vector<16xi32>
    %broadcast_in_dim3A_1194 = vector.broadcast %reduce_sum3A_1190 : i32 to vector<16xi32>
    %select_n3A_1195 = arith.select %eq3A_1193, %broadcast_in_dim3A_1194, %broadcast_in_dim3A_3 : vector<16xi1>, vector<16xi32>
    %add3A_1196 = arith.addi %add3A_1182, %select_n3A_1195 : vector<16xi32>
    %eq3A_1197 = arith.constant 2 : i32
    %eq3A_1198 = vector.broadcast %eq3A_1197 : i32 to vector<16xi32>
    %eq3A_1199 = arith.cmpi eq, %get3A_1168, %eq3A_1198 : vector<16xi32>
    %convert_element_type3A_1200 = arith.extui %eq3A_1199 : vector<16xi1> to vector<16xi32>
    %reduce_sum3A_1201 = arith.constant true
    %reduce_sum3A_1202 = vector.broadcast %reduce_sum3A_1201 : i1 to vector<16xi1>
    %reduce_sum3A_1203 = tpu.scan <sum>, %convert_element_type3A_1200 masked %reduce_sum3A_1202 : vector<16xi32>, vector<16xi1> -> vector<16xi32>
    %reduce_sum3A_1204 = vector.extract %reduce_sum3A_1203[15] : i32 from vector<16xi32>
    %eq3A_1205 = arith.constant 2 : i32
    %eq3A_1206 = vector.broadcast %eq3A_1205 : i32 to vector<16xi32>
    %eq3A_1207 = arith.cmpi eq, %iota3A, %eq3A_1206 : vector<16xi32>
    %broadcast_in_dim3A_1208 = vector.broadcast %reduce_sum3A_1204 : i32 to vector<16xi32>
    %select_n3A_1209 = arith.select %eq3A_1207, %broadcast_in_dim3A_1208, %broadcast_in_dim3A_3 : vector<16xi1>, vector<16xi32>
    %add3A_1210 = arith.addi %add3A_1196, %select_n3A_1209 : vector<16xi32>
    %eq3A_1211 = arith.constant 3 : i32
    %eq3A_1212 = vector.broadcast %eq3A_1211 : i32 to vector<16xi32>
    %eq3A_1213 = arith.cmpi eq, %get3A_1168, %eq3A_1212 : vector<16xi32>
    %convert_element_type3A_1214 = arith.extui %eq3A_1213 : vector<16xi1> to vector<16xi32>
    %reduce_sum3A_1215 = arith.constant true
    %reduce_sum3A_1216 = vector.broadcast %reduce_sum3A_1215 : i1 to vector<16xi1>
    %reduce_sum3A_1217 = tpu.scan <sum>, %convert_element_type3A_1214 masked %reduce_sum3A_1216 : vector<16xi32>, vector<16xi1> -> vector<16xi32>
    %reduce_sum3A_1218 = vector.extract %reduce_sum3A_1217[15] : i32 from vector<16xi32>
    %eq3A_1219 = arith.constant 3 : i32
    %eq3A_1220 = vector.broadcast %eq3A_1219 : i32 to vector<16xi32>
    %eq3A_1221 = arith.cmpi eq, %iota3A, %eq3A_1220 : vector<16xi32>
    %broadcast_in_dim3A_1222 = vector.broadcast %reduce_sum3A_1218 : i32 to vector<16xi32>
    %select_n3A_1223 = arith.select %eq3A_1221, %broadcast_in_dim3A_1222, %broadcast_in_dim3A_3 : vector<16xi1>, vector<16xi32>
    %add3A_1224 = arith.addi %add3A_1210, %select_n3A_1223 : vector<16xi32>
    %eq3A_1225 = arith.constant 4 : i32
    %eq3A_1226 = vector.broadcast %eq3A_1225 : i32 to vector<16xi32>
    %eq3A_1227 = arith.cmpi eq, %get3A_1168, %eq3A_1226 : vector<16xi32>
    %convert_element_type3A_1228 = arith.extui %eq3A_1227 : vector<16xi1> to vector<16xi32>
    %reduce_sum3A_1229 = arith.constant true
    %reduce_sum3A_1230 = vector.broadcast %reduce_sum3A_1229 : i1 to vector<16xi1>
    %reduce_sum3A_1231 = tpu.scan <sum>, %convert_element_type3A_1228 masked %reduce_sum3A_1230 : vector<16xi32>, vector<16xi1> -> vector<16xi32>
    %reduce_sum3A_1232 = vector.extract %reduce_sum3A_1231[15] : i32 from vector<16xi32>
    %eq3A_1233 = arith.constant 4 : i32
    %eq3A_1234 = vector.broadcast %eq3A_1233 : i32 to vector<16xi32>
    %eq3A_1235 = arith.cmpi eq, %iota3A, %eq3A_1234 : vector<16xi32>
    %broadcast_in_dim3A_1236 = vector.broadcast %reduce_sum3A_1232 : i32 to vector<16xi32>
    %select_n3A_1237 = arith.select %eq3A_1235, %broadcast_in_dim3A_1236, %broadcast_in_dim3A_3 : vector<16xi1>, vector<16xi32>
    %add3A_1238 = arith.addi %add3A_1224, %select_n3A_1237 : vector<16xi32>
    %eq3A_1239 = arith.constant 5 : i32
    %eq3A_1240 = vector.broadcast %eq3A_1239 : i32 to vector<16xi32>
    %eq3A_1241 = arith.cmpi eq, %get3A_1168, %eq3A_1240 : vector<16xi32>
    %convert_element_type3A_1242 = arith.extui %eq3A_1241 : vector<16xi1> to vector<16xi32>
    %reduce_sum3A_1243 = arith.constant true
    %reduce_sum3A_1244 = vector.broadcast %reduce_sum3A_1243 : i1 to vector<16xi1>
    %reduce_sum3A_1245 = tpu.scan <sum>, %convert_element_type3A_1242 masked %reduce_sum3A_1244 : vector<16xi32>, vector<16xi1> -> vector<16xi32>
    %reduce_sum3A_1246 = vector.extract %reduce_sum3A_1245[15] : i32 from vector<16xi32>
    %eq3A_1247 = arith.constant 5 : i32
    %eq3A_1248 = vector.broadcast %eq3A_1247 : i32 to vector<16xi32>
    %eq3A_1249 = arith.cmpi eq, %iota3A, %eq3A_1248 : vector<16xi32>
    %broadcast_in_dim3A_1250 = vector.broadcast %reduce_sum3A_1246 : i32 to vector<16xi32>
    %select_n3A_1251 = arith.select %eq3A_1249, %broadcast_in_dim3A_1250, %broadcast_in_dim3A_3 : vector<16xi1>, vector<16xi32>
    %add3A_1252 = arith.addi %add3A_1238, %select_n3A_1251 : vector<16xi32>
    %eq3A_1253 = arith.constant 6 : i32
    %eq3A_1254 = vector.broadcast %eq3A_1253 : i32 to vector<16xi32>
    %eq3A_1255 = arith.cmpi eq, %get3A_1168, %eq3A_1254 : vector<16xi32>
    %convert_element_type3A_1256 = arith.extui %eq3A_1255 : vector<16xi1> to vector<16xi32>
    %reduce_sum3A_1257 = arith.constant true
    %reduce_sum3A_1258 = vector.broadcast %reduce_sum3A_1257 : i1 to vector<16xi1>
    %reduce_sum3A_1259 = tpu.scan <sum>, %convert_element_type3A_1256 masked %reduce_sum3A_1258 : vector<16xi32>, vector<16xi1> -> vector<16xi32>
    %reduce_sum3A_1260 = vector.extract %reduce_sum3A_1259[15] : i32 from vector<16xi32>
    %eq3A_1261 = arith.constant 6 : i32
    %eq3A_1262 = vector.broadcast %eq3A_1261 : i32 to vector<16xi32>
    %eq3A_1263 = arith.cmpi eq, %iota3A, %eq3A_1262 : vector<16xi32>
    %broadcast_in_dim3A_1264 = vector.broadcast %reduce_sum3A_1260 : i32 to vector<16xi32>
    %select_n3A_1265 = arith.select %eq3A_1263, %broadcast_in_dim3A_1264, %broadcast_in_dim3A_3 : vector<16xi1>, vector<16xi32>
    %add3A_1266 = arith.addi %add3A_1252, %select_n3A_1265 : vector<16xi32>
    %eq3A_1267 = arith.constant 7 : i32
    %eq3A_1268 = vector.broadcast %eq3A_1267 : i32 to vector<16xi32>
    %eq3A_1269 = arith.cmpi eq, %get3A_1168, %eq3A_1268 : vector<16xi32>
    %convert_element_type3A_1270 = arith.extui %eq3A_1269 : vector<16xi1> to vector<16xi32>
    %reduce_sum3A_1271 = arith.constant true
    %reduce_sum3A_1272 = vector.broadcast %reduce_sum3A_1271 : i1 to vector<16xi1>
    %reduce_sum3A_1273 = tpu.scan <sum>, %convert_element_type3A_1270 masked %reduce_sum3A_1272 : vector<16xi32>, vector<16xi1> -> vector<16xi32>
    %reduce_sum3A_1274 = vector.extract %reduce_sum3A_1273[15] : i32 from vector<16xi32>
    %eq3A_1275 = arith.constant 7 : i32
    %eq3A_1276 = vector.broadcast %eq3A_1275 : i32 to vector<16xi32>
    %eq3A_1277 = arith.cmpi eq, %iota3A, %eq3A_1276 : vector<16xi32>
    %broadcast_in_dim3A_1278 = vector.broadcast %reduce_sum3A_1274 : i32 to vector<16xi32>
    %select_n3A_1279 = arith.select %eq3A_1277, %broadcast_in_dim3A_1278, %broadcast_in_dim3A_3 : vector<16xi1>, vector<16xi32>
    %add3A_1280 = arith.addi %add3A_1266, %select_n3A_1279 : vector<16xi32>
    %get3A_1281 = arith.constant 176 : index
    %get3A_1282 = tpu.vector_load %arg9[%get3A_1281] {strides = array<i32>} : memref<256xi32, #tpu.memory_space<vmem>>, vector<16xi32>,
    %eq3A_1283 = arith.constant 0 : i32
    %eq3A_1284 = vector.broadcast %eq3A_1283 : i32 to vector<16xi32>
    %eq3A_1285 = arith.cmpi eq, %get3A_1282, %eq3A_1284 : vector<16xi32>
    %convert_element_type3A_1286 = arith.extui %eq3A_1285 : vector<16xi1> to vector<16xi32>
    %reduce_sum3A_1287 = arith.constant true
    %reduce_sum3A_1288 = vector.broadcast %reduce_sum3A_1287 : i1 to vector<16xi1>
    %reduce_sum3A_1289 = tpu.scan <sum>, %convert_element_type3A_1286 masked %reduce_sum3A_1288 : vector<16xi32>, vector<16xi1> -> vector<16xi32>
    %reduce_sum3A_1290 = vector.extract %reduce_sum3A_1289[15] : i32 from vector<16xi32>
    %eq3A_1291 = arith.constant 0 : i32
    %eq3A_1292 = vector.broadcast %eq3A_1291 : i32 to vector<16xi32>
    %eq3A_1293 = arith.cmpi eq, %iota3A, %eq3A_1292 : vector<16xi32>
    %broadcast_in_dim3A_1294 = vector.broadcast %reduce_sum3A_1290 : i32 to vector<16xi32>
    %select_n3A_1295 = arith.select %eq3A_1293, %broadcast_in_dim3A_1294, %broadcast_in_dim3A_3 : vector<16xi1>, vector<16xi32>
    %add3A_1296 = arith.addi %add3A_1280, %select_n3A_1295 : vector<16xi32>
    %eq3A_1297 = arith.constant 1 : i32
    %eq3A_1298 = vector.broadcast %eq3A_1297 : i32 to vector<16xi32>
    %eq3A_1299 = arith.cmpi eq, %get3A_1282, %eq3A_1298 : vector<16xi32>
    %convert_element_type3A_1300 = arith.extui %eq3A_1299 : vector<16xi1> to vector<16xi32>
    %reduce_sum3A_1301 = arith.constant true
    %reduce_sum3A_1302 = vector.broadcast %reduce_sum3A_1301 : i1 to vector<16xi1>
    %reduce_sum3A_1303 = tpu.scan <sum>, %convert_element_type3A_1300 masked %reduce_sum3A_1302 : vector<16xi32>, vector<16xi1> -> vector<16xi32>
    %reduce_sum3A_1304 = vector.extract %reduce_sum3A_1303[15] : i32 from vector<16xi32>
    %eq3A_1305 = arith.constant 1 : i32
    %eq3A_1306 = vector.broadcast %eq3A_1305 : i32 to vector<16xi32>
    %eq3A_1307 = arith.cmpi eq, %iota3A, %eq3A_1306 : vector<16xi32>
    %broadcast_in_dim3A_1308 = vector.broadcast %reduce_sum3A_1304 : i32 to vector<16xi32>
    %select_n3A_1309 = arith.select %eq3A_1307, %broadcast_in_dim3A_1308, %broadcast_in_dim3A_3 : vector<16xi1>, vector<16xi32>
    %add3A_1310 = arith.addi %add3A_1296, %select_n3A_1309 : vector<16xi32>
    %eq3A_1311 = arith.constant 2 : i32
    %eq3A_1312 = vector.broadcast %eq3A_1311 : i32 to vector<16xi32>
    %eq3A_1313 = arith.cmpi eq, %get3A_1282, %eq3A_1312 : vector<16xi32>
    %convert_element_type3A_1314 = arith.extui %eq3A_1313 : vector<16xi1> to vector<16xi32>
    %reduce_sum3A_1315 = arith.constant true
    %reduce_sum3A_1316 = vector.broadcast %reduce_sum3A_1315 : i1 to vector<16xi1>
    %reduce_sum3A_1317 = tpu.scan <sum>, %convert_element_type3A_1314 masked %reduce_sum3A_1316 : vector<16xi32>, vector<16xi1> -> vector<16xi32>
    %reduce_sum3A_1318 = vector.extract %reduce_sum3A_1317[15] : i32 from vector<16xi32>
    %eq3A_1319 = arith.constant 2 : i32
    %eq3A_1320 = vector.broadcast %eq3A_1319 : i32 to vector<16xi32>
    %eq3A_1321 = arith.cmpi eq, %iota3A, %eq3A_1320 : vector<16xi32>
    %broadcast_in_dim3A_1322 = vector.broadcast %reduce_sum3A_1318 : i32 to vector<16xi32>
    %select_n3A_1323 = arith.select %eq3A_1321, %broadcast_in_dim3A_1322, %broadcast_in_dim3A_3 : vector<16xi1>, vector<16xi32>
    %add3A_1324 = arith.addi %add3A_1310, %select_n3A_1323 : vector<16xi32>
    %eq3A_1325 = arith.constant 3 : i32
    %eq3A_1326 = vector.broadcast %eq3A_1325 : i32 to vector<16xi32>
    %eq3A_1327 = arith.cmpi eq, %get3A_1282, %eq3A_1326 : vector<16xi32>
    %convert_element_type3A_1328 = arith.extui %eq3A_1327 : vector<16xi1> to vector<16xi32>
    %reduce_sum3A_1329 = arith.constant true
    %reduce_sum3A_1330 = vector.broadcast %reduce_sum3A_1329 : i1 to vector<16xi1>
    %reduce_sum3A_1331 = tpu.scan <sum>, %convert_element_type3A_1328 masked %reduce_sum3A_1330 : vector<16xi32>, vector<16xi1> -> vector<16xi32>
    %reduce_sum3A_1332 = vector.extract %reduce_sum3A_1331[15] : i32 from vector<16xi32>
    %eq3A_1333 = arith.constant 3 : i32
    %eq3A_1334 = vector.broadcast %eq3A_1333 : i32 to vector<16xi32>
    %eq3A_1335 = arith.cmpi eq, %iota3A, %eq3A_1334 : vector<16xi32>
    %broadcast_in_dim3A_1336 = vector.broadcast %reduce_sum3A_1332 : i32 to vector<16xi32>
    %select_n3A_1337 = arith.select %eq3A_1335, %broadcast_in_dim3A_1336, %broadcast_in_dim3A_3 : vector<16xi1>, vector<16xi32>
    %add3A_1338 = arith.addi %add3A_1324, %select_n3A_1337 : vector<16xi32>
    %eq3A_1339 = arith.constant 4 : i32
    %eq3A_1340 = vector.broadcast %eq3A_1339 : i32 to vector<16xi32>
    %eq3A_1341 = arith.cmpi eq, %get3A_1282, %eq3A_1340 : vector<16xi32>
    %convert_element_type3A_1342 = arith.extui %eq3A_1341 : vector<16xi1> to vector<16xi32>
    %reduce_sum3A_1343 = arith.constant true
    %reduce_sum3A_1344 = vector.broadcast %reduce_sum3A_1343 : i1 to vector<16xi1>
    %reduce_sum3A_1345 = tpu.scan <sum>, %convert_element_type3A_1342 masked %reduce_sum3A_1344 : vector<16xi32>, vector<16xi1> -> vector<16xi32>
    %reduce_sum3A_1346 = vector.extract %reduce_sum3A_1345[15] : i32 from vector<16xi32>
    %eq3A_1347 = arith.constant 4 : i32
    %eq3A_1348 = vector.broadcast %eq3A_1347 : i32 to vector<16xi32>
    %eq3A_1349 = arith.cmpi eq, %iota3A, %eq3A_1348 : vector<16xi32>
    %broadcast_in_dim3A_1350 = vector.broadcast %reduce_sum3A_1346 : i32 to vector<16xi32>
    %select_n3A_1351 = arith.select %eq3A_1349, %broadcast_in_dim3A_1350, %broadcast_in_dim3A_3 : vector<16xi1>, vector<16xi32>
    %add3A_1352 = arith.addi %add3A_1338, %select_n3A_1351 : vector<16xi32>
    %eq3A_1353 = arith.constant 5 : i32
    %eq3A_1354 = vector.broadcast %eq3A_1353 : i32 to vector<16xi32>
    %eq3A_1355 = arith.cmpi eq, %get3A_1282, %eq3A_1354 : vector<16xi32>
    %convert_element_type3A_1356 = arith.extui %eq3A_1355 : vector<16xi1> to vector<16xi32>
    %reduce_sum3A_1357 = arith.constant true
    %reduce_sum3A_1358 = vector.broadcast %reduce_sum3A_1357 : i1 to vector<16xi1>
    %reduce_sum3A_1359 = tpu.scan <sum>, %convert_element_type3A_1356 masked %reduce_sum3A_1358 : vector<16xi32>, vector<16xi1> -> vector<16xi32>
    %reduce_sum3A_1360 = vector.extract %reduce_sum3A_1359[15] : i32 from vector<16xi32>
    %eq3A_1361 = arith.constant 5 : i32
    %eq3A_1362 = vector.broadcast %eq3A_1361 : i32 to vector<16xi32>
    %eq3A_1363 = arith.cmpi eq, %iota3A, %eq3A_1362 : vector<16xi32>
    %broadcast_in_dim3A_1364 = vector.broadcast %reduce_sum3A_1360 : i32 to vector<16xi32>
    %select_n3A_1365 = arith.select %eq3A_1363, %broadcast_in_dim3A_1364, %broadcast_in_dim3A_3 : vector<16xi1>, vector<16xi32>
    %add3A_1366 = arith.addi %add3A_1352, %select_n3A_1365 : vector<16xi32>
    %eq3A_1367 = arith.constant 6 : i32
    %eq3A_1368 = vector.broadcast %eq3A_1367 : i32 to vector<16xi32>
    %eq3A_1369 = arith.cmpi eq, %get3A_1282, %eq3A_1368 : vector<16xi32>
    %convert_element_type3A_1370 = arith.extui %eq3A_1369 : vector<16xi1> to vector<16xi32>
    %reduce_sum3A_1371 = arith.constant true
    %reduce_sum3A_1372 = vector.broadcast %reduce_sum3A_1371 : i1 to vector<16xi1>
    %reduce_sum3A_1373 = tpu.scan <sum>, %convert_element_type3A_1370 masked %reduce_sum3A_1372 : vector<16xi32>, vector<16xi1> -> vector<16xi32>
    %reduce_sum3A_1374 = vector.extract %reduce_sum3A_1373[15] : i32 from vector<16xi32>
    %eq3A_1375 = arith.constant 6 : i32
    %eq3A_1376 = vector.broadcast %eq3A_1375 : i32 to vector<16xi32>
    %eq3A_1377 = arith.cmpi eq, %iota3A, %eq3A_1376 : vector<16xi32>
    %broadcast_in_dim3A_1378 = vector.broadcast %reduce_sum3A_1374 : i32 to vector<16xi32>
    %select_n3A_1379 = arith.select %eq3A_1377, %broadcast_in_dim3A_1378, %broadcast_in_dim3A_3 : vector<16xi1>, vector<16xi32>
    %add3A_1380 = arith.addi %add3A_1366, %select_n3A_1379 : vector<16xi32>
    %eq3A_1381 = arith.constant 7 : i32
    %eq3A_1382 = vector.broadcast %eq3A_1381 : i32 to vector<16xi32>
    %eq3A_1383 = arith.cmpi eq, %get3A_1282, %eq3A_1382 : vector<16xi32>
    %convert_element_type3A_1384 = arith.extui %eq3A_1383 : vector<16xi1> to vector<16xi32>
    %reduce_sum3A_1385 = arith.constant true
    %reduce_sum3A_1386 = vector.broadcast %reduce_sum3A_1385 : i1 to vector<16xi1>
    %reduce_sum3A_1387 = tpu.scan <sum>, %convert_element_type3A_1384 masked %reduce_sum3A_1386 : vector<16xi32>, vector<16xi1> -> vector<16xi32>
    %reduce_sum3A_1388 = vector.extract %reduce_sum3A_1387[15] : i32 from vector<16xi32>
    %eq3A_1389 = arith.constant 7 : i32
    %eq3A_1390 = vector.broadcast %eq3A_1389 : i32 to vector<16xi32>
    %eq3A_1391 = arith.cmpi eq, %iota3A, %eq3A_1390 : vector<16xi32>
    %broadcast_in_dim3A_1392 = vector.broadcast %reduce_sum3A_1388 : i32 to vector<16xi32>
    %select_n3A_1393 = arith.select %eq3A_1391, %broadcast_in_dim3A_1392, %broadcast_in_dim3A_3 : vector<16xi1>, vector<16xi32>
    %add3A_1394 = arith.addi %add3A_1380, %select_n3A_1393 : vector<16xi32>
    %get3A_1395 = arith.constant 192 : index
    %get3A_1396 = tpu.vector_load %arg9[%get3A_1395] {strides = array<i32>} : memref<256xi32, #tpu.memory_space<vmem>>, vector<16xi32>,
    %eq3A_1397 = arith.constant 0 : i32
    %eq3A_1398 = vector.broadcast %eq3A_1397 : i32 to vector<16xi32>
    %eq3A_1399 = arith.cmpi eq, %get3A_1396, %eq3A_1398 : vector<16xi32>
    %convert_element_type3A_1400 = arith.extui %eq3A_1399 : vector<16xi1> to vector<16xi32>
    %reduce_sum3A_1401 = arith.constant true
    %reduce_sum3A_1402 = vector.broadcast %reduce_sum3A_1401 : i1 to vector<16xi1>
    %reduce_sum3A_1403 = tpu.scan <sum>, %convert_element_type3A_1400 masked %reduce_sum3A_1402 : vector<16xi32>, vector<16xi1> -> vector<16xi32>
    %reduce_sum3A_1404 = vector.extract %reduce_sum3A_1403[15] : i32 from vector<16xi32>
    %eq3A_1405 = arith.constant 0 : i32
    %eq3A_1406 = vector.broadcast %eq3A_1405 : i32 to vector<16xi32>
    %eq3A_1407 = arith.cmpi eq, %iota3A, %eq3A_1406 : vector<16xi32>
    %broadcast_in_dim3A_1408 = vector.broadcast %reduce_sum3A_1404 : i32 to vector<16xi32>
    %select_n3A_1409 = arith.select %eq3A_1407, %broadcast_in_dim3A_1408, %broadcast_in_dim3A_3 : vector<16xi1>, vector<16xi32>
    %add3A_1410 = arith.addi %add3A_1394, %select_n3A_1409 : vector<16xi32>
    %eq3A_1411 = arith.constant 1 : i32
    %eq3A_1412 = vector.broadcast %eq3A_1411 : i32 to vector<16xi32>
    %eq3A_1413 = arith.cmpi eq, %get3A_1396, %eq3A_1412 : vector<16xi32>
    %convert_element_type3A_1414 = arith.extui %eq3A_1413 : vector<16xi1> to vector<16xi32>
    %reduce_sum3A_1415 = arith.constant true
    %reduce_sum3A_1416 = vector.broadcast %reduce_sum3A_1415 : i1 to vector<16xi1>
    %reduce_sum3A_1417 = tpu.scan <sum>, %convert_element_type3A_1414 masked %reduce_sum3A_1416 : vector<16xi32>, vector<16xi1> -> vector<16xi32>
    %reduce_sum3A_1418 = vector.extract %reduce_sum3A_1417[15] : i32 from vector<16xi32>
    %eq3A_1419 = arith.constant 1 : i32
    %eq3A_1420 = vector.broadcast %eq3A_1419 : i32 to vector<16xi32>
    %eq3A_1421 = arith.cmpi eq, %iota3A, %eq3A_1420 : vector<16xi32>
    %broadcast_in_dim3A_1422 = vector.broadcast %reduce_sum3A_1418 : i32 to vector<16xi32>
    %select_n3A_1423 = arith.select %eq3A_1421, %broadcast_in_dim3A_1422, %broadcast_in_dim3A_3 : vector<16xi1>, vector<16xi32>
    %add3A_1424 = arith.addi %add3A_1410, %select_n3A_1423 : vector<16xi32>
    %eq3A_1425 = arith.constant 2 : i32
    %eq3A_1426 = vector.broadcast %eq3A_1425 : i32 to vector<16xi32>
    %eq3A_1427 = arith.cmpi eq, %get3A_1396, %eq3A_1426 : vector<16xi32>
    %convert_element_type3A_1428 = arith.extui %eq3A_1427 : vector<16xi1> to vector<16xi32>
    %reduce_sum3A_1429 = arith.constant true
    %reduce_sum3A_1430 = vector.broadcast %reduce_sum3A_1429 : i1 to vector<16xi1>
    %reduce_sum3A_1431 = tpu.scan <sum>, %convert_element_type3A_1428 masked %reduce_sum3A_1430 : vector<16xi32>, vector<16xi1> -> vector<16xi32>
    %reduce_sum3A_1432 = vector.extract %reduce_sum3A_1431[15] : i32 from vector<16xi32>
    %eq3A_1433 = arith.constant 2 : i32
    %eq3A_1434 = vector.broadcast %eq3A_1433 : i32 to vector<16xi32>
    %eq3A_1435 = arith.cmpi eq, %iota3A, %eq3A_1434 : vector<16xi32>
    %broadcast_in_dim3A_1436 = vector.broadcast %reduce_sum3A_1432 : i32 to vector<16xi32>
    %select_n3A_1437 = arith.select %eq3A_1435, %broadcast_in_dim3A_1436, %broadcast_in_dim3A_3 : vector<16xi1>, vector<16xi32>
    %add3A_1438 = arith.addi %add3A_1424, %select_n3A_1437 : vector<16xi32>
    %eq3A_1439 = arith.constant 3 : i32
    %eq3A_1440 = vector.broadcast %eq3A_1439 : i32 to vector<16xi32>
    %eq3A_1441 = arith.cmpi eq, %get3A_1396, %eq3A_1440 : vector<16xi32>
    %convert_element_type3A_1442 = arith.extui %eq3A_1441 : vector<16xi1> to vector<16xi32>
    %reduce_sum3A_1443 = arith.constant true
    %reduce_sum3A_1444 = vector.broadcast %reduce_sum3A_1443 : i1 to vector<16xi1>
    %reduce_sum3A_1445 = tpu.scan <sum>, %convert_element_type3A_1442 masked %reduce_sum3A_1444 : vector<16xi32>, vector<16xi1> -> vector<16xi32>
    %reduce_sum3A_1446 = vector.extract %reduce_sum3A_1445[15] : i32 from vector<16xi32>
    %eq3A_1447 = arith.constant 3 : i32
    %eq3A_1448 = vector.broadcast %eq3A_1447 : i32 to vector<16xi32>
    %eq3A_1449 = arith.cmpi eq, %iota3A, %eq3A_1448 : vector<16xi32>
    %broadcast_in_dim3A_1450 = vector.broadcast %reduce_sum3A_1446 : i32 to vector<16xi32>
    %select_n3A_1451 = arith.select %eq3A_1449, %broadcast_in_dim3A_1450, %broadcast_in_dim3A_3 : vector<16xi1>, vector<16xi32>
    %add3A_1452 = arith.addi %add3A_1438, %select_n3A_1451 : vector<16xi32>
    %eq3A_1453 = arith.constant 4 : i32
    %eq3A_1454 = vector.broadcast %eq3A_1453 : i32 to vector<16xi32>
    %eq3A_1455 = arith.cmpi eq, %get3A_1396, %eq3A_1454 : vector<16xi32>
    %convert_element_type3A_1456 = arith.extui %eq3A_1455 : vector<16xi1> to vector<16xi32>
    %reduce_sum3A_1457 = arith.constant true
    %reduce_sum3A_1458 = vector.broadcast %reduce_sum3A_1457 : i1 to vector<16xi1>
    %reduce_sum3A_1459 = tpu.scan <sum>, %convert_element_type3A_1456 masked %reduce_sum3A_1458 : vector<16xi32>, vector<16xi1> -> vector<16xi32>
    %reduce_sum3A_1460 = vector.extract %reduce_sum3A_1459[15] : i32 from vector<16xi32>
    %eq3A_1461 = arith.constant 4 : i32
    %eq3A_1462 = vector.broadcast %eq3A_1461 : i32 to vector<16xi32>
    %eq3A_1463 = arith.cmpi eq, %iota3A, %eq3A_1462 : vector<16xi32>
    %broadcast_in_dim3A_1464 = vector.broadcast %reduce_sum3A_1460 : i32 to vector<16xi32>
    %select_n3A_1465 = arith.select %eq3A_1463, %broadcast_in_dim3A_1464, %broadcast_in_dim3A_3 : vector<16xi1>, vector<16xi32>
    %add3A_1466 = arith.addi %add3A_1452, %select_n3A_1465 : vector<16xi32>
    %eq3A_1467 = arith.constant 5 : i32
    %eq3A_1468 = vector.broadcast %eq3A_1467 : i32 to vector<16xi32>
    %eq3A_1469 = arith.cmpi eq, %get3A_1396, %eq3A_1468 : vector<16xi32>
    %convert_element_type3A_1470 = arith.extui %eq3A_1469 : vector<16xi1> to vector<16xi32>
    %reduce_sum3A_1471 = arith.constant true
    %reduce_sum3A_1472 = vector.broadcast %reduce_sum3A_1471 : i1 to vector<16xi1>
    %reduce_sum3A_1473 = tpu.scan <sum>, %convert_element_type3A_1470 masked %reduce_sum3A_1472 : vector<16xi32>, vector<16xi1> -> vector<16xi32>
    %reduce_sum3A_1474 = vector.extract %reduce_sum3A_1473[15] : i32 from vector<16xi32>
    %eq3A_1475 = arith.constant 5 : i32
    %eq3A_1476 = vector.broadcast %eq3A_1475 : i32 to vector<16xi32>
    %eq3A_1477 = arith.cmpi eq, %iota3A, %eq3A_1476 : vector<16xi32>
    %broadcast_in_dim3A_1478 = vector.broadcast %reduce_sum3A_1474 : i32 to vector<16xi32>
    %select_n3A_1479 = arith.select %eq3A_1477, %broadcast_in_dim3A_1478, %broadcast_in_dim3A_3 : vector<16xi1>, vector<16xi32>
    %add3A_1480 = arith.addi %add3A_1466, %select_n3A_1479 : vector<16xi32>
    %eq3A_1481 = arith.constant 6 : i32
    %eq3A_1482 = vector.broadcast %eq3A_1481 : i32 to vector<16xi32>
    %eq3A_1483 = arith.cmpi eq, %get3A_1396, %eq3A_1482 : vector<16xi32>
    %convert_element_type3A_1484 = arith.extui %eq3A_1483 : vector<16xi1> to vector<16xi32>
    %reduce_sum3A_1485 = arith.constant true
    %reduce_sum3A_1486 = vector.broadcast %reduce_sum3A_1485 : i1 to vector<16xi1>
    %reduce_sum3A_1487 = tpu.scan <sum>, %convert_element_type3A_1484 masked %reduce_sum3A_1486 : vector<16xi32>, vector<16xi1> -> vector<16xi32>
    %reduce_sum3A_1488 = vector.extract %reduce_sum3A_1487[15] : i32 from vector<16xi32>
    %eq3A_1489 = arith.constant 6 : i32
    %eq3A_1490 = vector.broadcast %eq3A_1489 : i32 to vector<16xi32>
    %eq3A_1491 = arith.cmpi eq, %iota3A, %eq3A_1490 : vector<16xi32>
    %broadcast_in_dim3A_1492 = vector.broadcast %reduce_sum3A_1488 : i32 to vector<16xi32>
    %select_n3A_1493 = arith.select %eq3A_1491, %broadcast_in_dim3A_1492, %broadcast_in_dim3A_3 : vector<16xi1>, vector<16xi32>
    %add3A_1494 = arith.addi %add3A_1480, %select_n3A_1493 : vector<16xi32>
    %eq3A_1495 = arith.constant 7 : i32
    %eq3A_1496 = vector.broadcast %eq3A_1495 : i32 to vector<16xi32>
    %eq3A_1497 = arith.cmpi eq, %get3A_1396, %eq3A_1496 : vector<16xi32>
    %convert_element_type3A_1498 = arith.extui %eq3A_1497 : vector<16xi1> to vector<16xi32>
    %reduce_sum3A_1499 = arith.constant true
    %reduce_sum3A_1500 = vector.broadcast %reduce_sum3A_1499 : i1 to vector<16xi1>
    %reduce_sum3A_1501 = tpu.scan <sum>, %convert_element_type3A_1498 masked %reduce_sum3A_1500 : vector<16xi32>, vector<16xi1> -> vector<16xi32>
    %reduce_sum3A_1502 = vector.extract %reduce_sum3A_1501[15] : i32 from vector<16xi32>
    %eq3A_1503 = arith.constant 7 : i32
    %eq3A_1504 = vector.broadcast %eq3A_1503 : i32 to vector<16xi32>
    %eq3A_1505 = arith.cmpi eq, %iota3A, %eq3A_1504 : vector<16xi32>
    %broadcast_in_dim3A_1506 = vector.broadcast %reduce_sum3A_1502 : i32 to vector<16xi32>
    %select_n3A_1507 = arith.select %eq3A_1505, %broadcast_in_dim3A_1506, %broadcast_in_dim3A_3 : vector<16xi1>, vector<16xi32>
    %add3A_1508 = arith.addi %add3A_1494, %select_n3A_1507 : vector<16xi32>
    %get3A_1509 = arith.constant 208 : index
    %get3A_1510 = tpu.vector_load %arg9[%get3A_1509] {strides = array<i32>} : memref<256xi32, #tpu.memory_space<vmem>>, vector<16xi32>,
    %eq3A_1511 = arith.constant 0 : i32
    %eq3A_1512 = vector.broadcast %eq3A_1511 : i32 to vector<16xi32>
    %eq3A_1513 = arith.cmpi eq, %get3A_1510, %eq3A_1512 : vector<16xi32>
    %convert_element_type3A_1514 = arith.extui %eq3A_1513 : vector<16xi1> to vector<16xi32>
    %reduce_sum3A_1515 = arith.constant true
    %reduce_sum3A_1516 = vector.broadcast %reduce_sum3A_1515 : i1 to vector<16xi1>
    %reduce_sum3A_1517 = tpu.scan <sum>, %convert_element_type3A_1514 masked %reduce_sum3A_1516 : vector<16xi32>, vector<16xi1> -> vector<16xi32>
    %reduce_sum3A_1518 = vector.extract %reduce_sum3A_1517[15] : i32 from vector<16xi32>
    %eq3A_1519 = arith.constant 0 : i32
    %eq3A_1520 = vector.broadcast %eq3A_1519 : i32 to vector<16xi32>
    %eq3A_1521 = arith.cmpi eq, %iota3A, %eq3A_1520 : vector<16xi32>
    %broadcast_in_dim3A_1522 = vector.broadcast %reduce_sum3A_1518 : i32 to vector<16xi32>
    %select_n3A_1523 = arith.select %eq3A_1521, %broadcast_in_dim3A_1522, %broadcast_in_dim3A_3 : vector<16xi1>, vector<16xi32>
    %add3A_1524 = arith.addi %add3A_1508, %select_n3A_1523 : vector<16xi32>
    %eq3A_1525 = arith.constant 1 : i32
    %eq3A_1526 = vector.broadcast %eq3A_1525 : i32 to vector<16xi32>
    %eq3A_1527 = arith.cmpi eq, %get3A_1510, %eq3A_1526 : vector<16xi32>
    %convert_element_type3A_1528 = arith.extui %eq3A_1527 : vector<16xi1> to vector<16xi32>
    %reduce_sum3A_1529 = arith.constant true
    %reduce_sum3A_1530 = vector.broadcast %reduce_sum3A_1529 : i1 to vector<16xi1>
    %reduce_sum3A_1531 = tpu.scan <sum>, %convert_element_type3A_1528 masked %reduce_sum3A_1530 : vector<16xi32>, vector<16xi1> -> vector<16xi32>
    %reduce_sum3A_1532 = vector.extract %reduce_sum3A_1531[15] : i32 from vector<16xi32>
    %eq3A_1533 = arith.constant 1 : i32
    %eq3A_1534 = vector.broadcast %eq3A_1533 : i32 to vector<16xi32>
    %eq3A_1535 = arith.cmpi eq, %iota3A, %eq3A_1534 : vector<16xi32>
    %broadcast_in_dim3A_1536 = vector.broadcast %reduce_sum3A_1532 : i32 to vector<16xi32>
    %select_n3A_1537 = arith.select %eq3A_1535, %broadcast_in_dim3A_1536, %broadcast_in_dim3A_3 : vector<16xi1>, vector<16xi32>
    %add3A_1538 = arith.addi %add3A_1524, %select_n3A_1537 : vector<16xi32>
    %eq3A_1539 = arith.constant 2 : i32
    %eq3A_1540 = vector.broadcast %eq3A_1539 : i32 to vector<16xi32>
    %eq3A_1541 = arith.cmpi eq, %get3A_1510, %eq3A_1540 : vector<16xi32>
    %convert_element_type3A_1542 = arith.extui %eq3A_1541 : vector<16xi1> to vector<16xi32>
    %reduce_sum3A_1543 = arith.constant true
    %reduce_sum3A_1544 = vector.broadcast %reduce_sum3A_1543 : i1 to vector<16xi1>
    %reduce_sum3A_1545 = tpu.scan <sum>, %convert_element_type3A_1542 masked %reduce_sum3A_1544 : vector<16xi32>, vector<16xi1> -> vector<16xi32>
    %reduce_sum3A_1546 = vector.extract %reduce_sum3A_1545[15] : i32 from vector<16xi32>
    %eq3A_1547 = arith.constant 2 : i32
    %eq3A_1548 = vector.broadcast %eq3A_1547 : i32 to vector<16xi32>
    %eq3A_1549 = arith.cmpi eq, %iota3A, %eq3A_1548 : vector<16xi32>
    %broadcast_in_dim3A_1550 = vector.broadcast %reduce_sum3A_1546 : i32 to vector<16xi32>
    %select_n3A_1551 = arith.select %eq3A_1549, %broadcast_in_dim3A_1550, %broadcast_in_dim3A_3 : vector<16xi1>, vector<16xi32>
    %add3A_1552 = arith.addi %add3A_1538, %select_n3A_1551 : vector<16xi32>
    %eq3A_1553 = arith.constant 3 : i32
    %eq3A_1554 = vector.broadcast %eq3A_1553 : i32 to vector<16xi32>
    %eq3A_1555 = arith.cmpi eq, %get3A_1510, %eq3A_1554 : vector<16xi32>
    %convert_element_type3A_1556 = arith.extui %eq3A_1555 : vector<16xi1> to vector<16xi32>
    %reduce_sum3A_1557 = arith.constant true
    %reduce_sum3A_1558 = vector.broadcast %reduce_sum3A_1557 : i1 to vector<16xi1>
    %reduce_sum3A_1559 = tpu.scan <sum>, %convert_element_type3A_1556 masked %reduce_sum3A_1558 : vector<16xi32>, vector<16xi1> -> vector<16xi32>
    %reduce_sum3A_1560 = vector.extract %reduce_sum3A_1559[15] : i32 from vector<16xi32>
    %eq3A_1561 = arith.constant 3 : i32
    %eq3A_1562 = vector.broadcast %eq3A_1561 : i32 to vector<16xi32>
    %eq3A_1563 = arith.cmpi eq, %iota3A, %eq3A_1562 : vector<16xi32>
    %broadcast_in_dim3A_1564 = vector.broadcast %reduce_sum3A_1560 : i32 to vector<16xi32>
    %select_n3A_1565 = arith.select %eq3A_1563, %broadcast_in_dim3A_1564, %broadcast_in_dim3A_3 : vector<16xi1>, vector<16xi32>
    %add3A_1566 = arith.addi %add3A_1552, %select_n3A_1565 : vector<16xi32>
    %eq3A_1567 = arith.constant 4 : i32
    %eq3A_1568 = vector.broadcast %eq3A_1567 : i32 to vector<16xi32>
    %eq3A_1569 = arith.cmpi eq, %get3A_1510, %eq3A_1568 : vector<16xi32>
    %convert_element_type3A_1570 = arith.extui %eq3A_1569 : vector<16xi1> to vector<16xi32>
    %reduce_sum3A_1571 = arith.constant true
    %reduce_sum3A_1572 = vector.broadcast %reduce_sum3A_1571 : i1 to vector<16xi1>
    %reduce_sum3A_1573 = tpu.scan <sum>, %convert_element_type3A_1570 masked %reduce_sum3A_1572 : vector<16xi32>, vector<16xi1> -> vector<16xi32>
    %reduce_sum3A_1574 = vector.extract %reduce_sum3A_1573[15] : i32 from vector<16xi32>
    %eq3A_1575 = arith.constant 4 : i32
    %eq3A_1576 = vector.broadcast %eq3A_1575 : i32 to vector<16xi32>
    %eq3A_1577 = arith.cmpi eq, %iota3A, %eq3A_1576 : vector<16xi32>
    %broadcast_in_dim3A_1578 = vector.broadcast %reduce_sum3A_1574 : i32 to vector<16xi32>
    %select_n3A_1579 = arith.select %eq3A_1577, %broadcast_in_dim3A_1578, %broadcast_in_dim3A_3 : vector<16xi1>, vector<16xi32>
    %add3A_1580 = arith.addi %add3A_1566, %select_n3A_1579 : vector<16xi32>
    %eq3A_1581 = arith.constant 5 : i32
    %eq3A_1582 = vector.broadcast %eq3A_1581 : i32 to vector<16xi32>
    %eq3A_1583 = arith.cmpi eq, %get3A_1510, %eq3A_1582 : vector<16xi32>
    %convert_element_type3A_1584 = arith.extui %eq3A_1583 : vector<16xi1> to vector<16xi32>
    %reduce_sum3A_1585 = arith.constant true
    %reduce_sum3A_1586 = vector.broadcast %reduce_sum3A_1585 : i1 to vector<16xi1>
    %reduce_sum3A_1587 = tpu.scan <sum>, %convert_element_type3A_1584 masked %reduce_sum3A_1586 : vector<16xi32>, vector<16xi1> -> vector<16xi32>
    %reduce_sum3A_1588 = vector.extract %reduce_sum3A_1587[15] : i32 from vector<16xi32>
    %eq3A_1589 = arith.constant 5 : i32
    %eq3A_1590 = vector.broadcast %eq3A_1589 : i32 to vector<16xi32>
    %eq3A_1591 = arith.cmpi eq, %iota3A, %eq3A_1590 : vector<16xi32>
    %broadcast_in_dim3A_1592 = vector.broadcast %reduce_sum3A_1588 : i32 to vector<16xi32>
    %select_n3A_1593 = arith.select %eq3A_1591, %broadcast_in_dim3A_1592, %broadcast_in_dim3A_3 : vector<16xi1>, vector<16xi32>
    %add3A_1594 = arith.addi %add3A_1580, %select_n3A_1593 : vector<16xi32>
    %eq3A_1595 = arith.constant 6 : i32
    %eq3A_1596 = vector.broadcast %eq3A_1595 : i32 to vector<16xi32>
    %eq3A_1597 = arith.cmpi eq, %get3A_1510, %eq3A_1596 : vector<16xi32>
    %convert_element_type3A_1598 = arith.extui %eq3A_1597 : vector<16xi1> to vector<16xi32>
    %reduce_sum3A_1599 = arith.constant true
    %reduce_sum3A_1600 = vector.broadcast %reduce_sum3A_1599 : i1 to vector<16xi1>
    %reduce_sum3A_1601 = tpu.scan <sum>, %convert_element_type3A_1598 masked %reduce_sum3A_1600 : vector<16xi32>, vector<16xi1> -> vector<16xi32>
    %reduce_sum3A_1602 = vector.extract %reduce_sum3A_1601[15] : i32 from vector<16xi32>
    %eq3A_1603 = arith.constant 6 : i32
    %eq3A_1604 = vector.broadcast %eq3A_1603 : i32 to vector<16xi32>
    %eq3A_1605 = arith.cmpi eq, %iota3A, %eq3A_1604 : vector<16xi32>
    %broadcast_in_dim3A_1606 = vector.broadcast %reduce_sum3A_1602 : i32 to vector<16xi32>
    %select_n3A_1607 = arith.select %eq3A_1605, %broadcast_in_dim3A_1606, %broadcast_in_dim3A_3 : vector<16xi1>, vector<16xi32>
    %add3A_1608 = arith.addi %add3A_1594, %select_n3A_1607 : vector<16xi32>
    %eq3A_1609 = arith.constant 7 : i32
    %eq3A_1610 = vector.broadcast %eq3A_1609 : i32 to vector<16xi32>
    %eq3A_1611 = arith.cmpi eq, %get3A_1510, %eq3A_1610 : vector<16xi32>
    %convert_element_type3A_1612 = arith.extui %eq3A_1611 : vector<16xi1> to vector<16xi32>
    %reduce_sum3A_1613 = arith.constant true
    %reduce_sum3A_1614 = vector.broadcast %reduce_sum3A_1613 : i1 to vector<16xi1>
    %reduce_sum3A_1615 = tpu.scan <sum>, %convert_element_type3A_1612 masked %reduce_sum3A_1614 : vector<16xi32>, vector<16xi1> -> vector<16xi32>
    %reduce_sum3A_1616 = vector.extract %reduce_sum3A_1615[15] : i32 from vector<16xi32>
    %eq3A_1617 = arith.constant 7 : i32
    %eq3A_1618 = vector.broadcast %eq3A_1617 : i32 to vector<16xi32>
    %eq3A_1619 = arith.cmpi eq, %iota3A, %eq3A_1618 : vector<16xi32>
    %broadcast_in_dim3A_1620 = vector.broadcast %reduce_sum3A_1616 : i32 to vector<16xi32>
    %select_n3A_1621 = arith.select %eq3A_1619, %broadcast_in_dim3A_1620, %broadcast_in_dim3A_3 : vector<16xi1>, vector<16xi32>
    %add3A_1622 = arith.addi %add3A_1608, %select_n3A_1621 : vector<16xi32>
    %get3A_1623 = arith.constant 224 : index
    %get3A_1624 = tpu.vector_load %arg9[%get3A_1623] {strides = array<i32>} : memref<256xi32, #tpu.memory_space<vmem>>, vector<16xi32>,
    %eq3A_1625 = arith.constant 0 : i32
    %eq3A_1626 = vector.broadcast %eq3A_1625 : i32 to vector<16xi32>
    %eq3A_1627 = arith.cmpi eq, %get3A_1624, %eq3A_1626 : vector<16xi32>
    %convert_element_type3A_1628 = arith.extui %eq3A_1627 : vector<16xi1> to vector<16xi32>
    %reduce_sum3A_1629 = arith.constant true
    %reduce_sum3A_1630 = vector.broadcast %reduce_sum3A_1629 : i1 to vector<16xi1>
    %reduce_sum3A_1631 = tpu.scan <sum>, %convert_element_type3A_1628 masked %reduce_sum3A_1630 : vector<16xi32>, vector<16xi1> -> vector<16xi32>
    %reduce_sum3A_1632 = vector.extract %reduce_sum3A_1631[15] : i32 from vector<16xi32>
    %eq3A_1633 = arith.constant 0 : i32
    %eq3A_1634 = vector.broadcast %eq3A_1633 : i32 to vector<16xi32>
    %eq3A_1635 = arith.cmpi eq, %iota3A, %eq3A_1634 : vector<16xi32>
    %broadcast_in_dim3A_1636 = vector.broadcast %reduce_sum3A_1632 : i32 to vector<16xi32>
    %select_n3A_1637 = arith.select %eq3A_1635, %broadcast_in_dim3A_1636, %broadcast_in_dim3A_3 : vector<16xi1>, vector<16xi32>
    %add3A_1638 = arith.addi %add3A_1622, %select_n3A_1637 : vector<16xi32>
    %eq3A_1639 = arith.constant 1 : i32
    %eq3A_1640 = vector.broadcast %eq3A_1639 : i32 to vector<16xi32>
    %eq3A_1641 = arith.cmpi eq, %get3A_1624, %eq3A_1640 : vector<16xi32>
    %convert_element_type3A_1642 = arith.extui %eq3A_1641 : vector<16xi1> to vector<16xi32>
    %reduce_sum3A_1643 = arith.constant true
    %reduce_sum3A_1644 = vector.broadcast %reduce_sum3A_1643 : i1 to vector<16xi1>
    %reduce_sum3A_1645 = tpu.scan <sum>, %convert_element_type3A_1642 masked %reduce_sum3A_1644 : vector<16xi32>, vector<16xi1> -> vector<16xi32>
    %reduce_sum3A_1646 = vector.extract %reduce_sum3A_1645[15] : i32 from vector<16xi32>
    %eq3A_1647 = arith.constant 1 : i32
    %eq3A_1648 = vector.broadcast %eq3A_1647 : i32 to vector<16xi32>
    %eq3A_1649 = arith.cmpi eq, %iota3A, %eq3A_1648 : vector<16xi32>
    %broadcast_in_dim3A_1650 = vector.broadcast %reduce_sum3A_1646 : i32 to vector<16xi32>
    %select_n3A_1651 = arith.select %eq3A_1649, %broadcast_in_dim3A_1650, %broadcast_in_dim3A_3 : vector<16xi1>, vector<16xi32>
    %add3A_1652 = arith.addi %add3A_1638, %select_n3A_1651 : vector<16xi32>
    %eq3A_1653 = arith.constant 2 : i32
    %eq3A_1654 = vector.broadcast %eq3A_1653 : i32 to vector<16xi32>
    %eq3A_1655 = arith.cmpi eq, %get3A_1624, %eq3A_1654 : vector<16xi32>
    %convert_element_type3A_1656 = arith.extui %eq3A_1655 : vector<16xi1> to vector<16xi32>
    %reduce_sum3A_1657 = arith.constant true
    %reduce_sum3A_1658 = vector.broadcast %reduce_sum3A_1657 : i1 to vector<16xi1>
    %reduce_sum3A_1659 = tpu.scan <sum>, %convert_element_type3A_1656 masked %reduce_sum3A_1658 : vector<16xi32>, vector<16xi1> -> vector<16xi32>
    %reduce_sum3A_1660 = vector.extract %reduce_sum3A_1659[15] : i32 from vector<16xi32>
    %eq3A_1661 = arith.constant 2 : i32
    %eq3A_1662 = vector.broadcast %eq3A_1661 : i32 to vector<16xi32>
    %eq3A_1663 = arith.cmpi eq, %iota3A, %eq3A_1662 : vector<16xi32>
    %broadcast_in_dim3A_1664 = vector.broadcast %reduce_sum3A_1660 : i32 to vector<16xi32>
    %select_n3A_1665 = arith.select %eq3A_1663, %broadcast_in_dim3A_1664, %broadcast_in_dim3A_3 : vector<16xi1>, vector<16xi32>
    %add3A_1666 = arith.addi %add3A_1652, %select_n3A_1665 : vector<16xi32>
    %eq3A_1667 = arith.constant 3 : i32
    %eq3A_1668 = vector.broadcast %eq3A_1667 : i32 to vector<16xi32>
    %eq3A_1669 = arith.cmpi eq, %get3A_1624, %eq3A_1668 : vector<16xi32>
    %convert_element_type3A_1670 = arith.extui %eq3A_1669 : vector<16xi1> to vector<16xi32>
    %reduce_sum3A_1671 = arith.constant true
    %reduce_sum3A_1672 = vector.broadcast %reduce_sum3A_1671 : i1 to vector<16xi1>
    %reduce_sum3A_1673 = tpu.scan <sum>, %convert_element_type3A_1670 masked %reduce_sum3A_1672 : vector<16xi32>, vector<16xi1> -> vector<16xi32>
    %reduce_sum3A_1674 = vector.extract %reduce_sum3A_1673[15] : i32 from vector<16xi32>
    %eq3A_1675 = arith.constant 3 : i32
    %eq3A_1676 = vector.broadcast %eq3A_1675 : i32 to vector<16xi32>
    %eq3A_1677 = arith.cmpi eq, %iota3A, %eq3A_1676 : vector<16xi32>
    %broadcast_in_dim3A_1678 = vector.broadcast %reduce_sum3A_1674 : i32 to vector<16xi32>
    %select_n3A_1679 = arith.select %eq3A_1677, %broadcast_in_dim3A_1678, %broadcast_in_dim3A_3 : vector<16xi1>, vector<16xi32>
    %add3A_1680 = arith.addi %add3A_1666, %select_n3A_1679 : vector<16xi32>
    %eq3A_1681 = arith.constant 4 : i32
    %eq3A_1682 = vector.broadcast %eq3A_1681 : i32 to vector<16xi32>
    %eq3A_1683 = arith.cmpi eq, %get3A_1624, %eq3A_1682 : vector<16xi32>
    %convert_element_type3A_1684 = arith.extui %eq3A_1683 : vector<16xi1> to vector<16xi32>
    %reduce_sum3A_1685 = arith.constant true
    %reduce_sum3A_1686 = vector.broadcast %reduce_sum3A_1685 : i1 to vector<16xi1>
    %reduce_sum3A_1687 = tpu.scan <sum>, %convert_element_type3A_1684 masked %reduce_sum3A_1686 : vector<16xi32>, vector<16xi1> -> vector<16xi32>
    %reduce_sum3A_1688 = vector.extract %reduce_sum3A_1687[15] : i32 from vector<16xi32>
    %eq3A_1689 = arith.constant 4 : i32
    %eq3A_1690 = vector.broadcast %eq3A_1689 : i32 to vector<16xi32>
    %eq3A_1691 = arith.cmpi eq, %iota3A, %eq3A_1690 : vector<16xi32>
    %broadcast_in_dim3A_1692 = vector.broadcast %reduce_sum3A_1688 : i32 to vector<16xi32>
    %select_n3A_1693 = arith.select %eq3A_1691, %broadcast_in_dim3A_1692, %broadcast_in_dim3A_3 : vector<16xi1>, vector<16xi32>
    %add3A_1694 = arith.addi %add3A_1680, %select_n3A_1693 : vector<16xi32>
    %eq3A_1695 = arith.constant 5 : i32
    %eq3A_1696 = vector.broadcast %eq3A_1695 : i32 to vector<16xi32>
    %eq3A_1697 = arith.cmpi eq, %get3A_1624, %eq3A_1696 : vector<16xi32>
    %convert_element_type3A_1698 = arith.extui %eq3A_1697 : vector<16xi1> to vector<16xi32>
    %reduce_sum3A_1699 = arith.constant true
    %reduce_sum3A_1700 = vector.broadcast %reduce_sum3A_1699 : i1 to vector<16xi1>
    %reduce_sum3A_1701 = tpu.scan <sum>, %convert_element_type3A_1698 masked %reduce_sum3A_1700 : vector<16xi32>, vector<16xi1> -> vector<16xi32>
    %reduce_sum3A_1702 = vector.extract %reduce_sum3A_1701[15] : i32 from vector<16xi32>
    %eq3A_1703 = arith.constant 5 : i32
    %eq3A_1704 = vector.broadcast %eq3A_1703 : i32 to vector<16xi32>
    %eq3A_1705 = arith.cmpi eq, %iota3A, %eq3A_1704 : vector<16xi32>
    %broadcast_in_dim3A_1706 = vector.broadcast %reduce_sum3A_1702 : i32 to vector<16xi32>
    %select_n3A_1707 = arith.select %eq3A_1705, %broadcast_in_dim3A_1706, %broadcast_in_dim3A_3 : vector<16xi1>, vector<16xi32>
    %add3A_1708 = arith.addi %add3A_1694, %select_n3A_1707 : vector<16xi32>
    %eq3A_1709 = arith.constant 6 : i32
    %eq3A_1710 = vector.broadcast %eq3A_1709 : i32 to vector<16xi32>
    %eq3A_1711 = arith.cmpi eq, %get3A_1624, %eq3A_1710 : vector<16xi32>
    %convert_element_type3A_1712 = arith.extui %eq3A_1711 : vector<16xi1> to vector<16xi32>
    %reduce_sum3A_1713 = arith.constant true
    %reduce_sum3A_1714 = vector.broadcast %reduce_sum3A_1713 : i1 to vector<16xi1>
    %reduce_sum3A_1715 = tpu.scan <sum>, %convert_element_type3A_1712 masked %reduce_sum3A_1714 : vector<16xi32>, vector<16xi1> -> vector<16xi32>
    %reduce_sum3A_1716 = vector.extract %reduce_sum3A_1715[15] : i32 from vector<16xi32>
    %eq3A_1717 = arith.constant 6 : i32
    %eq3A_1718 = vector.broadcast %eq3A_1717 : i32 to vector<16xi32>
    %eq3A_1719 = arith.cmpi eq, %iota3A, %eq3A_1718 : vector<16xi32>
    %broadcast_in_dim3A_1720 = vector.broadcast %reduce_sum3A_1716 : i32 to vector<16xi32>
    %select_n3A_1721 = arith.select %eq3A_1719, %broadcast_in_dim3A_1720, %broadcast_in_dim3A_3 : vector<16xi1>, vector<16xi32>
    %add3A_1722 = arith.addi %add3A_1708, %select_n3A_1721 : vector<16xi32>
    %eq3A_1723 = arith.constant 7 : i32
    %eq3A_1724 = vector.broadcast %eq3A_1723 : i32 to vector<16xi32>
    %eq3A_1725 = arith.cmpi eq, %get3A_1624, %eq3A_1724 : vector<16xi32>
    %convert_element_type3A_1726 = arith.extui %eq3A_1725 : vector<16xi1> to vector<16xi32>
    %reduce_sum3A_1727 = arith.constant true
    %reduce_sum3A_1728 = vector.broadcast %reduce_sum3A_1727 : i1 to vector<16xi1>
    %reduce_sum3A_1729 = tpu.scan <sum>, %convert_element_type3A_1726 masked %reduce_sum3A_1728 : vector<16xi32>, vector<16xi1> -> vector<16xi32>
    %reduce_sum3A_1730 = vector.extract %reduce_sum3A_1729[15] : i32 from vector<16xi32>
    %eq3A_1731 = arith.constant 7 : i32
    %eq3A_1732 = vector.broadcast %eq3A_1731 : i32 to vector<16xi32>
    %eq3A_1733 = arith.cmpi eq, %iota3A, %eq3A_1732 : vector<16xi32>
    %broadcast_in_dim3A_1734 = vector.broadcast %reduce_sum3A_1730 : i32 to vector<16xi32>
    %select_n3A_1735 = arith.select %eq3A_1733, %broadcast_in_dim3A_1734, %broadcast_in_dim3A_3 : vector<16xi1>, vector<16xi32>
    %add3A_1736 = arith.addi %add3A_1722, %select_n3A_1735 : vector<16xi32>
    %get3A_1737 = arith.constant 240 : index
    %get3A_1738 = tpu.vector_load %arg9[%get3A_1737] {strides = array<i32>} : memref<256xi32, #tpu.memory_space<vmem>>, vector<16xi32>,
    %eq3A_1739 = arith.constant 0 : i32
    %eq3A_1740 = vector.broadcast %eq3A_1739 : i32 to vector<16xi32>
    %eq3A_1741 = arith.cmpi eq, %get3A_1738, %eq3A_1740 : vector<16xi32>
    %convert_element_type3A_1742 = arith.extui %eq3A_1741 : vector<16xi1> to vector<16xi32>
    %reduce_sum3A_1743 = arith.constant true
    %reduce_sum3A_1744 = vector.broadcast %reduce_sum3A_1743 : i1 to vector<16xi1>
    %reduce_sum3A_1745 = tpu.scan <sum>, %convert_element_type3A_1742 masked %reduce_sum3A_1744 : vector<16xi32>, vector<16xi1> -> vector<16xi32>
    %reduce_sum3A_1746 = vector.extract %reduce_sum3A_1745[15] : i32 from vector<16xi32>
    %eq3A_1747 = arith.constant 0 : i32
    %eq3A_1748 = vector.broadcast %eq3A_1747 : i32 to vector<16xi32>
    %eq3A_1749 = arith.cmpi eq, %iota3A, %eq3A_1748 : vector<16xi32>
    %broadcast_in_dim3A_1750 = vector.broadcast %reduce_sum3A_1746 : i32 to vector<16xi32>
    %select_n3A_1751 = arith.select %eq3A_1749, %broadcast_in_dim3A_1750, %broadcast_in_dim3A_3 : vector<16xi1>, vector<16xi32>
    %add3A_1752 = arith.addi %add3A_1736, %select_n3A_1751 : vector<16xi32>
    %eq3A_1753 = arith.constant 1 : i32
    %eq3A_1754 = vector.broadcast %eq3A_1753 : i32 to vector<16xi32>
    %eq3A_1755 = arith.cmpi eq, %get3A_1738, %eq3A_1754 : vector<16xi32>
    %convert_element_type3A_1756 = arith.extui %eq3A_1755 : vector<16xi1> to vector<16xi32>
    %reduce_sum3A_1757 = arith.constant true
    %reduce_sum3A_1758 = vector.broadcast %reduce_sum3A_1757 : i1 to vector<16xi1>
    %reduce_sum3A_1759 = tpu.scan <sum>, %convert_element_type3A_1756 masked %reduce_sum3A_1758 : vector<16xi32>, vector<16xi1> -> vector<16xi32>
    %reduce_sum3A_1760 = vector.extract %reduce_sum3A_1759[15] : i32 from vector<16xi32>
    %eq3A_1761 = arith.constant 1 : i32
    %eq3A_1762 = vector.broadcast %eq3A_1761 : i32 to vector<16xi32>
    %eq3A_1763 = arith.cmpi eq, %iota3A, %eq3A_1762 : vector<16xi32>
    %broadcast_in_dim3A_1764 = vector.broadcast %reduce_sum3A_1760 : i32 to vector<16xi32>
    %select_n3A_1765 = arith.select %eq3A_1763, %broadcast_in_dim3A_1764, %broadcast_in_dim3A_3 : vector<16xi1>, vector<16xi32>
    %add3A_1766 = arith.addi %add3A_1752, %select_n3A_1765 : vector<16xi32>
    %eq3A_1767 = arith.constant 2 : i32
    %eq3A_1768 = vector.broadcast %eq3A_1767 : i32 to vector<16xi32>
    %eq3A_1769 = arith.cmpi eq, %get3A_1738, %eq3A_1768 : vector<16xi32>
    %convert_element_type3A_1770 = arith.extui %eq3A_1769 : vector<16xi1> to vector<16xi32>
    %reduce_sum3A_1771 = arith.constant true
    %reduce_sum3A_1772 = vector.broadcast %reduce_sum3A_1771 : i1 to vector<16xi1>
    %reduce_sum3A_1773 = tpu.scan <sum>, %convert_element_type3A_1770 masked %reduce_sum3A_1772 : vector<16xi32>, vector<16xi1> -> vector<16xi32>
    %reduce_sum3A_1774 = vector.extract %reduce_sum3A_1773[15] : i32 from vector<16xi32>
    %eq3A_1775 = arith.constant 2 : i32
    %eq3A_1776 = vector.broadcast %eq3A_1775 : i32 to vector<16xi32>
    %eq3A_1777 = arith.cmpi eq, %iota3A, %eq3A_1776 : vector<16xi32>
    %broadcast_in_dim3A_1778 = vector.broadcast %reduce_sum3A_1774 : i32 to vector<16xi32>
    %select_n3A_1779 = arith.select %eq3A_1777, %broadcast_in_dim3A_1778, %broadcast_in_dim3A_3 : vector<16xi1>, vector<16xi32>
    %add3A_1780 = arith.addi %add3A_1766, %select_n3A_1779 : vector<16xi32>
    %eq3A_1781 = arith.constant 3 : i32
    %eq3A_1782 = vector.broadcast %eq3A_1781 : i32 to vector<16xi32>
    %eq3A_1783 = arith.cmpi eq, %get3A_1738, %eq3A_1782 : vector<16xi32>
    %convert_element_type3A_1784 = arith.extui %eq3A_1783 : vector<16xi1> to vector<16xi32>
    %reduce_sum3A_1785 = arith.constant true
    %reduce_sum3A_1786 = vector.broadcast %reduce_sum3A_1785 : i1 to vector<16xi1>
    %reduce_sum3A_1787 = tpu.scan <sum>, %convert_element_type3A_1784 masked %reduce_sum3A_1786 : vector<16xi32>, vector<16xi1> -> vector<16xi32>
    %reduce_sum3A_1788 = vector.extract %reduce_sum3A_1787[15] : i32 from vector<16xi32>
    %eq3A_1789 = arith.constant 3 : i32
    %eq3A_1790 = vector.broadcast %eq3A_1789 : i32 to vector<16xi32>
    %eq3A_1791 = arith.cmpi eq, %iota3A, %eq3A_1790 : vector<16xi32>
    %broadcast_in_dim3A_1792 = vector.broadcast %reduce_sum3A_1788 : i32 to vector<16xi32>
    %select_n3A_1793 = arith.select %eq3A_1791, %broadcast_in_dim3A_1792, %broadcast_in_dim3A_3 : vector<16xi1>, vector<16xi32>
    %add3A_1794 = arith.addi %add3A_1780, %select_n3A_1793 : vector<16xi32>
    %eq3A_1795 = arith.constant 4 : i32
    %eq3A_1796 = vector.broadcast %eq3A_1795 : i32 to vector<16xi32>
    %eq3A_1797 = arith.cmpi eq, %get3A_1738, %eq3A_1796 : vector<16xi32>
    %convert_element_type3A_1798 = arith.extui %eq3A_1797 : vector<16xi1> to vector<16xi32>
    %reduce_sum3A_1799 = arith.constant true
    %reduce_sum3A_1800 = vector.broadcast %reduce_sum3A_1799 : i1 to vector<16xi1>
    %reduce_sum3A_1801 = tpu.scan <sum>, %convert_element_type3A_1798 masked %reduce_sum3A_1800 : vector<16xi32>, vector<16xi1> -> vector<16xi32>
    %reduce_sum3A_1802 = vector.extract %reduce_sum3A_1801[15] : i32 from vector<16xi32>
    %eq3A_1803 = arith.constant 4 : i32
    %eq3A_1804 = vector.broadcast %eq3A_1803 : i32 to vector<16xi32>
    %eq3A_1805 = arith.cmpi eq, %iota3A, %eq3A_1804 : vector<16xi32>
    %broadcast_in_dim3A_1806 = vector.broadcast %reduce_sum3A_1802 : i32 to vector<16xi32>
    %select_n3A_1807 = arith.select %eq3A_1805, %broadcast_in_dim3A_1806, %broadcast_in_dim3A_3 : vector<16xi1>, vector<16xi32>
    %add3A_1808 = arith.addi %add3A_1794, %select_n3A_1807 : vector<16xi32>
    %eq3A_1809 = arith.constant 5 : i32
    %eq3A_1810 = vector.broadcast %eq3A_1809 : i32 to vector<16xi32>
    %eq3A_1811 = arith.cmpi eq, %get3A_1738, %eq3A_1810 : vector<16xi32>
    %convert_element_type3A_1812 = arith.extui %eq3A_1811 : vector<16xi1> to vector<16xi32>
    %reduce_sum3A_1813 = arith.constant true
    %reduce_sum3A_1814 = vector.broadcast %reduce_sum3A_1813 : i1 to vector<16xi1>
    %reduce_sum3A_1815 = tpu.scan <sum>, %convert_element_type3A_1812 masked %reduce_sum3A_1814 : vector<16xi32>, vector<16xi1> -> vector<16xi32>
    %reduce_sum3A_1816 = vector.extract %reduce_sum3A_1815[15] : i32 from vector<16xi32>
    %eq3A_1817 = arith.constant 5 : i32
    %eq3A_1818 = vector.broadcast %eq3A_1817 : i32 to vector<16xi32>
    %eq3A_1819 = arith.cmpi eq, %iota3A, %eq3A_1818 : vector<16xi32>
    %broadcast_in_dim3A_1820 = vector.broadcast %reduce_sum3A_1816 : i32 to vector<16xi32>
    %select_n3A_1821 = arith.select %eq3A_1819, %broadcast_in_dim3A_1820, %broadcast_in_dim3A_3 : vector<16xi1>, vector<16xi32>
    %add3A_1822 = arith.addi %add3A_1808, %select_n3A_1821 : vector<16xi32>
    %eq3A_1823 = arith.constant 6 : i32
    %eq3A_1824 = vector.broadcast %eq3A_1823 : i32 to vector<16xi32>
    %eq3A_1825 = arith.cmpi eq, %get3A_1738, %eq3A_1824 : vector<16xi32>
    %convert_element_type3A_1826 = arith.extui %eq3A_1825 : vector<16xi1> to vector<16xi32>
    %reduce_sum3A_1827 = arith.constant true
    %reduce_sum3A_1828 = vector.broadcast %reduce_sum3A_1827 : i1 to vector<16xi1>
    %reduce_sum3A_1829 = tpu.scan <sum>, %convert_element_type3A_1826 masked %reduce_sum3A_1828 : vector<16xi32>, vector<16xi1> -> vector<16xi32>
    %reduce_sum3A_1830 = vector.extract %reduce_sum3A_1829[15] : i32 from vector<16xi32>
    %eq3A_1831 = arith.constant 6 : i32
    %eq3A_1832 = vector.broadcast %eq3A_1831 : i32 to vector<16xi32>
    %eq3A_1833 = arith.cmpi eq, %iota3A, %eq3A_1832 : vector<16xi32>
    %broadcast_in_dim3A_1834 = vector.broadcast %reduce_sum3A_1830 : i32 to vector<16xi32>
    %select_n3A_1835 = arith.select %eq3A_1833, %broadcast_in_dim3A_1834, %broadcast_in_dim3A_3 : vector<16xi1>, vector<16xi32>
    %add3A_1836 = arith.addi %add3A_1822, %select_n3A_1835 : vector<16xi32>
    %eq3A_1837 = arith.constant 7 : i32
    %eq3A_1838 = vector.broadcast %eq3A_1837 : i32 to vector<16xi32>
    %eq3A_1839 = arith.cmpi eq, %get3A_1738, %eq3A_1838 : vector<16xi32>
    %convert_element_type3A_1840 = arith.extui %eq3A_1839 : vector<16xi1> to vector<16xi32>
    %reduce_sum3A_1841 = arith.constant true
    %reduce_sum3A_1842 = vector.broadcast %reduce_sum3A_1841 : i1 to vector<16xi1>
    %reduce_sum3A_1843 = tpu.scan <sum>, %convert_element_type3A_1840 masked %reduce_sum3A_1842 : vector<16xi32>, vector<16xi1> -> vector<16xi32>
    %reduce_sum3A_1844 = vector.extract %reduce_sum3A_1843[15] : i32 from vector<16xi32>
    %eq3A_1845 = arith.constant 7 : i32
    %eq3A_1846 = vector.broadcast %eq3A_1845 : i32 to vector<16xi32>
    %eq3A_1847 = arith.cmpi eq, %iota3A, %eq3A_1846 : vector<16xi32>
    %broadcast_in_dim3A_1848 = vector.broadcast %reduce_sum3A_1844 : i32 to vector<16xi32>
    %select_n3A_1849 = arith.select %eq3A_1847, %broadcast_in_dim3A_1848, %broadcast_in_dim3A_3 : vector<16xi1>, vector<16xi32>
    %add3A_1850 = arith.addi %add3A_1836, %select_n3A_1849 : vector<16xi32>
    %swap3A_1851 = arith.constant 1 : i32
    %swap3A_1852 = arith.index_cast %swap3A_1851 : i32 to index
    %swap3A_1853 = arith.constant 0 : index
    %swap3A_1854 = tpu.vector_load %arg12[%swap3A_1852, %swap3A_1853] {strides = array<i32>} : memref<2x16xi32, #tpu.memory_space<vmem>>, vector<16xi32>,
    tpu.vector_store %arg12[%swap3A_1852, %swap3A_1853], %add3A_1850 {strides = array<i32>} : memref<2x16xi32, #tpu.memory_space<vmem>>, vector<16xi32>,
    %mul3A_1855 = arith.constant 2 : i32
    %mul3A_1856 = arith.muli %arg1, %mul3A_1855 : i32
    "tpu.region"() ({
      %run_scoped3A = tpu.sem_alloc : memref<!tpu.dma_semaphore, #tpu.memory_space<semaphore_mem>>
      %dma_start3A_3607 = arith.constant 0 : i32
      %dma_start3A_3608 = tpu.memref_slice %arg8[%mul3A_1856, %dma_start3A_3607] : memref<32x16xi32, #tpu.memory_space<hbm>> -> memref<2x16xi32, #tpu.memory_space<hbm>>
      %dma_start3A_3609 = arith.constant 0 : i32
      %dma_start3A_3610 = tpu.memref_slice %arg8[%mul3A_1856, %dma_start3A_3609] : memref<32x16xi32, #tpu.memory_space<hbm>> -> memref<2x16xi32, #tpu.memory_space<hbm>>
      tpu.enqueue_dma source(%arg12 : memref<2x16xi32, #tpu.memory_space<vmem>>) target(%dma_start3A_3610 : memref<2x16xi32, #tpu.memory_space<hbm>>) target_semaphore(%run_scoped3A : memref<!tpu.dma_semaphore, #tpu.memory_space<semaphore_mem>>)
      %dma_wait3A_3611 = arith.constant 0 : i32
      %dma_wait3A_3612 = tpu.memref_slice %arg8[%mul3A_1856, %dma_wait3A_3611] : memref<32x16xi32, #tpu.memory_space<hbm>> -> memref<2x16xi32, #tpu.memory_space<hbm>>
      %dma_wait3A_3613 = arith.constant 0 : i32
      %dma_wait3A_3614 = tpu.memref_slice %arg8[%mul3A_1856, %dma_wait3A_3613] : memref<32x16xi32, #tpu.memory_space<hbm>> -> memref<2x16xi32, #tpu.memory_space<hbm>>
      tpu.wait_dma2 semaphore(%run_scoped3A : memref<!tpu.dma_semaphore, #tpu.memory_space<semaphore_mem>>) src(%arg12 : memref<2x16xi32, #tpu.memory_space<vmem>>) dst(%dma_wait3A_3614 : memref<2x16xi32, #tpu.memory_space<hbm>>)
      tpu.yield
    }) : () -> ()
    %barrier3A = arith.constant 0 : index
    tpu.barrier barrier_id(%barrier3A)
    "tpu.region"() ({
      %run_scoped3A = tpu.sem_alloc : memref<!tpu.dma_semaphore, #tpu.memory_space<semaphore_mem>>
      tpu.enqueue_dma source(%arg8 : memref<32x16xi32, #tpu.memory_space<hbm>>) target(%arg13 : memref<32x16xi32, #tpu.memory_space<vmem>>) target_semaphore(%run_scoped3A : memref<!tpu.dma_semaphore, #tpu.memory_space<semaphore_mem>>)
      tpu.wait_dma2 semaphore(%run_scoped3A : memref<!tpu.dma_semaphore, #tpu.memory_space<semaphore_mem>>) src(%arg8 : memref<32x16xi32, #tpu.memory_space<hbm>>) dst(%arg13 : memref<32x16xi32, #tpu.memory_space<vmem>>)
      tpu.yield
    }) : () -> ()
    %get3A_1857 = arith.constant 0 : i32
    %get3A_1858 = arith.index_cast %get3A_1857 : i32 to index
    %get3A_1859 = arith.constant 0 : index
    %get3A_1860 = tpu.vector_load %arg13[%get3A_1858, %get3A_1859] {strides = array<i32>} : memref<32x16xi32, #tpu.memory_space<vmem>>, vector<16xi32>,
    %add3A_1861 = arith.addi %broadcast_in_dim3A_3, %get3A_1860 : vector<16xi32>
    %gt3A = arith.constant 0 : i32
    %gt3A_1862 = arith.cmpi sgt, %add3A, %gt3A : i32
    %select_n3A_1863 = arith.select %gt3A_1862, %get3A_1860, %broadcast_in_dim3A_3 : vector<16xi32>
    %add3A_1864 = arith.addi %broadcast_in_dim3A_3, %select_n3A_1863 : vector<16xi32>
    %get3A_1865 = arith.constant 1 : i32
    %get3A_1866 = arith.index_cast %get3A_1865 : i32 to index
    %get3A_1867 = arith.constant 0 : index
    %get3A_1868 = tpu.vector_load %arg13[%get3A_1866, %get3A_1867] {strides = array<i32>} : memref<32x16xi32, #tpu.memory_space<vmem>>, vector<16xi32>,
    %add3A_1869 = arith.addi %add3A_1861, %get3A_1868 : vector<16xi32>
    %gt3A_1870 = arith.constant 1 : i32
    %gt3A_1871 = arith.cmpi sgt, %add3A, %gt3A_1870 : i32
    %select_n3A_1872 = arith.select %gt3A_1871, %get3A_1868, %broadcast_in_dim3A_3 : vector<16xi32>
    %add3A_1873 = arith.addi %add3A_1864, %select_n3A_1872 : vector<16xi32>
    %get3A_1874 = arith.constant 2 : i32
    %get3A_1875 = arith.index_cast %get3A_1874 : i32 to index
    %get3A_1876 = arith.constant 0 : index
    %get3A_1877 = tpu.vector_load %arg13[%get3A_1875, %get3A_1876] {strides = array<i32>} : memref<32x16xi32, #tpu.memory_space<vmem>>, vector<16xi32>,
    %add3A_1878 = arith.addi %add3A_1869, %get3A_1877 : vector<16xi32>
    %gt3A_1879 = arith.constant 2 : i32
    %gt3A_1880 = arith.cmpi sgt, %add3A, %gt3A_1879 : i32
    %select_n3A_1881 = arith.select %gt3A_1880, %get3A_1877, %broadcast_in_dim3A_3 : vector<16xi32>
    %add3A_1882 = arith.addi %add3A_1873, %select_n3A_1881 : vector<16xi32>
    %get3A_1883 = arith.constant 3 : i32
    %get3A_1884 = arith.index_cast %get3A_1883 : i32 to index
    %get3A_1885 = arith.constant 0 : index
    %get3A_1886 = tpu.vector_load %arg13[%get3A_1884, %get3A_1885] {strides = array<i32>} : memref<32x16xi32, #tpu.memory_space<vmem>>, vector<16xi32>,
    %add3A_1887 = arith.addi %add3A_1878, %get3A_1886 : vector<16xi32>
    %gt3A_1888 = arith.constant 3 : i32
    %gt3A_1889 = arith.cmpi sgt, %add3A, %gt3A_1888 : i32
    %select_n3A_1890 = arith.select %gt3A_1889, %get3A_1886, %broadcast_in_dim3A_3 : vector<16xi32>
    %add3A_1891 = arith.addi %add3A_1882, %select_n3A_1890 : vector<16xi32>
    %get3A_1892 = arith.constant 4 : i32
    %get3A_1893 = arith.index_cast %get3A_1892 : i32 to index
    %get3A_1894 = arith.constant 0 : index
    %get3A_1895 = tpu.vector_load %arg13[%get3A_1893, %get3A_1894] {strides = array<i32>} : memref<32x16xi32, #tpu.memory_space<vmem>>, vector<16xi32>,
    %add3A_1896 = arith.addi %add3A_1887, %get3A_1895 : vector<16xi32>
    %gt3A_1897 = arith.constant 4 : i32
    %gt3A_1898 = arith.cmpi sgt, %add3A, %gt3A_1897 : i32
    %select_n3A_1899 = arith.select %gt3A_1898, %get3A_1895, %broadcast_in_dim3A_3 : vector<16xi32>
    %add3A_1900 = arith.addi %add3A_1891, %select_n3A_1899 : vector<16xi32>
    %get3A_1901 = arith.constant 5 : i32
    %get3A_1902 = arith.index_cast %get3A_1901 : i32 to index
    %get3A_1903 = arith.constant 0 : index
    %get3A_1904 = tpu.vector_load %arg13[%get3A_1902, %get3A_1903] {strides = array<i32>} : memref<32x16xi32, #tpu.memory_space<vmem>>, vector<16xi32>,
    %add3A_1905 = arith.addi %add3A_1896, %get3A_1904 : vector<16xi32>
    %gt3A_1906 = arith.constant 5 : i32
    %gt3A_1907 = arith.cmpi sgt, %add3A, %gt3A_1906 : i32
    %select_n3A_1908 = arith.select %gt3A_1907, %get3A_1904, %broadcast_in_dim3A_3 : vector<16xi32>
    %add3A_1909 = arith.addi %add3A_1900, %select_n3A_1908 : vector<16xi32>
    %get3A_1910 = arith.constant 6 : i32
    %get3A_1911 = arith.index_cast %get3A_1910 : i32 to index
    %get3A_1912 = arith.constant 0 : index
    %get3A_1913 = tpu.vector_load %arg13[%get3A_1911, %get3A_1912] {strides = array<i32>} : memref<32x16xi32, #tpu.memory_space<vmem>>, vector<16xi32>,
    %add3A_1914 = arith.addi %add3A_1905, %get3A_1913 : vector<16xi32>
    %gt3A_1915 = arith.constant 6 : i32
    %gt3A_1916 = arith.cmpi sgt, %add3A, %gt3A_1915 : i32
    %select_n3A_1917 = arith.select %gt3A_1916, %get3A_1913, %broadcast_in_dim3A_3 : vector<16xi32>
    %add3A_1918 = arith.addi %add3A_1909, %select_n3A_1917 : vector<16xi32>
    %get3A_1919 = arith.constant 7 : i32
    %get3A_1920 = arith.index_cast %get3A_1919 : i32 to index
    %get3A_1921 = arith.constant 0 : index
    %get3A_1922 = tpu.vector_load %arg13[%get3A_1920, %get3A_1921] {strides = array<i32>} : memref<32x16xi32, #tpu.memory_space<vmem>>, vector<16xi32>,
    %add3A_1923 = arith.addi %add3A_1914, %get3A_1922 : vector<16xi32>
    %gt3A_1924 = arith.constant 7 : i32
    %gt3A_1925 = arith.cmpi sgt, %add3A, %gt3A_1924 : i32
    %select_n3A_1926 = arith.select %gt3A_1925, %get3A_1922, %broadcast_in_dim3A_3 : vector<16xi32>
    %add3A_1927 = arith.addi %add3A_1918, %select_n3A_1926 : vector<16xi32>
    %get3A_1928 = arith.constant 8 : i32
    %get3A_1929 = arith.index_cast %get3A_1928 : i32 to index
    %get3A_1930 = arith.constant 0 : index
    %get3A_1931 = tpu.vector_load %arg13[%get3A_1929, %get3A_1930] {strides = array<i32>} : memref<32x16xi32, #tpu.memory_space<vmem>>, vector<16xi32>,
    %add3A_1932 = arith.addi %add3A_1923, %get3A_1931 : vector<16xi32>
    %gt3A_1933 = arith.constant 8 : i32
    %gt3A_1934 = arith.cmpi sgt, %add3A, %gt3A_1933 : i32
    %select_n3A_1935 = arith.select %gt3A_1934, %get3A_1931, %broadcast_in_dim3A_3 : vector<16xi32>
    %add3A_1936 = arith.addi %add3A_1927, %select_n3A_1935 : vector<16xi32>
    %get3A_1937 = arith.constant 9 : i32
    %get3A_1938 = arith.index_cast %get3A_1937 : i32 to index
    %get3A_1939 = arith.constant 0 : index
    %get3A_1940 = tpu.vector_load %arg13[%get3A_1938, %get3A_1939] {strides = array<i32>} : memref<32x16xi32, #tpu.memory_space<vmem>>, vector<16xi32>,
    %add3A_1941 = arith.addi %add3A_1932, %get3A_1940 : vector<16xi32>
    %gt3A_1942 = arith.constant 9 : i32
    %gt3A_1943 = arith.cmpi sgt, %add3A, %gt3A_1942 : i32
    %select_n3A_1944 = arith.select %gt3A_1943, %get3A_1940, %broadcast_in_dim3A_3 : vector<16xi32>
    %add3A_1945 = arith.addi %add3A_1936, %select_n3A_1944 : vector<16xi32>
    %get3A_1946 = arith.constant 10 : i32
    %get3A_1947 = arith.index_cast %get3A_1946 : i32 to index
    %get3A_1948 = arith.constant 0 : index
    %get3A_1949 = tpu.vector_load %arg13[%get3A_1947, %get3A_1948] {strides = array<i32>} : memref<32x16xi32, #tpu.memory_space<vmem>>, vector<16xi32>,
    %add3A_1950 = arith.addi %add3A_1941, %get3A_1949 : vector<16xi32>
    %gt3A_1951 = arith.constant 10 : i32
    %gt3A_1952 = arith.cmpi sgt, %add3A, %gt3A_1951 : i32
    %select_n3A_1953 = arith.select %gt3A_1952, %get3A_1949, %broadcast_in_dim3A_3 : vector<16xi32>
    %add3A_1954 = arith.addi %add3A_1945, %select_n3A_1953 : vector<16xi32>
    %get3A_1955 = arith.constant 11 : i32
    %get3A_1956 = arith.index_cast %get3A_1955 : i32 to index
    %get3A_1957 = arith.constant 0 : index
    %get3A_1958 = tpu.vector_load %arg13[%get3A_1956, %get3A_1957] {strides = array<i32>} : memref<32x16xi32, #tpu.memory_space<vmem>>, vector<16xi32>,
    %add3A_1959 = arith.addi %add3A_1950, %get3A_1958 : vector<16xi32>
    %gt3A_1960 = arith.constant 11 : i32
    %gt3A_1961 = arith.cmpi sgt, %add3A, %gt3A_1960 : i32
    %select_n3A_1962 = arith.select %gt3A_1961, %get3A_1958, %broadcast_in_dim3A_3 : vector<16xi32>
    %add3A_1963 = arith.addi %add3A_1954, %select_n3A_1962 : vector<16xi32>
    %get3A_1964 = arith.constant 12 : i32
    %get3A_1965 = arith.index_cast %get3A_1964 : i32 to index
    %get3A_1966 = arith.constant 0 : index
    %get3A_1967 = tpu.vector_load %arg13[%get3A_1965, %get3A_1966] {strides = array<i32>} : memref<32x16xi32, #tpu.memory_space<vmem>>, vector<16xi32>,
    %add3A_1968 = arith.addi %add3A_1959, %get3A_1967 : vector<16xi32>
    %gt3A_1969 = arith.constant 12 : i32
    %gt3A_1970 = arith.cmpi sgt, %add3A, %gt3A_1969 : i32
    %select_n3A_1971 = arith.select %gt3A_1970, %get3A_1967, %broadcast_in_dim3A_3 : vector<16xi32>
    %add3A_1972 = arith.addi %add3A_1963, %select_n3A_1971 : vector<16xi32>
    %get3A_1973 = arith.constant 13 : i32
    %get3A_1974 = arith.index_cast %get3A_1973 : i32 to index
    %get3A_1975 = arith.constant 0 : index
    %get3A_1976 = tpu.vector_load %arg13[%get3A_1974, %get3A_1975] {strides = array<i32>} : memref<32x16xi32, #tpu.memory_space<vmem>>, vector<16xi32>,
    %add3A_1977 = arith.addi %add3A_1968, %get3A_1976 : vector<16xi32>
    %gt3A_1978 = arith.constant 13 : i32
    %gt3A_1979 = arith.cmpi sgt, %add3A, %gt3A_1978 : i32
    %select_n3A_1980 = arith.select %gt3A_1979, %get3A_1976, %broadcast_in_dim3A_3 : vector<16xi32>
    %add3A_1981 = arith.addi %add3A_1972, %select_n3A_1980 : vector<16xi32>
    %get3A_1982 = arith.constant 14 : i32
    %get3A_1983 = arith.index_cast %get3A_1982 : i32 to index
    %get3A_1984 = arith.constant 0 : index
    %get3A_1985 = tpu.vector_load %arg13[%get3A_1983, %get3A_1984] {strides = array<i32>} : memref<32x16xi32, #tpu.memory_space<vmem>>, vector<16xi32>,
    %add3A_1986 = arith.addi %add3A_1977, %get3A_1985 : vector<16xi32>
    %gt3A_1987 = arith.constant 14 : i32
    %gt3A_1988 = arith.cmpi sgt, %add3A, %gt3A_1987 : i32
    %select_n3A_1989 = arith.select %gt3A_1988, %get3A_1985, %broadcast_in_dim3A_3 : vector<16xi32>
    %add3A_1990 = arith.addi %add3A_1981, %select_n3A_1989 : vector<16xi32>
    %get3A_1991 = arith.constant 15 : i32
    %get3A_1992 = arith.index_cast %get3A_1991 : i32 to index
    %get3A_1993 = arith.constant 0 : index
    %get3A_1994 = tpu.vector_load %arg13[%get3A_1992, %get3A_1993] {strides = array<i32>} : memref<32x16xi32, #tpu.memory_space<vmem>>, vector<16xi32>,
    %add3A_1995 = arith.addi %add3A_1986, %get3A_1994 : vector<16xi32>
    %gt3A_1996 = arith.constant 15 : i32
    %gt3A_1997 = arith.cmpi sgt, %add3A, %gt3A_1996 : i32
    %select_n3A_1998 = arith.select %gt3A_1997, %get3A_1994, %broadcast_in_dim3A_3 : vector<16xi32>
    %add3A_1999 = arith.addi %add3A_1990, %select_n3A_1998 : vector<16xi32>
    %get3A_2000 = arith.constant 16 : i32
    %get3A_2001 = arith.index_cast %get3A_2000 : i32 to index
    %get3A_2002 = arith.constant 0 : index
    %get3A_2003 = tpu.vector_load %arg13[%get3A_2001, %get3A_2002] {strides = array<i32>} : memref<32x16xi32, #tpu.memory_space<vmem>>, vector<16xi32>,
    %add3A_2004 = arith.addi %add3A_1995, %get3A_2003 : vector<16xi32>
    %gt3A_2005 = arith.constant 16 : i32
    %gt3A_2006 = arith.cmpi sgt, %add3A, %gt3A_2005 : i32
    %select_n3A_2007 = arith.select %gt3A_2006, %get3A_2003, %broadcast_in_dim3A_3 : vector<16xi32>
    %add3A_2008 = arith.addi %add3A_1999, %select_n3A_2007 : vector<16xi32>
    %get3A_2009 = arith.constant 17 : i32
    %get3A_2010 = arith.index_cast %get3A_2009 : i32 to index
    %get3A_2011 = arith.constant 0 : index
    %get3A_2012 = tpu.vector_load %arg13[%get3A_2010, %get3A_2011] {strides = array<i32>} : memref<32x16xi32, #tpu.memory_space<vmem>>, vector<16xi32>,
    %add3A_2013 = arith.addi %add3A_2004, %get3A_2012 : vector<16xi32>
    %gt3A_2014 = arith.constant 17 : i32
    %gt3A_2015 = arith.cmpi sgt, %add3A, %gt3A_2014 : i32
    %select_n3A_2016 = arith.select %gt3A_2015, %get3A_2012, %broadcast_in_dim3A_3 : vector<16xi32>
    %add3A_2017 = arith.addi %add3A_2008, %select_n3A_2016 : vector<16xi32>
    %get3A_2018 = arith.constant 18 : i32
    %get3A_2019 = arith.index_cast %get3A_2018 : i32 to index
    %get3A_2020 = arith.constant 0 : index
    %get3A_2021 = tpu.vector_load %arg13[%get3A_2019, %get3A_2020] {strides = array<i32>} : memref<32x16xi32, #tpu.memory_space<vmem>>, vector<16xi32>,
    %add3A_2022 = arith.addi %add3A_2013, %get3A_2021 : vector<16xi32>
    %gt3A_2023 = arith.constant 18 : i32
    %gt3A_2024 = arith.cmpi sgt, %add3A, %gt3A_2023 : i32
    %select_n3A_2025 = arith.select %gt3A_2024, %get3A_2021, %broadcast_in_dim3A_3 : vector<16xi32>
    %add3A_2026 = arith.addi %add3A_2017, %select_n3A_2025 : vector<16xi32>
    %get3A_2027 = arith.constant 19 : i32
    %get3A_2028 = arith.index_cast %get3A_2027 : i32 to index
    %get3A_2029 = arith.constant 0 : index
    %get3A_2030 = tpu.vector_load %arg13[%get3A_2028, %get3A_2029] {strides = array<i32>} : memref<32x16xi32, #tpu.memory_space<vmem>>, vector<16xi32>,
    %add3A_2031 = arith.addi %add3A_2022, %get3A_2030 : vector<16xi32>
    %gt3A_2032 = arith.constant 19 : i32
    %gt3A_2033 = arith.cmpi sgt, %add3A, %gt3A_2032 : i32
    %select_n3A_2034 = arith.select %gt3A_2033, %get3A_2030, %broadcast_in_dim3A_3 : vector<16xi32>
    %add3A_2035 = arith.addi %add3A_2026, %select_n3A_2034 : vector<16xi32>
    %get3A_2036 = arith.constant 20 : i32
    %get3A_2037 = arith.index_cast %get3A_2036 : i32 to index
    %get3A_2038 = arith.constant 0 : index
    %get3A_2039 = tpu.vector_load %arg13[%get3A_2037, %get3A_2038] {strides = array<i32>} : memref<32x16xi32, #tpu.memory_space<vmem>>, vector<16xi32>,
    %add3A_2040 = arith.addi %add3A_2031, %get3A_2039 : vector<16xi32>
    %gt3A_2041 = arith.constant 20 : i32
    %gt3A_2042 = arith.cmpi sgt, %add3A, %gt3A_2041 : i32
    %select_n3A_2043 = arith.select %gt3A_2042, %get3A_2039, %broadcast_in_dim3A_3 : vector<16xi32>
    %add3A_2044 = arith.addi %add3A_2035, %select_n3A_2043 : vector<16xi32>
    %get3A_2045 = arith.constant 21 : i32
    %get3A_2046 = arith.index_cast %get3A_2045 : i32 to index
    %get3A_2047 = arith.constant 0 : index
    %get3A_2048 = tpu.vector_load %arg13[%get3A_2046, %get3A_2047] {strides = array<i32>} : memref<32x16xi32, #tpu.memory_space<vmem>>, vector<16xi32>,
    %add3A_2049 = arith.addi %add3A_2040, %get3A_2048 : vector<16xi32>
    %gt3A_2050 = arith.constant 21 : i32
    %gt3A_2051 = arith.cmpi sgt, %add3A, %gt3A_2050 : i32
    %select_n3A_2052 = arith.select %gt3A_2051, %get3A_2048, %broadcast_in_dim3A_3 : vector<16xi32>
    %add3A_2053 = arith.addi %add3A_2044, %select_n3A_2052 : vector<16xi32>
    %get3A_2054 = arith.constant 22 : i32
    %get3A_2055 = arith.index_cast %get3A_2054 : i32 to index
    %get3A_2056 = arith.constant 0 : index
    %get3A_2057 = tpu.vector_load %arg13[%get3A_2055, %get3A_2056] {strides = array<i32>} : memref<32x16xi32, #tpu.memory_space<vmem>>, vector<16xi32>,
    %add3A_2058 = arith.addi %add3A_2049, %get3A_2057 : vector<16xi32>
    %gt3A_2059 = arith.constant 22 : i32
    %gt3A_2060 = arith.cmpi sgt, %add3A, %gt3A_2059 : i32
    %select_n3A_2061 = arith.select %gt3A_2060, %get3A_2057, %broadcast_in_dim3A_3 : vector<16xi32>
    %add3A_2062 = arith.addi %add3A_2053, %select_n3A_2061 : vector<16xi32>
    %get3A_2063 = arith.constant 23 : i32
    %get3A_2064 = arith.index_cast %get3A_2063 : i32 to index
    %get3A_2065 = arith.constant 0 : index
    %get3A_2066 = tpu.vector_load %arg13[%get3A_2064, %get3A_2065] {strides = array<i32>} : memref<32x16xi32, #tpu.memory_space<vmem>>, vector<16xi32>,
    %add3A_2067 = arith.addi %add3A_2058, %get3A_2066 : vector<16xi32>
    %gt3A_2068 = arith.constant 23 : i32
    %gt3A_2069 = arith.cmpi sgt, %add3A, %gt3A_2068 : i32
    %select_n3A_2070 = arith.select %gt3A_2069, %get3A_2066, %broadcast_in_dim3A_3 : vector<16xi32>
    %add3A_2071 = arith.addi %add3A_2062, %select_n3A_2070 : vector<16xi32>
    %get3A_2072 = arith.constant 24 : i32
    %get3A_2073 = arith.index_cast %get3A_2072 : i32 to index
    %get3A_2074 = arith.constant 0 : index
    %get3A_2075 = tpu.vector_load %arg13[%get3A_2073, %get3A_2074] {strides = array<i32>} : memref<32x16xi32, #tpu.memory_space<vmem>>, vector<16xi32>,
    %add3A_2076 = arith.addi %add3A_2067, %get3A_2075 : vector<16xi32>
    %gt3A_2077 = arith.constant 24 : i32
    %gt3A_2078 = arith.cmpi sgt, %add3A, %gt3A_2077 : i32
    %select_n3A_2079 = arith.select %gt3A_2078, %get3A_2075, %broadcast_in_dim3A_3 : vector<16xi32>
    %add3A_2080 = arith.addi %add3A_2071, %select_n3A_2079 : vector<16xi32>
    %get3A_2081 = arith.constant 25 : i32
    %get3A_2082 = arith.index_cast %get3A_2081 : i32 to index
    %get3A_2083 = arith.constant 0 : index
    %get3A_2084 = tpu.vector_load %arg13[%get3A_2082, %get3A_2083] {strides = array<i32>} : memref<32x16xi32, #tpu.memory_space<vmem>>, vector<16xi32>,
    %add3A_2085 = arith.addi %add3A_2076, %get3A_2084 : vector<16xi32>
    %gt3A_2086 = arith.constant 25 : i32
    %gt3A_2087 = arith.cmpi sgt, %add3A, %gt3A_2086 : i32
    %select_n3A_2088 = arith.select %gt3A_2087, %get3A_2084, %broadcast_in_dim3A_3 : vector<16xi32>
    %add3A_2089 = arith.addi %add3A_2080, %select_n3A_2088 : vector<16xi32>
    %get3A_2090 = arith.constant 26 : i32
    %get3A_2091 = arith.index_cast %get3A_2090 : i32 to index
    %get3A_2092 = arith.constant 0 : index
    %get3A_2093 = tpu.vector_load %arg13[%get3A_2091, %get3A_2092] {strides = array<i32>} : memref<32x16xi32, #tpu.memory_space<vmem>>, vector<16xi32>,
    %add3A_2094 = arith.addi %add3A_2085, %get3A_2093 : vector<16xi32>
    %gt3A_2095 = arith.constant 26 : i32
    %gt3A_2096 = arith.cmpi sgt, %add3A, %gt3A_2095 : i32
    %select_n3A_2097 = arith.select %gt3A_2096, %get3A_2093, %broadcast_in_dim3A_3 : vector<16xi32>
    %add3A_2098 = arith.addi %add3A_2089, %select_n3A_2097 : vector<16xi32>
    %get3A_2099 = arith.constant 27 : i32
    %get3A_2100 = arith.index_cast %get3A_2099 : i32 to index
    %get3A_2101 = arith.constant 0 : index
    %get3A_2102 = tpu.vector_load %arg13[%get3A_2100, %get3A_2101] {strides = array<i32>} : memref<32x16xi32, #tpu.memory_space<vmem>>, vector<16xi32>,
    %add3A_2103 = arith.addi %add3A_2094, %get3A_2102 : vector<16xi32>
    %gt3A_2104 = arith.constant 27 : i32
    %gt3A_2105 = arith.cmpi sgt, %add3A, %gt3A_2104 : i32
    %select_n3A_2106 = arith.select %gt3A_2105, %get3A_2102, %broadcast_in_dim3A_3 : vector<16xi32>
    %add3A_2107 = arith.addi %add3A_2098, %select_n3A_2106 : vector<16xi32>
    %get3A_2108 = arith.constant 28 : i32
    %get3A_2109 = arith.index_cast %get3A_2108 : i32 to index
    %get3A_2110 = arith.constant 0 : index
    %get3A_2111 = tpu.vector_load %arg13[%get3A_2109, %get3A_2110] {strides = array<i32>} : memref<32x16xi32, #tpu.memory_space<vmem>>, vector<16xi32>,
    %add3A_2112 = arith.addi %add3A_2103, %get3A_2111 : vector<16xi32>
    %gt3A_2113 = arith.constant 28 : i32
    %gt3A_2114 = arith.cmpi sgt, %add3A, %gt3A_2113 : i32
    %select_n3A_2115 = arith.select %gt3A_2114, %get3A_2111, %broadcast_in_dim3A_3 : vector<16xi32>
    %add3A_2116 = arith.addi %add3A_2107, %select_n3A_2115 : vector<16xi32>
    %get3A_2117 = arith.constant 29 : i32
    %get3A_2118 = arith.index_cast %get3A_2117 : i32 to index
    %get3A_2119 = arith.constant 0 : index
    %get3A_2120 = tpu.vector_load %arg13[%get3A_2118, %get3A_2119] {strides = array<i32>} : memref<32x16xi32, #tpu.memory_space<vmem>>, vector<16xi32>,
    %add3A_2121 = arith.addi %add3A_2112, %get3A_2120 : vector<16xi32>
    %gt3A_2122 = arith.constant 29 : i32
    %gt3A_2123 = arith.cmpi sgt, %add3A, %gt3A_2122 : i32
    %select_n3A_2124 = arith.select %gt3A_2123, %get3A_2120, %broadcast_in_dim3A_3 : vector<16xi32>
    %add3A_2125 = arith.addi %add3A_2116, %select_n3A_2124 : vector<16xi32>
    %get3A_2126 = arith.constant 30 : i32
    %get3A_2127 = arith.index_cast %get3A_2126 : i32 to index
    %get3A_2128 = arith.constant 0 : index
    %get3A_2129 = tpu.vector_load %arg13[%get3A_2127, %get3A_2128] {strides = array<i32>} : memref<32x16xi32, #tpu.memory_space<vmem>>, vector<16xi32>,
    %add3A_2130 = arith.addi %add3A_2121, %get3A_2129 : vector<16xi32>
    %gt3A_2131 = arith.constant 30 : i32
    %gt3A_2132 = arith.cmpi sgt, %add3A, %gt3A_2131 : i32
    %select_n3A_2133 = arith.select %gt3A_2132, %get3A_2129, %broadcast_in_dim3A_3 : vector<16xi32>
    %add3A_2134 = arith.addi %add3A_2125, %select_n3A_2133 : vector<16xi32>
    %get3A_2135 = arith.constant 31 : i32
    %get3A_2136 = arith.index_cast %get3A_2135 : i32 to index
    %get3A_2137 = arith.constant 0 : index
    %get3A_2138 = tpu.vector_load %arg13[%get3A_2136, %get3A_2137] {strides = array<i32>} : memref<32x16xi32, #tpu.memory_space<vmem>>, vector<16xi32>,
    %add3A_2139 = arith.addi %add3A_2130, %get3A_2138 : vector<16xi32>
    %gt3A_2140 = arith.constant 31 : i32
    %gt3A_2141 = arith.cmpi sgt, %add3A, %gt3A_2140 : i32
    %select_n3A_2142 = arith.select %gt3A_2141, %get3A_2138, %broadcast_in_dim3A_3 : vector<16xi32>
    %add3A_2143 = arith.addi %add3A_2134, %select_n3A_2142 : vector<16xi32>
    %eq3A_2144 = arith.constant 0 : i32
    %eq3A_2145 = vector.broadcast %eq3A_2144 : i32 to vector<16xi32>
    %eq3A_2146 = arith.cmpi eq, %iota3A, %eq3A_2145 : vector<16xi32>
    %select_n3A_2147 = arith.select %eq3A_2146, %add3A_2139, %broadcast_in_dim3A_3 : vector<16xi1>, vector<16xi32>
    %reduce_sum3A_2148 = arith.constant true
    %reduce_sum3A_2149 = vector.broadcast %reduce_sum3A_2148 : i1 to vector<16xi1>
    %reduce_sum3A_2150 = tpu.scan <sum>, %select_n3A_2147 masked %reduce_sum3A_2149 : vector<16xi32>, vector<16xi1> -> vector<16xi32>
    %reduce_sum3A_2151 = vector.extract %reduce_sum3A_2150[15] : i32 from vector<16xi32>
    %eq3A_2152 = arith.constant 0 : i32
    %eq3A_2153 = vector.broadcast %eq3A_2152 : i32 to vector<16xi32>
    %eq3A_2154 = arith.cmpi eq, %iota3A, %eq3A_2153 : vector<16xi32>
    %select_n3A_2155 = arith.select %eq3A_2154, %add3A_2143, %broadcast_in_dim3A_3 : vector<16xi1>, vector<16xi32>
    %reduce_sum3A_2156 = arith.constant true
    %reduce_sum3A_2157 = vector.broadcast %reduce_sum3A_2156 : i1 to vector<16xi1>
    %reduce_sum3A_2158 = tpu.scan <sum>, %select_n3A_2155 masked %reduce_sum3A_2157 : vector<16xi32>, vector<16xi1> -> vector<16xi32>
    %reduce_sum3A_2159 = vector.extract %reduce_sum3A_2158[15] : i32 from vector<16xi32>
    %add3A_2160 = arith.constant 0 : i32
    %add3A_2161 = arith.addi %add3A_2160, %reduce_sum3A_2159 : i32
    %add3A_2162 = arith.constant 127 : i32
    %add3A_2163 = arith.addi %reduce_sum3A_2151, %add3A_2162 : i32
    %shift_right_arithmetic3A = arith.constant 7 : i32
    %shift_right_arithmetic3A_2164 = arith.shrsi %add3A_2163, %shift_right_arithmetic3A : i32
    %add3A_2165 = arith.constant 0 : i32
    %add3A_2166 = arith.addi %add3A_2165, %shift_right_arithmetic3A_2164 : i32
    %eq3A_2167 = arith.constant 1 : i32
    %eq3A_2168 = vector.broadcast %eq3A_2167 : i32 to vector<16xi32>
    %eq3A_2169 = arith.cmpi eq, %iota3A, %eq3A_2168 : vector<16xi32>
    %select_n3A_2170 = arith.select %eq3A_2169, %add3A_2139, %broadcast_in_dim3A_3 : vector<16xi1>, vector<16xi32>
    %reduce_sum3A_2171 = arith.constant true
    %reduce_sum3A_2172 = vector.broadcast %reduce_sum3A_2171 : i1 to vector<16xi1>
    %reduce_sum3A_2173 = tpu.scan <sum>, %select_n3A_2170 masked %reduce_sum3A_2172 : vector<16xi32>, vector<16xi1> -> vector<16xi32>
    %reduce_sum3A_2174 = vector.extract %reduce_sum3A_2173[15] : i32 from vector<16xi32>
    %eq3A_2175 = arith.constant 1 : i32
    %eq3A_2176 = vector.broadcast %eq3A_2175 : i32 to vector<16xi32>
    %eq3A_2177 = arith.cmpi eq, %iota3A, %eq3A_2176 : vector<16xi32>
    %select_n3A_2178 = arith.select %eq3A_2177, %add3A_2143, %broadcast_in_dim3A_3 : vector<16xi1>, vector<16xi32>
    %reduce_sum3A_2179 = arith.constant true
    %reduce_sum3A_2180 = vector.broadcast %reduce_sum3A_2179 : i1 to vector<16xi1>
    %reduce_sum3A_2181 = tpu.scan <sum>, %select_n3A_2178 masked %reduce_sum3A_2180 : vector<16xi32>, vector<16xi1> -> vector<16xi32>
    %reduce_sum3A_2182 = vector.extract %reduce_sum3A_2181[15] : i32 from vector<16xi32>
    %mul3A_2183 = arith.constant 128 : i32
    %mul3A_2184 = arith.muli %add3A_2166, %mul3A_2183 : i32
    %add3A_2185 = arith.addi %mul3A_2184, %reduce_sum3A_2182 : i32
    %add3A_2186 = arith.constant 127 : i32
    %add3A_2187 = arith.addi %reduce_sum3A_2174, %add3A_2186 : i32
    %shift_right_arithmetic3A_2188 = arith.constant 7 : i32
    %shift_right_arithmetic3A_2189 = arith.shrsi %add3A_2187, %shift_right_arithmetic3A_2188 : i32
    %add3A_2190 = arith.addi %add3A_2166, %shift_right_arithmetic3A_2189 : i32
    %eq3A_2191 = arith.constant 2 : i32
    %eq3A_2192 = vector.broadcast %eq3A_2191 : i32 to vector<16xi32>
    %eq3A_2193 = arith.cmpi eq, %iota3A, %eq3A_2192 : vector<16xi32>
    %select_n3A_2194 = arith.select %eq3A_2193, %add3A_2139, %broadcast_in_dim3A_3 : vector<16xi1>, vector<16xi32>
    %reduce_sum3A_2195 = arith.constant true
    %reduce_sum3A_2196 = vector.broadcast %reduce_sum3A_2195 : i1 to vector<16xi1>
    %reduce_sum3A_2197 = tpu.scan <sum>, %select_n3A_2194 masked %reduce_sum3A_2196 : vector<16xi32>, vector<16xi1> -> vector<16xi32>
    %reduce_sum3A_2198 = vector.extract %reduce_sum3A_2197[15] : i32 from vector<16xi32>
    %eq3A_2199 = arith.constant 2 : i32
    %eq3A_2200 = vector.broadcast %eq3A_2199 : i32 to vector<16xi32>
    %eq3A_2201 = arith.cmpi eq, %iota3A, %eq3A_2200 : vector<16xi32>
    %select_n3A_2202 = arith.select %eq3A_2201, %add3A_2143, %broadcast_in_dim3A_3 : vector<16xi1>, vector<16xi32>
    %reduce_sum3A_2203 = arith.constant true
    %reduce_sum3A_2204 = vector.broadcast %reduce_sum3A_2203 : i1 to vector<16xi1>
    %reduce_sum3A_2205 = tpu.scan <sum>, %select_n3A_2202 masked %reduce_sum3A_2204 : vector<16xi32>, vector<16xi1> -> vector<16xi32>
    %reduce_sum3A_2206 = vector.extract %reduce_sum3A_2205[15] : i32 from vector<16xi32>
    %mul3A_2207 = arith.constant 128 : i32
    %mul3A_2208 = arith.muli %add3A_2190, %mul3A_2207 : i32
    %add3A_2209 = arith.addi %mul3A_2208, %reduce_sum3A_2206 : i32
    %add3A_2210 = arith.constant 127 : i32
    %add3A_2211 = arith.addi %reduce_sum3A_2198, %add3A_2210 : i32
    %shift_right_arithmetic3A_2212 = arith.constant 7 : i32
    %shift_right_arithmetic3A_2213 = arith.shrsi %add3A_2211, %shift_right_arithmetic3A_2212 : i32
    %add3A_2214 = arith.addi %add3A_2190, %shift_right_arithmetic3A_2213 : i32
    %eq3A_2215 = arith.constant 3 : i32
    %eq3A_2216 = vector.broadcast %eq3A_2215 : i32 to vector<16xi32>
    %eq3A_2217 = arith.cmpi eq, %iota3A, %eq3A_2216 : vector<16xi32>
    %select_n3A_2218 = arith.select %eq3A_2217, %add3A_2139, %broadcast_in_dim3A_3 : vector<16xi1>, vector<16xi32>
    %reduce_sum3A_2219 = arith.constant true
    %reduce_sum3A_2220 = vector.broadcast %reduce_sum3A_2219 : i1 to vector<16xi1>
    %reduce_sum3A_2221 = tpu.scan <sum>, %select_n3A_2218 masked %reduce_sum3A_2220 : vector<16xi32>, vector<16xi1> -> vector<16xi32>
    %reduce_sum3A_2222 = vector.extract %reduce_sum3A_2221[15] : i32 from vector<16xi32>
    %eq3A_2223 = arith.constant 3 : i32
    %eq3A_2224 = vector.broadcast %eq3A_2223 : i32 to vector<16xi32>
    %eq3A_2225 = arith.cmpi eq, %iota3A, %eq3A_2224 : vector<16xi32>
    %select_n3A_2226 = arith.select %eq3A_2225, %add3A_2143, %broadcast_in_dim3A_3 : vector<16xi1>, vector<16xi32>
    %reduce_sum3A_2227 = arith.constant true
    %reduce_sum3A_2228 = vector.broadcast %reduce_sum3A_2227 : i1 to vector<16xi1>
    %reduce_sum3A_2229 = tpu.scan <sum>, %select_n3A_2226 masked %reduce_sum3A_2228 : vector<16xi32>, vector<16xi1> -> vector<16xi32>
    %reduce_sum3A_2230 = vector.extract %reduce_sum3A_2229[15] : i32 from vector<16xi32>
    %mul3A_2231 = arith.constant 128 : i32
    %mul3A_2232 = arith.muli %add3A_2214, %mul3A_2231 : i32
    %add3A_2233 = arith.addi %mul3A_2232, %reduce_sum3A_2230 : i32
    %add3A_2234 = arith.constant 127 : i32
    %add3A_2235 = arith.addi %reduce_sum3A_2222, %add3A_2234 : i32
    %shift_right_arithmetic3A_2236 = arith.constant 7 : i32
    %shift_right_arithmetic3A_2237 = arith.shrsi %add3A_2235, %shift_right_arithmetic3A_2236 : i32
    %add3A_2238 = arith.addi %add3A_2214, %shift_right_arithmetic3A_2237 : i32
    %eq3A_2239 = arith.constant 4 : i32
    %eq3A_2240 = vector.broadcast %eq3A_2239 : i32 to vector<16xi32>
    %eq3A_2241 = arith.cmpi eq, %iota3A, %eq3A_2240 : vector<16xi32>
    %select_n3A_2242 = arith.select %eq3A_2241, %add3A_2139, %broadcast_in_dim3A_3 : vector<16xi1>, vector<16xi32>
    %reduce_sum3A_2243 = arith.constant true
    %reduce_sum3A_2244 = vector.broadcast %reduce_sum3A_2243 : i1 to vector<16xi1>
    %reduce_sum3A_2245 = tpu.scan <sum>, %select_n3A_2242 masked %reduce_sum3A_2244 : vector<16xi32>, vector<16xi1> -> vector<16xi32>
    %reduce_sum3A_2246 = vector.extract %reduce_sum3A_2245[15] : i32 from vector<16xi32>
    %eq3A_2247 = arith.constant 4 : i32
    %eq3A_2248 = vector.broadcast %eq3A_2247 : i32 to vector<16xi32>
    %eq3A_2249 = arith.cmpi eq, %iota3A, %eq3A_2248 : vector<16xi32>
    %select_n3A_2250 = arith.select %eq3A_2249, %add3A_2143, %broadcast_in_dim3A_3 : vector<16xi1>, vector<16xi32>
    %reduce_sum3A_2251 = arith.constant true
    %reduce_sum3A_2252 = vector.broadcast %reduce_sum3A_2251 : i1 to vector<16xi1>
    %reduce_sum3A_2253 = tpu.scan <sum>, %select_n3A_2250 masked %reduce_sum3A_2252 : vector<16xi32>, vector<16xi1> -> vector<16xi32>
    %reduce_sum3A_2254 = vector.extract %reduce_sum3A_2253[15] : i32 from vector<16xi32>
    %mul3A_2255 = arith.constant 128 : i32
    %mul3A_2256 = arith.muli %add3A_2238, %mul3A_2255 : i32
    %add3A_2257 = arith.addi %mul3A_2256, %reduce_sum3A_2254 : i32
    %add3A_2258 = arith.constant 127 : i32
    %add3A_2259 = arith.addi %reduce_sum3A_2246, %add3A_2258 : i32
    %shift_right_arithmetic3A_2260 = arith.constant 7 : i32
    %shift_right_arithmetic3A_2261 = arith.shrsi %add3A_2259, %shift_right_arithmetic3A_2260 : i32
    %add3A_2262 = arith.addi %add3A_2238, %shift_right_arithmetic3A_2261 : i32
    %eq3A_2263 = arith.constant 5 : i32
    %eq3A_2264 = vector.broadcast %eq3A_2263 : i32 to vector<16xi32>
    %eq3A_2265 = arith.cmpi eq, %iota3A, %eq3A_2264 : vector<16xi32>
    %select_n3A_2266 = arith.select %eq3A_2265, %add3A_2139, %broadcast_in_dim3A_3 : vector<16xi1>, vector<16xi32>
    %reduce_sum3A_2267 = arith.constant true
    %reduce_sum3A_2268 = vector.broadcast %reduce_sum3A_2267 : i1 to vector<16xi1>
    %reduce_sum3A_2269 = tpu.scan <sum>, %select_n3A_2266 masked %reduce_sum3A_2268 : vector<16xi32>, vector<16xi1> -> vector<16xi32>
    %reduce_sum3A_2270 = vector.extract %reduce_sum3A_2269[15] : i32 from vector<16xi32>
    %eq3A_2271 = arith.constant 5 : i32
    %eq3A_2272 = vector.broadcast %eq3A_2271 : i32 to vector<16xi32>
    %eq3A_2273 = arith.cmpi eq, %iota3A, %eq3A_2272 : vector<16xi32>
    %select_n3A_2274 = arith.select %eq3A_2273, %add3A_2143, %broadcast_in_dim3A_3 : vector<16xi1>, vector<16xi32>
    %reduce_sum3A_2275 = arith.constant true
    %reduce_sum3A_2276 = vector.broadcast %reduce_sum3A_2275 : i1 to vector<16xi1>
    %reduce_sum3A_2277 = tpu.scan <sum>, %select_n3A_2274 masked %reduce_sum3A_2276 : vector<16xi32>, vector<16xi1> -> vector<16xi32>
    %reduce_sum3A_2278 = vector.extract %reduce_sum3A_2277[15] : i32 from vector<16xi32>
    %mul3A_2279 = arith.constant 128 : i32
    %mul3A_2280 = arith.muli %add3A_2262, %mul3A_2279 : i32
    %add3A_2281 = arith.addi %mul3A_2280, %reduce_sum3A_2278 : i32
    %add3A_2282 = arith.constant 127 : i32
    %add3A_2283 = arith.addi %reduce_sum3A_2270, %add3A_2282 : i32
    %shift_right_arithmetic3A_2284 = arith.constant 7 : i32
    %shift_right_arithmetic3A_2285 = arith.shrsi %add3A_2283, %shift_right_arithmetic3A_2284 : i32
    %add3A_2286 = arith.addi %add3A_2262, %shift_right_arithmetic3A_2285 : i32
    %eq3A_2287 = arith.constant 6 : i32
    %eq3A_2288 = vector.broadcast %eq3A_2287 : i32 to vector<16xi32>
    %eq3A_2289 = arith.cmpi eq, %iota3A, %eq3A_2288 : vector<16xi32>
    %select_n3A_2290 = arith.select %eq3A_2289, %add3A_2139, %broadcast_in_dim3A_3 : vector<16xi1>, vector<16xi32>
    %reduce_sum3A_2291 = arith.constant true
    %reduce_sum3A_2292 = vector.broadcast %reduce_sum3A_2291 : i1 to vector<16xi1>
    %reduce_sum3A_2293 = tpu.scan <sum>, %select_n3A_2290 masked %reduce_sum3A_2292 : vector<16xi32>, vector<16xi1> -> vector<16xi32>
    %reduce_sum3A_2294 = vector.extract %reduce_sum3A_2293[15] : i32 from vector<16xi32>
    %eq3A_2295 = arith.constant 6 : i32
    %eq3A_2296 = vector.broadcast %eq3A_2295 : i32 to vector<16xi32>
    %eq3A_2297 = arith.cmpi eq, %iota3A, %eq3A_2296 : vector<16xi32>
    %select_n3A_2298 = arith.select %eq3A_2297, %add3A_2143, %broadcast_in_dim3A_3 : vector<16xi1>, vector<16xi32>
    %reduce_sum3A_2299 = arith.constant true
    %reduce_sum3A_2300 = vector.broadcast %reduce_sum3A_2299 : i1 to vector<16xi1>
    %reduce_sum3A_2301 = tpu.scan <sum>, %select_n3A_2298 masked %reduce_sum3A_2300 : vector<16xi32>, vector<16xi1> -> vector<16xi32>
    %reduce_sum3A_2302 = vector.extract %reduce_sum3A_2301[15] : i32 from vector<16xi32>
    %mul3A_2303 = arith.constant 128 : i32
    %mul3A_2304 = arith.muli %add3A_2286, %mul3A_2303 : i32
    %add3A_2305 = arith.addi %mul3A_2304, %reduce_sum3A_2302 : i32
    %add3A_2306 = arith.constant 127 : i32
    %add3A_2307 = arith.addi %reduce_sum3A_2294, %add3A_2306 : i32
    %shift_right_arithmetic3A_2308 = arith.constant 7 : i32
    %shift_right_arithmetic3A_2309 = arith.shrsi %add3A_2307, %shift_right_arithmetic3A_2308 : i32
    %add3A_2310 = arith.addi %add3A_2286, %shift_right_arithmetic3A_2309 : i32
    %eq3A_2311 = arith.constant 7 : i32
    %eq3A_2312 = vector.broadcast %eq3A_2311 : i32 to vector<16xi32>
    %eq3A_2313 = arith.cmpi eq, %iota3A, %eq3A_2312 : vector<16xi32>
    %select_n3A_2314 = arith.select %eq3A_2313, %add3A_2139, %broadcast_in_dim3A_3 : vector<16xi1>, vector<16xi32>
    %reduce_sum3A_2315 = arith.constant true
    %reduce_sum3A_2316 = vector.broadcast %reduce_sum3A_2315 : i1 to vector<16xi1>
    %reduce_sum3A_2317 = tpu.scan <sum>, %select_n3A_2314 masked %reduce_sum3A_2316 : vector<16xi32>, vector<16xi1> -> vector<16xi32>
    %reduce_sum3A_2318 = vector.extract %reduce_sum3A_2317[15] : i32 from vector<16xi32>
    %eq3A_2319 = arith.constant 7 : i32
    %eq3A_2320 = vector.broadcast %eq3A_2319 : i32 to vector<16xi32>
    %eq3A_2321 = arith.cmpi eq, %iota3A, %eq3A_2320 : vector<16xi32>
    %select_n3A_2322 = arith.select %eq3A_2321, %add3A_2143, %broadcast_in_dim3A_3 : vector<16xi1>, vector<16xi32>
    %reduce_sum3A_2323 = arith.constant true
    %reduce_sum3A_2324 = vector.broadcast %reduce_sum3A_2323 : i1 to vector<16xi1>
    %reduce_sum3A_2325 = tpu.scan <sum>, %select_n3A_2322 masked %reduce_sum3A_2324 : vector<16xi32>, vector<16xi1> -> vector<16xi32>
    %reduce_sum3A_2326 = vector.extract %reduce_sum3A_2325[15] : i32 from vector<16xi32>
    %mul3A_2327 = arith.constant 128 : i32
    %mul3A_2328 = arith.muli %add3A_2310, %mul3A_2327 : i32
    %add3A_2329 = arith.addi %mul3A_2328, %reduce_sum3A_2326 : i32
    %add3A_2330 = arith.constant 127 : i32
    %add3A_2331 = arith.addi %reduce_sum3A_2318, %add3A_2330 : i32
    %shift_right_arithmetic3A_2332 = arith.constant 7 : i32
    %shift_right_arithmetic3A_2333 = arith.shrsi %add3A_2331, %shift_right_arithmetic3A_2332 : i32
    %add3A_2334 = arith.addi %add3A_2310, %shift_right_arithmetic3A_2333 : i32
    %broadcast_in_dim3A_2335 = arith.constant 5119 : i32
    %broadcast_in_dim3A_2336 = vector.broadcast %broadcast_in_dim3A_2335 : i32 to vector<16xi32>
    %mul3A_2337 = arith.constant 128 : i32
    %mul3A_2338 = arith.muli %arg0, %mul3A_2337 : i32
    %add3A_2339 = arith.constant 0 : i32
    %add3A_2340 = arith.addi %mul3A_2338, %add3A_2339 : i32
    %get3A_2341 = arith.index_cast %add3A_2340 : i32 to index
    %get3A_2342 = tpu.vector_load %arg9[%get3A_2341] {strides = array<i32>} : memref<256xi32, #tpu.memory_space<vmem>>, vector<16xi32>,
    %eq3A_2343 = arith.constant 0 : i32
    %eq3A_2344 = vector.broadcast %eq3A_2343 : i32 to vector<16xi32>
    %eq3A_2345 = arith.cmpi eq, %get3A_2342, %eq3A_2344 : vector<16xi32>
    %convert_element_type3A_2346 = arith.extui %eq3A_2345 : vector<16xi1> to vector<16xi32>
    %broadcast_in_dim3A_2347 = arith.constant true
    %broadcast_in_dim3A_2348 = vector.broadcast %broadcast_in_dim3A_2347 : i1 to vector<16xi1>
    %masked_cumsum3A = tpu.scan <sum>, %convert_element_type3A_2346 masked %broadcast_in_dim3A_2348 : vector<16xi32>, vector<16xi1> -> vector<16xi32>
    %sub3A = arith.subi %masked_cumsum3A, %convert_element_type3A_2346 : vector<16xi32>
    %add3A_2349 = vector.broadcast %add3A_2161 : i32 to vector<16xi32>
    %add3A_2350 = arith.addi %add3A_2349, %sub3A : vector<16xi32>
    %select_n3A_2351 = arith.select %eq3A_2345, %add3A_2350, %broadcast_in_dim3A_3 : vector<16xi1>, vector<16xi32>
    %reduce_sum3A_2352 = arith.constant true
    %reduce_sum3A_2353 = vector.broadcast %reduce_sum3A_2352 : i1 to vector<16xi1>
    %reduce_sum3A_2354 = tpu.scan <sum>, %convert_element_type3A_2346 masked %reduce_sum3A_2353 : vector<16xi32>, vector<16xi1> -> vector<16xi32>
    %reduce_sum3A_2355 = vector.extract %reduce_sum3A_2354[15] : i32 from vector<16xi32>
    %add3A_2356 = arith.addi %add3A_2161, %reduce_sum3A_2355 : i32
    %eq3A_2357 = arith.constant 1 : i32
    %eq3A_2358 = vector.broadcast %eq3A_2357 : i32 to vector<16xi32>
    %eq3A_2359 = arith.cmpi eq, %get3A_2342, %eq3A_2358 : vector<16xi32>
    %convert_element_type3A_2360 = arith.extui %eq3A_2359 : vector<16xi1> to vector<16xi32>
    %broadcast_in_dim3A_2361 = arith.constant true
    %broadcast_in_dim3A_2362 = vector.broadcast %broadcast_in_dim3A_2361 : i1 to vector<16xi1>
    %masked_cumsum3A_2363 = tpu.scan <sum>, %convert_element_type3A_2360 masked %broadcast_in_dim3A_2362 : vector<16xi32>, vector<16xi1> -> vector<16xi32>
    %sub3A_2364 = arith.subi %masked_cumsum3A_2363, %convert_element_type3A_2360 : vector<16xi32>
    %add3A_2365 = vector.broadcast %add3A_2185 : i32 to vector<16xi32>
    %add3A_2366 = arith.addi %add3A_2365, %sub3A_2364 : vector<16xi32>
    %select_n3A_2367 = arith.select %eq3A_2359, %add3A_2366, %select_n3A_2351 : vector<16xi1>, vector<16xi32>
    %reduce_sum3A_2368 = arith.constant true
    %reduce_sum3A_2369 = vector.broadcast %reduce_sum3A_2368 : i1 to vector<16xi1>
    %reduce_sum3A_2370 = tpu.scan <sum>, %convert_element_type3A_2360 masked %reduce_sum3A_2369 : vector<16xi32>, vector<16xi1> -> vector<16xi32>
    %reduce_sum3A_2371 = vector.extract %reduce_sum3A_2370[15] : i32 from vector<16xi32>
    %add3A_2372 = arith.addi %add3A_2185, %reduce_sum3A_2371 : i32
    %eq3A_2373 = arith.constant 2 : i32
    %eq3A_2374 = vector.broadcast %eq3A_2373 : i32 to vector<16xi32>
    %eq3A_2375 = arith.cmpi eq, %get3A_2342, %eq3A_2374 : vector<16xi32>
    %convert_element_type3A_2376 = arith.extui %eq3A_2375 : vector<16xi1> to vector<16xi32>
    %broadcast_in_dim3A_2377 = arith.constant true
    %broadcast_in_dim3A_2378 = vector.broadcast %broadcast_in_dim3A_2377 : i1 to vector<16xi1>
    %masked_cumsum3A_2379 = tpu.scan <sum>, %convert_element_type3A_2376 masked %broadcast_in_dim3A_2378 : vector<16xi32>, vector<16xi1> -> vector<16xi32>
    %sub3A_2380 = arith.subi %masked_cumsum3A_2379, %convert_element_type3A_2376 : vector<16xi32>
    %add3A_2381 = vector.broadcast %add3A_2209 : i32 to vector<16xi32>
    %add3A_2382 = arith.addi %add3A_2381, %sub3A_2380 : vector<16xi32>
    %select_n3A_2383 = arith.select %eq3A_2375, %add3A_2382, %select_n3A_2367 : vector<16xi1>, vector<16xi32>
    %reduce_sum3A_2384 = arith.constant true
    %reduce_sum3A_2385 = vector.broadcast %reduce_sum3A_2384 : i1 to vector<16xi1>
    %reduce_sum3A_2386 = tpu.scan <sum>, %convert_element_type3A_2376 masked %reduce_sum3A_2385 : vector<16xi32>, vector<16xi1> -> vector<16xi32>
    %reduce_sum3A_2387 = vector.extract %reduce_sum3A_2386[15] : i32 from vector<16xi32>
    %add3A_2388 = arith.addi %add3A_2209, %reduce_sum3A_2387 : i32
    %eq3A_2389 = arith.constant 3 : i32
    %eq3A_2390 = vector.broadcast %eq3A_2389 : i32 to vector<16xi32>
    %eq3A_2391 = arith.cmpi eq, %get3A_2342, %eq3A_2390 : vector<16xi32>
    %convert_element_type3A_2392 = arith.extui %eq3A_2391 : vector<16xi1> to vector<16xi32>
    %broadcast_in_dim3A_2393 = arith.constant true
    %broadcast_in_dim3A_2394 = vector.broadcast %broadcast_in_dim3A_2393 : i1 to vector<16xi1>
    %masked_cumsum3A_2395 = tpu.scan <sum>, %convert_element_type3A_2392 masked %broadcast_in_dim3A_2394 : vector<16xi32>, vector<16xi1> -> vector<16xi32>
    %sub3A_2396 = arith.subi %masked_cumsum3A_2395, %convert_element_type3A_2392 : vector<16xi32>
    %add3A_2397 = vector.broadcast %add3A_2233 : i32 to vector<16xi32>
    %add3A_2398 = arith.addi %add3A_2397, %sub3A_2396 : vector<16xi32>
    %select_n3A_2399 = arith.select %eq3A_2391, %add3A_2398, %select_n3A_2383 : vector<16xi1>, vector<16xi32>
    %reduce_sum3A_2400 = arith.constant true
    %reduce_sum3A_2401 = vector.broadcast %reduce_sum3A_2400 : i1 to vector<16xi1>
    %reduce_sum3A_2402 = tpu.scan <sum>, %convert_element_type3A_2392 masked %reduce_sum3A_2401 : vector<16xi32>, vector<16xi1> -> vector<16xi32>
    %reduce_sum3A_2403 = vector.extract %reduce_sum3A_2402[15] : i32 from vector<16xi32>
    %add3A_2404 = arith.addi %add3A_2233, %reduce_sum3A_2403 : i32
    %eq3A_2405 = arith.constant 4 : i32
    %eq3A_2406 = vector.broadcast %eq3A_2405 : i32 to vector<16xi32>
    %eq3A_2407 = arith.cmpi eq, %get3A_2342, %eq3A_2406 : vector<16xi32>
    %convert_element_type3A_2408 = arith.extui %eq3A_2407 : vector<16xi1> to vector<16xi32>
    %broadcast_in_dim3A_2409 = arith.constant true
    %broadcast_in_dim3A_2410 = vector.broadcast %broadcast_in_dim3A_2409 : i1 to vector<16xi1>
    %masked_cumsum3A_2411 = tpu.scan <sum>, %convert_element_type3A_2408 masked %broadcast_in_dim3A_2410 : vector<16xi32>, vector<16xi1> -> vector<16xi32>
    %sub3A_2412 = arith.subi %masked_cumsum3A_2411, %convert_element_type3A_2408 : vector<16xi32>
    %add3A_2413 = vector.broadcast %add3A_2257 : i32 to vector<16xi32>
    %add3A_2414 = arith.addi %add3A_2413, %sub3A_2412 : vector<16xi32>
    %select_n3A_2415 = arith.select %eq3A_2407, %add3A_2414, %select_n3A_2399 : vector<16xi1>, vector<16xi32>
    %reduce_sum3A_2416 = arith.constant true
    %reduce_sum3A_2417 = vector.broadcast %reduce_sum3A_2416 : i1 to vector<16xi1>
    %reduce_sum3A_2418 = tpu.scan <sum>, %convert_element_type3A_2408 masked %reduce_sum3A_2417 : vector<16xi32>, vector<16xi1> -> vector<16xi32>
    %reduce_sum3A_2419 = vector.extract %reduce_sum3A_2418[15] : i32 from vector<16xi32>
    %add3A_2420 = arith.addi %add3A_2257, %reduce_sum3A_2419 : i32
    %eq3A_2421 = arith.constant 5 : i32
    %eq3A_2422 = vector.broadcast %eq3A_2421 : i32 to vector<16xi32>
    %eq3A_2423 = arith.cmpi eq, %get3A_2342, %eq3A_2422 : vector<16xi32>
    %convert_element_type3A_2424 = arith.extui %eq3A_2423 : vector<16xi1> to vector<16xi32>
    %broadcast_in_dim3A_2425 = arith.constant true
    %broadcast_in_dim3A_2426 = vector.broadcast %broadcast_in_dim3A_2425 : i1 to vector<16xi1>
    %masked_cumsum3A_2427 = tpu.scan <sum>, %convert_element_type3A_2424 masked %broadcast_in_dim3A_2426 : vector<16xi32>, vector<16xi1> -> vector<16xi32>
    %sub3A_2428 = arith.subi %masked_cumsum3A_2427, %convert_element_type3A_2424 : vector<16xi32>
    %add3A_2429 = vector.broadcast %add3A_2281 : i32 to vector<16xi32>
    %add3A_2430 = arith.addi %add3A_2429, %sub3A_2428 : vector<16xi32>
    %select_n3A_2431 = arith.select %eq3A_2423, %add3A_2430, %select_n3A_2415 : vector<16xi1>, vector<16xi32>
    %reduce_sum3A_2432 = arith.constant true
    %reduce_sum3A_2433 = vector.broadcast %reduce_sum3A_2432 : i1 to vector<16xi1>
    %reduce_sum3A_2434 = tpu.scan <sum>, %convert_element_type3A_2424 masked %reduce_sum3A_2433 : vector<16xi32>, vector<16xi1> -> vector<16xi32>
    %reduce_sum3A_2435 = vector.extract %reduce_sum3A_2434[15] : i32 from vector<16xi32>
    %add3A_2436 = arith.addi %add3A_2281, %reduce_sum3A_2435 : i32
    %eq3A_2437 = arith.constant 6 : i32
    %eq3A_2438 = vector.broadcast %eq3A_2437 : i32 to vector<16xi32>
    %eq3A_2439 = arith.cmpi eq, %get3A_2342, %eq3A_2438 : vector<16xi32>
    %convert_element_type3A_2440 = arith.extui %eq3A_2439 : vector<16xi1> to vector<16xi32>
    %broadcast_in_dim3A_2441 = arith.constant true
    %broadcast_in_dim3A_2442 = vector.broadcast %broadcast_in_dim3A_2441 : i1 to vector<16xi1>
    %masked_cumsum3A_2443 = tpu.scan <sum>, %convert_element_type3A_2440 masked %broadcast_in_dim3A_2442 : vector<16xi32>, vector<16xi1> -> vector<16xi32>
    %sub3A_2444 = arith.subi %masked_cumsum3A_2443, %convert_element_type3A_2440 : vector<16xi32>
    %add3A_2445 = vector.broadcast %add3A_2305 : i32 to vector<16xi32>
    %add3A_2446 = arith.addi %add3A_2445, %sub3A_2444 : vector<16xi32>
    %select_n3A_2447 = arith.select %eq3A_2439, %add3A_2446, %select_n3A_2431 : vector<16xi1>, vector<16xi32>
    %reduce_sum3A_2448 = arith.constant true
    %reduce_sum3A_2449 = vector.broadcast %reduce_sum3A_2448 : i1 to vector<16xi1>
    %reduce_sum3A_2450 = tpu.scan <sum>, %convert_element_type3A_2440 masked %reduce_sum3A_2449 : vector<16xi32>, vector<16xi1> -> vector<16xi32>
    %reduce_sum3A_2451 = vector.extract %reduce_sum3A_2450[15] : i32 from vector<16xi32>
    %add3A_2452 = arith.addi %add3A_2305, %reduce_sum3A_2451 : i32
    %eq3A_2453 = arith.constant 7 : i32
    %eq3A_2454 = vector.broadcast %eq3A_2453 : i32 to vector<16xi32>
    %eq3A_2455 = arith.cmpi eq, %get3A_2342, %eq3A_2454 : vector<16xi32>
    %convert_element_type3A_2456 = arith.extui %eq3A_2455 : vector<16xi1> to vector<16xi32>
    %broadcast_in_dim3A_2457 = arith.constant true
    %broadcast_in_dim3A_2458 = vector.broadcast %broadcast_in_dim3A_2457 : i1 to vector<16xi1>
    %masked_cumsum3A_2459 = tpu.scan <sum>, %convert_element_type3A_2456 masked %broadcast_in_dim3A_2458 : vector<16xi32>, vector<16xi1> -> vector<16xi32>
    %sub3A_2460 = arith.subi %masked_cumsum3A_2459, %convert_element_type3A_2456 : vector<16xi32>
    %add3A_2461 = vector.broadcast %add3A_2329 : i32 to vector<16xi32>
    %add3A_2462 = arith.addi %add3A_2461, %sub3A_2460 : vector<16xi32>
    %select_n3A_2463 = arith.select %eq3A_2455, %add3A_2462, %select_n3A_2447 : vector<16xi1>, vector<16xi32>
    %reduce_sum3A_2464 = arith.constant true
    %reduce_sum3A_2465 = vector.broadcast %reduce_sum3A_2464 : i1 to vector<16xi1>
    %reduce_sum3A_2466 = tpu.scan <sum>, %convert_element_type3A_2456 masked %reduce_sum3A_2465 : vector<16xi32>, vector<16xi1> -> vector<16xi32>
    %reduce_sum3A_2467 = vector.extract %reduce_sum3A_2466[15] : i32 from vector<16xi32>
    %add3A_2468 = arith.addi %add3A_2329, %reduce_sum3A_2467 : i32
    %max3A = arith.maxsi %select_n3A_2463, %broadcast_in_dim3A_3 : vector<16xi32>
    %min3A = arith.minsi %max3A, %broadcast_in_dim3A_2336 : vector<16xi32>
    %add3A_2469 = arith.constant 0 : i32
    %add3A_2470 = arith.addi %mul3A_2, %add3A_2469 : i32
    %add3A_2471 = vector.broadcast %add3A_2470 : i32 to vector<16xi32>
    %add3A_2472 = arith.addi %add3A_2471, %iota3A : vector<16xi32>
    %and3A = arith.constant 1 : i32
    %and3A_2473 = vector.broadcast %and3A : i32 to vector<16xi32>
    %and3A_2474 = arith.andi %add3A_2472, %and3A_2473 : vector<16xi32>
    %shift_right_arithmetic3A_2475 = arith.constant 1 : i32
    %shift_right_arithmetic3A_2476 = vector.broadcast %shift_right_arithmetic3A_2475 : i32 to vector<16xi32>
    %shift_right_arithmetic3A_2477 = arith.shrsi %add3A_2472, %shift_right_arithmetic3A_2476 : vector<16xi32>
    %mul3A_2478 = arith.constant 64 : i32
    %mul3A_2479 = arith.muli %add3A, %mul3A_2478 : i32
    %sub3A_2480 = vector.broadcast %mul3A_2479 : i32 to vector<16xi32>
    %sub3A_2481 = arith.subi %shift_right_arithmetic3A_2477, %sub3A_2480 : vector<16xi32>
    tpu.vector_store_idx %arg11[%and3A_2474, %sub3A_2481], %min3A : memref<2x64xi32, #tpu.memory_space<vmem>>[vector<16xi32>, vector<16xi32>], vector<16xi32>,
    %mul3A_2482 = arith.constant 128 : i32
    %mul3A_2483 = arith.muli %arg0, %mul3A_2482 : i32
    %add3A_2484 = arith.constant 16 : i32
    %add3A_2485 = arith.addi %mul3A_2483, %add3A_2484 : i32
    %get3A_2486 = arith.index_cast %add3A_2485 : i32 to index
    %get3A_2487 = tpu.vector_load %arg9[%get3A_2486] {strides = array<i32>} : memref<256xi32, #tpu.memory_space<vmem>>, vector<16xi32>,
    %eq3A_2488 = arith.constant 0 : i32
    %eq3A_2489 = vector.broadcast %eq3A_2488 : i32 to vector<16xi32>
    %eq3A_2490 = arith.cmpi eq, %get3A_2487, %eq3A_2489 : vector<16xi32>
    %convert_element_type3A_2491 = arith.extui %eq3A_2490 : vector<16xi1> to vector<16xi32>
    %broadcast_in_dim3A_2492 = arith.constant true
    %broadcast_in_dim3A_2493 = vector.broadcast %broadcast_in_dim3A_2492 : i1 to vector<16xi1>
    %masked_cumsum3A_2494 = tpu.scan <sum>, %convert_element_type3A_2491 masked %broadcast_in_dim3A_2493 : vector<16xi32>, vector<16xi1> -> vector<16xi32>
    %sub3A_2495 = arith.subi %masked_cumsum3A_2494, %convert_element_type3A_2491 : vector<16xi32>
    %add3A_2496 = vector.broadcast %add3A_2356 : i32 to vector<16xi32>
    %add3A_2497 = arith.addi %add3A_2496, %sub3A_2495 : vector<16xi32>
    %select_n3A_2498 = arith.select %eq3A_2490, %add3A_2497, %broadcast_in_dim3A_3 : vector<16xi1>, vector<16xi32>
    %reduce_sum3A_2499 = arith.constant true
    %reduce_sum3A_2500 = vector.broadcast %reduce_sum3A_2499 : i1 to vector<16xi1>
    %reduce_sum3A_2501 = tpu.scan <sum>, %convert_element_type3A_2491 masked %reduce_sum3A_2500 : vector<16xi32>, vector<16xi1> -> vector<16xi32>
    %reduce_sum3A_2502 = vector.extract %reduce_sum3A_2501[15] : i32 from vector<16xi32>
    %add3A_2503 = arith.addi %add3A_2356, %reduce_sum3A_2502 : i32
    %eq3A_2504 = arith.constant 1 : i32
    %eq3A_2505 = vector.broadcast %eq3A_2504 : i32 to vector<16xi32>
    %eq3A_2506 = arith.cmpi eq, %get3A_2487, %eq3A_2505 : vector<16xi32>
    %convert_element_type3A_2507 = arith.extui %eq3A_2506 : vector<16xi1> to vector<16xi32>
    %broadcast_in_dim3A_2508 = arith.constant true
    %broadcast_in_dim3A_2509 = vector.broadcast %broadcast_in_dim3A_2508 : i1 to vector<16xi1>
    %masked_cumsum3A_2510 = tpu.scan <sum>, %convert_element_type3A_2507 masked %broadcast_in_dim3A_2509 : vector<16xi32>, vector<16xi1> -> vector<16xi32>
    %sub3A_2511 = arith.subi %masked_cumsum3A_2510, %convert_element_type3A_2507 : vector<16xi32>
    %add3A_2512 = vector.broadcast %add3A_2372 : i32 to vector<16xi32>
    %add3A_2513 = arith.addi %add3A_2512, %sub3A_2511 : vector<16xi32>
    %select_n3A_2514 = arith.select %eq3A_2506, %add3A_2513, %select_n3A_2498 : vector<16xi1>, vector<16xi32>
    %reduce_sum3A_2515 = arith.constant true
    %reduce_sum3A_2516 = vector.broadcast %reduce_sum3A_2515 : i1 to vector<16xi1>
    %reduce_sum3A_2517 = tpu.scan <sum>, %convert_element_type3A_2507 masked %reduce_sum3A_2516 : vector<16xi32>, vector<16xi1> -> vector<16xi32>
    %reduce_sum3A_2518 = vector.extract %reduce_sum3A_2517[15] : i32 from vector<16xi32>
    %add3A_2519 = arith.addi %add3A_2372, %reduce_sum3A_2518 : i32
    %eq3A_2520 = arith.constant 2 : i32
    %eq3A_2521 = vector.broadcast %eq3A_2520 : i32 to vector<16xi32>
    %eq3A_2522 = arith.cmpi eq, %get3A_2487, %eq3A_2521 : vector<16xi32>
    %convert_element_type3A_2523 = arith.extui %eq3A_2522 : vector<16xi1> to vector<16xi32>
    %broadcast_in_dim3A_2524 = arith.constant true
    %broadcast_in_dim3A_2525 = vector.broadcast %broadcast_in_dim3A_2524 : i1 to vector<16xi1>
    %masked_cumsum3A_2526 = tpu.scan <sum>, %convert_element_type3A_2523 masked %broadcast_in_dim3A_2525 : vector<16xi32>, vector<16xi1> -> vector<16xi32>
    %sub3A_2527 = arith.subi %masked_cumsum3A_2526, %convert_element_type3A_2523 : vector<16xi32>
    %add3A_2528 = vector.broadcast %add3A_2388 : i32 to vector<16xi32>
    %add3A_2529 = arith.addi %add3A_2528, %sub3A_2527 : vector<16xi32>
    %select_n3A_2530 = arith.select %eq3A_2522, %add3A_2529, %select_n3A_2514 : vector<16xi1>, vector<16xi32>
    %reduce_sum3A_2531 = arith.constant true
    %reduce_sum3A_2532 = vector.broadcast %reduce_sum3A_2531 : i1 to vector<16xi1>
    %reduce_sum3A_2533 = tpu.scan <sum>, %convert_element_type3A_2523 masked %reduce_sum3A_2532 : vector<16xi32>, vector<16xi1> -> vector<16xi32>
    %reduce_sum3A_2534 = vector.extract %reduce_sum3A_2533[15] : i32 from vector<16xi32>
    %add3A_2535 = arith.addi %add3A_2388, %reduce_sum3A_2534 : i32
    %eq3A_2536 = arith.constant 3 : i32
    %eq3A_2537 = vector.broadcast %eq3A_2536 : i32 to vector<16xi32>
    %eq3A_2538 = arith.cmpi eq, %get3A_2487, %eq3A_2537 : vector<16xi32>
    %convert_element_type3A_2539 = arith.extui %eq3A_2538 : vector<16xi1> to vector<16xi32>
    %broadcast_in_dim3A_2540 = arith.constant true
    %broadcast_in_dim3A_2541 = vector.broadcast %broadcast_in_dim3A_2540 : i1 to vector<16xi1>
    %masked_cumsum3A_2542 = tpu.scan <sum>, %convert_element_type3A_2539 masked %broadcast_in_dim3A_2541 : vector<16xi32>, vector<16xi1> -> vector<16xi32>
    %sub3A_2543 = arith.subi %masked_cumsum3A_2542, %convert_element_type3A_2539 : vector<16xi32>
    %add3A_2544 = vector.broadcast %add3A_2404 : i32 to vector<16xi32>
    %add3A_2545 = arith.addi %add3A_2544, %sub3A_2543 : vector<16xi32>
    %select_n3A_2546 = arith.select %eq3A_2538, %add3A_2545, %select_n3A_2530 : vector<16xi1>, vector<16xi32>
    %reduce_sum3A_2547 = arith.constant true
    %reduce_sum3A_2548 = vector.broadcast %reduce_sum3A_2547 : i1 to vector<16xi1>
    %reduce_sum3A_2549 = tpu.scan <sum>, %convert_element_type3A_2539 masked %reduce_sum3A_2548 : vector<16xi32>, vector<16xi1> -> vector<16xi32>
    %reduce_sum3A_2550 = vector.extract %reduce_sum3A_2549[15] : i32 from vector<16xi32>
    %add3A_2551 = arith.addi %add3A_2404, %reduce_sum3A_2550 : i32
    %eq3A_2552 = arith.constant 4 : i32
    %eq3A_2553 = vector.broadcast %eq3A_2552 : i32 to vector<16xi32>
    %eq3A_2554 = arith.cmpi eq, %get3A_2487, %eq3A_2553 : vector<16xi32>
    %convert_element_type3A_2555 = arith.extui %eq3A_2554 : vector<16xi1> to vector<16xi32>
    %broadcast_in_dim3A_2556 = arith.constant true
    %broadcast_in_dim3A_2557 = vector.broadcast %broadcast_in_dim3A_2556 : i1 to vector<16xi1>
    %masked_cumsum3A_2558 = tpu.scan <sum>, %convert_element_type3A_2555 masked %broadcast_in_dim3A_2557 : vector<16xi32>, vector<16xi1> -> vector<16xi32>
    %sub3A_2559 = arith.subi %masked_cumsum3A_2558, %convert_element_type3A_2555 : vector<16xi32>
    %add3A_2560 = vector.broadcast %add3A_2420 : i32 to vector<16xi32>
    %add3A_2561 = arith.addi %add3A_2560, %sub3A_2559 : vector<16xi32>
    %select_n3A_2562 = arith.select %eq3A_2554, %add3A_2561, %select_n3A_2546 : vector<16xi1>, vector<16xi32>
    %reduce_sum3A_2563 = arith.constant true
    %reduce_sum3A_2564 = vector.broadcast %reduce_sum3A_2563 : i1 to vector<16xi1>
    %reduce_sum3A_2565 = tpu.scan <sum>, %convert_element_type3A_2555 masked %reduce_sum3A_2564 : vector<16xi32>, vector<16xi1> -> vector<16xi32>
    %reduce_sum3A_2566 = vector.extract %reduce_sum3A_2565[15] : i32 from vector<16xi32>
    %add3A_2567 = arith.addi %add3A_2420, %reduce_sum3A_2566 : i32
    %eq3A_2568 = arith.constant 5 : i32
    %eq3A_2569 = vector.broadcast %eq3A_2568 : i32 to vector<16xi32>
    %eq3A_2570 = arith.cmpi eq, %get3A_2487, %eq3A_2569 : vector<16xi32>
    %convert_element_type3A_2571 = arith.extui %eq3A_2570 : vector<16xi1> to vector<16xi32>
    %broadcast_in_dim3A_2572 = arith.constant true
    %broadcast_in_dim3A_2573 = vector.broadcast %broadcast_in_dim3A_2572 : i1 to vector<16xi1>
    %masked_cumsum3A_2574 = tpu.scan <sum>, %convert_element_type3A_2571 masked %broadcast_in_dim3A_2573 : vector<16xi32>, vector<16xi1> -> vector<16xi32>
    %sub3A_2575 = arith.subi %masked_cumsum3A_2574, %convert_element_type3A_2571 : vector<16xi32>
    %add3A_2576 = vector.broadcast %add3A_2436 : i32 to vector<16xi32>
    %add3A_2577 = arith.addi %add3A_2576, %sub3A_2575 : vector<16xi32>
    %select_n3A_2578 = arith.select %eq3A_2570, %add3A_2577, %select_n3A_2562 : vector<16xi1>, vector<16xi32>
    %reduce_sum3A_2579 = arith.constant true
    %reduce_sum3A_2580 = vector.broadcast %reduce_sum3A_2579 : i1 to vector<16xi1>
    %reduce_sum3A_2581 = tpu.scan <sum>, %convert_element_type3A_2571 masked %reduce_sum3A_2580 : vector<16xi32>, vector<16xi1> -> vector<16xi32>
    %reduce_sum3A_2582 = vector.extract %reduce_sum3A_2581[15] : i32 from vector<16xi32>
    %add3A_2583 = arith.addi %add3A_2436, %reduce_sum3A_2582 : i32
    %eq3A_2584 = arith.constant 6 : i32
    %eq3A_2585 = vector.broadcast %eq3A_2584 : i32 to vector<16xi32>
    %eq3A_2586 = arith.cmpi eq, %get3A_2487, %eq3A_2585 : vector<16xi32>
    %convert_element_type3A_2587 = arith.extui %eq3A_2586 : vector<16xi1> to vector<16xi32>
    %broadcast_in_dim3A_2588 = arith.constant true
    %broadcast_in_dim3A_2589 = vector.broadcast %broadcast_in_dim3A_2588 : i1 to vector<16xi1>
    %masked_cumsum3A_2590 = tpu.scan <sum>, %convert_element_type3A_2587 masked %broadcast_in_dim3A_2589 : vector<16xi32>, vector<16xi1> -> vector<16xi32>
    %sub3A_2591 = arith.subi %masked_cumsum3A_2590, %convert_element_type3A_2587 : vector<16xi32>
    %add3A_2592 = vector.broadcast %add3A_2452 : i32 to vector<16xi32>
    %add3A_2593 = arith.addi %add3A_2592, %sub3A_2591 : vector<16xi32>
    %select_n3A_2594 = arith.select %eq3A_2586, %add3A_2593, %select_n3A_2578 : vector<16xi1>, vector<16xi32>
    %reduce_sum3A_2595 = arith.constant true
    %reduce_sum3A_2596 = vector.broadcast %reduce_sum3A_2595 : i1 to vector<16xi1>
    %reduce_sum3A_2597 = tpu.scan <sum>, %convert_element_type3A_2587 masked %reduce_sum3A_2596 : vector<16xi32>, vector<16xi1> -> vector<16xi32>
    %reduce_sum3A_2598 = vector.extract %reduce_sum3A_2597[15] : i32 from vector<16xi32>
    %add3A_2599 = arith.addi %add3A_2452, %reduce_sum3A_2598 : i32
    %eq3A_2600 = arith.constant 7 : i32
    %eq3A_2601 = vector.broadcast %eq3A_2600 : i32 to vector<16xi32>
    %eq3A_2602 = arith.cmpi eq, %get3A_2487, %eq3A_2601 : vector<16xi32>
    %convert_element_type3A_2603 = arith.extui %eq3A_2602 : vector<16xi1> to vector<16xi32>
    %broadcast_in_dim3A_2604 = arith.constant true
    %broadcast_in_dim3A_2605 = vector.broadcast %broadcast_in_dim3A_2604 : i1 to vector<16xi1>
    %masked_cumsum3A_2606 = tpu.scan <sum>, %convert_element_type3A_2603 masked %broadcast_in_dim3A_2605 : vector<16xi32>, vector<16xi1> -> vector<16xi32>
    %sub3A_2607 = arith.subi %masked_cumsum3A_2606, %convert_element_type3A_2603 : vector<16xi32>
    %add3A_2608 = vector.broadcast %add3A_2468 : i32 to vector<16xi32>
    %add3A_2609 = arith.addi %add3A_2608, %sub3A_2607 : vector<16xi32>
    %select_n3A_2610 = arith.select %eq3A_2602, %add3A_2609, %select_n3A_2594 : vector<16xi1>, vector<16xi32>
    %reduce_sum3A_2611 = arith.constant true
    %reduce_sum3A_2612 = vector.broadcast %reduce_sum3A_2611 : i1 to vector<16xi1>
    %reduce_sum3A_2613 = tpu.scan <sum>, %convert_element_type3A_2603 masked %reduce_sum3A_2612 : vector<16xi32>, vector<16xi1> -> vector<16xi32>
    %reduce_sum3A_2614 = vector.extract %reduce_sum3A_2613[15] : i32 from vector<16xi32>
    %add3A_2615 = arith.addi %add3A_2468, %reduce_sum3A_2614 : i32
    %max3A_2616 = arith.maxsi %select_n3A_2610, %broadcast_in_dim3A_3 : vector<16xi32>
    %min3A_2617 = arith.minsi %max3A_2616, %broadcast_in_dim3A_2336 : vector<16xi32>
    %add3A_2618 = arith.constant 16 : i32
    %add3A_2619 = arith.addi %mul3A_2, %add3A_2618 : i32
    %add3A_2620 = vector.broadcast %add3A_2619 : i32 to vector<16xi32>
    %add3A_2621 = arith.addi %add3A_2620, %iota3A : vector<16xi32>
    %and3A_2622 = arith.constant 1 : i32
    %and3A_2623 = vector.broadcast %and3A_2622 : i32 to vector<16xi32>
    %and3A_2624 = arith.andi %add3A_2621, %and3A_2623 : vector<16xi32>
    %shift_right_arithmetic3A_2625 = arith.constant 1 : i32
    %shift_right_arithmetic3A_2626 = vector.broadcast %shift_right_arithmetic3A_2625 : i32 to vector<16xi32>
    %shift_right_arithmetic3A_2627 = arith.shrsi %add3A_2621, %shift_right_arithmetic3A_2626 : vector<16xi32>
    %mul3A_2628 = arith.constant 64 : i32
    %mul3A_2629 = arith.muli %add3A, %mul3A_2628 : i32
    %sub3A_2630 = vector.broadcast %mul3A_2629 : i32 to vector<16xi32>
    %sub3A_2631 = arith.subi %shift_right_arithmetic3A_2627, %sub3A_2630 : vector<16xi32>
    tpu.vector_store_idx %arg11[%and3A_2624, %sub3A_2631], %min3A_2617 : memref<2x64xi32, #tpu.memory_space<vmem>>[vector<16xi32>, vector<16xi32>], vector<16xi32>,
    %mul3A_2632 = arith.constant 128 : i32
    %mul3A_2633 = arith.muli %arg0, %mul3A_2632 : i32
    %add3A_2634 = arith.constant 32 : i32
    %add3A_2635 = arith.addi %mul3A_2633, %add3A_2634 : i32
    %get3A_2636 = arith.index_cast %add3A_2635 : i32 to index
    %get3A_2637 = tpu.vector_load %arg9[%get3A_2636] {strides = array<i32>} : memref<256xi32, #tpu.memory_space<vmem>>, vector<16xi32>,
    %eq3A_2638 = arith.constant 0 : i32
    %eq3A_2639 = vector.broadcast %eq3A_2638 : i32 to vector<16xi32>
    %eq3A_2640 = arith.cmpi eq, %get3A_2637, %eq3A_2639 : vector<16xi32>
    %convert_element_type3A_2641 = arith.extui %eq3A_2640 : vector<16xi1> to vector<16xi32>
    %broadcast_in_dim3A_2642 = arith.constant true
    %broadcast_in_dim3A_2643 = vector.broadcast %broadcast_in_dim3A_2642 : i1 to vector<16xi1>
    %masked_cumsum3A_2644 = tpu.scan <sum>, %convert_element_type3A_2641 masked %broadcast_in_dim3A_2643 : vector<16xi32>, vector<16xi1> -> vector<16xi32>
    %sub3A_2645 = arith.subi %masked_cumsum3A_2644, %convert_element_type3A_2641 : vector<16xi32>
    %add3A_2646 = vector.broadcast %add3A_2503 : i32 to vector<16xi32>
    %add3A_2647 = arith.addi %add3A_2646, %sub3A_2645 : vector<16xi32>
    %select_n3A_2648 = arith.select %eq3A_2640, %add3A_2647, %broadcast_in_dim3A_3 : vector<16xi1>, vector<16xi32>
    %reduce_sum3A_2649 = arith.constant true
    %reduce_sum3A_2650 = vector.broadcast %reduce_sum3A_2649 : i1 to vector<16xi1>
    %reduce_sum3A_2651 = tpu.scan <sum>, %convert_element_type3A_2641 masked %reduce_sum3A_2650 : vector<16xi32>, vector<16xi1> -> vector<16xi32>
    %reduce_sum3A_2652 = vector.extract %reduce_sum3A_2651[15] : i32 from vector<16xi32>
    %add3A_2653 = arith.addi %add3A_2503, %reduce_sum3A_2652 : i32
    %eq3A_2654 = arith.constant 1 : i32
    %eq3A_2655 = vector.broadcast %eq3A_2654 : i32 to vector<16xi32>
    %eq3A_2656 = arith.cmpi eq, %get3A_2637, %eq3A_2655 : vector<16xi32>
    %convert_element_type3A_2657 = arith.extui %eq3A_2656 : vector<16xi1> to vector<16xi32>
    %broadcast_in_dim3A_2658 = arith.constant true
    %broadcast_in_dim3A_2659 = vector.broadcast %broadcast_in_dim3A_2658 : i1 to vector<16xi1>
    %masked_cumsum3A_2660 = tpu.scan <sum>, %convert_element_type3A_2657 masked %broadcast_in_dim3A_2659 : vector<16xi32>, vector<16xi1> -> vector<16xi32>
    %sub3A_2661 = arith.subi %masked_cumsum3A_2660, %convert_element_type3A_2657 : vector<16xi32>
    %add3A_2662 = vector.broadcast %add3A_2519 : i32 to vector<16xi32>
    %add3A_2663 = arith.addi %add3A_2662, %sub3A_2661 : vector<16xi32>
    %select_n3A_2664 = arith.select %eq3A_2656, %add3A_2663, %select_n3A_2648 : vector<16xi1>, vector<16xi32>
    %reduce_sum3A_2665 = arith.constant true
    %reduce_sum3A_2666 = vector.broadcast %reduce_sum3A_2665 : i1 to vector<16xi1>
    %reduce_sum3A_2667 = tpu.scan <sum>, %convert_element_type3A_2657 masked %reduce_sum3A_2666 : vector<16xi32>, vector<16xi1> -> vector<16xi32>
    %reduce_sum3A_2668 = vector.extract %reduce_sum3A_2667[15] : i32 from vector<16xi32>
    %add3A_2669 = arith.addi %add3A_2519, %reduce_sum3A_2668 : i32
    %eq3A_2670 = arith.constant 2 : i32
    %eq3A_2671 = vector.broadcast %eq3A_2670 : i32 to vector<16xi32>
    %eq3A_2672 = arith.cmpi eq, %get3A_2637, %eq3A_2671 : vector<16xi32>
    %convert_element_type3A_2673 = arith.extui %eq3A_2672 : vector<16xi1> to vector<16xi32>
    %broadcast_in_dim3A_2674 = arith.constant true
    %broadcast_in_dim3A_2675 = vector.broadcast %broadcast_in_dim3A_2674 : i1 to vector<16xi1>
    %masked_cumsum3A_2676 = tpu.scan <sum>, %convert_element_type3A_2673 masked %broadcast_in_dim3A_2675 : vector<16xi32>, vector<16xi1> -> vector<16xi32>
    %sub3A_2677 = arith.subi %masked_cumsum3A_2676, %convert_element_type3A_2673 : vector<16xi32>
    %add3A_2678 = vector.broadcast %add3A_2535 : i32 to vector<16xi32>
    %add3A_2679 = arith.addi %add3A_2678, %sub3A_2677 : vector<16xi32>
    %select_n3A_2680 = arith.select %eq3A_2672, %add3A_2679, %select_n3A_2664 : vector<16xi1>, vector<16xi32>
    %reduce_sum3A_2681 = arith.constant true
    %reduce_sum3A_2682 = vector.broadcast %reduce_sum3A_2681 : i1 to vector<16xi1>
    %reduce_sum3A_2683 = tpu.scan <sum>, %convert_element_type3A_2673 masked %reduce_sum3A_2682 : vector<16xi32>, vector<16xi1> -> vector<16xi32>
    %reduce_sum3A_2684 = vector.extract %reduce_sum3A_2683[15] : i32 from vector<16xi32>
    %add3A_2685 = arith.addi %add3A_2535, %reduce_sum3A_2684 : i32
    %eq3A_2686 = arith.constant 3 : i32
    %eq3A_2687 = vector.broadcast %eq3A_2686 : i32 to vector<16xi32>
    %eq3A_2688 = arith.cmpi eq, %get3A_2637, %eq3A_2687 : vector<16xi32>
    %convert_element_type3A_2689 = arith.extui %eq3A_2688 : vector<16xi1> to vector<16xi32>
    %broadcast_in_dim3A_2690 = arith.constant true
    %broadcast_in_dim3A_2691 = vector.broadcast %broadcast_in_dim3A_2690 : i1 to vector<16xi1>
    %masked_cumsum3A_2692 = tpu.scan <sum>, %convert_element_type3A_2689 masked %broadcast_in_dim3A_2691 : vector<16xi32>, vector<16xi1> -> vector<16xi32>
    %sub3A_2693 = arith.subi %masked_cumsum3A_2692, %convert_element_type3A_2689 : vector<16xi32>
    %add3A_2694 = vector.broadcast %add3A_2551 : i32 to vector<16xi32>
    %add3A_2695 = arith.addi %add3A_2694, %sub3A_2693 : vector<16xi32>
    %select_n3A_2696 = arith.select %eq3A_2688, %add3A_2695, %select_n3A_2680 : vector<16xi1>, vector<16xi32>
    %reduce_sum3A_2697 = arith.constant true
    %reduce_sum3A_2698 = vector.broadcast %reduce_sum3A_2697 : i1 to vector<16xi1>
    %reduce_sum3A_2699 = tpu.scan <sum>, %convert_element_type3A_2689 masked %reduce_sum3A_2698 : vector<16xi32>, vector<16xi1> -> vector<16xi32>
    %reduce_sum3A_2700 = vector.extract %reduce_sum3A_2699[15] : i32 from vector<16xi32>
    %add3A_2701 = arith.addi %add3A_2551, %reduce_sum3A_2700 : i32
    %eq3A_2702 = arith.constant 4 : i32
    %eq3A_2703 = vector.broadcast %eq3A_2702 : i32 to vector<16xi32>
    %eq3A_2704 = arith.cmpi eq, %get3A_2637, %eq3A_2703 : vector<16xi32>
    %convert_element_type3A_2705 = arith.extui %eq3A_2704 : vector<16xi1> to vector<16xi32>
    %broadcast_in_dim3A_2706 = arith.constant true
    %broadcast_in_dim3A_2707 = vector.broadcast %broadcast_in_dim3A_2706 : i1 to vector<16xi1>
    %masked_cumsum3A_2708 = tpu.scan <sum>, %convert_element_type3A_2705 masked %broadcast_in_dim3A_2707 : vector<16xi32>, vector<16xi1> -> vector<16xi32>
    %sub3A_2709 = arith.subi %masked_cumsum3A_2708, %convert_element_type3A_2705 : vector<16xi32>
    %add3A_2710 = vector.broadcast %add3A_2567 : i32 to vector<16xi32>
    %add3A_2711 = arith.addi %add3A_2710, %sub3A_2709 : vector<16xi32>
    %select_n3A_2712 = arith.select %eq3A_2704, %add3A_2711, %select_n3A_2696 : vector<16xi1>, vector<16xi32>
    %reduce_sum3A_2713 = arith.constant true
    %reduce_sum3A_2714 = vector.broadcast %reduce_sum3A_2713 : i1 to vector<16xi1>
    %reduce_sum3A_2715 = tpu.scan <sum>, %convert_element_type3A_2705 masked %reduce_sum3A_2714 : vector<16xi32>, vector<16xi1> -> vector<16xi32>
    %reduce_sum3A_2716 = vector.extract %reduce_sum3A_2715[15] : i32 from vector<16xi32>
    %add3A_2717 = arith.addi %add3A_2567, %reduce_sum3A_2716 : i32
    %eq3A_2718 = arith.constant 5 : i32
    %eq3A_2719 = vector.broadcast %eq3A_2718 : i32 to vector<16xi32>
    %eq3A_2720 = arith.cmpi eq, %get3A_2637, %eq3A_2719 : vector<16xi32>
    %convert_element_type3A_2721 = arith.extui %eq3A_2720 : vector<16xi1> to vector<16xi32>
    %broadcast_in_dim3A_2722 = arith.constant true
    %broadcast_in_dim3A_2723 = vector.broadcast %broadcast_in_dim3A_2722 : i1 to vector<16xi1>
    %masked_cumsum3A_2724 = tpu.scan <sum>, %convert_element_type3A_2721 masked %broadcast_in_dim3A_2723 : vector<16xi32>, vector<16xi1> -> vector<16xi32>
    %sub3A_2725 = arith.subi %masked_cumsum3A_2724, %convert_element_type3A_2721 : vector<16xi32>
    %add3A_2726 = vector.broadcast %add3A_2583 : i32 to vector<16xi32>
    %add3A_2727 = arith.addi %add3A_2726, %sub3A_2725 : vector<16xi32>
    %select_n3A_2728 = arith.select %eq3A_2720, %add3A_2727, %select_n3A_2712 : vector<16xi1>, vector<16xi32>
    %reduce_sum3A_2729 = arith.constant true
    %reduce_sum3A_2730 = vector.broadcast %reduce_sum3A_2729 : i1 to vector<16xi1>
    %reduce_sum3A_2731 = tpu.scan <sum>, %convert_element_type3A_2721 masked %reduce_sum3A_2730 : vector<16xi32>, vector<16xi1> -> vector<16xi32>
    %reduce_sum3A_2732 = vector.extract %reduce_sum3A_2731[15] : i32 from vector<16xi32>
    %add3A_2733 = arith.addi %add3A_2583, %reduce_sum3A_2732 : i32
    %eq3A_2734 = arith.constant 6 : i32
    %eq3A_2735 = vector.broadcast %eq3A_2734 : i32 to vector<16xi32>
    %eq3A_2736 = arith.cmpi eq, %get3A_2637, %eq3A_2735 : vector<16xi32>
    %convert_element_type3A_2737 = arith.extui %eq3A_2736 : vector<16xi1> to vector<16xi32>
    %broadcast_in_dim3A_2738 = arith.constant true
    %broadcast_in_dim3A_2739 = vector.broadcast %broadcast_in_dim3A_2738 : i1 to vector<16xi1>
    %masked_cumsum3A_2740 = tpu.scan <sum>, %convert_element_type3A_2737 masked %broadcast_in_dim3A_2739 : vector<16xi32>, vector<16xi1> -> vector<16xi32>
    %sub3A_2741 = arith.subi %masked_cumsum3A_2740, %convert_element_type3A_2737 : vector<16xi32>
    %add3A_2742 = vector.broadcast %add3A_2599 : i32 to vector<16xi32>
    %add3A_2743 = arith.addi %add3A_2742, %sub3A_2741 : vector<16xi32>
    %select_n3A_2744 = arith.select %eq3A_2736, %add3A_2743, %select_n3A_2728 : vector<16xi1>, vector<16xi32>
    %reduce_sum3A_2745 = arith.constant true
    %reduce_sum3A_2746 = vector.broadcast %reduce_sum3A_2745 : i1 to vector<16xi1>
    %reduce_sum3A_2747 = tpu.scan <sum>, %convert_element_type3A_2737 masked %reduce_sum3A_2746 : vector<16xi32>, vector<16xi1> -> vector<16xi32>
    %reduce_sum3A_2748 = vector.extract %reduce_sum3A_2747[15] : i32 from vector<16xi32>
    %add3A_2749 = arith.addi %add3A_2599, %reduce_sum3A_2748 : i32
    %eq3A_2750 = arith.constant 7 : i32
    %eq3A_2751 = vector.broadcast %eq3A_2750 : i32 to vector<16xi32>
    %eq3A_2752 = arith.cmpi eq, %get3A_2637, %eq3A_2751 : vector<16xi32>
    %convert_element_type3A_2753 = arith.extui %eq3A_2752 : vector<16xi1> to vector<16xi32>
    %broadcast_in_dim3A_2754 = arith.constant true
    %broadcast_in_dim3A_2755 = vector.broadcast %broadcast_in_dim3A_2754 : i1 to vector<16xi1>
    %masked_cumsum3A_2756 = tpu.scan <sum>, %convert_element_type3A_2753 masked %broadcast_in_dim3A_2755 : vector<16xi32>, vector<16xi1> -> vector<16xi32>
    %sub3A_2757 = arith.subi %masked_cumsum3A_2756, %convert_element_type3A_2753 : vector<16xi32>
    %add3A_2758 = vector.broadcast %add3A_2615 : i32 to vector<16xi32>
    %add3A_2759 = arith.addi %add3A_2758, %sub3A_2757 : vector<16xi32>
    %select_n3A_2760 = arith.select %eq3A_2752, %add3A_2759, %select_n3A_2744 : vector<16xi1>, vector<16xi32>
    %reduce_sum3A_2761 = arith.constant true
    %reduce_sum3A_2762 = vector.broadcast %reduce_sum3A_2761 : i1 to vector<16xi1>
    %reduce_sum3A_2763 = tpu.scan <sum>, %convert_element_type3A_2753 masked %reduce_sum3A_2762 : vector<16xi32>, vector<16xi1> -> vector<16xi32>
    %reduce_sum3A_2764 = vector.extract %reduce_sum3A_2763[15] : i32 from vector<16xi32>
    %add3A_2765 = arith.addi %add3A_2615, %reduce_sum3A_2764 : i32
    %max3A_2766 = arith.maxsi %select_n3A_2760, %broadcast_in_dim3A_3 : vector<16xi32>
    %min3A_2767 = arith.minsi %max3A_2766, %broadcast_in_dim3A_2336 : vector<16xi32>
    %add3A_2768 = arith.constant 32 : i32
    %add3A_2769 = arith.addi %mul3A_2, %add3A_2768 : i32
    %add3A_2770 = vector.broadcast %add3A_2769 : i32 to vector<16xi32>
    %add3A_2771 = arith.addi %add3A_2770, %iota3A : vector<16xi32>
    %and3A_2772 = arith.constant 1 : i32
    %and3A_2773 = vector.broadcast %and3A_2772 : i32 to vector<16xi32>
    %and3A_2774 = arith.andi %add3A_2771, %and3A_2773 : vector<16xi32>
    %shift_right_arithmetic3A_2775 = arith.constant 1 : i32
    %shift_right_arithmetic3A_2776 = vector.broadcast %shift_right_arithmetic3A_2775 : i32 to vector<16xi32>
    %shift_right_arithmetic3A_2777 = arith.shrsi %add3A_2771, %shift_right_arithmetic3A_2776 : vector<16xi32>
    %mul3A_2778 = arith.constant 64 : i32
    %mul3A_2779 = arith.muli %add3A, %mul3A_2778 : i32
    %sub3A_2780 = vector.broadcast %mul3A_2779 : i32 to vector<16xi32>
    %sub3A_2781 = arith.subi %shift_right_arithmetic3A_2777, %sub3A_2780 : vector<16xi32>
    tpu.vector_store_idx %arg11[%and3A_2774, %sub3A_2781], %min3A_2767 : memref<2x64xi32, #tpu.memory_space<vmem>>[vector<16xi32>, vector<16xi32>], vector<16xi32>,
    %mul3A_2782 = arith.constant 128 : i32
    %mul3A_2783 = arith.muli %arg0, %mul3A_2782 : i32
    %add3A_2784 = arith.constant 48 : i32
    %add3A_2785 = arith.addi %mul3A_2783, %add3A_2784 : i32
    %get3A_2786 = arith.index_cast %add3A_2785 : i32 to index
    %get3A_2787 = tpu.vector_load %arg9[%get3A_2786] {strides = array<i32>} : memref<256xi32, #tpu.memory_space<vmem>>, vector<16xi32>,
    %eq3A_2788 = arith.constant 0 : i32
    %eq3A_2789 = vector.broadcast %eq3A_2788 : i32 to vector<16xi32>
    %eq3A_2790 = arith.cmpi eq, %get3A_2787, %eq3A_2789 : vector<16xi32>
    %convert_element_type3A_2791 = arith.extui %eq3A_2790 : vector<16xi1> to vector<16xi32>
    %broadcast_in_dim3A_2792 = arith.constant true
    %broadcast_in_dim3A_2793 = vector.broadcast %broadcast_in_dim3A_2792 : i1 to vector<16xi1>
    %masked_cumsum3A_2794 = tpu.scan <sum>, %convert_element_type3A_2791 masked %broadcast_in_dim3A_2793 : vector<16xi32>, vector<16xi1> -> vector<16xi32>
    %sub3A_2795 = arith.subi %masked_cumsum3A_2794, %convert_element_type3A_2791 : vector<16xi32>
    %add3A_2796 = vector.broadcast %add3A_2653 : i32 to vector<16xi32>
    %add3A_2797 = arith.addi %add3A_2796, %sub3A_2795 : vector<16xi32>
    %select_n3A_2798 = arith.select %eq3A_2790, %add3A_2797, %broadcast_in_dim3A_3 : vector<16xi1>, vector<16xi32>
    %reduce_sum3A_2799 = arith.constant true
    %reduce_sum3A_2800 = vector.broadcast %reduce_sum3A_2799 : i1 to vector<16xi1>
    %reduce_sum3A_2801 = tpu.scan <sum>, %convert_element_type3A_2791 masked %reduce_sum3A_2800 : vector<16xi32>, vector<16xi1> -> vector<16xi32>
    %reduce_sum3A_2802 = vector.extract %reduce_sum3A_2801[15] : i32 from vector<16xi32>
    %add3A_2803 = arith.addi %add3A_2653, %reduce_sum3A_2802 : i32
    %eq3A_2804 = arith.constant 1 : i32
    %eq3A_2805 = vector.broadcast %eq3A_2804 : i32 to vector<16xi32>
    %eq3A_2806 = arith.cmpi eq, %get3A_2787, %eq3A_2805 : vector<16xi32>
    %convert_element_type3A_2807 = arith.extui %eq3A_2806 : vector<16xi1> to vector<16xi32>
    %broadcast_in_dim3A_2808 = arith.constant true
    %broadcast_in_dim3A_2809 = vector.broadcast %broadcast_in_dim3A_2808 : i1 to vector<16xi1>
    %masked_cumsum3A_2810 = tpu.scan <sum>, %convert_element_type3A_2807 masked %broadcast_in_dim3A_2809 : vector<16xi32>, vector<16xi1> -> vector<16xi32>
    %sub3A_2811 = arith.subi %masked_cumsum3A_2810, %convert_element_type3A_2807 : vector<16xi32>
    %add3A_2812 = vector.broadcast %add3A_2669 : i32 to vector<16xi32>
    %add3A_2813 = arith.addi %add3A_2812, %sub3A_2811 : vector<16xi32>
    %select_n3A_2814 = arith.select %eq3A_2806, %add3A_2813, %select_n3A_2798 : vector<16xi1>, vector<16xi32>
    %reduce_sum3A_2815 = arith.constant true
    %reduce_sum3A_2816 = vector.broadcast %reduce_sum3A_2815 : i1 to vector<16xi1>
    %reduce_sum3A_2817 = tpu.scan <sum>, %convert_element_type3A_2807 masked %reduce_sum3A_2816 : vector<16xi32>, vector<16xi1> -> vector<16xi32>
    %reduce_sum3A_2818 = vector.extract %reduce_sum3A_2817[15] : i32 from vector<16xi32>
    %add3A_2819 = arith.addi %add3A_2669, %reduce_sum3A_2818 : i32
    %eq3A_2820 = arith.constant 2 : i32
    %eq3A_2821 = vector.broadcast %eq3A_2820 : i32 to vector<16xi32>
    %eq3A_2822 = arith.cmpi eq, %get3A_2787, %eq3A_2821 : vector<16xi32>
    %convert_element_type3A_2823 = arith.extui %eq3A_2822 : vector<16xi1> to vector<16xi32>
    %broadcast_in_dim3A_2824 = arith.constant true
    %broadcast_in_dim3A_2825 = vector.broadcast %broadcast_in_dim3A_2824 : i1 to vector<16xi1>
    %masked_cumsum3A_2826 = tpu.scan <sum>, %convert_element_type3A_2823 masked %broadcast_in_dim3A_2825 : vector<16xi32>, vector<16xi1> -> vector<16xi32>
    %sub3A_2827 = arith.subi %masked_cumsum3A_2826, %convert_element_type3A_2823 : vector<16xi32>
    %add3A_2828 = vector.broadcast %add3A_2685 : i32 to vector<16xi32>
    %add3A_2829 = arith.addi %add3A_2828, %sub3A_2827 : vector<16xi32>
    %select_n3A_2830 = arith.select %eq3A_2822, %add3A_2829, %select_n3A_2814 : vector<16xi1>, vector<16xi32>
    %reduce_sum3A_2831 = arith.constant true
    %reduce_sum3A_2832 = vector.broadcast %reduce_sum3A_2831 : i1 to vector<16xi1>
    %reduce_sum3A_2833 = tpu.scan <sum>, %convert_element_type3A_2823 masked %reduce_sum3A_2832 : vector<16xi32>, vector<16xi1> -> vector<16xi32>
    %reduce_sum3A_2834 = vector.extract %reduce_sum3A_2833[15] : i32 from vector<16xi32>
    %add3A_2835 = arith.addi %add3A_2685, %reduce_sum3A_2834 : i32
    %eq3A_2836 = arith.constant 3 : i32
    %eq3A_2837 = vector.broadcast %eq3A_2836 : i32 to vector<16xi32>
    %eq3A_2838 = arith.cmpi eq, %get3A_2787, %eq3A_2837 : vector<16xi32>
    %convert_element_type3A_2839 = arith.extui %eq3A_2838 : vector<16xi1> to vector<16xi32>
    %broadcast_in_dim3A_2840 = arith.constant true
    %broadcast_in_dim3A_2841 = vector.broadcast %broadcast_in_dim3A_2840 : i1 to vector<16xi1>
    %masked_cumsum3A_2842 = tpu.scan <sum>, %convert_element_type3A_2839 masked %broadcast_in_dim3A_2841 : vector<16xi32>, vector<16xi1> -> vector<16xi32>
    %sub3A_2843 = arith.subi %masked_cumsum3A_2842, %convert_element_type3A_2839 : vector<16xi32>
    %add3A_2844 = vector.broadcast %add3A_2701 : i32 to vector<16xi32>
    %add3A_2845 = arith.addi %add3A_2844, %sub3A_2843 : vector<16xi32>
    %select_n3A_2846 = arith.select %eq3A_2838, %add3A_2845, %select_n3A_2830 : vector<16xi1>, vector<16xi32>
    %reduce_sum3A_2847 = arith.constant true
    %reduce_sum3A_2848 = vector.broadcast %reduce_sum3A_2847 : i1 to vector<16xi1>
    %reduce_sum3A_2849 = tpu.scan <sum>, %convert_element_type3A_2839 masked %reduce_sum3A_2848 : vector<16xi32>, vector<16xi1> -> vector<16xi32>
    %reduce_sum3A_2850 = vector.extract %reduce_sum3A_2849[15] : i32 from vector<16xi32>
    %add3A_2851 = arith.addi %add3A_2701, %reduce_sum3A_2850 : i32
    %eq3A_2852 = arith.constant 4 : i32
    %eq3A_2853 = vector.broadcast %eq3A_2852 : i32 to vector<16xi32>
    %eq3A_2854 = arith.cmpi eq, %get3A_2787, %eq3A_2853 : vector<16xi32>
    %convert_element_type3A_2855 = arith.extui %eq3A_2854 : vector<16xi1> to vector<16xi32>
    %broadcast_in_dim3A_2856 = arith.constant true
    %broadcast_in_dim3A_2857 = vector.broadcast %broadcast_in_dim3A_2856 : i1 to vector<16xi1>
    %masked_cumsum3A_2858 = tpu.scan <sum>, %convert_element_type3A_2855 masked %broadcast_in_dim3A_2857 : vector<16xi32>, vector<16xi1> -> vector<16xi32>
    %sub3A_2859 = arith.subi %masked_cumsum3A_2858, %convert_element_type3A_2855 : vector<16xi32>
    %add3A_2860 = vector.broadcast %add3A_2717 : i32 to vector<16xi32>
    %add3A_2861 = arith.addi %add3A_2860, %sub3A_2859 : vector<16xi32>
    %select_n3A_2862 = arith.select %eq3A_2854, %add3A_2861, %select_n3A_2846 : vector<16xi1>, vector<16xi32>
    %reduce_sum3A_2863 = arith.constant true
    %reduce_sum3A_2864 = vector.broadcast %reduce_sum3A_2863 : i1 to vector<16xi1>
    %reduce_sum3A_2865 = tpu.scan <sum>, %convert_element_type3A_2855 masked %reduce_sum3A_2864 : vector<16xi32>, vector<16xi1> -> vector<16xi32>
    %reduce_sum3A_2866 = vector.extract %reduce_sum3A_2865[15] : i32 from vector<16xi32>
    %add3A_2867 = arith.addi %add3A_2717, %reduce_sum3A_2866 : i32
    %eq3A_2868 = arith.constant 5 : i32
    %eq3A_2869 = vector.broadcast %eq3A_2868 : i32 to vector<16xi32>
    %eq3A_2870 = arith.cmpi eq, %get3A_2787, %eq3A_2869 : vector<16xi32>
    %convert_element_type3A_2871 = arith.extui %eq3A_2870 : vector<16xi1> to vector<16xi32>
    %broadcast_in_dim3A_2872 = arith.constant true
    %broadcast_in_dim3A_2873 = vector.broadcast %broadcast_in_dim3A_2872 : i1 to vector<16xi1>
    %masked_cumsum3A_2874 = tpu.scan <sum>, %convert_element_type3A_2871 masked %broadcast_in_dim3A_2873 : vector<16xi32>, vector<16xi1> -> vector<16xi32>
    %sub3A_2875 = arith.subi %masked_cumsum3A_2874, %convert_element_type3A_2871 : vector<16xi32>
    %add3A_2876 = vector.broadcast %add3A_2733 : i32 to vector<16xi32>
    %add3A_2877 = arith.addi %add3A_2876, %sub3A_2875 : vector<16xi32>
    %select_n3A_2878 = arith.select %eq3A_2870, %add3A_2877, %select_n3A_2862 : vector<16xi1>, vector<16xi32>
    %reduce_sum3A_2879 = arith.constant true
    %reduce_sum3A_2880 = vector.broadcast %reduce_sum3A_2879 : i1 to vector<16xi1>
    %reduce_sum3A_2881 = tpu.scan <sum>, %convert_element_type3A_2871 masked %reduce_sum3A_2880 : vector<16xi32>, vector<16xi1> -> vector<16xi32>
    %reduce_sum3A_2882 = vector.extract %reduce_sum3A_2881[15] : i32 from vector<16xi32>
    %add3A_2883 = arith.addi %add3A_2733, %reduce_sum3A_2882 : i32
    %eq3A_2884 = arith.constant 6 : i32
    %eq3A_2885 = vector.broadcast %eq3A_2884 : i32 to vector<16xi32>
    %eq3A_2886 = arith.cmpi eq, %get3A_2787, %eq3A_2885 : vector<16xi32>
    %convert_element_type3A_2887 = arith.extui %eq3A_2886 : vector<16xi1> to vector<16xi32>
    %broadcast_in_dim3A_2888 = arith.constant true
    %broadcast_in_dim3A_2889 = vector.broadcast %broadcast_in_dim3A_2888 : i1 to vector<16xi1>
    %masked_cumsum3A_2890 = tpu.scan <sum>, %convert_element_type3A_2887 masked %broadcast_in_dim3A_2889 : vector<16xi32>, vector<16xi1> -> vector<16xi32>
    %sub3A_2891 = arith.subi %masked_cumsum3A_2890, %convert_element_type3A_2887 : vector<16xi32>
    %add3A_2892 = vector.broadcast %add3A_2749 : i32 to vector<16xi32>
    %add3A_2893 = arith.addi %add3A_2892, %sub3A_2891 : vector<16xi32>
    %select_n3A_2894 = arith.select %eq3A_2886, %add3A_2893, %select_n3A_2878 : vector<16xi1>, vector<16xi32>
    %reduce_sum3A_2895 = arith.constant true
    %reduce_sum3A_2896 = vector.broadcast %reduce_sum3A_2895 : i1 to vector<16xi1>
    %reduce_sum3A_2897 = tpu.scan <sum>, %convert_element_type3A_2887 masked %reduce_sum3A_2896 : vector<16xi32>, vector<16xi1> -> vector<16xi32>
    %reduce_sum3A_2898 = vector.extract %reduce_sum3A_2897[15] : i32 from vector<16xi32>
    %add3A_2899 = arith.addi %add3A_2749, %reduce_sum3A_2898 : i32
    %eq3A_2900 = arith.constant 7 : i32
    %eq3A_2901 = vector.broadcast %eq3A_2900 : i32 to vector<16xi32>
    %eq3A_2902 = arith.cmpi eq, %get3A_2787, %eq3A_2901 : vector<16xi32>
    %convert_element_type3A_2903 = arith.extui %eq3A_2902 : vector<16xi1> to vector<16xi32>
    %broadcast_in_dim3A_2904 = arith.constant true
    %broadcast_in_dim3A_2905 = vector.broadcast %broadcast_in_dim3A_2904 : i1 to vector<16xi1>
    %masked_cumsum3A_2906 = tpu.scan <sum>, %convert_element_type3A_2903 masked %broadcast_in_dim3A_2905 : vector<16xi32>, vector<16xi1> -> vector<16xi32>
    %sub3A_2907 = arith.subi %masked_cumsum3A_2906, %convert_element_type3A_2903 : vector<16xi32>
    %add3A_2908 = vector.broadcast %add3A_2765 : i32 to vector<16xi32>
    %add3A_2909 = arith.addi %add3A_2908, %sub3A_2907 : vector<16xi32>
    %select_n3A_2910 = arith.select %eq3A_2902, %add3A_2909, %select_n3A_2894 : vector<16xi1>, vector<16xi32>
    %reduce_sum3A_2911 = arith.constant true
    %reduce_sum3A_2912 = vector.broadcast %reduce_sum3A_2911 : i1 to vector<16xi1>
    %reduce_sum3A_2913 = tpu.scan <sum>, %convert_element_type3A_2903 masked %reduce_sum3A_2912 : vector<16xi32>, vector<16xi1> -> vector<16xi32>
    %reduce_sum3A_2914 = vector.extract %reduce_sum3A_2913[15] : i32 from vector<16xi32>
    %add3A_2915 = arith.addi %add3A_2765, %reduce_sum3A_2914 : i32
    %max3A_2916 = arith.maxsi %select_n3A_2910, %broadcast_in_dim3A_3 : vector<16xi32>
    %min3A_2917 = arith.minsi %max3A_2916, %broadcast_in_dim3A_2336 : vector<16xi32>
    %add3A_2918 = arith.constant 48 : i32
    %add3A_2919 = arith.addi %mul3A_2, %add3A_2918 : i32
    %add3A_2920 = vector.broadcast %add3A_2919 : i32 to vector<16xi32>
    %add3A_2921 = arith.addi %add3A_2920, %iota3A : vector<16xi32>
    %and3A_2922 = arith.constant 1 : i32
    %and3A_2923 = vector.broadcast %and3A_2922 : i32 to vector<16xi32>
    %and3A_2924 = arith.andi %add3A_2921, %and3A_2923 : vector<16xi32>
    %shift_right_arithmetic3A_2925 = arith.constant 1 : i32
    %shift_right_arithmetic3A_2926 = vector.broadcast %shift_right_arithmetic3A_2925 : i32 to vector<16xi32>
    %shift_right_arithmetic3A_2927 = arith.shrsi %add3A_2921, %shift_right_arithmetic3A_2926 : vector<16xi32>
    %mul3A_2928 = arith.constant 64 : i32
    %mul3A_2929 = arith.muli %add3A, %mul3A_2928 : i32
    %sub3A_2930 = vector.broadcast %mul3A_2929 : i32 to vector<16xi32>
    %sub3A_2931 = arith.subi %shift_right_arithmetic3A_2927, %sub3A_2930 : vector<16xi32>
    tpu.vector_store_idx %arg11[%and3A_2924, %sub3A_2931], %min3A_2917 : memref<2x64xi32, #tpu.memory_space<vmem>>[vector<16xi32>, vector<16xi32>], vector<16xi32>,
    %mul3A_2932 = arith.constant 128 : i32
    %mul3A_2933 = arith.muli %arg0, %mul3A_2932 : i32
    %add3A_2934 = arith.constant 64 : i32
    %add3A_2935 = arith.addi %mul3A_2933, %add3A_2934 : i32
    %get3A_2936 = arith.index_cast %add3A_2935 : i32 to index
    %get3A_2937 = tpu.vector_load %arg9[%get3A_2936] {strides = array<i32>} : memref<256xi32, #tpu.memory_space<vmem>>, vector<16xi32>,
    %eq3A_2938 = arith.constant 0 : i32
    %eq3A_2939 = vector.broadcast %eq3A_2938 : i32 to vector<16xi32>
    %eq3A_2940 = arith.cmpi eq, %get3A_2937, %eq3A_2939 : vector<16xi32>
    %convert_element_type3A_2941 = arith.extui %eq3A_2940 : vector<16xi1> to vector<16xi32>
    %broadcast_in_dim3A_2942 = arith.constant true
    %broadcast_in_dim3A_2943 = vector.broadcast %broadcast_in_dim3A_2942 : i1 to vector<16xi1>
    %masked_cumsum3A_2944 = tpu.scan <sum>, %convert_element_type3A_2941 masked %broadcast_in_dim3A_2943 : vector<16xi32>, vector<16xi1> -> vector<16xi32>
    %sub3A_2945 = arith.subi %masked_cumsum3A_2944, %convert_element_type3A_2941 : vector<16xi32>
    %add3A_2946 = vector.broadcast %add3A_2803 : i32 to vector<16xi32>
    %add3A_2947 = arith.addi %add3A_2946, %sub3A_2945 : vector<16xi32>
    %select_n3A_2948 = arith.select %eq3A_2940, %add3A_2947, %broadcast_in_dim3A_3 : vector<16xi1>, vector<16xi32>
    %reduce_sum3A_2949 = arith.constant true
    %reduce_sum3A_2950 = vector.broadcast %reduce_sum3A_2949 : i1 to vector<16xi1>
    %reduce_sum3A_2951 = tpu.scan <sum>, %convert_element_type3A_2941 masked %reduce_sum3A_2950 : vector<16xi32>, vector<16xi1> -> vector<16xi32>
    %reduce_sum3A_2952 = vector.extract %reduce_sum3A_2951[15] : i32 from vector<16xi32>
    %add3A_2953 = arith.addi %add3A_2803, %reduce_sum3A_2952 : i32
    %eq3A_2954 = arith.constant 1 : i32
    %eq3A_2955 = vector.broadcast %eq3A_2954 : i32 to vector<16xi32>
    %eq3A_2956 = arith.cmpi eq, %get3A_2937, %eq3A_2955 : vector<16xi32>
    %convert_element_type3A_2957 = arith.extui %eq3A_2956 : vector<16xi1> to vector<16xi32>
    %broadcast_in_dim3A_2958 = arith.constant true
    %broadcast_in_dim3A_2959 = vector.broadcast %broadcast_in_dim3A_2958 : i1 to vector<16xi1>
    %masked_cumsum3A_2960 = tpu.scan <sum>, %convert_element_type3A_2957 masked %broadcast_in_dim3A_2959 : vector<16xi32>, vector<16xi1> -> vector<16xi32>
    %sub3A_2961 = arith.subi %masked_cumsum3A_2960, %convert_element_type3A_2957 : vector<16xi32>
    %add3A_2962 = vector.broadcast %add3A_2819 : i32 to vector<16xi32>
    %add3A_2963 = arith.addi %add3A_2962, %sub3A_2961 : vector<16xi32>
    %select_n3A_2964 = arith.select %eq3A_2956, %add3A_2963, %select_n3A_2948 : vector<16xi1>, vector<16xi32>
    %reduce_sum3A_2965 = arith.constant true
    %reduce_sum3A_2966 = vector.broadcast %reduce_sum3A_2965 : i1 to vector<16xi1>
    %reduce_sum3A_2967 = tpu.scan <sum>, %convert_element_type3A_2957 masked %reduce_sum3A_2966 : vector<16xi32>, vector<16xi1> -> vector<16xi32>
    %reduce_sum3A_2968 = vector.extract %reduce_sum3A_2967[15] : i32 from vector<16xi32>
    %add3A_2969 = arith.addi %add3A_2819, %reduce_sum3A_2968 : i32
    %eq3A_2970 = arith.constant 2 : i32
    %eq3A_2971 = vector.broadcast %eq3A_2970 : i32 to vector<16xi32>
    %eq3A_2972 = arith.cmpi eq, %get3A_2937, %eq3A_2971 : vector<16xi32>
    %convert_element_type3A_2973 = arith.extui %eq3A_2972 : vector<16xi1> to vector<16xi32>
    %broadcast_in_dim3A_2974 = arith.constant true
    %broadcast_in_dim3A_2975 = vector.broadcast %broadcast_in_dim3A_2974 : i1 to vector<16xi1>
    %masked_cumsum3A_2976 = tpu.scan <sum>, %convert_element_type3A_2973 masked %broadcast_in_dim3A_2975 : vector<16xi32>, vector<16xi1> -> vector<16xi32>
    %sub3A_2977 = arith.subi %masked_cumsum3A_2976, %convert_element_type3A_2973 : vector<16xi32>
    %add3A_2978 = vector.broadcast %add3A_2835 : i32 to vector<16xi32>
    %add3A_2979 = arith.addi %add3A_2978, %sub3A_2977 : vector<16xi32>
    %select_n3A_2980 = arith.select %eq3A_2972, %add3A_2979, %select_n3A_2964 : vector<16xi1>, vector<16xi32>
    %reduce_sum3A_2981 = arith.constant true
    %reduce_sum3A_2982 = vector.broadcast %reduce_sum3A_2981 : i1 to vector<16xi1>
    %reduce_sum3A_2983 = tpu.scan <sum>, %convert_element_type3A_2973 masked %reduce_sum3A_2982 : vector<16xi32>, vector<16xi1> -> vector<16xi32>
    %reduce_sum3A_2984 = vector.extract %reduce_sum3A_2983[15] : i32 from vector<16xi32>
    %add3A_2985 = arith.addi %add3A_2835, %reduce_sum3A_2984 : i32
    %eq3A_2986 = arith.constant 3 : i32
    %eq3A_2987 = vector.broadcast %eq3A_2986 : i32 to vector<16xi32>
    %eq3A_2988 = arith.cmpi eq, %get3A_2937, %eq3A_2987 : vector<16xi32>
    %convert_element_type3A_2989 = arith.extui %eq3A_2988 : vector<16xi1> to vector<16xi32>
    %broadcast_in_dim3A_2990 = arith.constant true
    %broadcast_in_dim3A_2991 = vector.broadcast %broadcast_in_dim3A_2990 : i1 to vector<16xi1>
    %masked_cumsum3A_2992 = tpu.scan <sum>, %convert_element_type3A_2989 masked %broadcast_in_dim3A_2991 : vector<16xi32>, vector<16xi1> -> vector<16xi32>
    %sub3A_2993 = arith.subi %masked_cumsum3A_2992, %convert_element_type3A_2989 : vector<16xi32>
    %add3A_2994 = vector.broadcast %add3A_2851 : i32 to vector<16xi32>
    %add3A_2995 = arith.addi %add3A_2994, %sub3A_2993 : vector<16xi32>
    %select_n3A_2996 = arith.select %eq3A_2988, %add3A_2995, %select_n3A_2980 : vector<16xi1>, vector<16xi32>
    %reduce_sum3A_2997 = arith.constant true
    %reduce_sum3A_2998 = vector.broadcast %reduce_sum3A_2997 : i1 to vector<16xi1>
    %reduce_sum3A_2999 = tpu.scan <sum>, %convert_element_type3A_2989 masked %reduce_sum3A_2998 : vector<16xi32>, vector<16xi1> -> vector<16xi32>
    %reduce_sum3A_3000 = vector.extract %reduce_sum3A_2999[15] : i32 from vector<16xi32>
    %add3A_3001 = arith.addi %add3A_2851, %reduce_sum3A_3000 : i32
    %eq3A_3002 = arith.constant 4 : i32
    %eq3A_3003 = vector.broadcast %eq3A_3002 : i32 to vector<16xi32>
    %eq3A_3004 = arith.cmpi eq, %get3A_2937, %eq3A_3003 : vector<16xi32>
    %convert_element_type3A_3005 = arith.extui %eq3A_3004 : vector<16xi1> to vector<16xi32>
    %broadcast_in_dim3A_3006 = arith.constant true
    %broadcast_in_dim3A_3007 = vector.broadcast %broadcast_in_dim3A_3006 : i1 to vector<16xi1>
    %masked_cumsum3A_3008 = tpu.scan <sum>, %convert_element_type3A_3005 masked %broadcast_in_dim3A_3007 : vector<16xi32>, vector<16xi1> -> vector<16xi32>
    %sub3A_3009 = arith.subi %masked_cumsum3A_3008, %convert_element_type3A_3005 : vector<16xi32>
    %add3A_3010 = vector.broadcast %add3A_2867 : i32 to vector<16xi32>
    %add3A_3011 = arith.addi %add3A_3010, %sub3A_3009 : vector<16xi32>
    %select_n3A_3012 = arith.select %eq3A_3004, %add3A_3011, %select_n3A_2996 : vector<16xi1>, vector<16xi32>
    %reduce_sum3A_3013 = arith.constant true
    %reduce_sum3A_3014 = vector.broadcast %reduce_sum3A_3013 : i1 to vector<16xi1>
    %reduce_sum3A_3015 = tpu.scan <sum>, %convert_element_type3A_3005 masked %reduce_sum3A_3014 : vector<16xi32>, vector<16xi1> -> vector<16xi32>
    %reduce_sum3A_3016 = vector.extract %reduce_sum3A_3015[15] : i32 from vector<16xi32>
    %add3A_3017 = arith.addi %add3A_2867, %reduce_sum3A_3016 : i32
    %eq3A_3018 = arith.constant 5 : i32
    %eq3A_3019 = vector.broadcast %eq3A_3018 : i32 to vector<16xi32>
    %eq3A_3020 = arith.cmpi eq, %get3A_2937, %eq3A_3019 : vector<16xi32>
    %convert_element_type3A_3021 = arith.extui %eq3A_3020 : vector<16xi1> to vector<16xi32>
    %broadcast_in_dim3A_3022 = arith.constant true
    %broadcast_in_dim3A_3023 = vector.broadcast %broadcast_in_dim3A_3022 : i1 to vector<16xi1>
    %masked_cumsum3A_3024 = tpu.scan <sum>, %convert_element_type3A_3021 masked %broadcast_in_dim3A_3023 : vector<16xi32>, vector<16xi1> -> vector<16xi32>
    %sub3A_3025 = arith.subi %masked_cumsum3A_3024, %convert_element_type3A_3021 : vector<16xi32>
    %add3A_3026 = vector.broadcast %add3A_2883 : i32 to vector<16xi32>
    %add3A_3027 = arith.addi %add3A_3026, %sub3A_3025 : vector<16xi32>
    %select_n3A_3028 = arith.select %eq3A_3020, %add3A_3027, %select_n3A_3012 : vector<16xi1>, vector<16xi32>
    %reduce_sum3A_3029 = arith.constant true
    %reduce_sum3A_3030 = vector.broadcast %reduce_sum3A_3029 : i1 to vector<16xi1>
    %reduce_sum3A_3031 = tpu.scan <sum>, %convert_element_type3A_3021 masked %reduce_sum3A_3030 : vector<16xi32>, vector<16xi1> -> vector<16xi32>
    %reduce_sum3A_3032 = vector.extract %reduce_sum3A_3031[15] : i32 from vector<16xi32>
    %add3A_3033 = arith.addi %add3A_2883, %reduce_sum3A_3032 : i32
    %eq3A_3034 = arith.constant 6 : i32
    %eq3A_3035 = vector.broadcast %eq3A_3034 : i32 to vector<16xi32>
    %eq3A_3036 = arith.cmpi eq, %get3A_2937, %eq3A_3035 : vector<16xi32>
    %convert_element_type3A_3037 = arith.extui %eq3A_3036 : vector<16xi1> to vector<16xi32>
    %broadcast_in_dim3A_3038 = arith.constant true
    %broadcast_in_dim3A_3039 = vector.broadcast %broadcast_in_dim3A_3038 : i1 to vector<16xi1>
    %masked_cumsum3A_3040 = tpu.scan <sum>, %convert_element_type3A_3037 masked %broadcast_in_dim3A_3039 : vector<16xi32>, vector<16xi1> -> vector<16xi32>
    %sub3A_3041 = arith.subi %masked_cumsum3A_3040, %convert_element_type3A_3037 : vector<16xi32>
    %add3A_3042 = vector.broadcast %add3A_2899 : i32 to vector<16xi32>
    %add3A_3043 = arith.addi %add3A_3042, %sub3A_3041 : vector<16xi32>
    %select_n3A_3044 = arith.select %eq3A_3036, %add3A_3043, %select_n3A_3028 : vector<16xi1>, vector<16xi32>
    %reduce_sum3A_3045 = arith.constant true
    %reduce_sum3A_3046 = vector.broadcast %reduce_sum3A_3045 : i1 to vector<16xi1>
    %reduce_sum3A_3047 = tpu.scan <sum>, %convert_element_type3A_3037 masked %reduce_sum3A_3046 : vector<16xi32>, vector<16xi1> -> vector<16xi32>
    %reduce_sum3A_3048 = vector.extract %reduce_sum3A_3047[15] : i32 from vector<16xi32>
    %add3A_3049 = arith.addi %add3A_2899, %reduce_sum3A_3048 : i32
    %eq3A_3050 = arith.constant 7 : i32
    %eq3A_3051 = vector.broadcast %eq3A_3050 : i32 to vector<16xi32>
    %eq3A_3052 = arith.cmpi eq, %get3A_2937, %eq3A_3051 : vector<16xi32>
    %convert_element_type3A_3053 = arith.extui %eq3A_3052 : vector<16xi1> to vector<16xi32>
    %broadcast_in_dim3A_3054 = arith.constant true
    %broadcast_in_dim3A_3055 = vector.broadcast %broadcast_in_dim3A_3054 : i1 to vector<16xi1>
    %masked_cumsum3A_3056 = tpu.scan <sum>, %convert_element_type3A_3053 masked %broadcast_in_dim3A_3055 : vector<16xi32>, vector<16xi1> -> vector<16xi32>
    %sub3A_3057 = arith.subi %masked_cumsum3A_3056, %convert_element_type3A_3053 : vector<16xi32>
    %add3A_3058 = vector.broadcast %add3A_2915 : i32 to vector<16xi32>
    %add3A_3059 = arith.addi %add3A_3058, %sub3A_3057 : vector<16xi32>
    %select_n3A_3060 = arith.select %eq3A_3052, %add3A_3059, %select_n3A_3044 : vector<16xi1>, vector<16xi32>
    %reduce_sum3A_3061 = arith.constant true
    %reduce_sum3A_3062 = vector.broadcast %reduce_sum3A_3061 : i1 to vector<16xi1>
    %reduce_sum3A_3063 = tpu.scan <sum>, %convert_element_type3A_3053 masked %reduce_sum3A_3062 : vector<16xi32>, vector<16xi1> -> vector<16xi32>
    %reduce_sum3A_3064 = vector.extract %reduce_sum3A_3063[15] : i32 from vector<16xi32>
    %add3A_3065 = arith.addi %add3A_2915, %reduce_sum3A_3064 : i32
    %max3A_3066 = arith.maxsi %select_n3A_3060, %broadcast_in_dim3A_3 : vector<16xi32>
    %min3A_3067 = arith.minsi %max3A_3066, %broadcast_in_dim3A_2336 : vector<16xi32>
    %add3A_3068 = arith.constant 64 : i32
    %add3A_3069 = arith.addi %mul3A_2, %add3A_3068 : i32
    %add3A_3070 = vector.broadcast %add3A_3069 : i32 to vector<16xi32>
    %add3A_3071 = arith.addi %add3A_3070, %iota3A : vector<16xi32>
    %and3A_3072 = arith.constant 1 : i32
    %and3A_3073 = vector.broadcast %and3A_3072 : i32 to vector<16xi32>
    %and3A_3074 = arith.andi %add3A_3071, %and3A_3073 : vector<16xi32>
    %shift_right_arithmetic3A_3075 = arith.constant 1 : i32
    %shift_right_arithmetic3A_3076 = vector.broadcast %shift_right_arithmetic3A_3075 : i32 to vector<16xi32>
    %shift_right_arithmetic3A_3077 = arith.shrsi %add3A_3071, %shift_right_arithmetic3A_3076 : vector<16xi32>
    %mul3A_3078 = arith.constant 64 : i32
    %mul3A_3079 = arith.muli %add3A, %mul3A_3078 : i32
    %sub3A_3080 = vector.broadcast %mul3A_3079 : i32 to vector<16xi32>
    %sub3A_3081 = arith.subi %shift_right_arithmetic3A_3077, %sub3A_3080 : vector<16xi32>
    tpu.vector_store_idx %arg11[%and3A_3074, %sub3A_3081], %min3A_3067 : memref<2x64xi32, #tpu.memory_space<vmem>>[vector<16xi32>, vector<16xi32>], vector<16xi32>,
    %mul3A_3082 = arith.constant 128 : i32
    %mul3A_3083 = arith.muli %arg0, %mul3A_3082 : i32
    %add3A_3084 = arith.constant 80 : i32
    %add3A_3085 = arith.addi %mul3A_3083, %add3A_3084 : i32
    %get3A_3086 = arith.index_cast %add3A_3085 : i32 to index
    %get3A_3087 = tpu.vector_load %arg9[%get3A_3086] {strides = array<i32>} : memref<256xi32, #tpu.memory_space<vmem>>, vector<16xi32>,
    %eq3A_3088 = arith.constant 0 : i32
    %eq3A_3089 = vector.broadcast %eq3A_3088 : i32 to vector<16xi32>
    %eq3A_3090 = arith.cmpi eq, %get3A_3087, %eq3A_3089 : vector<16xi32>
    %convert_element_type3A_3091 = arith.extui %eq3A_3090 : vector<16xi1> to vector<16xi32>
    %broadcast_in_dim3A_3092 = arith.constant true
    %broadcast_in_dim3A_3093 = vector.broadcast %broadcast_in_dim3A_3092 : i1 to vector<16xi1>
    %masked_cumsum3A_3094 = tpu.scan <sum>, %convert_element_type3A_3091 masked %broadcast_in_dim3A_3093 : vector<16xi32>, vector<16xi1> -> vector<16xi32>
    %sub3A_3095 = arith.subi %masked_cumsum3A_3094, %convert_element_type3A_3091 : vector<16xi32>
    %add3A_3096 = vector.broadcast %add3A_2953 : i32 to vector<16xi32>
    %add3A_3097 = arith.addi %add3A_3096, %sub3A_3095 : vector<16xi32>
    %select_n3A_3098 = arith.select %eq3A_3090, %add3A_3097, %broadcast_in_dim3A_3 : vector<16xi1>, vector<16xi32>
    %reduce_sum3A_3099 = arith.constant true
    %reduce_sum3A_3100 = vector.broadcast %reduce_sum3A_3099 : i1 to vector<16xi1>
    %reduce_sum3A_3101 = tpu.scan <sum>, %convert_element_type3A_3091 masked %reduce_sum3A_3100 : vector<16xi32>, vector<16xi1> -> vector<16xi32>
    %reduce_sum3A_3102 = vector.extract %reduce_sum3A_3101[15] : i32 from vector<16xi32>
    %add3A_3103 = arith.addi %add3A_2953, %reduce_sum3A_3102 : i32
    %eq3A_3104 = arith.constant 1 : i32
    %eq3A_3105 = vector.broadcast %eq3A_3104 : i32 to vector<16xi32>
    %eq3A_3106 = arith.cmpi eq, %get3A_3087, %eq3A_3105 : vector<16xi32>
    %convert_element_type3A_3107 = arith.extui %eq3A_3106 : vector<16xi1> to vector<16xi32>
    %broadcast_in_dim3A_3108 = arith.constant true
    %broadcast_in_dim3A_3109 = vector.broadcast %broadcast_in_dim3A_3108 : i1 to vector<16xi1>
    %masked_cumsum3A_3110 = tpu.scan <sum>, %convert_element_type3A_3107 masked %broadcast_in_dim3A_3109 : vector<16xi32>, vector<16xi1> -> vector<16xi32>
    %sub3A_3111 = arith.subi %masked_cumsum3A_3110, %convert_element_type3A_3107 : vector<16xi32>
    %add3A_3112 = vector.broadcast %add3A_2969 : i32 to vector<16xi32>
    %add3A_3113 = arith.addi %add3A_3112, %sub3A_3111 : vector<16xi32>
    %select_n3A_3114 = arith.select %eq3A_3106, %add3A_3113, %select_n3A_3098 : vector<16xi1>, vector<16xi32>
    %reduce_sum3A_3115 = arith.constant true
    %reduce_sum3A_3116 = vector.broadcast %reduce_sum3A_3115 : i1 to vector<16xi1>
    %reduce_sum3A_3117 = tpu.scan <sum>, %convert_element_type3A_3107 masked %reduce_sum3A_3116 : vector<16xi32>, vector<16xi1> -> vector<16xi32>
    %reduce_sum3A_3118 = vector.extract %reduce_sum3A_3117[15] : i32 from vector<16xi32>
    %add3A_3119 = arith.addi %add3A_2969, %reduce_sum3A_3118 : i32
    %eq3A_3120 = arith.constant 2 : i32
    %eq3A_3121 = vector.broadcast %eq3A_3120 : i32 to vector<16xi32>
    %eq3A_3122 = arith.cmpi eq, %get3A_3087, %eq3A_3121 : vector<16xi32>
    %convert_element_type3A_3123 = arith.extui %eq3A_3122 : vector<16xi1> to vector<16xi32>
    %broadcast_in_dim3A_3124 = arith.constant true
    %broadcast_in_dim3A_3125 = vector.broadcast %broadcast_in_dim3A_3124 : i1 to vector<16xi1>
    %masked_cumsum3A_3126 = tpu.scan <sum>, %convert_element_type3A_3123 masked %broadcast_in_dim3A_3125 : vector<16xi32>, vector<16xi1> -> vector<16xi32>
    %sub3A_3127 = arith.subi %masked_cumsum3A_3126, %convert_element_type3A_3123 : vector<16xi32>
    %add3A_3128 = vector.broadcast %add3A_2985 : i32 to vector<16xi32>
    %add3A_3129 = arith.addi %add3A_3128, %sub3A_3127 : vector<16xi32>
    %select_n3A_3130 = arith.select %eq3A_3122, %add3A_3129, %select_n3A_3114 : vector<16xi1>, vector<16xi32>
    %reduce_sum3A_3131 = arith.constant true
    %reduce_sum3A_3132 = vector.broadcast %reduce_sum3A_3131 : i1 to vector<16xi1>
    %reduce_sum3A_3133 = tpu.scan <sum>, %convert_element_type3A_3123 masked %reduce_sum3A_3132 : vector<16xi32>, vector<16xi1> -> vector<16xi32>
    %reduce_sum3A_3134 = vector.extract %reduce_sum3A_3133[15] : i32 from vector<16xi32>
    %add3A_3135 = arith.addi %add3A_2985, %reduce_sum3A_3134 : i32
    %eq3A_3136 = arith.constant 3 : i32
    %eq3A_3137 = vector.broadcast %eq3A_3136 : i32 to vector<16xi32>
    %eq3A_3138 = arith.cmpi eq, %get3A_3087, %eq3A_3137 : vector<16xi32>
    %convert_element_type3A_3139 = arith.extui %eq3A_3138 : vector<16xi1> to vector<16xi32>
    %broadcast_in_dim3A_3140 = arith.constant true
    %broadcast_in_dim3A_3141 = vector.broadcast %broadcast_in_dim3A_3140 : i1 to vector<16xi1>
    %masked_cumsum3A_3142 = tpu.scan <sum>, %convert_element_type3A_3139 masked %broadcast_in_dim3A_3141 : vector<16xi32>, vector<16xi1> -> vector<16xi32>
    %sub3A_3143 = arith.subi %masked_cumsum3A_3142, %convert_element_type3A_3139 : vector<16xi32>
    %add3A_3144 = vector.broadcast %add3A_3001 : i32 to vector<16xi32>
    %add3A_3145 = arith.addi %add3A_3144, %sub3A_3143 : vector<16xi32>
    %select_n3A_3146 = arith.select %eq3A_3138, %add3A_3145, %select_n3A_3130 : vector<16xi1>, vector<16xi32>
    %reduce_sum3A_3147 = arith.constant true
    %reduce_sum3A_3148 = vector.broadcast %reduce_sum3A_3147 : i1 to vector<16xi1>
    %reduce_sum3A_3149 = tpu.scan <sum>, %convert_element_type3A_3139 masked %reduce_sum3A_3148 : vector<16xi32>, vector<16xi1> -> vector<16xi32>
    %reduce_sum3A_3150 = vector.extract %reduce_sum3A_3149[15] : i32 from vector<16xi32>
    %add3A_3151 = arith.addi %add3A_3001, %reduce_sum3A_3150 : i32
    %eq3A_3152 = arith.constant 4 : i32
    %eq3A_3153 = vector.broadcast %eq3A_3152 : i32 to vector<16xi32>
    %eq3A_3154 = arith.cmpi eq, %get3A_3087, %eq3A_3153 : vector<16xi32>
    %convert_element_type3A_3155 = arith.extui %eq3A_3154 : vector<16xi1> to vector<16xi32>
    %broadcast_in_dim3A_3156 = arith.constant true
    %broadcast_in_dim3A_3157 = vector.broadcast %broadcast_in_dim3A_3156 : i1 to vector<16xi1>
    %masked_cumsum3A_3158 = tpu.scan <sum>, %convert_element_type3A_3155 masked %broadcast_in_dim3A_3157 : vector<16xi32>, vector<16xi1> -> vector<16xi32>
    %sub3A_3159 = arith.subi %masked_cumsum3A_3158, %convert_element_type3A_3155 : vector<16xi32>
    %add3A_3160 = vector.broadcast %add3A_3017 : i32 to vector<16xi32>
    %add3A_3161 = arith.addi %add3A_3160, %sub3A_3159 : vector<16xi32>
    %select_n3A_3162 = arith.select %eq3A_3154, %add3A_3161, %select_n3A_3146 : vector<16xi1>, vector<16xi32>
    %reduce_sum3A_3163 = arith.constant true
    %reduce_sum3A_3164 = vector.broadcast %reduce_sum3A_3163 : i1 to vector<16xi1>
    %reduce_sum3A_3165 = tpu.scan <sum>, %convert_element_type3A_3155 masked %reduce_sum3A_3164 : vector<16xi32>, vector<16xi1> -> vector<16xi32>
    %reduce_sum3A_3166 = vector.extract %reduce_sum3A_3165[15] : i32 from vector<16xi32>
    %add3A_3167 = arith.addi %add3A_3017, %reduce_sum3A_3166 : i32
    %eq3A_3168 = arith.constant 5 : i32
    %eq3A_3169 = vector.broadcast %eq3A_3168 : i32 to vector<16xi32>
    %eq3A_3170 = arith.cmpi eq, %get3A_3087, %eq3A_3169 : vector<16xi32>
    %convert_element_type3A_3171 = arith.extui %eq3A_3170 : vector<16xi1> to vector<16xi32>
    %broadcast_in_dim3A_3172 = arith.constant true
    %broadcast_in_dim3A_3173 = vector.broadcast %broadcast_in_dim3A_3172 : i1 to vector<16xi1>
    %masked_cumsum3A_3174 = tpu.scan <sum>, %convert_element_type3A_3171 masked %broadcast_in_dim3A_3173 : vector<16xi32>, vector<16xi1> -> vector<16xi32>
    %sub3A_3175 = arith.subi %masked_cumsum3A_3174, %convert_element_type3A_3171 : vector<16xi32>
    %add3A_3176 = vector.broadcast %add3A_3033 : i32 to vector<16xi32>
    %add3A_3177 = arith.addi %add3A_3176, %sub3A_3175 : vector<16xi32>
    %select_n3A_3178 = arith.select %eq3A_3170, %add3A_3177, %select_n3A_3162 : vector<16xi1>, vector<16xi32>
    %reduce_sum3A_3179 = arith.constant true
    %reduce_sum3A_3180 = vector.broadcast %reduce_sum3A_3179 : i1 to vector<16xi1>
    %reduce_sum3A_3181 = tpu.scan <sum>, %convert_element_type3A_3171 masked %reduce_sum3A_3180 : vector<16xi32>, vector<16xi1> -> vector<16xi32>
    %reduce_sum3A_3182 = vector.extract %reduce_sum3A_3181[15] : i32 from vector<16xi32>
    %add3A_3183 = arith.addi %add3A_3033, %reduce_sum3A_3182 : i32
    %eq3A_3184 = arith.constant 6 : i32
    %eq3A_3185 = vector.broadcast %eq3A_3184 : i32 to vector<16xi32>
    %eq3A_3186 = arith.cmpi eq, %get3A_3087, %eq3A_3185 : vector<16xi32>
    %convert_element_type3A_3187 = arith.extui %eq3A_3186 : vector<16xi1> to vector<16xi32>
    %broadcast_in_dim3A_3188 = arith.constant true
    %broadcast_in_dim3A_3189 = vector.broadcast %broadcast_in_dim3A_3188 : i1 to vector<16xi1>
    %masked_cumsum3A_3190 = tpu.scan <sum>, %convert_element_type3A_3187 masked %broadcast_in_dim3A_3189 : vector<16xi32>, vector<16xi1> -> vector<16xi32>
    %sub3A_3191 = arith.subi %masked_cumsum3A_3190, %convert_element_type3A_3187 : vector<16xi32>
    %add3A_3192 = vector.broadcast %add3A_3049 : i32 to vector<16xi32>
    %add3A_3193 = arith.addi %add3A_3192, %sub3A_3191 : vector<16xi32>
    %select_n3A_3194 = arith.select %eq3A_3186, %add3A_3193, %select_n3A_3178 : vector<16xi1>, vector<16xi32>
    %reduce_sum3A_3195 = arith.constant true
    %reduce_sum3A_3196 = vector.broadcast %reduce_sum3A_3195 : i1 to vector<16xi1>
    %reduce_sum3A_3197 = tpu.scan <sum>, %convert_element_type3A_3187 masked %reduce_sum3A_3196 : vector<16xi32>, vector<16xi1> -> vector<16xi32>
    %reduce_sum3A_3198 = vector.extract %reduce_sum3A_3197[15] : i32 from vector<16xi32>
    %add3A_3199 = arith.addi %add3A_3049, %reduce_sum3A_3198 : i32
    %eq3A_3200 = arith.constant 7 : i32
    %eq3A_3201 = vector.broadcast %eq3A_3200 : i32 to vector<16xi32>
    %eq3A_3202 = arith.cmpi eq, %get3A_3087, %eq3A_3201 : vector<16xi32>
    %convert_element_type3A_3203 = arith.extui %eq3A_3202 : vector<16xi1> to vector<16xi32>
    %broadcast_in_dim3A_3204 = arith.constant true
    %broadcast_in_dim3A_3205 = vector.broadcast %broadcast_in_dim3A_3204 : i1 to vector<16xi1>
    %masked_cumsum3A_3206 = tpu.scan <sum>, %convert_element_type3A_3203 masked %broadcast_in_dim3A_3205 : vector<16xi32>, vector<16xi1> -> vector<16xi32>
    %sub3A_3207 = arith.subi %masked_cumsum3A_3206, %convert_element_type3A_3203 : vector<16xi32>
    %add3A_3208 = vector.broadcast %add3A_3065 : i32 to vector<16xi32>
    %add3A_3209 = arith.addi %add3A_3208, %sub3A_3207 : vector<16xi32>
    %select_n3A_3210 = arith.select %eq3A_3202, %add3A_3209, %select_n3A_3194 : vector<16xi1>, vector<16xi32>
    %reduce_sum3A_3211 = arith.constant true
    %reduce_sum3A_3212 = vector.broadcast %reduce_sum3A_3211 : i1 to vector<16xi1>
    %reduce_sum3A_3213 = tpu.scan <sum>, %convert_element_type3A_3203 masked %reduce_sum3A_3212 : vector<16xi32>, vector<16xi1> -> vector<16xi32>
    %reduce_sum3A_3214 = vector.extract %reduce_sum3A_3213[15] : i32 from vector<16xi32>
    %add3A_3215 = arith.addi %add3A_3065, %reduce_sum3A_3214 : i32
    %max3A_3216 = arith.maxsi %select_n3A_3210, %broadcast_in_dim3A_3 : vector<16xi32>
    %min3A_3217 = arith.minsi %max3A_3216, %broadcast_in_dim3A_2336 : vector<16xi32>
    %add3A_3218 = arith.constant 80 : i32
    %add3A_3219 = arith.addi %mul3A_2, %add3A_3218 : i32
    %add3A_3220 = vector.broadcast %add3A_3219 : i32 to vector<16xi32>
    %add3A_3221 = arith.addi %add3A_3220, %iota3A : vector<16xi32>
    %and3A_3222 = arith.constant 1 : i32
    %and3A_3223 = vector.broadcast %and3A_3222 : i32 to vector<16xi32>
    %and3A_3224 = arith.andi %add3A_3221, %and3A_3223 : vector<16xi32>
    %shift_right_arithmetic3A_3225 = arith.constant 1 : i32
    %shift_right_arithmetic3A_3226 = vector.broadcast %shift_right_arithmetic3A_3225 : i32 to vector<16xi32>
    %shift_right_arithmetic3A_3227 = arith.shrsi %add3A_3221, %shift_right_arithmetic3A_3226 : vector<16xi32>
    %mul3A_3228 = arith.constant 64 : i32
    %mul3A_3229 = arith.muli %add3A, %mul3A_3228 : i32
    %sub3A_3230 = vector.broadcast %mul3A_3229 : i32 to vector<16xi32>
    %sub3A_3231 = arith.subi %shift_right_arithmetic3A_3227, %sub3A_3230 : vector<16xi32>
    tpu.vector_store_idx %arg11[%and3A_3224, %sub3A_3231], %min3A_3217 : memref<2x64xi32, #tpu.memory_space<vmem>>[vector<16xi32>, vector<16xi32>], vector<16xi32>,
    %mul3A_3232 = arith.constant 128 : i32
    %mul3A_3233 = arith.muli %arg0, %mul3A_3232 : i32
    %add3A_3234 = arith.constant 96 : i32
    %add3A_3235 = arith.addi %mul3A_3233, %add3A_3234 : i32
    %get3A_3236 = arith.index_cast %add3A_3235 : i32 to index
    %get3A_3237 = tpu.vector_load %arg9[%get3A_3236] {strides = array<i32>} : memref<256xi32, #tpu.memory_space<vmem>>, vector<16xi32>,
    %eq3A_3238 = arith.constant 0 : i32
    %eq3A_3239 = vector.broadcast %eq3A_3238 : i32 to vector<16xi32>
    %eq3A_3240 = arith.cmpi eq, %get3A_3237, %eq3A_3239 : vector<16xi32>
    %convert_element_type3A_3241 = arith.extui %eq3A_3240 : vector<16xi1> to vector<16xi32>
    %broadcast_in_dim3A_3242 = arith.constant true
    %broadcast_in_dim3A_3243 = vector.broadcast %broadcast_in_dim3A_3242 : i1 to vector<16xi1>
    %masked_cumsum3A_3244 = tpu.scan <sum>, %convert_element_type3A_3241 masked %broadcast_in_dim3A_3243 : vector<16xi32>, vector<16xi1> -> vector<16xi32>
    %sub3A_3245 = arith.subi %masked_cumsum3A_3244, %convert_element_type3A_3241 : vector<16xi32>
    %add3A_3246 = vector.broadcast %add3A_3103 : i32 to vector<16xi32>
    %add3A_3247 = arith.addi %add3A_3246, %sub3A_3245 : vector<16xi32>
    %select_n3A_3248 = arith.select %eq3A_3240, %add3A_3247, %broadcast_in_dim3A_3 : vector<16xi1>, vector<16xi32>
    %reduce_sum3A_3249 = arith.constant true
    %reduce_sum3A_3250 = vector.broadcast %reduce_sum3A_3249 : i1 to vector<16xi1>
    %reduce_sum3A_3251 = tpu.scan <sum>, %convert_element_type3A_3241 masked %reduce_sum3A_3250 : vector<16xi32>, vector<16xi1> -> vector<16xi32>
    %reduce_sum3A_3252 = vector.extract %reduce_sum3A_3251[15] : i32 from vector<16xi32>
    %add3A_3253 = arith.addi %add3A_3103, %reduce_sum3A_3252 : i32
    %eq3A_3254 = arith.constant 1 : i32
    %eq3A_3255 = vector.broadcast %eq3A_3254 : i32 to vector<16xi32>
    %eq3A_3256 = arith.cmpi eq, %get3A_3237, %eq3A_3255 : vector<16xi32>
    %convert_element_type3A_3257 = arith.extui %eq3A_3256 : vector<16xi1> to vector<16xi32>
    %broadcast_in_dim3A_3258 = arith.constant true
    %broadcast_in_dim3A_3259 = vector.broadcast %broadcast_in_dim3A_3258 : i1 to vector<16xi1>
    %masked_cumsum3A_3260 = tpu.scan <sum>, %convert_element_type3A_3257 masked %broadcast_in_dim3A_3259 : vector<16xi32>, vector<16xi1> -> vector<16xi32>
    %sub3A_3261 = arith.subi %masked_cumsum3A_3260, %convert_element_type3A_3257 : vector<16xi32>
    %add3A_3262 = vector.broadcast %add3A_3119 : i32 to vector<16xi32>
    %add3A_3263 = arith.addi %add3A_3262, %sub3A_3261 : vector<16xi32>
    %select_n3A_3264 = arith.select %eq3A_3256, %add3A_3263, %select_n3A_3248 : vector<16xi1>, vector<16xi32>
    %reduce_sum3A_3265 = arith.constant true
    %reduce_sum3A_3266 = vector.broadcast %reduce_sum3A_3265 : i1 to vector<16xi1>
    %reduce_sum3A_3267 = tpu.scan <sum>, %convert_element_type3A_3257 masked %reduce_sum3A_3266 : vector<16xi32>, vector<16xi1> -> vector<16xi32>
    %reduce_sum3A_3268 = vector.extract %reduce_sum3A_3267[15] : i32 from vector<16xi32>
    %add3A_3269 = arith.addi %add3A_3119, %reduce_sum3A_3268 : i32
    %eq3A_3270 = arith.constant 2 : i32
    %eq3A_3271 = vector.broadcast %eq3A_3270 : i32 to vector<16xi32>
    %eq3A_3272 = arith.cmpi eq, %get3A_3237, %eq3A_3271 : vector<16xi32>
    %convert_element_type3A_3273 = arith.extui %eq3A_3272 : vector<16xi1> to vector<16xi32>
    %broadcast_in_dim3A_3274 = arith.constant true
    %broadcast_in_dim3A_3275 = vector.broadcast %broadcast_in_dim3A_3274 : i1 to vector<16xi1>
    %masked_cumsum3A_3276 = tpu.scan <sum>, %convert_element_type3A_3273 masked %broadcast_in_dim3A_3275 : vector<16xi32>, vector<16xi1> -> vector<16xi32>
    %sub3A_3277 = arith.subi %masked_cumsum3A_3276, %convert_element_type3A_3273 : vector<16xi32>
    %add3A_3278 = vector.broadcast %add3A_3135 : i32 to vector<16xi32>
    %add3A_3279 = arith.addi %add3A_3278, %sub3A_3277 : vector<16xi32>
    %select_n3A_3280 = arith.select %eq3A_3272, %add3A_3279, %select_n3A_3264 : vector<16xi1>, vector<16xi32>
    %reduce_sum3A_3281 = arith.constant true
    %reduce_sum3A_3282 = vector.broadcast %reduce_sum3A_3281 : i1 to vector<16xi1>
    %reduce_sum3A_3283 = tpu.scan <sum>, %convert_element_type3A_3273 masked %reduce_sum3A_3282 : vector<16xi32>, vector<16xi1> -> vector<16xi32>
    %reduce_sum3A_3284 = vector.extract %reduce_sum3A_3283[15] : i32 from vector<16xi32>
    %add3A_3285 = arith.addi %add3A_3135, %reduce_sum3A_3284 : i32
    %eq3A_3286 = arith.constant 3 : i32
    %eq3A_3287 = vector.broadcast %eq3A_3286 : i32 to vector<16xi32>
    %eq3A_3288 = arith.cmpi eq, %get3A_3237, %eq3A_3287 : vector<16xi32>
    %convert_element_type3A_3289 = arith.extui %eq3A_3288 : vector<16xi1> to vector<16xi32>
    %broadcast_in_dim3A_3290 = arith.constant true
    %broadcast_in_dim3A_3291 = vector.broadcast %broadcast_in_dim3A_3290 : i1 to vector<16xi1>
    %masked_cumsum3A_3292 = tpu.scan <sum>, %convert_element_type3A_3289 masked %broadcast_in_dim3A_3291 : vector<16xi32>, vector<16xi1> -> vector<16xi32>
    %sub3A_3293 = arith.subi %masked_cumsum3A_3292, %convert_element_type3A_3289 : vector<16xi32>
    %add3A_3294 = vector.broadcast %add3A_3151 : i32 to vector<16xi32>
    %add3A_3295 = arith.addi %add3A_3294, %sub3A_3293 : vector<16xi32>
    %select_n3A_3296 = arith.select %eq3A_3288, %add3A_3295, %select_n3A_3280 : vector<16xi1>, vector<16xi32>
    %reduce_sum3A_3297 = arith.constant true
    %reduce_sum3A_3298 = vector.broadcast %reduce_sum3A_3297 : i1 to vector<16xi1>
    %reduce_sum3A_3299 = tpu.scan <sum>, %convert_element_type3A_3289 masked %reduce_sum3A_3298 : vector<16xi32>, vector<16xi1> -> vector<16xi32>
    %reduce_sum3A_3300 = vector.extract %reduce_sum3A_3299[15] : i32 from vector<16xi32>
    %add3A_3301 = arith.addi %add3A_3151, %reduce_sum3A_3300 : i32
    %eq3A_3302 = arith.constant 4 : i32
    %eq3A_3303 = vector.broadcast %eq3A_3302 : i32 to vector<16xi32>
    %eq3A_3304 = arith.cmpi eq, %get3A_3237, %eq3A_3303 : vector<16xi32>
    %convert_element_type3A_3305 = arith.extui %eq3A_3304 : vector<16xi1> to vector<16xi32>
    %broadcast_in_dim3A_3306 = arith.constant true
    %broadcast_in_dim3A_3307 = vector.broadcast %broadcast_in_dim3A_3306 : i1 to vector<16xi1>
    %masked_cumsum3A_3308 = tpu.scan <sum>, %convert_element_type3A_3305 masked %broadcast_in_dim3A_3307 : vector<16xi32>, vector<16xi1> -> vector<16xi32>
    %sub3A_3309 = arith.subi %masked_cumsum3A_3308, %convert_element_type3A_3305 : vector<16xi32>
    %add3A_3310 = vector.broadcast %add3A_3167 : i32 to vector<16xi32>
    %add3A_3311 = arith.addi %add3A_3310, %sub3A_3309 : vector<16xi32>
    %select_n3A_3312 = arith.select %eq3A_3304, %add3A_3311, %select_n3A_3296 : vector<16xi1>, vector<16xi32>
    %reduce_sum3A_3313 = arith.constant true
    %reduce_sum3A_3314 = vector.broadcast %reduce_sum3A_3313 : i1 to vector<16xi1>
    %reduce_sum3A_3315 = tpu.scan <sum>, %convert_element_type3A_3305 masked %reduce_sum3A_3314 : vector<16xi32>, vector<16xi1> -> vector<16xi32>
    %reduce_sum3A_3316 = vector.extract %reduce_sum3A_3315[15] : i32 from vector<16xi32>
    %add3A_3317 = arith.addi %add3A_3167, %reduce_sum3A_3316 : i32
    %eq3A_3318 = arith.constant 5 : i32
    %eq3A_3319 = vector.broadcast %eq3A_3318 : i32 to vector<16xi32>
    %eq3A_3320 = arith.cmpi eq, %get3A_3237, %eq3A_3319 : vector<16xi32>
    %convert_element_type3A_3321 = arith.extui %eq3A_3320 : vector<16xi1> to vector<16xi32>
    %broadcast_in_dim3A_3322 = arith.constant true
    %broadcast_in_dim3A_3323 = vector.broadcast %broadcast_in_dim3A_3322 : i1 to vector<16xi1>
    %masked_cumsum3A_3324 = tpu.scan <sum>, %convert_element_type3A_3321 masked %broadcast_in_dim3A_3323 : vector<16xi32>, vector<16xi1> -> vector<16xi32>
    %sub3A_3325 = arith.subi %masked_cumsum3A_3324, %convert_element_type3A_3321 : vector<16xi32>
    %add3A_3326 = vector.broadcast %add3A_3183 : i32 to vector<16xi32>
    %add3A_3327 = arith.addi %add3A_3326, %sub3A_3325 : vector<16xi32>
    %select_n3A_3328 = arith.select %eq3A_3320, %add3A_3327, %select_n3A_3312 : vector<16xi1>, vector<16xi32>
    %reduce_sum3A_3329 = arith.constant true
    %reduce_sum3A_3330 = vector.broadcast %reduce_sum3A_3329 : i1 to vector<16xi1>
    %reduce_sum3A_3331 = tpu.scan <sum>, %convert_element_type3A_3321 masked %reduce_sum3A_3330 : vector<16xi32>, vector<16xi1> -> vector<16xi32>
    %reduce_sum3A_3332 = vector.extract %reduce_sum3A_3331[15] : i32 from vector<16xi32>
    %add3A_3333 = arith.addi %add3A_3183, %reduce_sum3A_3332 : i32
    %eq3A_3334 = arith.constant 6 : i32
    %eq3A_3335 = vector.broadcast %eq3A_3334 : i32 to vector<16xi32>
    %eq3A_3336 = arith.cmpi eq, %get3A_3237, %eq3A_3335 : vector<16xi32>
    %convert_element_type3A_3337 = arith.extui %eq3A_3336 : vector<16xi1> to vector<16xi32>
    %broadcast_in_dim3A_3338 = arith.constant true
    %broadcast_in_dim3A_3339 = vector.broadcast %broadcast_in_dim3A_3338 : i1 to vector<16xi1>
    %masked_cumsum3A_3340 = tpu.scan <sum>, %convert_element_type3A_3337 masked %broadcast_in_dim3A_3339 : vector<16xi32>, vector<16xi1> -> vector<16xi32>
    %sub3A_3341 = arith.subi %masked_cumsum3A_3340, %convert_element_type3A_3337 : vector<16xi32>
    %add3A_3342 = vector.broadcast %add3A_3199 : i32 to vector<16xi32>
    %add3A_3343 = arith.addi %add3A_3342, %sub3A_3341 : vector<16xi32>
    %select_n3A_3344 = arith.select %eq3A_3336, %add3A_3343, %select_n3A_3328 : vector<16xi1>, vector<16xi32>
    %reduce_sum3A_3345 = arith.constant true
    %reduce_sum3A_3346 = vector.broadcast %reduce_sum3A_3345 : i1 to vector<16xi1>
    %reduce_sum3A_3347 = tpu.scan <sum>, %convert_element_type3A_3337 masked %reduce_sum3A_3346 : vector<16xi32>, vector<16xi1> -> vector<16xi32>
    %reduce_sum3A_3348 = vector.extract %reduce_sum3A_3347[15] : i32 from vector<16xi32>
    %add3A_3349 = arith.addi %add3A_3199, %reduce_sum3A_3348 : i32
    %eq3A_3350 = arith.constant 7 : i32
    %eq3A_3351 = vector.broadcast %eq3A_3350 : i32 to vector<16xi32>
    %eq3A_3352 = arith.cmpi eq, %get3A_3237, %eq3A_3351 : vector<16xi32>
    %convert_element_type3A_3353 = arith.extui %eq3A_3352 : vector<16xi1> to vector<16xi32>
    %broadcast_in_dim3A_3354 = arith.constant true
    %broadcast_in_dim3A_3355 = vector.broadcast %broadcast_in_dim3A_3354 : i1 to vector<16xi1>
    %masked_cumsum3A_3356 = tpu.scan <sum>, %convert_element_type3A_3353 masked %broadcast_in_dim3A_3355 : vector<16xi32>, vector<16xi1> -> vector<16xi32>
    %sub3A_3357 = arith.subi %masked_cumsum3A_3356, %convert_element_type3A_3353 : vector<16xi32>
    %add3A_3358 = vector.broadcast %add3A_3215 : i32 to vector<16xi32>
    %add3A_3359 = arith.addi %add3A_3358, %sub3A_3357 : vector<16xi32>
    %select_n3A_3360 = arith.select %eq3A_3352, %add3A_3359, %select_n3A_3344 : vector<16xi1>, vector<16xi32>
    %reduce_sum3A_3361 = arith.constant true
    %reduce_sum3A_3362 = vector.broadcast %reduce_sum3A_3361 : i1 to vector<16xi1>
    %reduce_sum3A_3363 = tpu.scan <sum>, %convert_element_type3A_3353 masked %reduce_sum3A_3362 : vector<16xi32>, vector<16xi1> -> vector<16xi32>
    %reduce_sum3A_3364 = vector.extract %reduce_sum3A_3363[15] : i32 from vector<16xi32>
    %add3A_3365 = arith.addi %add3A_3215, %reduce_sum3A_3364 : i32
    %max3A_3366 = arith.maxsi %select_n3A_3360, %broadcast_in_dim3A_3 : vector<16xi32>
    %min3A_3367 = arith.minsi %max3A_3366, %broadcast_in_dim3A_2336 : vector<16xi32>
    %add3A_3368 = arith.constant 96 : i32
    %add3A_3369 = arith.addi %mul3A_2, %add3A_3368 : i32
    %add3A_3370 = vector.broadcast %add3A_3369 : i32 to vector<16xi32>
    %add3A_3371 = arith.addi %add3A_3370, %iota3A : vector<16xi32>
    %and3A_3372 = arith.constant 1 : i32
    %and3A_3373 = vector.broadcast %and3A_3372 : i32 to vector<16xi32>
    %and3A_3374 = arith.andi %add3A_3371, %and3A_3373 : vector<16xi32>
    %shift_right_arithmetic3A_3375 = arith.constant 1 : i32
    %shift_right_arithmetic3A_3376 = vector.broadcast %shift_right_arithmetic3A_3375 : i32 to vector<16xi32>
    %shift_right_arithmetic3A_3377 = arith.shrsi %add3A_3371, %shift_right_arithmetic3A_3376 : vector<16xi32>
    %mul3A_3378 = arith.constant 64 : i32
    %mul3A_3379 = arith.muli %add3A, %mul3A_3378 : i32
    %sub3A_3380 = vector.broadcast %mul3A_3379 : i32 to vector<16xi32>
    %sub3A_3381 = arith.subi %shift_right_arithmetic3A_3377, %sub3A_3380 : vector<16xi32>
    tpu.vector_store_idx %arg11[%and3A_3374, %sub3A_3381], %min3A_3367 : memref<2x64xi32, #tpu.memory_space<vmem>>[vector<16xi32>, vector<16xi32>], vector<16xi32>,
    %mul3A_3382 = arith.constant 128 : i32
    %mul3A_3383 = arith.muli %arg0, %mul3A_3382 : i32
    %add3A_3384 = arith.constant 112 : i32
    %add3A_3385 = arith.addi %mul3A_3383, %add3A_3384 : i32
    %get3A_3386 = arith.index_cast %add3A_3385 : i32 to index
    %get3A_3387 = tpu.vector_load %arg9[%get3A_3386] {strides = array<i32>} : memref<256xi32, #tpu.memory_space<vmem>>, vector<16xi32>,
    %eq3A_3388 = arith.constant 0 : i32
    %eq3A_3389 = vector.broadcast %eq3A_3388 : i32 to vector<16xi32>
    %eq3A_3390 = arith.cmpi eq, %get3A_3387, %eq3A_3389 : vector<16xi32>
    %convert_element_type3A_3391 = arith.extui %eq3A_3390 : vector<16xi1> to vector<16xi32>
    %broadcast_in_dim3A_3392 = arith.constant true
    %broadcast_in_dim3A_3393 = vector.broadcast %broadcast_in_dim3A_3392 : i1 to vector<16xi1>
    %masked_cumsum3A_3394 = tpu.scan <sum>, %convert_element_type3A_3391 masked %broadcast_in_dim3A_3393 : vector<16xi32>, vector<16xi1> -> vector<16xi32>
    %sub3A_3395 = arith.subi %masked_cumsum3A_3394, %convert_element_type3A_3391 : vector<16xi32>
    %add3A_3396 = vector.broadcast %add3A_3253 : i32 to vector<16xi32>
    %add3A_3397 = arith.addi %add3A_3396, %sub3A_3395 : vector<16xi32>
    %select_n3A_3398 = arith.select %eq3A_3390, %add3A_3397, %broadcast_in_dim3A_3 : vector<16xi1>, vector<16xi32>
    %reduce_sum3A_3399 = arith.constant true
    %reduce_sum3A_3400 = vector.broadcast %reduce_sum3A_3399 : i1 to vector<16xi1>
    %reduce_sum3A_3401 = tpu.scan <sum>, %convert_element_type3A_3391 masked %reduce_sum3A_3400 : vector<16xi32>, vector<16xi1> -> vector<16xi32>
    %reduce_sum3A_3402 = vector.extract %reduce_sum3A_3401[15] : i32 from vector<16xi32>
    %add3A_3403 = arith.addi %add3A_3253, %reduce_sum3A_3402 : i32
    %eq3A_3404 = arith.constant 1 : i32
    %eq3A_3405 = vector.broadcast %eq3A_3404 : i32 to vector<16xi32>
    %eq3A_3406 = arith.cmpi eq, %get3A_3387, %eq3A_3405 : vector<16xi32>
    %convert_element_type3A_3407 = arith.extui %eq3A_3406 : vector<16xi1> to vector<16xi32>
    %broadcast_in_dim3A_3408 = arith.constant true
    %broadcast_in_dim3A_3409 = vector.broadcast %broadcast_in_dim3A_3408 : i1 to vector<16xi1>
    %masked_cumsum3A_3410 = tpu.scan <sum>, %convert_element_type3A_3407 masked %broadcast_in_dim3A_3409 : vector<16xi32>, vector<16xi1> -> vector<16xi32>
    %sub3A_3411 = arith.subi %masked_cumsum3A_3410, %convert_element_type3A_3407 : vector<16xi32>
    %add3A_3412 = vector.broadcast %add3A_3269 : i32 to vector<16xi32>
    %add3A_3413 = arith.addi %add3A_3412, %sub3A_3411 : vector<16xi32>
    %select_n3A_3414 = arith.select %eq3A_3406, %add3A_3413, %select_n3A_3398 : vector<16xi1>, vector<16xi32>
    %reduce_sum3A_3415 = arith.constant true
    %reduce_sum3A_3416 = vector.broadcast %reduce_sum3A_3415 : i1 to vector<16xi1>
    %reduce_sum3A_3417 = tpu.scan <sum>, %convert_element_type3A_3407 masked %reduce_sum3A_3416 : vector<16xi32>, vector<16xi1> -> vector<16xi32>
    %reduce_sum3A_3418 = vector.extract %reduce_sum3A_3417[15] : i32 from vector<16xi32>
    %add3A_3419 = arith.addi %add3A_3269, %reduce_sum3A_3418 : i32
    %eq3A_3420 = arith.constant 2 : i32
    %eq3A_3421 = vector.broadcast %eq3A_3420 : i32 to vector<16xi32>
    %eq3A_3422 = arith.cmpi eq, %get3A_3387, %eq3A_3421 : vector<16xi32>
    %convert_element_type3A_3423 = arith.extui %eq3A_3422 : vector<16xi1> to vector<16xi32>
    %broadcast_in_dim3A_3424 = arith.constant true
    %broadcast_in_dim3A_3425 = vector.broadcast %broadcast_in_dim3A_3424 : i1 to vector<16xi1>
    %masked_cumsum3A_3426 = tpu.scan <sum>, %convert_element_type3A_3423 masked %broadcast_in_dim3A_3425 : vector<16xi32>, vector<16xi1> -> vector<16xi32>
    %sub3A_3427 = arith.subi %masked_cumsum3A_3426, %convert_element_type3A_3423 : vector<16xi32>
    %add3A_3428 = vector.broadcast %add3A_3285 : i32 to vector<16xi32>
    %add3A_3429 = arith.addi %add3A_3428, %sub3A_3427 : vector<16xi32>
    %select_n3A_3430 = arith.select %eq3A_3422, %add3A_3429, %select_n3A_3414 : vector<16xi1>, vector<16xi32>
    %reduce_sum3A_3431 = arith.constant true
    %reduce_sum3A_3432 = vector.broadcast %reduce_sum3A_3431 : i1 to vector<16xi1>
    %reduce_sum3A_3433 = tpu.scan <sum>, %convert_element_type3A_3423 masked %reduce_sum3A_3432 : vector<16xi32>, vector<16xi1> -> vector<16xi32>
    %reduce_sum3A_3434 = vector.extract %reduce_sum3A_3433[15] : i32 from vector<16xi32>
    %add3A_3435 = arith.addi %add3A_3285, %reduce_sum3A_3434 : i32
    %eq3A_3436 = arith.constant 3 : i32
    %eq3A_3437 = vector.broadcast %eq3A_3436 : i32 to vector<16xi32>
    %eq3A_3438 = arith.cmpi eq, %get3A_3387, %eq3A_3437 : vector<16xi32>
    %convert_element_type3A_3439 = arith.extui %eq3A_3438 : vector<16xi1> to vector<16xi32>
    %broadcast_in_dim3A_3440 = arith.constant true
    %broadcast_in_dim3A_3441 = vector.broadcast %broadcast_in_dim3A_3440 : i1 to vector<16xi1>
    %masked_cumsum3A_3442 = tpu.scan <sum>, %convert_element_type3A_3439 masked %broadcast_in_dim3A_3441 : vector<16xi32>, vector<16xi1> -> vector<16xi32>
    %sub3A_3443 = arith.subi %masked_cumsum3A_3442, %convert_element_type3A_3439 : vector<16xi32>
    %add3A_3444 = vector.broadcast %add3A_3301 : i32 to vector<16xi32>
    %add3A_3445 = arith.addi %add3A_3444, %sub3A_3443 : vector<16xi32>
    %select_n3A_3446 = arith.select %eq3A_3438, %add3A_3445, %select_n3A_3430 : vector<16xi1>, vector<16xi32>
    %reduce_sum3A_3447 = arith.constant true
    %reduce_sum3A_3448 = vector.broadcast %reduce_sum3A_3447 : i1 to vector<16xi1>
    %reduce_sum3A_3449 = tpu.scan <sum>, %convert_element_type3A_3439 masked %reduce_sum3A_3448 : vector<16xi32>, vector<16xi1> -> vector<16xi32>
    %reduce_sum3A_3450 = vector.extract %reduce_sum3A_3449[15] : i32 from vector<16xi32>
    %add3A_3451 = arith.addi %add3A_3301, %reduce_sum3A_3450 : i32
    %eq3A_3452 = arith.constant 4 : i32
    %eq3A_3453 = vector.broadcast %eq3A_3452 : i32 to vector<16xi32>
    %eq3A_3454 = arith.cmpi eq, %get3A_3387, %eq3A_3453 : vector<16xi32>
    %convert_element_type3A_3455 = arith.extui %eq3A_3454 : vector<16xi1> to vector<16xi32>
    %broadcast_in_dim3A_3456 = arith.constant true
    %broadcast_in_dim3A_3457 = vector.broadcast %broadcast_in_dim3A_3456 : i1 to vector<16xi1>
    %masked_cumsum3A_3458 = tpu.scan <sum>, %convert_element_type3A_3455 masked %broadcast_in_dim3A_3457 : vector<16xi32>, vector<16xi1> -> vector<16xi32>
    %sub3A_3459 = arith.subi %masked_cumsum3A_3458, %convert_element_type3A_3455 : vector<16xi32>
    %add3A_3460 = vector.broadcast %add3A_3317 : i32 to vector<16xi32>
    %add3A_3461 = arith.addi %add3A_3460, %sub3A_3459 : vector<16xi32>
    %select_n3A_3462 = arith.select %eq3A_3454, %add3A_3461, %select_n3A_3446 : vector<16xi1>, vector<16xi32>
    %reduce_sum3A_3463 = arith.constant true
    %reduce_sum3A_3464 = vector.broadcast %reduce_sum3A_3463 : i1 to vector<16xi1>
    %reduce_sum3A_3465 = tpu.scan <sum>, %convert_element_type3A_3455 masked %reduce_sum3A_3464 : vector<16xi32>, vector<16xi1> -> vector<16xi32>
    %reduce_sum3A_3466 = vector.extract %reduce_sum3A_3465[15] : i32 from vector<16xi32>
    %add3A_3467 = arith.addi %add3A_3317, %reduce_sum3A_3466 : i32
    %eq3A_3468 = arith.constant 5 : i32
    %eq3A_3469 = vector.broadcast %eq3A_3468 : i32 to vector<16xi32>
    %eq3A_3470 = arith.cmpi eq, %get3A_3387, %eq3A_3469 : vector<16xi32>
    %convert_element_type3A_3471 = arith.extui %eq3A_3470 : vector<16xi1> to vector<16xi32>
    %broadcast_in_dim3A_3472 = arith.constant true
    %broadcast_in_dim3A_3473 = vector.broadcast %broadcast_in_dim3A_3472 : i1 to vector<16xi1>
    %masked_cumsum3A_3474 = tpu.scan <sum>, %convert_element_type3A_3471 masked %broadcast_in_dim3A_3473 : vector<16xi32>, vector<16xi1> -> vector<16xi32>
    %sub3A_3475 = arith.subi %masked_cumsum3A_3474, %convert_element_type3A_3471 : vector<16xi32>
    %add3A_3476 = vector.broadcast %add3A_3333 : i32 to vector<16xi32>
    %add3A_3477 = arith.addi %add3A_3476, %sub3A_3475 : vector<16xi32>
    %select_n3A_3478 = arith.select %eq3A_3470, %add3A_3477, %select_n3A_3462 : vector<16xi1>, vector<16xi32>
    %reduce_sum3A_3479 = arith.constant true
    %reduce_sum3A_3480 = vector.broadcast %reduce_sum3A_3479 : i1 to vector<16xi1>
    %reduce_sum3A_3481 = tpu.scan <sum>, %convert_element_type3A_3471 masked %reduce_sum3A_3480 : vector<16xi32>, vector<16xi1> -> vector<16xi32>
    %reduce_sum3A_3482 = vector.extract %reduce_sum3A_3481[15] : i32 from vector<16xi32>
    %add3A_3483 = arith.addi %add3A_3333, %reduce_sum3A_3482 : i32
    %eq3A_3484 = arith.constant 6 : i32
    %eq3A_3485 = vector.broadcast %eq3A_3484 : i32 to vector<16xi32>
    %eq3A_3486 = arith.cmpi eq, %get3A_3387, %eq3A_3485 : vector<16xi32>
    %convert_element_type3A_3487 = arith.extui %eq3A_3486 : vector<16xi1> to vector<16xi32>
    %broadcast_in_dim3A_3488 = arith.constant true
    %broadcast_in_dim3A_3489 = vector.broadcast %broadcast_in_dim3A_3488 : i1 to vector<16xi1>
    %masked_cumsum3A_3490 = tpu.scan <sum>, %convert_element_type3A_3487 masked %broadcast_in_dim3A_3489 : vector<16xi32>, vector<16xi1> -> vector<16xi32>
    %sub3A_3491 = arith.subi %masked_cumsum3A_3490, %convert_element_type3A_3487 : vector<16xi32>
    %add3A_3492 = vector.broadcast %add3A_3349 : i32 to vector<16xi32>
    %add3A_3493 = arith.addi %add3A_3492, %sub3A_3491 : vector<16xi32>
    %select_n3A_3494 = arith.select %eq3A_3486, %add3A_3493, %select_n3A_3478 : vector<16xi1>, vector<16xi32>
    %reduce_sum3A_3495 = arith.constant true
    %reduce_sum3A_3496 = vector.broadcast %reduce_sum3A_3495 : i1 to vector<16xi1>
    %reduce_sum3A_3497 = tpu.scan <sum>, %convert_element_type3A_3487 masked %reduce_sum3A_3496 : vector<16xi32>, vector<16xi1> -> vector<16xi32>
    %reduce_sum3A_3498 = vector.extract %reduce_sum3A_3497[15] : i32 from vector<16xi32>
    %add3A_3499 = arith.addi %add3A_3349, %reduce_sum3A_3498 : i32
    %eq3A_3500 = arith.constant 7 : i32
    %eq3A_3501 = vector.broadcast %eq3A_3500 : i32 to vector<16xi32>
    %eq3A_3502 = arith.cmpi eq, %get3A_3387, %eq3A_3501 : vector<16xi32>
    %convert_element_type3A_3503 = arith.extui %eq3A_3502 : vector<16xi1> to vector<16xi32>
    %broadcast_in_dim3A_3504 = arith.constant true
    %broadcast_in_dim3A_3505 = vector.broadcast %broadcast_in_dim3A_3504 : i1 to vector<16xi1>
    %masked_cumsum3A_3506 = tpu.scan <sum>, %convert_element_type3A_3503 masked %broadcast_in_dim3A_3505 : vector<16xi32>, vector<16xi1> -> vector<16xi32>
    %sub3A_3507 = arith.subi %masked_cumsum3A_3506, %convert_element_type3A_3503 : vector<16xi32>
    %add3A_3508 = vector.broadcast %add3A_3365 : i32 to vector<16xi32>
    %add3A_3509 = arith.addi %add3A_3508, %sub3A_3507 : vector<16xi32>
    %select_n3A_3510 = arith.select %eq3A_3502, %add3A_3509, %select_n3A_3494 : vector<16xi1>, vector<16xi32>
    %reduce_sum3A_3511 = arith.constant true
    %reduce_sum3A_3512 = vector.broadcast %reduce_sum3A_3511 : i1 to vector<16xi1>
    %reduce_sum3A_3513 = tpu.scan <sum>, %convert_element_type3A_3503 masked %reduce_sum3A_3512 : vector<16xi32>, vector<16xi1> -> vector<16xi32>
    %reduce_sum3A_3514 = vector.extract %reduce_sum3A_3513[15] : i32 from vector<16xi32>
    %add3A_3515 = arith.addi %add3A_3365, %reduce_sum3A_3514 : i32
    %max3A_3516 = arith.maxsi %select_n3A_3510, %broadcast_in_dim3A_3 : vector<16xi32>
    %min3A_3517 = arith.minsi %max3A_3516, %broadcast_in_dim3A_2336 : vector<16xi32>
    %add3A_3518 = arith.constant 112 : i32
    %add3A_3519 = arith.addi %mul3A_2, %add3A_3518 : i32
    %add3A_3520 = vector.broadcast %add3A_3519 : i32 to vector<16xi32>
    %add3A_3521 = arith.addi %add3A_3520, %iota3A : vector<16xi32>
    %and3A_3522 = arith.constant 1 : i32
    %and3A_3523 = vector.broadcast %and3A_3522 : i32 to vector<16xi32>
    %and3A_3524 = arith.andi %add3A_3521, %and3A_3523 : vector<16xi32>
    %shift_right_arithmetic3A_3525 = arith.constant 1 : i32
    %shift_right_arithmetic3A_3526 = vector.broadcast %shift_right_arithmetic3A_3525 : i32 to vector<16xi32>
    %shift_right_arithmetic3A_3527 = arith.shrsi %add3A_3521, %shift_right_arithmetic3A_3526 : vector<16xi32>
    %mul3A_3528 = arith.constant 64 : i32
    %mul3A_3529 = arith.muli %add3A, %mul3A_3528 : i32
    %sub3A_3530 = vector.broadcast %mul3A_3529 : i32 to vector<16xi32>
    %sub3A_3531 = arith.subi %shift_right_arithmetic3A_3527, %sub3A_3530 : vector<16xi32>
    tpu.vector_store_idx %arg11[%and3A_3524, %sub3A_3531], %min3A_3517 : memref<2x64xi32, #tpu.memory_space<vmem>>[vector<16xi32>, vector<16xi32>], vector<16xi32>,
    "tpu.region"() ({
      %run_scoped3A = tpu.sem_alloc : memref<!tpu.dma_semaphore, #tpu.memory_space<semaphore_mem>>
      %dma_start3A_3607 = arith.constant 0 : i32
      %dma_start3A_3608 = arith.constant 0 : i32
      %dma_start3A_3609 = tpu.memref_slice %arg6[%add3A, %dma_start3A_3607, %dma_start3A_3608] : memref<32x2x64xi32, #tpu.memory_space<hbm>> -> memref<1x2x64xi32, #tpu.memory_space<hbm>>
      %dma_start3A_3610 = tpu.memref_squeeze %dma_start3A_3609 : memref<1x2x64xi32, #tpu.memory_space<hbm>> -> memref<2x64xi32, #tpu.memory_space<hbm>>
      %dma_start3A_3611 = arith.constant 0 : i32
      %dma_start3A_3612 = arith.constant 0 : i32
      %dma_start3A_3613 = tpu.memref_slice %arg6[%add3A, %dma_start3A_3611, %dma_start3A_3612] : memref<32x2x64xi32, #tpu.memory_space<hbm>> -> memref<1x2x64xi32, #tpu.memory_space<hbm>>
      %dma_start3A_3614 = tpu.memref_squeeze %dma_start3A_3613 : memref<1x2x64xi32, #tpu.memory_space<hbm>> -> memref<2x64xi32, #tpu.memory_space<hbm>>
      tpu.enqueue_dma source(%arg11 : memref<2x64xi32, #tpu.memory_space<vmem>>) target(%dma_start3A_3614 : memref<2x64xi32, #tpu.memory_space<hbm>>) target_semaphore(%run_scoped3A : memref<!tpu.dma_semaphore, #tpu.memory_space<semaphore_mem>>)
      %dma_wait3A_3615 = arith.constant 0 : i32
      %dma_wait3A_3616 = arith.constant 0 : i32
      %dma_wait3A_3617 = tpu.memref_slice %arg6[%add3A, %dma_wait3A_3615, %dma_wait3A_3616] : memref<32x2x64xi32, #tpu.memory_space<hbm>> -> memref<1x2x64xi32, #tpu.memory_space<hbm>>
      %dma_wait3A_3618 = tpu.memref_squeeze %dma_wait3A_3617 : memref<1x2x64xi32, #tpu.memory_space<hbm>> -> memref<2x64xi32, #tpu.memory_space<hbm>>
      %dma_wait3A_3619 = arith.constant 0 : i32
      %dma_wait3A_3620 = arith.constant 0 : i32
      %dma_wait3A_3621 = tpu.memref_slice %arg6[%add3A, %dma_wait3A_3619, %dma_wait3A_3620] : memref<32x2x64xi32, #tpu.memory_space<hbm>> -> memref<1x2x64xi32, #tpu.memory_space<hbm>>
      %dma_wait3A_3622 = tpu.memref_squeeze %dma_wait3A_3621 : memref<1x2x64xi32, #tpu.memory_space<hbm>> -> memref<2x64xi32, #tpu.memory_space<hbm>>
      tpu.wait_dma2 semaphore(%run_scoped3A : memref<!tpu.dma_semaphore, #tpu.memory_space<semaphore_mem>>) src(%arg11 : memref<2x64xi32, #tpu.memory_space<vmem>>) dst(%dma_wait3A_3622 : memref<2x64xi32, #tpu.memory_space<hbm>>)
      tpu.yield
    }) : () -> ()
    %dma_wait3A = arith.constant 0 : i32
    %dma_wait3A_3532 = arith.constant 0 : i32
    %dma_wait3A_3533 = arith.constant 0 : i32
    %dma_wait3A_3534 = arith.constant 0 : i32
    %dma_wait3A_3535 = tpu.memref_slice %arg15[%dma_wait3A_3532, %dma_wait3A_3533, %dma_wait3A_3534] : memref<2x64x768xf32, #tpu.memory_space<vmem>> -> memref<1x64x768xf32, #tpu.memory_space<vmem>>
    %dma_wait3A_3536 = tpu.memref_squeeze %dma_wait3A_3535 : memref<1x64x768xf32, #tpu.memory_space<vmem>> -> memref<64x768xf32, #tpu.memory_space<vmem>>
    %dma_wait3A_3537 = arith.constant 0 : i32
    %dma_wait3A_3538 = tpu.memref_slice %arg10[%dma_wait3A, %dma_wait3A_3537] : memref<2x64xi32, #tpu.memory_space<vmem>> -> memref<1x64xi32, #tpu.memory_space<vmem>>
    %dma_wait3A_3539 = tpu.memref_squeeze %dma_wait3A_3538 : memref<1x64xi32, #tpu.memory_space<vmem>> -> memref<64xi32, #tpu.memory_space<vmem>>
    %dma_wait3A_3540 = arith.constant 0 : i32
    %dma_wait3A_3541 = arith.constant 0 : i32
    %dma_wait3A_3542 = tpu.memref_slice %arg4[%dma_wait3A_3540, %dma_wait3A_3541] : memref<2048x768xf32, #tpu.memory_space<hbm>> -> memref<2048x768xf32, #tpu.memory_space<hbm>>
    tpu.wait_indirect_dma semaphore(%arg16 : memref<!tpu.dma_semaphore, #tpu.memory_space<semaphore_mem>>) src(%dma_wait3A_3542 : memref<2048x768xf32, #tpu.memory_space<hbm>>) dst(%dma_wait3A_3536 : memref<64x768xf32, #tpu.memory_space<vmem>>)
    %dma_start3A_3543 = arith.constant 0 : i32
    %dma_start3A_3544 = arith.constant 0 : i32
    %dma_start3A_3545 = arith.constant 0 : i32
    %dma_start3A_3546 = arith.constant 0 : i32
    %dma_start3A_3547 = tpu.memref_slice %arg15[%dma_start3A_3543, %dma_start3A_3545, %dma_start3A_3546] : memref<2x64x768xf32, #tpu.memory_space<vmem>> -> memref<1x64x768xf32, #tpu.memory_space<vmem>>
    %dma_start3A_3548 = tpu.memref_squeeze %dma_start3A_3547 : memref<1x64x768xf32, #tpu.memory_space<vmem>> -> memref<64x768xf32, #tpu.memory_space<vmem>>
    %dma_start3A_3549 = arith.constant 0 : i32
    %dma_start3A_3550 = tpu.memref_slice %arg11[%dma_start3A_3544, %dma_start3A_3549] : memref<2x64xi32, #tpu.memory_space<vmem>> -> memref<1x64xi32, #tpu.memory_space<vmem>>
    %dma_start3A_3551 = tpu.memref_squeeze %dma_start3A_3550 : memref<1x64xi32, #tpu.memory_space<vmem>> -> memref<64xi32, #tpu.memory_space<vmem>>
    %dma_start3A_3552 = arith.constant 0 : i32
    %dma_start3A_3553 = arith.constant 0 : i32
    %dma_start3A_3554 = tpu.memref_slice %arg5[%dma_start3A_3552, %dma_start3A_3553] : memref<5120x768xf32, #tpu.memory_space<hbm>> -> memref<5120x768xf32, #tpu.memory_space<hbm>>
    tpu.enqueue_indirect_dma source(%dma_start3A_3548 : memref<64x768xf32, #tpu.memory_space<vmem>>) target(%dma_start3A_3554 : memref<5120x768xf32, #tpu.memory_space<hbm>>) offsets(%dma_start3A_3551 : memref<64xi32, #tpu.memory_space<vmem>>) semaphore(%arg17 : memref<!tpu.dma_semaphore, #tpu.memory_space<semaphore_mem>>)
    %dma_wait3A_3555 = arith.constant 0 : i32
    %dma_wait3A_3556 = arith.constant 0 : i32
    %dma_wait3A_3557 = arith.constant 0 : i32
    %dma_wait3A_3558 = arith.constant 0 : i32
    %dma_wait3A_3559 = tpu.memref_slice %arg15[%dma_wait3A_3555, %dma_wait3A_3557, %dma_wait3A_3558] : memref<2x64x768xf32, #tpu.memory_space<vmem>> -> memref<1x64x768xf32, #tpu.memory_space<vmem>>
    %dma_wait3A_3560 = tpu.memref_squeeze %dma_wait3A_3559 : memref<1x64x768xf32, #tpu.memory_space<vmem>> -> memref<64x768xf32, #tpu.memory_space<vmem>>
    %dma_wait3A_3561 = arith.constant 0 : i32
    %dma_wait3A_3562 = tpu.memref_slice %arg11[%dma_wait3A_3556, %dma_wait3A_3561] : memref<2x64xi32, #tpu.memory_space<vmem>> -> memref<1x64xi32, #tpu.memory_space<vmem>>
    %dma_wait3A_3563 = tpu.memref_squeeze %dma_wait3A_3562 : memref<1x64xi32, #tpu.memory_space<vmem>> -> memref<64xi32, #tpu.memory_space<vmem>>
    %dma_wait3A_3564 = arith.constant 0 : i32
    %dma_wait3A_3565 = arith.constant 0 : i32
    %dma_wait3A_3566 = tpu.memref_slice %arg5[%dma_wait3A_3564, %dma_wait3A_3565] : memref<5120x768xf32, #tpu.memory_space<hbm>> -> memref<5120x768xf32, #tpu.memory_space<hbm>>
    tpu.wait_indirect_dma semaphore(%arg17 : memref<!tpu.dma_semaphore, #tpu.memory_space<semaphore_mem>>) src(%dma_wait3A_3560 : memref<64x768xf32, #tpu.memory_space<vmem>>) dst(%dma_wait3A_3566 : memref<5120x768xf32, #tpu.memory_space<hbm>>)
    %dma_wait3A_3567 = arith.constant 1 : i32
    %dma_wait3A_3568 = arith.constant 1 : i32
    %dma_wait3A_3569 = arith.constant 0 : i32
    %dma_wait3A_3570 = arith.constant 0 : i32
    %dma_wait3A_3571 = tpu.memref_slice %arg15[%dma_wait3A_3568, %dma_wait3A_3569, %dma_wait3A_3570] : memref<2x64x768xf32, #tpu.memory_space<vmem>> -> memref<1x64x768xf32, #tpu.memory_space<vmem>>
    %dma_wait3A_3572 = tpu.memref_squeeze %dma_wait3A_3571 : memref<1x64x768xf32, #tpu.memory_space<vmem>> -> memref<64x768xf32, #tpu.memory_space<vmem>>
    %dma_wait3A_3573 = arith.constant 0 : i32
    %dma_wait3A_3574 = tpu.memref_slice %arg10[%dma_wait3A_3567, %dma_wait3A_3573] : memref<2x64xi32, #tpu.memory_space<vmem>> -> memref<1x64xi32, #tpu.memory_space<vmem>>
    %dma_wait3A_3575 = tpu.memref_squeeze %dma_wait3A_3574 : memref<1x64xi32, #tpu.memory_space<vmem>> -> memref<64xi32, #tpu.memory_space<vmem>>
    %dma_wait3A_3576 = arith.constant 0 : i32
    %dma_wait3A_3577 = arith.constant 0 : i32
    %dma_wait3A_3578 = tpu.memref_slice %arg4[%dma_wait3A_3576, %dma_wait3A_3577] : memref<2048x768xf32, #tpu.memory_space<hbm>> -> memref<2048x768xf32, #tpu.memory_space<hbm>>
    tpu.wait_indirect_dma semaphore(%arg16 : memref<!tpu.dma_semaphore, #tpu.memory_space<semaphore_mem>>) src(%dma_wait3A_3578 : memref<2048x768xf32, #tpu.memory_space<hbm>>) dst(%dma_wait3A_3572 : memref<64x768xf32, #tpu.memory_space<vmem>>)
    %dma_start3A_3579 = arith.constant 1 : i32
    %dma_start3A_3580 = arith.constant 1 : i32
    %dma_start3A_3581 = arith.constant 0 : i32
    %dma_start3A_3582 = arith.constant 0 : i32
    %dma_start3A_3583 = tpu.memref_slice %arg15[%dma_start3A_3579, %dma_start3A_3581, %dma_start3A_3582] : memref<2x64x768xf32, #tpu.memory_space<vmem>> -> memref<1x64x768xf32, #tpu.memory_space<vmem>>
    %dma_start3A_3584 = tpu.memref_squeeze %dma_start3A_3583 : memref<1x64x768xf32, #tpu.memory_space<vmem>> -> memref<64x768xf32, #tpu.memory_space<vmem>>
    %dma_start3A_3585 = arith.constant 0 : i32
    %dma_start3A_3586 = tpu.memref_slice %arg11[%dma_start3A_3580, %dma_start3A_3585] : memref<2x64xi32, #tpu.memory_space<vmem>> -> memref<1x64xi32, #tpu.memory_space<vmem>>
    %dma_start3A_3587 = tpu.memref_squeeze %dma_start3A_3586 : memref<1x64xi32, #tpu.memory_space<vmem>> -> memref<64xi32, #tpu.memory_space<vmem>>
    %dma_start3A_3588 = arith.constant 0 : i32
    %dma_start3A_3589 = arith.constant 0 : i32
    %dma_start3A_3590 = tpu.memref_slice %arg5[%dma_start3A_3588, %dma_start3A_3589] : memref<5120x768xf32, #tpu.memory_space<hbm>> -> memref<5120x768xf32, #tpu.memory_space<hbm>>
    tpu.enqueue_indirect_dma source(%dma_start3A_3584 : memref<64x768xf32, #tpu.memory_space<vmem>>) target(%dma_start3A_3590 : memref<5120x768xf32, #tpu.memory_space<hbm>>) offsets(%dma_start3A_3587 : memref<64xi32, #tpu.memory_space<vmem>>) semaphore(%arg17 : memref<!tpu.dma_semaphore, #tpu.memory_space<semaphore_mem>>)
    %dma_wait3A_3591 = arith.constant 1 : i32
    %dma_wait3A_3592 = arith.constant 1 : i32
    %dma_wait3A_3593 = arith.constant 0 : i32
    %dma_wait3A_3594 = arith.constant 0 : i32
    %dma_wait3A_3595 = tpu.memref_slice %arg15[%dma_wait3A_3591, %dma_wait3A_3593, %dma_wait3A_3594] : memref<2x64x768xf32, #tpu.memory_space<vmem>> -> memref<1x64x768xf32, #tpu.memory_space<vmem>>
    %dma_wait3A_3596 = tpu.memref_squeeze %dma_wait3A_3595 : memref<1x64x768xf32, #tpu.memory_space<vmem>> -> memref<64x768xf32, #tpu.memory_space<vmem>>
    %dma_wait3A_3597 = arith.constant 0 : i32
    %dma_wait3A_3598 = tpu.memref_slice %arg11[%dma_wait3A_3592, %dma_wait3A_3597] : memref<2x64xi32, #tpu.memory_space<vmem>> -> memref<1x64xi32, #tpu.memory_space<vmem>>
    %dma_wait3A_3599 = tpu.memref_squeeze %dma_wait3A_3598 : memref<1x64xi32, #tpu.memory_space<vmem>> -> memref<64xi32, #tpu.memory_space<vmem>>
    %dma_wait3A_3600 = arith.constant 0 : i32
    %dma_wait3A_3601 = arith.constant 0 : i32
    %dma_wait3A_3602 = tpu.memref_slice %arg5[%dma_wait3A_3600, %dma_wait3A_3601] : memref<5120x768xf32, #tpu.memory_space<hbm>> -> memref<5120x768xf32, #tpu.memory_space<hbm>>
    tpu.wait_indirect_dma semaphore(%arg17 : memref<!tpu.dma_semaphore, #tpu.memory_space<semaphore_mem>>) src(%dma_wait3A_3596 : memref<64x768xf32, #tpu.memory_space<vmem>>) dst(%dma_wait3A_3602 : memref<5120x768xf32, #tpu.memory_space<hbm>>)
    %eq3A_3603 = arith.constant 0 : i32
    %eq3A_3604 = arith.cmpi eq, %add3A, %eq3A_3603 : i32
    %convert_element_type3A_3605 = arith.extui %eq3A_3604 : i1 to i32
    %cond3A = arith.constant 0 : i32
    %cond3A_3606 = arith.cmpi ne, %convert_element_type3A_3605, %cond3A : i32
    scf.if %cond3A_3606 {
      %add3A_3607 = arith.constant 0 : i32
      %add3A_3608 = vector.broadcast %add3A_3607 : i32 to vector<16xi32>
      %add3A_3609 = arith.addi %add3A_3608, %iota3A : vector<16xi32>
      %le3A = vector.broadcast %add3A_2166 : i32 to vector<16xi32>
      %le3A_3610 = arith.cmpi sle, %le3A, %add3A_3609 : vector<16xi32>
      %convert_element_type3A_3611 = arith.extui %le3A_3610 : vector<16xi1> to vector<16xi32>
      %add3A_3612 = arith.addi %broadcast_in_dim3A_3, %convert_element_type3A_3611 : vector<16xi32>
      %le3A_3613 = vector.broadcast %add3A_2190 : i32 to vector<16xi32>
      %le3A_3614 = arith.cmpi sle, %le3A_3613, %add3A_3609 : vector<16xi32>
      %convert_element_type3A_3615 = arith.extui %le3A_3614 : vector<16xi1> to vector<16xi32>
      %add3A_3616 = arith.addi %add3A_3612, %convert_element_type3A_3615 : vector<16xi32>
      %le3A_3617 = vector.broadcast %add3A_2214 : i32 to vector<16xi32>
      %le3A_3618 = arith.cmpi sle, %le3A_3617, %add3A_3609 : vector<16xi32>
      %convert_element_type3A_3619 = arith.extui %le3A_3618 : vector<16xi1> to vector<16xi32>
      %add3A_3620 = arith.addi %add3A_3616, %convert_element_type3A_3619 : vector<16xi32>
      %le3A_3621 = vector.broadcast %add3A_2238 : i32 to vector<16xi32>
      %le3A_3622 = arith.cmpi sle, %le3A_3621, %add3A_3609 : vector<16xi32>
      %convert_element_type3A_3623 = arith.extui %le3A_3622 : vector<16xi1> to vector<16xi32>
      %add3A_3624 = arith.addi %add3A_3620, %convert_element_type3A_3623 : vector<16xi32>
      %le3A_3625 = vector.broadcast %add3A_2262 : i32 to vector<16xi32>
      %le3A_3626 = arith.cmpi sle, %le3A_3625, %add3A_3609 : vector<16xi32>
      %convert_element_type3A_3627 = arith.extui %le3A_3626 : vector<16xi1> to vector<16xi32>
      %add3A_3628 = arith.addi %add3A_3624, %convert_element_type3A_3627 : vector<16xi32>
      %le3A_3629 = vector.broadcast %add3A_2286 : i32 to vector<16xi32>
      %le3A_3630 = arith.cmpi sle, %le3A_3629, %add3A_3609 : vector<16xi32>
      %convert_element_type3A_3631 = arith.extui %le3A_3630 : vector<16xi1> to vector<16xi32>
      %add3A_3632 = arith.addi %add3A_3628, %convert_element_type3A_3631 : vector<16xi32>
      %le3A_3633 = vector.broadcast %add3A_2310 : i32 to vector<16xi32>
      %le3A_3634 = arith.cmpi sle, %le3A_3633, %add3A_3609 : vector<16xi32>
      %convert_element_type3A_3635 = arith.extui %le3A_3634 : vector<16xi1> to vector<16xi32>
      %add3A_3636 = arith.addi %add3A_3632, %convert_element_type3A_3635 : vector<16xi32>
      %le3A_3637 = vector.broadcast %add3A_2334 : i32 to vector<16xi32>
      %le3A_3638 = arith.cmpi sle, %le3A_3637, %add3A_3609 : vector<16xi32>
      %convert_element_type3A_3639 = arith.extui %le3A_3638 : vector<16xi1> to vector<16xi32>
      %add3A_3640 = arith.addi %add3A_3636, %convert_element_type3A_3639 : vector<16xi32>
      %broadcast_in_dim3A_3641 = arith.constant 7 : i32
      %broadcast_in_dim3A_3642 = vector.broadcast %broadcast_in_dim3A_3641 : i32 to vector<16xi32>
      %min3A_3643 = arith.minsi %add3A_3640, %broadcast_in_dim3A_3642 : vector<16xi32>
      %swap3A_3644 = arith.constant 0 : index
      %swap3A_3645 = tpu.vector_load %arg14[%swap3A_3644] {strides = array<i32>} : memref<48xi32, #tpu.memory_space<vmem>>, vector<16xi32>,
      tpu.vector_store %arg14[%swap3A_3644], %min3A_3643 {strides = array<i32>} : memref<48xi32, #tpu.memory_space<vmem>>, vector<16xi32>,
      %add3A_3646 = arith.constant 16 : i32
      %add3A_3647 = vector.broadcast %add3A_3646 : i32 to vector<16xi32>
      %add3A_3648 = arith.addi %add3A_3647, %iota3A : vector<16xi32>
      %le3A_3649 = vector.broadcast %add3A_2166 : i32 to vector<16xi32>
      %le3A_3650 = arith.cmpi sle, %le3A_3649, %add3A_3648 : vector<16xi32>
      %convert_element_type3A_3651 = arith.extui %le3A_3650 : vector<16xi1> to vector<16xi32>
      %add3A_3652 = arith.addi %broadcast_in_dim3A_3, %convert_element_type3A_3651 : vector<16xi32>
      %le3A_3653 = vector.broadcast %add3A_2190 : i32 to vector<16xi32>
      %le3A_3654 = arith.cmpi sle, %le3A_3653, %add3A_3648 : vector<16xi32>
      %convert_element_type3A_3655 = arith.extui %le3A_3654 : vector<16xi1> to vector<16xi32>
      %add3A_3656 = arith.addi %add3A_3652, %convert_element_type3A_3655 : vector<16xi32>
      %le3A_3657 = vector.broadcast %add3A_2214 : i32 to vector<16xi32>
      %le3A_3658 = arith.cmpi sle, %le3A_3657, %add3A_3648 : vector<16xi32>
      %convert_element_type3A_3659 = arith.extui %le3A_3658 : vector<16xi1> to vector<16xi32>
      %add3A_3660 = arith.addi %add3A_3656, %convert_element_type3A_3659 : vector<16xi32>
      %le3A_3661 = vector.broadcast %add3A_2238 : i32 to vector<16xi32>
      %le3A_3662 = arith.cmpi sle, %le3A_3661, %add3A_3648 : vector<16xi32>
      %convert_element_type3A_3663 = arith.extui %le3A_3662 : vector<16xi1> to vector<16xi32>
      %add3A_3664 = arith.addi %add3A_3660, %convert_element_type3A_3663 : vector<16xi32>
      %le3A_3665 = vector.broadcast %add3A_2262 : i32 to vector<16xi32>
      %le3A_3666 = arith.cmpi sle, %le3A_3665, %add3A_3648 : vector<16xi32>
      %convert_element_type3A_3667 = arith.extui %le3A_3666 : vector<16xi1> to vector<16xi32>
      %add3A_3668 = arith.addi %add3A_3664, %convert_element_type3A_3667 : vector<16xi32>
      %le3A_3669 = vector.broadcast %add3A_2286 : i32 to vector<16xi32>
      %le3A_3670 = arith.cmpi sle, %le3A_3669, %add3A_3648 : vector<16xi32>
      %convert_element_type3A_3671 = arith.extui %le3A_3670 : vector<16xi1> to vector<16xi32>
      %add3A_3672 = arith.addi %add3A_3668, %convert_element_type3A_3671 : vector<16xi32>
      %le3A_3673 = vector.broadcast %add3A_2310 : i32 to vector<16xi32>
      %le3A_3674 = arith.cmpi sle, %le3A_3673, %add3A_3648 : vector<16xi32>
      %convert_element_type3A_3675 = arith.extui %le3A_3674 : vector<16xi1> to vector<16xi32>
      %add3A_3676 = arith.addi %add3A_3672, %convert_element_type3A_3675 : vector<16xi32>
      %le3A_3677 = vector.broadcast %add3A_2334 : i32 to vector<16xi32>
      %le3A_3678 = arith.cmpi sle, %le3A_3677, %add3A_3648 : vector<16xi32>
      %convert_element_type3A_3679 = arith.extui %le3A_3678 : vector<16xi1> to vector<16xi32>
      %add3A_3680 = arith.addi %add3A_3676, %convert_element_type3A_3679 : vector<16xi32>
      %broadcast_in_dim3A_3681 = arith.constant 7 : i32
      %broadcast_in_dim3A_3682 = vector.broadcast %broadcast_in_dim3A_3681 : i32 to vector<16xi32>
      %min3A_3683 = arith.minsi %add3A_3680, %broadcast_in_dim3A_3682 : vector<16xi32>
      %swap3A_3684 = arith.constant 16 : index
      %swap3A_3685 = tpu.vector_load %arg14[%swap3A_3684] {strides = array<i32>} : memref<48xi32, #tpu.memory_space<vmem>>, vector<16xi32>,
      tpu.vector_store %arg14[%swap3A_3684], %min3A_3683 {strides = array<i32>} : memref<48xi32, #tpu.memory_space<vmem>>, vector<16xi32>,
      %add3A_3686 = arith.constant 32 : i32
      %add3A_3687 = vector.broadcast %add3A_3686 : i32 to vector<16xi32>
      %add3A_3688 = arith.addi %add3A_3687, %iota3A : vector<16xi32>
      %le3A_3689 = vector.broadcast %add3A_2166 : i32 to vector<16xi32>
      %le3A_3690 = arith.cmpi sle, %le3A_3689, %add3A_3688 : vector<16xi32>
      %convert_element_type3A_3691 = arith.extui %le3A_3690 : vector<16xi1> to vector<16xi32>
      %add3A_3692 = arith.addi %broadcast_in_dim3A_3, %convert_element_type3A_3691 : vector<16xi32>
      %le3A_3693 = vector.broadcast %add3A_2190 : i32 to vector<16xi32>
      %le3A_3694 = arith.cmpi sle, %le3A_3693, %add3A_3688 : vector<16xi32>
      %convert_element_type3A_3695 = arith.extui %le3A_3694 : vector<16xi1> to vector<16xi32>
      %add3A_3696 = arith.addi %add3A_3692, %convert_element_type3A_3695 : vector<16xi32>
      %le3A_3697 = vector.broadcast %add3A_2214 : i32 to vector<16xi32>
      %le3A_3698 = arith.cmpi sle, %le3A_3697, %add3A_3688 : vector<16xi32>
      %convert_element_type3A_3699 = arith.extui %le3A_3698 : vector<16xi1> to vector<16xi32>
      %add3A_3700 = arith.addi %add3A_3696, %convert_element_type3A_3699 : vector<16xi32>
      %le3A_3701 = vector.broadcast %add3A_2238 : i32 to vector<16xi32>
      %le3A_3702 = arith.cmpi sle, %le3A_3701, %add3A_3688 : vector<16xi32>
      %convert_element_type3A_3703 = arith.extui %le3A_3702 : vector<16xi1> to vector<16xi32>
      %add3A_3704 = arith.addi %add3A_3700, %convert_element_type3A_3703 : vector<16xi32>
      %le3A_3705 = vector.broadcast %add3A_2262 : i32 to vector<16xi32>
      %le3A_3706 = arith.cmpi sle, %le3A_3705, %add3A_3688 : vector<16xi32>
      %convert_element_type3A_3707 = arith.extui %le3A_3706 : vector<16xi1> to vector<16xi32>
      %add3A_3708 = arith.addi %add3A_3704, %convert_element_type3A_3707 : vector<16xi32>
      %le3A_3709 = vector.broadcast %add3A_2286 : i32 to vector<16xi32>
      %le3A_3710 = arith.cmpi sle, %le3A_3709, %add3A_3688 : vector<16xi32>
      %convert_element_type3A_3711 = arith.extui %le3A_3710 : vector<16xi1> to vector<16xi32>
      %add3A_3712 = arith.addi %add3A_3708, %convert_element_type3A_3711 : vector<16xi32>
      %le3A_3713 = vector.broadcast %add3A_2310 : i32 to vector<16xi32>
      %le3A_3714 = arith.cmpi sle, %le3A_3713, %add3A_3688 : vector<16xi32>
      %convert_element_type3A_3715 = arith.extui %le3A_3714 : vector<16xi1> to vector<16xi32>
      %add3A_3716 = arith.addi %add3A_3712, %convert_element_type3A_3715 : vector<16xi32>
      %le3A_3717 = vector.broadcast %add3A_2334 : i32 to vector<16xi32>
      %le3A_3718 = arith.cmpi sle, %le3A_3717, %add3A_3688 : vector<16xi32>
      %convert_element_type3A_3719 = arith.extui %le3A_3718 : vector<16xi1> to vector<16xi32>
      %add3A_3720 = arith.addi %add3A_3716, %convert_element_type3A_3719 : vector<16xi32>
      %broadcast_in_dim3A_3721 = arith.constant 7 : i32
      %broadcast_in_dim3A_3722 = vector.broadcast %broadcast_in_dim3A_3721 : i32 to vector<16xi32>
      %min3A_3723 = arith.minsi %add3A_3720, %broadcast_in_dim3A_3722 : vector<16xi32>
      %swap3A_3724 = arith.constant 32 : index
      %swap3A_3725 = tpu.vector_load %arg14[%swap3A_3724] {strides = array<i32>} : memref<48xi32, #tpu.memory_space<vmem>>, vector<16xi32>,
      tpu.vector_store %arg14[%swap3A_3724], %min3A_3723 {strides = array<i32>} : memref<48xi32, #tpu.memory_space<vmem>>, vector<16xi32>,
      "tpu.region"() ({
        %run_scoped3A = tpu.sem_alloc : memref<!tpu.dma_semaphore, #tpu.memory_space<semaphore_mem>>
        tpu.enqueue_dma source(%arg14 : memref<48xi32, #tpu.memory_space<vmem>>) target(%arg7 : memref<48xi32, #tpu.memory_space<hbm>>) target_semaphore(%run_scoped3A : memref<!tpu.dma_semaphore, #tpu.memory_space<semaphore_mem>>)
        tpu.wait_dma2 semaphore(%run_scoped3A : memref<!tpu.dma_semaphore, #tpu.memory_space<semaphore_mem>>) src(%arg14 : memref<48xi32, #tpu.memory_space<vmem>>) dst(%arg7 : memref<48xi32, #tpu.memory_space<hbm>>)
        tpu.yield
      }) : () -> ()
    } else {
    }
    return
  }
}

module attributes {stable_mosaic.version = 14 : i64} {
  func.func @_moe_blk(%arg0: i32, %arg1: memref<40xi32, #tpu.memory_space<smem>>, %arg2: memref<128x768xf32, #tpu.memory_space<vmem>>, %arg3: memref<1x1536x768xbf16, #tpu.memory_space<vmem>>, %arg4: memref<1x768x1536xbf16, #tpu.memory_space<vmem>>, %arg5: memref<128x768xf32, #tpu.memory_space<vmem>>) attributes {dimension_semantics = [#tpu.dimension_semantics<arbitrary>], iteration_bounds = array<i64: 40>, scalar_prefetch = 1 : i64, scratch_operands = 0 : i64, tpu.core_type = #tpu.core_type<tc>, window_params = [{transform_indices = @transform_0, window_bounds = array<i64: 128, 768>}, {transform_indices = @transform_1, window_bounds = array<i64: 1, 1536, 768>}, {transform_indices = @transform_2, window_bounds = array<i64: 1, 768, 1536>}, {transform_indices = @transform_3, window_bounds = array<i64: 128, 768>}]} {
    %get3A = arith.constant 0 : index
    %get3A_0 = arith.constant 0 : index
    %get3A_1 = vector.load %arg2[%get3A, %get3A_0] : memref<128x768xf32, #tpu.memory_space<vmem>>, vector<128x768xf32>
    %convert_element_type3A = arith.truncf %get3A_1 : vector<128x768xf32> to vector<128x768xbf16>
    %get3A_2 = arith.constant 0 : index
    %get3A_3 = arith.constant 0 : index
    %get3A_4 = arith.constant 0 : index
    %get3A_5 = vector.load %arg3[%get3A_2, %get3A_3, %get3A_4] : memref<1x1536x768xbf16, #tpu.memory_space<vmem>>, vector<1x1536x768xbf16>
    %get3A_6 = vector.shape_cast %get3A_5 : vector<1x1536x768xbf16> to vector<1536x768xbf16>
    %dot_general3A = arith.constant dense<0.000000e+00> : vector<128x1536xf32>
    %dot_general3A_7 = tpu.matmul %convert_element_type3A, %get3A_6, %dot_general3A {dimension_numbers = #tpu.dot_dimension_numbers<[1], [1], [0], [0], [0, 0, 1, 0], [], []>, transpose_lhs_hint = false} : vector<128x768xbf16>, vector<1536x768xbf16>, vector<128x1536xf32> -> vector<128x1536xf32>
    %mul3A = arith.constant 5.000000e-01 : f32
    %mul3A_8 = vector.broadcast %mul3A : f32 to vector<128x1536xf32>
    %mul3A_9 = arith.mulf %mul3A_8, %dot_general3A_7 : vector<128x1536xf32>
    %mul3A_10 = arith.constant 0.707106769 : f32
    %mul3A_11 = vector.broadcast %mul3A_10 : f32 to vector<128x1536xf32>
    %mul3A_12 = arith.mulf %dot_general3A_7, %mul3A_11 : vector<128x1536xf32>
    %erf3A = math.erf %mul3A_12 : vector<128x1536xf32>
    %add3A = arith.constant 1.000000e+00 : f32
    %add3A_13 = vector.broadcast %add3A : f32 to vector<128x1536xf32>
    %add3A_14 = arith.addf %add3A_13, %erf3A : vector<128x1536xf32>
    %mul3A_15 = arith.mulf %mul3A_9, %add3A_14 : vector<128x1536xf32>
    %convert_element_type3A_16 = arith.truncf %mul3A_15 : vector<128x1536xf32> to vector<128x1536xbf16>
    %get3A_17 = arith.constant 0 : index
    %get3A_18 = arith.constant 0 : index
    %get3A_19 = arith.constant 0 : index
    %get3A_20 = vector.load %arg4[%get3A_17, %get3A_18, %get3A_19] : memref<1x768x1536xbf16, #tpu.memory_space<vmem>>, vector<1x768x1536xbf16>
    %get3A_21 = vector.shape_cast %get3A_20 : vector<1x768x1536xbf16> to vector<768x1536xbf16>
    %dot_general3A_22 = arith.constant dense<0.000000e+00> : vector<128x768xf32>
    %dot_general3A_23 = tpu.matmul %convert_element_type3A_16, %get3A_21, %dot_general3A_22 {dimension_numbers = #tpu.dot_dimension_numbers<[1], [1], [0], [0], [0, 0, 1, 0], [], []>, transpose_lhs_hint = false} : vector<128x1536xbf16>, vector<768x1536xbf16>, vector<128x768xf32> -> vector<128x768xf32>
    %swap3A = arith.constant 0 : index
    %swap3A_24 = arith.constant 0 : index
    %swap3A_25 = vector.load %arg5[%swap3A, %swap3A_24] : memref<128x768xf32, #tpu.memory_space<vmem>>, vector<128x768xf32>
    tpu.vector_store %arg5[%swap3A, %swap3A_24], %dot_general3A_23 {strides = array<i32>} : memref<128x768xf32, #tpu.memory_space<vmem>>, vector<128x768xf32>,
    return
  }
  func.func @transform_0(%arg0: i32, %arg1: memref<40xi32, #tpu.memory_space<smem>>) -> (i32, i32) {
    %c0_i32 = arith.constant 0 : i32
    %c0_i32_0 = arith.constant 0 : i32
    return %arg0, %c0_i32 : i32, i32
  }
  func.func @transform_1(%arg0: i32, %arg1: memref<40xi32, #tpu.memory_space<smem>>) -> (i32, i32, i32) {
    %get3A = arith.index_cast %arg0 : i32 to index
    %get3A_0 = memref.load %arg1[%get3A] : memref<40xi32, #tpu.memory_space<smem>>
    %c0_i32 = arith.constant 0 : i32
    %c0_i32_1 = arith.constant 0 : i32
    %c0_i32_2 = arith.constant 0 : i32
    return %get3A_0, %c0_i32, %c0_i32_1 : i32, i32, i32
  }
  func.func @transform_2(%arg0: i32, %arg1: memref<40xi32, #tpu.memory_space<smem>>) -> (i32, i32, i32) {
    %get3A = arith.index_cast %arg0 : i32 to index
    %get3A_0 = memref.load %arg1[%get3A] : memref<40xi32, #tpu.memory_space<smem>>
    %c0_i32 = arith.constant 0 : i32
    %c0_i32_1 = arith.constant 0 : i32
    %c0_i32_2 = arith.constant 0 : i32
    return %get3A_0, %c0_i32, %c0_i32_1 : i32, i32, i32
  }
  func.func @transform_3(%arg0: i32, %arg1: memref<40xi32, #tpu.memory_space<smem>>) -> (i32, i32) {
    %c0_i32 = arith.constant 0 : i32
    %c0_i32_0 = arith.constant 0 : i32
    return %arg0, %c0_i32 : i32, i32
  }
}

module attributes {stable_mosaic.version = 14 : i64} {
  func.func @_combine_blk(%arg0: i32, %arg1: memref<128x768xf32, #tpu.memory_space<vmem>>, %arg2: memref<128x768xf32, #tpu.memory_space<vmem>>, %arg3: memref<128x2xf32, #tpu.memory_space<vmem>>, %arg4: memref<128x768xf32, #tpu.memory_space<vmem>>) attributes {dimension_semantics = [#tpu.dimension_semantics<arbitrary>], iteration_bounds = array<i64: 16>, scalar_prefetch = 0 : i64, scratch_operands = 0 : i64, tpu.core_type = #tpu.core_type<tc>, window_params = [{transform_indices = @transform_0, window_bounds = array<i64: 128, 768>}, {transform_indices = @transform_1, window_bounds = array<i64: 128, 768>}, {transform_indices = @transform_2, window_bounds = array<i64: 128, 2>}, {transform_indices = @transform_3, window_bounds = array<i64: 128, 768>}]} {
    %get3A = arith.constant 0 : index
    %get3A_0 = arith.constant 0 : index
    %get3A_1 = vector.load %arg3[%get3A, %get3A_0] : memref<128x2xf32, #tpu.memory_space<vmem>>, vector<128x1xf32>
    %get3A_2 = arith.constant 0 : index
    %get3A_3 = arith.constant 1 : index
    %get3A_4 = vector.load %arg3[%get3A_2, %get3A_3] : memref<128x2xf32, #tpu.memory_space<vmem>>, vector<128x1xf32>
    %get3A_5 = arith.constant 0 : index
    %get3A_6 = arith.constant 0 : index
    %get3A_7 = vector.load %arg1[%get3A_5, %get3A_6] : memref<128x768xf32, #tpu.memory_space<vmem>>, vector<128x768xf32>
    %mul3A = vector.broadcast %get3A_1 : vector<128x1xf32> to vector<128x768xf32>
    %mul3A_8 = arith.mulf %mul3A, %get3A_7 : vector<128x768xf32>
    %get3A_9 = arith.constant 0 : index
    %get3A_10 = arith.constant 0 : index
    %get3A_11 = vector.load %arg2[%get3A_9, %get3A_10] : memref<128x768xf32, #tpu.memory_space<vmem>>, vector<128x768xf32>
    %mul3A_12 = vector.broadcast %get3A_4 : vector<128x1xf32> to vector<128x768xf32>
    %mul3A_13 = arith.mulf %mul3A_12, %get3A_11 : vector<128x768xf32>
    %add3A = arith.addf %mul3A_8, %mul3A_13 : vector<128x768xf32>
    %swap3A = arith.constant 0 : index
    %swap3A_14 = arith.constant 0 : index
    %swap3A_15 = vector.load %arg4[%swap3A, %swap3A_14] : memref<128x768xf32, #tpu.memory_space<vmem>>, vector<128x768xf32>
    tpu.vector_store %arg4[%swap3A, %swap3A_14], %add3A {strides = array<i32>} : memref<128x768xf32, #tpu.memory_space<vmem>>, vector<128x768xf32>,
    return
  }
  func.func @transform_0(%arg0: i32) -> (i32, i32) {
    %c0_i32 = arith.constant 0 : i32
    %c0_i32_0 = arith.constant 0 : i32
    return %arg0, %c0_i32 : i32, i32
  }
  func.func @transform_1(%arg0: i32) -> (i32, i32) {
    %add3A = arith.constant 16 : i32
    %add3A_0 = arith.addi %arg0, %add3A : i32
    %c0_i32 = arith.constant 0 : i32
    %c0_i32_1 = arith.constant 0 : i32
    return %add3A_0, %c0_i32 : i32, i32
  }
  func.func @transform_2(%arg0: i32) -> (i32, i32) {
    %c0_i32 = arith.constant 0 : i32
    %c0_i32_0 = arith.constant 0 : i32
    return %arg0, %c0_i32 : i32, i32
  }
  func.func @transform_3(%arg0: i32) -> (i32, i32) {
    %c0_i32 = arith.constant 0 : i32
    %c0_i32_0 = arith.constant 0 : i32
    return %arg0, %c0_i32 : i32, i32
  }
}

</mosaic_0001>

<sc_bundles>
// kernel: kernel.6.cloned.1.call-start
scs
__scs_entry_jumppad:
0x0: {  	(pc) =	sbr.rel $0x88, $3  }
0x1: {  	(tag) =	ssettag $0x0;
	lr =	simm.s32 $0x1  }
0x2: {  	[smem:$0x3F9D] =	sst lr;
	_ =	strace $0xD0000000  }
0x3: {  	_ = 	snop  }
0x4: {  	_ = 	snop  }
0x5: {  	_ = 	snop  }
0x6: {  	_ = 	snop  }
0x7: {  	_ = 	snop  }
__scs_overlays_trampoline_lowered:
0x8: {  	[smem:$0x3FAC] =	sst s0  }
0x9: {  	[smem:$0x3FAD] =	sst s1  }
0xa: {  	[smem:$0x3FAE] =	sst s2  }
0xb: {  	[smem:$0x3FAF] =	sst s3  }
0xc: {  	[smem:$0x3FB0] =	sst s4  }
0xd: {  	[smem:$0x3FB1] =	sst s5  }
0xe: {  	[smem:$0x3FB2] =	sst s6  }
0xf: {  	[smem:$0x3FB3] =	sst s7  }
0x10: {  	[smem:$0x3FB4] =	sst s8  }
0x11: {  	[smem:$0x3FB5] =	sst s9;
	s0 =	simm.s32 @!p0 $0x0  }
0x12: {  	s1 =	sld [smem:$0x3F9B];
	s0 =	simm.s32 @p0 $0x1  }
0x13: {  	[smem:$0x3FB6] =	sst s0;
	s0 =	simm.s32 @!p1 $0x0  }
0x14: {  	s2 =	sld [smem:$0x3F9A];
	s0 =	simm.s32 @p1 $0x1  }
0x15: {  	[smem:$0x3FB7] =	sst s0;
	s0 =	simm.s32 @!p2 $0x0  }
0x16: {  	s3 =	sld [smem:$0x3FDB];
	s0 =	simm.s32 @p2 $0x1  }
0x17: {  	s4 =	simm.s32 $0x1BF5;
	[smem:$0x3FB9] =	sst s0  }
0x18: {  	s0 =	sld [smem:$0x3F9C];
	_ =	swait.ge [sflag:s4], $0x0  }
0x19: {  	s7 =	sld [smem:$0x3F9D]  }
0x1a: {  	s8 =	sadd.s32 $0xFFFFE003, lr  }
0x1b: {  	s9 =	sadd.s32 $0xFFFFFEF7, lr;
	s5 =	simm.s32 $0xFFFFFFFF;
	p2 =	slt.u32 s8, $0xFFFFF086  }
0x1c: {  	p1 =	slt.u32 s9, $0xF7A;
	s5 =	simm.s32 @!p2 $0x0  }
0x1d: {  	s5 =	simm.s32 @p1 $0x1;
	p0 =	seq.s32 s7, s2  }
0x1e: {  	s7 =	smul.u32 @!p0 $0xF7A, s2;
	p2 =	seq.s32 @!p0 s5, $0x0  }
0x1f: {  	s9 =	smul.u32 $0xF7A, s1;
	s8 =	simm.s32 @!p0 $0x1BF5;
	p2 =	por !p2, p0  }
0x20: {  	[sflag:s8] =	ssyncset.s32 @!p0 $0xFFFFF086;
	s6 =	sadd.s32 @!p0 s3, s7;
	s7 =	simm.s32 @!p0 $0x108  }
0x21: {  	s3 =	sadd.s32 s3, s9;
	s6 =	sadd.s32 @!p0 $0x88, s6;
	s7 =	simm.s32 @p2 $0x1082  }
0x22: {  	[simem:s7], [sflag:s8] =	dma.local @!p0 [hbm:s6], $0xF7A  }
0x23: {  	s9 =	sor.u32 $0xD0000000, s2;
	s6 =	simm.s32 $0x108;
	_ =	swait.ge @!p0 [sflag:s8], $0x0  }
0x24: {  	s3 =	sadd.s32 $0x88, s3;
	s6 =	simm.s32 @!p1 $0x1082;
	[sflag:s4] =	ssyncset.s32 $0xFFFFF086  }
0x25: {  	[simem:s6], [sflag:s4] =	dma.local [hbm:s3], $0xF7A  }
0x26: {  	[smem:$0x3F9D] =	sst s1;
	(tag) =	ssettag s2;
	_ =	strace s9  }
0x27: {  	s1 =	sld [smem:$0x3FAD]  }
0x28: {  	s2 =	sld [smem:$0x3FAE]  }
0x29: {  	s4 =	sld [smem:$0x3FB0]  }
0x2a: {  	p0 =	seq.s32 s5, $0x0;
	s5 =	sld [smem:$0x3FB1]  }
0x2b: {  	s6 =	sld [smem:$0x3FB2]  }
0x2c: {  	s7 =	sld [smem:$0x3FB3]  }
0x2d: {  	s3 =	simm.s32 $0x108;
	s8 =	sld [smem:$0x3FB4]  }
0x2e: {  	s3 =	simm.s32 @!p0 $0x1082;
	s9 =	sld [smem:$0x3FB5]  }
0x2f: {  	lr =	sadd.s32 s0, s3;
	s0 =	sld [smem:$0x3FAC]  }
0x30: {  	s3 =	sld [smem:$0x3FAF]  }
0x31: {  	[smem:$0x3FB8] =	sst s10  }
0x32: {  	s10 =	sld [smem:$0x3FB6];
	_ =	sdelay $0x3  }
0x33: {  	p0 =	seq.s32 s10, $0x1;
	s10 =	sld [smem:$0x3FB8];
	_ =	sdelay $0x3  }
0x34: {  	[smem:$0x3FB8] =	sst s10  }
0x35: {  	s10 =	sld [smem:$0x3FB7];
	_ =	sdelay $0x3  }
0x36: {  	p1 =	seq.s32 s10, $0x1;
	s10 =	sld [smem:$0x3FB8];
	_ =	sdelay $0x3  }
0x37: {  	[smem:$0x3FB8] =	sst s10  }
0x38: {  	s10 =	sld [smem:$0x3FB9]  }
0x39: {  	_ = 	snop;
	(pc) =	sbr.ind lr, $3  }
0x3a: {  	_ = 	snop  }
0x3b: {  	_ = 	snop  }
0x3c: {  	p2 =	seq.s32 s10, $0x1;
	s10 =	sld [smem:$0x3FB8]  }
0x3d: {  	_ =	shalt  }
0x3e: {  	_ =	shalt  }
0x3f: {  	_ =	shalt  }
0x40: {  	_ =	shalt  }
0x41: {  	_ =	shalt  }
0x42: {  	_ =	shalt  }
0x43: {  	_ =	shalt  }
0x44: {  	_ =	shalt  }
0x45: {  	_ =	shalt  }
0x46: {  	_ =	shalt  }
0x47: {  	_ =	shalt  }
0x48: {  	_ =	shalt  }
0x49: {  	_ =	shalt  }
0x4a: {  	_ =	shalt  }
0x4b: {  	_ =	shalt  }
0x4c: {  	_ =	shalt  }
0x4d: {  	_ =	shalt  }
0x4e: {  	_ =	shalt  }
0x4f: {  	_ =	shalt  }
0x50: {  	_ =	shalt  }
0x51: {  	_ =	shalt  }
0x52: {  	_ =	shalt  }
0x53: {  	_ =	shalt  }
0x54: {  	_ =	shalt  }
0x55: {  	_ =	shalt  }
0x56: {  	_ =	shalt  }
0x57: {  	_ =	shalt  }
0x58: {  	_ =	shalt  }
0x59: {  	_ =	shalt  }
0x5a: {  	_ =	shalt  }
0x5b: {  	_ =	shalt  }
0x5c: {  	_ =	shalt  }
0x5d: {  	_ =	shalt  }
0x5e: {  	_ =	shalt  }
0x5f: {  	_ =	shalt  }
0x60: {  	_ =	shalt  }
0x61: {  	_ =	shalt  }
0x62: {  	_ =	shalt  }
0x63: {  	_ =	shalt  }
0x64: {  	_ =	shalt  }
0x65: {  	_ =	shalt  }
0x66: {  	_ =	shalt  }
0x67: {  	_ =	shalt  }
0x68: {  	_ =	shalt  }
0x69: {  	_ =	shalt  }
0x6a: {  	_ =	shalt  }
0x6b: {  	_ =	shalt  }
0x6c: {  	_ =	shalt  }
0x6d: {  	_ =	shalt  }
0x6e: {  	_ =	shalt  }
0x6f: {  	_ =	shalt  }
0x70: {  	_ =	shalt  }
0x71: {  	_ =	shalt  }
0x72: {  	_ =	shalt  }
0x73: {  	_ =	shalt  }
0x74: {  	_ =	shalt  }
0x75: {  	_ =	shalt  }
0x76: {  	_ =	shalt  }
0x77: {  	_ =	shalt  }
0x78: {  	_ =	shalt  }
0x79: {  	_ =	shalt  }
0x7a: {  	_ =	shalt  }
0x7b: {  	_ =	shalt  }
0x7c: {  	_ =	shalt  }
0x7d: {  	_ =	shalt  }
0x7e: {  	_ =	shalt  }
0x7f: {  	_ =	shalt  }
0x80: {  	_ =	shalt  }
0x81: {  	_ =	shalt  }
0x82: {  	_ =	shalt  }
0x83: {  	_ =	shalt  }
0x84: {  	_ =	shalt  }
0x85: {  	_ =	shalt  }
0x86: {  	_ =	shalt  }
0x87: {  	_ =	shalt  }
.Lfunc_end0:
.L_simem_size_0:
called_computation_lowered:
.L_overlay_start_0:
0x88: {  	s2 =	sld [smem:$0x3FD9]  }
0x89: {  	s3 =	sld [smem:$0x3FFE];
	_ =	sdelay $0x1  }
0x8a: {  	s1 =	srdreg.scid  }
0x8b: {  	s0 =	sand.u32 $0x1, s1  }
0x8c: {  	s17 =	sshll.u32 s0, $0xA;
	s2 =	sadd.s32 s3, s2  }
0x8d: {  	s2 =	sadd.s32 s2, s17  }
0x8e: {  	[smem:$0x3FC4] =	sst s2  }
0x8f: {  	_ = 	snop  }
0x90: {  	s2 =	sld [smem:$0x3FC9]  }
0x91: {  	s18 =	sld [smem:$0x3FD0];
	(tm) =	ssettm $0x1  }
0x92: {  	s4 =	sld [smem:$0x3FFB];
	_ =	sdelay $0x3  }
0x93: {  	_ =	strace s4  }
0x94: {  	s4 =	sld [smem:$0x3FFC];
	_ =	sdelay $0x3  }
0x95: {  	_ =	strace s4  }
0x96: {  	s4 =	sld [smem:$0x3FFD];
	_ =	sdelay $0x3  }
0x97: {  	_ =	strace s4  }
0x98: {  	_ =	strace $0x8FFFFFFF  }
0x99: {  	s19 =	sld [smem:$0x3FDB];
	_ =	sdelay $0x1  }
0x9a: {  	s5 =	simm.s32 $_scs_section_size  }
0x9b: {  	s6 =	simm.s32 $_size__tile_overlayer_lowered;
	s7 =	simm.s32 $_tile_overlayer_lowered  }
0x9c: {  	s22 =	simm.s32 $0x1BFF;
	s21 =	sshll.u32 s7, $0x1;
	s4 =	sadd.s32 s5, s19  }
0x9d: {  	s8 =	simm.s32 $0x0;
	s20 =	sshll.u32 s6, $0x1;
	s6 =	sadd.s32 s21, s4  }
0x9e: {  	[timem:s8], [sflag:s22] =	dma.local [hbm:s6], s20  }
0x9f: {  	_ =	swait.ge [sflag:s22], s20  }
0xa0: {  	s5 =	ssub.s32 $0x0, s20;
	[sflag:s22] =	ssyncset.done $0x0  }
0xa1: {  	[sflag:s22] =	ssyncadd.s32 s5;
	_ =	sdelay $0x1  }
0xa2: {  	s23 =	simm.s32 $0x1B8B  }
0xa3: {  	_ =	swait.ge [sflag:s23], $0x1  }
0xa4: {  	[sflag:s23] =	ssyncset.done $0x0  }
0xa5: {  	s25 =	simm.s32 $0x1B8E;
	s24 =	sld [smem:$0x3FFE];
	[sflag:s23] =	ssyncadd.s32 $0xFFFFFFFF  }
0xa6: {  	s26 =	simm.s32 $execute0_lowered;
	[smem:$0x3FD2] =	sst s25  }
0xa7: {  	s6 =	sshll.u32 s26, $0x1;
	_ =	strace $0x80000046;
	[dreg:$0x1] =	wrdreg $0xFFFFFFFF  }
0xa8: {  	s28 =	simm.s32 $_size_execute0_lowered;
	s4 =	sadd.s32 s4, s6;
	[dreg:$0x0] =	wrdreg $0x0  }
0xa9: {  	s6 =	sshll.u32 s28, $0x1;
	[dreg:$0x2] =	wrdreg s4  }
0xaa: {  	[dreg:$0x3] =	wrdreg s6  }
0xab: {  	[dreg:$0x4] =	wrdreg $0xC0  }
0xac: {  	_ =	task [dreg:s8], $0x5FFFF  }
0xad: {  	[dreg:$0x1] =	wrdreg $0xFFFFFFFF  }
0xae: {  	[dreg:$0x0] =	wrdreg $0x60  }
0xaf: {  	[dreg:$0x2] =	wrdreg s24  }
0xb0: {  	[dreg:$0x3] =	wrdreg s18  }
0xb1: {  	[dreg:$0x4] =	wrdreg s2  }
0xb2: {  	[dreg:$0x5] =	wrdreg $0x9  }
0xb3: {  	_ =	task.clear_ibuf [dreg:s8], $0x6FFFF;
	_ =	strace $0x90000046  }
0xb4: {  	s29 =	simm.s32 $0x9;
	_ =	strace $0x80000048  }
0xb5: {  	_ =	swait.ge [sflag:s29], $0x1  }
0xb6: {  	[sflag:s29] =	ssyncadd.s32 $0xFFFFFFFF  }
0xb7: {  	_ =	strace $0x90000048  }
0xb8: {  	_ =	sfence  }
0xb9: {  	s30 =	sld [smem:$0x0];
	_ =	sdelay $0x2  }
0xba: {  	s31 =	sshll.u32 s1, $0xD;
	s1 =	sshrl.u32 s1, $0x2  }
0xbb: {  	s3 =	sand.u32 $0x4000, s31;
	s1 =	sadd.s32 s1, s30  }
0xbc: {  	s0 =	sor.u32 s3, s0;
	s1 =	sshll.u32 s1, $0x11  }
0xbd: {  	s0 =	sor.u32 s1, s0  }
0xbe: {  	s0 =	sadd.s32 $0x8F2B, s0  }
0xbf: {  	[sflag:s0] =	ssyncadd.remote.s32 $0x1  }
0xc0: {  	_ =	sfence.sel $0xFFFF  }
0xc1: {  	[dreg:$0x0] =	wrdreg $0xFFFFFFFF;
	(pc) =	sbr.abs _section_cstart, $3  }
0xc2: {  	[dreg:$0x1] =	wrdreg $0xFFFFFFFF  }
0xc3: {  	_ =	task.clear_ibuf [dreg:s8], $0x2FFFF;
	_ =	strace $0x9FFFFFFF  }
0xc4: {  	(tm) =	ssettm $0x7FFFFFFF  }
0xc5: {  	_ =	shalt  }
tec
execute0_lowered:
.L_overlay_start_1:
0x0: {  	(tag) =	ssettag $0x1  }
0x1: {  	s23 =	stileid.u32;
	s4 =	srdreg.scid  }
0x2: {  	s5 =	sand.u32 $0x1, s4;
	s21 =	sshll.u32 s23, $0x1  }
0x3: {  	s0 =	rddreg [dreg:$0x0];
	s7 =	sor.u32 s5, s21  }
0x4: {  	s1 =	rddreg [dreg:$0x1];
	s9 =	sshll.u32 s7, $0x5  }
0x5: {  	s2 =	rddreg [dreg:$0x2];
	s3 =	simm.s32 $0x0;
	s11 =	sadd.s32 s9, s0  }
0x6: {  	[smem:$0x7FF] =	sst s3;
	p0 =	seq.s32 s7, $0x1F;
	s11 =	sadd.s32 $0x79200, s11  }
0x7: {  	_ =	strace $0x80000047;
	[dreg:$0x9] =	wrdreg s11;
	s11 =	simm.s32 @!p0 $0x0  }
0x8: {  	s11 =	simm.s32 @p0 $0x1;
	p0 =	sgt.u32 s7, $0x1C  }
0x9: {  	[smem:$0x7E4] =	sst s11;
	s11 =	simm.s32 @!p0 $0x0  }
0xa: {  	s11 =	simm.s32 @p0 $0x1;
	p0 =	sgt.u32 s7, $0x1A  }
0xb: {  	[smem:$0x7E5] =	sst s11;
	s11 =	simm.s32 @!p0 $0x0  }
0xc: {  	s11 =	simm.s32 @p0 $0x1;
	p0 =	sgt.u32 s7, $0x18  }
0xd: {  	[smem:$0x7E6] =	sst s11;
	s11 =	simm.s32 @!p0 $0x0  }
0xe: {  	s11 =	simm.s32 @p0 $0x1;
	p0 =	sgt.u32 s7, $0x16  }
0xf: {  	[smem:$0x7E7] =	sst s11;
	s11 =	simm.s32 @!p0 $0x0  }
0x10: {  	s11 =	simm.s32 @p0 $0x1;
	p0 =	sgt.u32 s7, $0x14  }
0x11: {  	[smem:$0x7E8] =	sst s11;
	s11 =	simm.s32 @!p0 $0x0  }
0x12: {  	s17 =	simm.s32 $0x3;
	s11 =	simm.s32 @p0 $0x1;
	p0 =	sgt.u32 s7, $0x12  }
0x13: {  	s28 =	simm.s32 $0x1;
	[smem:$0x7E9] =	sst s11;
	s11 =	simm.s32 @!p0 $0x0  }
0x14: {  	s29 =	simm.s32 $0x2;
	s11 =	simm.s32 @p0 $0x1;
	p0 =	sgt.u32 s7, $0x10  }
0x15: {  	s6 =	sshll.u32 s23, $0x5;
	[smem:$0x7EA] =	sst s11;
	s11 =	simm.s32 @!p0 $0x0  }
0x16: {  	s4 =	sadd.s32 $0x1200, s0;
	s11 =	simm.s32 @p0 $0x1;
	p0 =	sgt.u32 s7, $0xE  }
0x17: {  	s12 =	sadd.s32 $0x1000, s0;
	[smem:$0x7EB] =	sst s11;
	s11 =	simm.s32 @!p0 $0x0  }
0x18: {  	s14 =	sadd.s32 $0xE00, s0;
	s11 =	simm.s32 @p0 $0x1;
	p0 =	sgt.u32 s7, $0xC  }
0x19: {  	s15 =	sadd.s32 $0x1400, s0;
	[smem:$0x7EC] =	sst s11;
	s11 =	simm.s32 @!p0 $0x0  }
0x1a: {  	p5 =	sgt.u32 s23, $0x5;
	s11 =	simm.s32 @p0 $0x1;
	p0 =	sgt.u32 s7, $0xA  }
0x1b: {  	p6 =	sgt.u32 s23, $0x4;
	[smem:$0x7ED] =	sst s11;
	s11 =	simm.s32 @!p0 $0x0  }
0x1c: {  	p1 =	sgt.u32 s23, $0x2;
	s11 =	simm.s32 @p0 $0x1;
	p0 =	sgt.u32 s7, $0x8  }
0x1d: {  	p2 =	sgt.u32 s23, $0x1;
	[smem:$0x7EE] =	sst s11;
	s11 =	simm.s32 @!p0 $0x0  }
0x1e: {  	p3 =	seq.s32 s23, $0x0;
	s11 =	simm.s32 @p0 $0x1;
	p0 =	sgt.u32 s7, $0x6  }
0x1f: {  	s8 =	sadd.s32 s6, s0;
	[smem:$0x7EF] =	sst s11;
	s11 =	simm.s32 @!p0 $0x0  }
0x20: {  	[dreg:$0x4] =	wrdreg s12;
	s11 =	simm.s32 @p0 $0x1;
	p0 =	sgt.u32 s7, $0x4  }
0x21: {  	s10 =	ssub.s32 $0x2, s5;
	[smem:$0x7F0] =	sst s11;
	s11 =	simm.s32 @!p0 $0x0  }
0x22: {  	[dreg:$0x5] =	wrdreg s14;
	s11 =	simm.s32 @p0 $0x1;
	p0 =	sgt.u32 s7, $0x2  }
0x23: {  	s24 =	sadd.s32 s14, s6;
	[smem:$0x7F1] =	sst s11;
	s11 =	simm.s32 @!p0 $0x0  }
0x24: {  	s12 =	sshll.u32 s5, $0x7;
	s11 =	simm.s32 @p0 $0x1;
	p0 =	sne.s32 s7, $0x0  }
0x25: {  	s14 =	sadd.s32 $0x1300, s0;
	[smem:$0x7F2] =	sst s11;
	s11 =	simm.s32 @!p0 $0x0  }
0x26: {  	s22 =	sshrl.u32 s10, $0x1;
	s11 =	simm.s32 @p0 $0x1;
	p0 =	seq.s32 s7, $0x0  }
0x27: {  	s18 =	sshll.u32 s7, $0x7;
	s25 =	sshll.u32 s7, $0x6;
	s7 =	simm.s32 @!p0 $0x0  }
0x28: {  	s8 =	sadd.s32 $0xC00, s8;
	s7 =	simm.s32 @p0 $0x1;
	p0 =	seq.s32 s23, $0xF  }
0x29: {  	[dreg:$0x8] =	wrdreg s24;
	s24 =	simm.s32 $0x1480;
	s0 =	simm.s32 @!p0 $0x0  }
0x2a: {  	s13 =	ssub.s32 s10, s22;
	s0 =	simm.s32 @p0 $0x1;
	p0 =	sgt.u32 s23, $0xD  }
0x2b: {  	v0 =	vlaneseq.u32;
	s26 =	sor.u32 $0x10, s18;
	[smem:$0x7F5] =	sst s0;
	s0 =	simm.s32 @!p0 $0x0  }
0x2c: {  	vm0 =	vmmov $0xffff;
	v12 =	vimm.s32 $0x0;
	vm1 =	vmmov $0x1;
	s30 =	sor.u32 $0x20, s18;
	s0 =	simm.s32 @p0 $0x1;
	p0 =	sgt.u32 s23, $0xC  }
0x2d: {  	vm3 =	vcmask $0xB08;
	vm4 =	vcmask $0xF0C;
	vm5 =	vcmask $0x1310;
	s31 =	sor.u32 $0x30, s18;
	[smem:$0x7F6] =	sst s0;
	s0 =	simm.s32 @!p0 $0x0  }
0x2e: {  	vm6 =	vcmask $0x1714;
	vm7 =	vcmask $0x1B18;
	v7 =	vand.u32 $0x1, v0;
	s19 =	sor.u32 $0x40, s18;
	s0 =	simm.s32 @p0 $0x1;
	p0 =	sgt.u32 s23, $0xB  }
0x2f: {  	vm8 =	vcmask $0x1F1C;
	v10 =	vmul.u32 $0x80, v7;
	s20 =	sor.u32 $0x50, s18;
	v1 =	vor.u32 s18, v0;
	[smem:$0x7F7] =	sst s0;
	s0 =	simm.s32 @!p0 $0x0  }
0x30: {  	s21 =	sor.u32 $0x60, s18;
	v8 =	vmov s25;
	v2 =	vor.u32 s26, v0;
	v3 =	vor.u32 s30, v0;
	s0 =	simm.s32 @p0 $0x1;
	p0 =	sgt.u32 s23, $0xA  }
0x31: {  	s22 =	sor.u32 $0x70, s18;
	v4 =	vor.u32 s31, v0;
	v5 =	vor.u32 s19, v0;
	v6 =	vor.u32 s20, v0;
	[smem:$0x7F8] =	sst s0;
	s0 =	simm.s32 @!p0 $0x0  }
0x32: {  	[dreg:$0x6] =	wrdreg s8;
	v9 =	vor.u32 s21, v0;
	v1 =	vshrl.u32 v1, $0x1;
	v7 =	vor.u32 s22, v0;
	s0 =	simm.s32 @p0 $0x1;
	p0 =	sgt.u32 s23, $0x9  }
0x33: {  	s1 =	sadd.s32 s1, s9;
	v1 =	vsub.s32 v1, v8;
	v2 =	vshrl.u32 v2, $0x1;
	v3 =	vshrl.u32 v3, $0x1;
	[smem:$0x7F9] =	sst s0;
	s0 =	simm.s32 @!p0 $0x0  }
0x34: {  	s9 =	sadd.s32 $0x100, s2;
	v4 =	vshrl.u32 v4, $0x1;
	v5 =	vshrl.u32 v5, $0x1;
	v6 =	vshrl.u32 v6, $0x1;
	s0 =	simm.s32 @p0 $0x1;
	p0 =	sgt.u32 s23, $0x8  }
0x35: {  	s10 =	sadd.s32 $0x200, s2;
	v9 =	vshrl.u32 v9, $0x1;
	v11 =	vshrl.u32 v7, $0x1;
	v1 =	vadd.s32 v10, v1;
	[smem:$0x7FA] =	sst s0;
	s0 =	simm.s32 @!p0 $0x0  }
0x36: {  	[dreg:$0x7] =	wrdreg s1;
	v2 =	vsub.s32 v2, v8;
	v3 =	vsub.s32 v3, v8;
	v4 =	vsub.s32 v4, v8;
	s0 =	simm.s32 @p0 $0x1;
	p0 =	sgt.u32 s23, $0x7  }
.Ltmp0:
0x37: {  	v5 =	vsub.s32 v5, v8;
	v6 =	vsub.s32 v6, v8;
	v9 =	vsub.s32 v9, v8;
	[smem:$0x7FB] =	sst s0;
	s0 =	simm.s32 @!p0 $0x0;
	(pc) =	sbr.rel .LBB2_1-.Ltmp0, $4  }
0x38: {  	v8 =	vsub.s32 v11, v8;
	v11 =	vshrl.u32 v0, $0x3;
	v2 =	vadd.s32 v10, v2;
	[smem:$0x7F3] =	sst s11;
	s0 =	simm.s32 @p0 $0x1;
	p0 =	sgt.u32 s23, $0x6  }
0x39: {  	s25 =	simm.s32 $0x1C80;
	v3 =	vadd.s32 v10, v3;
	v4 =	vadd.s32 v10, v4;
	v5 =	vadd.s32 v10, v5;
	[smem:$0x7FC] =	sst s0;
	s0 =	simm.s32 @!p0 $0x0  }
0x3a: {  	s16 =	smax.u32 s13, $0x1;
	v6 =	vadd.s32 v10, v6;
	v7 =	vadd.s32 v10, v9;
	v8 =	vadd.s32 v10, v8;
	[smem:$0x7F4] =	sst s7;
	s0 =	simm.s32 @p0 $0x1  }
0x3b: {  	s26 =	simm.s32 $0x200;
	v9 =	vand.u32 $0x7, v0;
	v10 =	vmul.u32 $0x8, v11;
	v11 =	vor.u32 $0x8, v0;
	p0 =	sgt.u32 s23, $0x3;
	[smem:$0x7FD] =	sst s0  }
.LBB2_3:
0x3c: {  	s16 =	sadd.s32 $0xFFFFFFFF, s16  }
0x3d: {  	p4 =	sne.s32 s16, $0x0  }
.Ltmp1:
0x3e: {  	_ = 	snop;
	(pc) =	sbr.rel @!p4 .LBB2_4-.Ltmp1, $1  }
0x3f: {  	_ =	sdelay $0x3  }
.LBB2_1:
0x40: {  	s0 =	rddreg [dreg:$0x6]  }
0x41: {  	[tilespmem:s3], [sflag:$0x3] =	stream.linear.gather [hbm4b:s0+s3], $0x100, $0x38;
	[tilespmem:$0x19480] =	vst v63  }
0x42: {  	_ =	swait.ge [sflag:s17], $0x100  }
0x43: {  	[sflag:s17] =	ssyncset.done $0x0  }
0x44: {  	s1 =	simm.s32 $0x100;
	s23 =	rddreg [dreg:$0x7];
	[sflag:s17] =	ssyncadd.s32 $0xFFFFFF00  }
0x45: {  	[tilespmem:s1], [sflag:$0x3] =	stream.linear.gather [hbm4b:s23+s3], $0x100, $0x38;
	[tilespmem:$0x19480] =	vst v63  }
0x46: {  	_ =	swait.ge [sflag:s17], $0x100  }
0x47: {  	[sflag:s17] =	ssyncset.done $0x0  }
0x48: {  	[sflag:s17] =	ssyncadd.s32 $0xFFFFFF00  }
0x49: {  	v13 =	vld [tilespmem:$0x100];
	_ =	sdelay $0x4  }
0x4a: {  	v14 =	vshrl.u32 v13, $0x3  }
0x4b: {  	v14 =	vmul.u32 $0x30, v14  }
0x4c: {  	v13 =	vand.u32 $0x7, v13  }
0x4d: {  	v13 =	vor.u32 v13, v14  }
0x4e: {  	v14 =	vperm.xlane v13, v9;
	_ =	sdelay $0x1  }
0x4f: {  	v14 =	vadd.s32 v10, v14;
	_ =	sdelay $0x3  }
0x50: {  	v13 =	vperm.xlane v13, v11  }
0x51: {  	[tilespmem:s24], [sflag:$0x1] =	stream.indirect_vreg.gather [hbm4b:s2+s3], $0x80, v14, vm0, $0xb8;
	[tilespmem:$0x19480] =	vst v63  }
0x52: {  	v13 =	vadd.s32 v10, v13  }
0x53: {  	[tilespmem:s25], [sflag:$0x1] =	stream.indirect_vreg.gather [hbm4b:s9+s3], $0x80, v14, vm0, $0xb8;
	[tilespmem:$0x19480] =	vst v63  }
0x54: {  	s5 =	simm.s32 $0x2480  }
0x55: {  	[tilespmem:s5], [sflag:$0x1] =	stream.indirect_vreg.gather [hbm4b:s10+s3], $0x80, v14, vm0, $0xb8;
	[tilespmem:$0x19480] =	vst v63  }
0x56: {  	s6 =	simm.s32 $0x2C80  }
0x57: {  	[tilespmem:s6], [sflag:$0x1] =	stream.indirect_vreg.gather [hbm4b:s2+s3], $0x80, v13, vm0, $0xb8;
	[tilespmem:$0x19480] =	vst v63  }
0x58: {  	s7 =	simm.s32 $0x3480  }
0x59: {  	[tilespmem:s7], [sflag:$0x1] =	stream.indirect_vreg.gather [hbm4b:s9+s3], $0x80, v13, vm0, $0xb8;
	[tilespmem:$0x19480] =	vst v63  }
0x5a: {  	s8 =	simm.s32 $0x3C80  }
0x5b: {  	[tilespmem:s8], [sflag:$0x1] =	stream.indirect_vreg.gather [hbm4b:s10+s3], $0x80, v13, vm0, $0xb8;
	[tilespmem:$0x19480] =	vst v63  }
0x5c: {  	v13 =	vld [tilespmem:$0x110];
	_ =	sdelay $0x4  }
0x5d: {  	v14 =	vshrl.u32 v13, $0x3  }
0x5e: {  	v14 =	vmul.u32 $0x30, v14  }
0x5f: {  	v13 =	vand.u32 $0x7, v13  }
0x60: {  	v13 =	vor.u32 v13, v14  }
0x61: {  	v14 =	vperm.xlane v13, v9;
	_ =	sdelay $0x1  }
0x62: {  	v14 =	vadd.s32 v10, v14;
	_ =	sdelay $0x3  }
0x63: {  	s11 =	simm.s32 $0x4480;
	v13 =	vperm.xlane v13, v11  }
0x64: {  	[tilespmem:s11], [sflag:$0x1] =	stream.indirect_vreg.gather [hbm4b:s2+s3], $0x80, v14, vm0, $0xb8;
	[tilespmem:$0x19480] =	vst v63  }
0x65: {  	s13 =	simm.s32 $0x4C80;
	v13 =	vadd.s32 v10, v13  }
0x66: {  	[tilespmem:s13], [sflag:$0x1] =	stream.indirect_vreg.gather [hbm4b:s9+s3], $0x80, v14, vm0, $0xb8;
	[tilespmem:$0x19480] =	vst v63  }
0x67: {  	s18 =	simm.s32 $0x5480  }
0x68: {  	[tilespmem:s18], [sflag:$0x1] =	stream.indirect_vreg.gather [hbm4b:s10+s3], $0x80, v14, vm0, $0xb8;
	[tilespmem:$0x19480] =	vst v63  }
0x69: {  	s19 =	simm.s32 $0x5C80  }
0x6a: {  	[tilespmem:s19], [sflag:$0x1] =	stream.indirect_vreg.gather [hbm4b:s2+s3], $0x80, v13, vm0, $0xb8;
	[tilespmem:$0x19480] =	vst v63  }
0x6b: {  	s20 =	simm.s32 $0x6480  }
0x6c: {  	[tilespmem:s20], [sflag:$0x1] =	stream.indirect_vreg.gather [hbm4b:s9+s3], $0x80, v13, vm0, $0xb8;
	[tilespmem:$0x19480] =	vst v63  }
0x6d: {  	s21 =	simm.s32 $0x6C80  }
0x6e: {  	[tilespmem:s21], [sflag:$0x1] =	stream.indirect_vreg.gather [hbm4b:s10+s3], $0x80, v13, vm0, $0xb8;
	[tilespmem:$0x19480] =	vst v63  }
0x6f: {  	v13 =	vld [tilespmem:$0x120];
	_ =	sdelay $0x4  }
0x70: {  	v14 =	vshrl.u32 v13, $0x3  }
0x71: {  	v14 =	vmul.u32 $0x30, v14  }
0x72: {  	v13 =	vand.u32 $0x7, v13  }
0x73: {  	v13 =	vor.u32 v13, v14  }
0x74: {  	v14 =	vperm.xlane v13, v9;
	_ =	sdelay $0x1  }
0x75: {  	v14 =	vadd.s32 v10, v14;
	_ =	sdelay $0x3  }
0x76: {  	s22 =	simm.s32 $0x7480;
	v13 =	vperm.xlane v13, v11  }
0x77: {  	[tilespmem:s22], [sflag:$0x1] =	stream.indirect_vreg.gather [hbm4b:s2+s3], $0x80, v14, vm0, $0xb8;
	[tilespmem:$0x19480] =	vst v63  }
0x78: {  	s23 =	simm.s32 $0x7C80;
	v13 =	vadd.s32 v10, v13  }
0x79: {  	[tilespmem:s23], [sflag:$0x1] =	stream.indirect_vreg.gather [hbm4b:s9+s3], $0x80, v14, vm0, $0xb8;
	[tilespmem:$0x19480] =	vst v63  }
0x7a: {  	s1 =	simm.s32 $0x8480  }
0x7b: {  	[tilespmem:s1], [sflag:$0x1] =	stream.indirect_vreg.gather [hbm4b:s10+s3], $0x80, v14, vm0, $0xb8;
	[tilespmem:$0x19480] =	vst v63  }
0x7c: {  	s5 =	simm.s32 $0x8C80  }
0x7d: {  	[tilespmem:s5], [sflag:$0x1] =	stream.indirect_vreg.gather [hbm4b:s2+s3], $0x80, v13, vm0, $0xb8;
	[tilespmem:$0x19480] =	vst v63  }
0x7e: {  	s6 =	simm.s32 $0x9480  }
0x7f: {  	[tilespmem:s6], [sflag:$0x1] =	stream.indirect_vreg.gather [hbm4b:s9+s3], $0x80, v13, vm0, $0xb8;
	[tilespmem:$0x19480] =	vst v63  }
0x80: {  	s7 =	simm.s32 $0x9C80  }
0x81: {  	[tilespmem:s7], [sflag:$0x1] =	stream.indirect_vreg.gather [hbm4b:s10+s3], $0x80, v13, vm0, $0xb8;
	[tilespmem:$0x19480] =	vst v63  }
0x82: {  	v13 =	vld [tilespmem:$0x130];
	_ =	sdelay $0x4  }
0x83: {  	v14 =	vshrl.u32 v13, $0x3  }
0x84: {  	v14 =	vmul.u32 $0x30, v14  }
0x85: {  	v13 =	vand.u32 $0x7, v13  }
0x86: {  	v13 =	vor.u32 v13, v14  }
0x87: {  	v14 =	vperm.xlane v13, v9;
	_ =	sdelay $0x1  }
0x88: {  	v14 =	vadd.s32 v10, v14;
	_ =	sdelay $0x3  }
0x89: {  	s8 =	simm.s32 $0xA480;
	v13 =	vperm.xlane v13, v11  }
0x8a: {  	[tilespmem:s8], [sflag:$0x1] =	stream.indirect_vreg.gather [hbm4b:s2+s3], $0x80, v14, vm0, $0xb8;
	[tilespmem:$0x19480] =	vst v63  }
0x8b: {  	s11 =	simm.s32 $0xAC80;
	v13 =	vadd.s32 v10, v13  }
0x8c: {  	[tilespmem:s11], [sflag:$0x1] =	stream.indirect_vreg.gather [hbm4b:s9+s3], $0x80, v14, vm0, $0xb8;
	[tilespmem:$0x19480] =	vst v63  }
0x8d: {  	s13 =	simm.s32 $0xB480  }
0x8e: {  	[tilespmem:s13], [sflag:$0x1] =	stream.indirect_vreg.gather [hbm4b:s10+s3], $0x80, v14, vm0, $0xb8;
	[tilespmem:$0x19480] =	vst v63  }
0x8f: {  	s18 =	simm.s32 $0xBC80  }
0x90: {  	[tilespmem:s18], [sflag:$0x1] =	stream.indirect_vreg.gather [hbm4b:s2+s3], $0x80, v13, vm0, $0xb8;
	[tilespmem:$0x19480] =	vst v63  }
0x91: {  	s19 =	simm.s32 $0xC480  }
0x92: {  	[tilespmem:s19], [sflag:$0x1] =	stream.indirect_vreg.gather [hbm4b:s9+s3], $0x80, v13, vm0, $0xb8;
	[tilespmem:$0x19480] =	vst v63  }
0x93: {  	s20 =	simm.s32 $0xCC80  }
0x94: {  	[tilespmem:s20], [sflag:$0x1] =	stream.indirect_vreg.gather [hbm4b:s10+s3], $0x80, v13, vm0, $0xb8;
	[tilespmem:$0x19480] =	vst v63  }
0x95: {  	v13 =	vld [tilespmem:$0x180];
	_ =	sdelay $0x4  }
0x96: {  	v14 =	vshrl.u32 v13, $0x3  }
0x97: {  	v14 =	vmul.u32 $0x30, v14  }
0x98: {  	v13 =	vand.u32 $0x7, v13  }
0x99: {  	v13 =	vor.u32 v13, v14  }
0x9a: {  	v14 =	vperm.xlane v13, v9;
	_ =	sdelay $0x1  }
0x9b: {  	v14 =	vadd.s32 v10, v14;
	_ =	sdelay $0x3  }
0x9c: {  	s21 =	simm.s32 $0xD480;
	v13 =	vperm.xlane v13, v11  }
0x9d: {  	[tilespmem:s21], [sflag:$0x1] =	stream.indirect_vreg.gather [hbm4b:s2+s3], $0x80, v14, vm0, $0xb8;
	[tilespmem:$0x19480] =	vst v63  }
0x9e: {  	s22 =	simm.s32 $0xDC80;
	v13 =	vadd.s32 v10, v13  }
0x9f: {  	[tilespmem:s22], [sflag:$0x1] =	stream.indirect_vreg.gather [hbm4b:s9+s3], $0x80, v14, vm0, $0xb8;
	[tilespmem:$0x19480] =	vst v63  }
0xa0: {  	s23 =	simm.s32 $0xE480  }
0xa1: {  	[tilespmem:s23], [sflag:$0x1] =	stream.indirect_vreg.gather [hbm4b:s10+s3], $0x80, v14, vm0, $0xb8;
	[tilespmem:$0x19480] =	vst v63  }
0xa2: {  	s1 =	simm.s32 $0xEC80  }
0xa3: {  	[tilespmem:s1], [sflag:$0x1] =	stream.indirect_vreg.gather [hbm4b:s2+s3], $0x80, v13, vm0, $0xb8;
	[tilespmem:$0x19480] =	vst v63  }
0xa4: {  	s5 =	simm.s32 $0xF480  }
0xa5: {  	[tilespmem:s5], [sflag:$0x1] =	stream.indirect_vreg.gather [hbm4b:s9+s3], $0x80, v13, vm0, $0xb8;
	[tilespmem:$0x19480] =	vst v63  }
0xa6: {  	s6 =	simm.s32 $0xFC80  }
0xa7: {  	[tilespmem:s6], [sflag:$0x1] =	stream.indirect_vreg.gather [hbm4b:s10+s3], $0x80, v13, vm0, $0xb8;
	[tilespmem:$0x19480] =	vst v63  }
0xa8: {  	v13 =	vld [tilespmem:$0x190];
	_ =	sdelay $0x4  }
0xa9: {  	v14 =	vshrl.u32 v13, $0x3  }
0xaa: {  	v14 =	vmul.u32 $0x30, v14  }
0xab: {  	v13 =	vand.u32 $0x7, v13  }
0xac: {  	v13 =	vor.u32 v13, v14  }
0xad: {  	v14 =	vperm.xlane v13, v9;
	_ =	sdelay $0x1  }
0xae: {  	v14 =	vadd.s32 v10, v14;
	_ =	sdelay $0x3  }
0xaf: {  	s7 =	simm.s32 $0x10480;
	v13 =	vperm.xlane v13, v11  }
0xb0: {  	[tilespmem:s7], [sflag:$0x1] =	stream.indirect_vreg.gather [hbm4b:s2+s3], $0x80, v14, vm0, $0xb8;
	[tilespmem:$0x19480] =	vst v63  }
0xb1: {  	s8 =	simm.s32 $0x10C80;
	v13 =	vadd.s32 v10, v13  }
0xb2: {  	[tilespmem:s8], [sflag:$0x1] =	stream.indirect_vreg.gather [hbm4b:s9+s3], $0x80, v14, vm0, $0xb8;
	[tilespmem:$0x19480] =	vst v63  }
0xb3: {  	s11 =	simm.s32 $0x11480  }
0xb4: {  	[tilespmem:s11], [sflag:$0x1] =	stream.indirect_vreg.gather [hbm4b:s10+s3], $0x80, v14, vm0, $0xb8;
	[tilespmem:$0x19480] =	vst v63  }
0xb5: {  	s13 =	simm.s32 $0x11C80  }
0xb6: {  	[tilespmem:s13], [sflag:$0x1] =	stream.indirect_vreg.gather [hbm4b:s2+s3], $0x80, v13, vm0, $0xb8;
	[tilespmem:$0x19480] =	vst v63  }
0xb7: {  	s18 =	simm.s32 $0x12480  }
0xb8: {  	[tilespmem:s18], [sflag:$0x1] =	stream.indirect_vreg.gather [hbm4b:s9+s3], $0x80, v13, vm0, $0xb8;
	[tilespmem:$0x19480] =	vst v63  }
0xb9: {  	s19 =	simm.s32 $0x12C80  }
0xba: {  	[tilespmem:s19], [sflag:$0x1] =	stream.indirect_vreg.gather [hbm4b:s10+s3], $0x80, v13, vm0, $0xb8;
	[tilespmem:$0x19480] =	vst v63  }
0xbb: {  	v13 =	vld [tilespmem:$0x1A0];
	_ =	sdelay $0x4  }
0xbc: {  	v14 =	vshrl.u32 v13, $0x3  }
0xbd: {  	v14 =	vmul.u32 $0x30, v14  }
0xbe: {  	v13 =	vand.u32 $0x7, v13  }
0xbf: {  	v13 =	vor.u32 v13, v14  }
0xc0: {  	v14 =	vperm.xlane v13, v9;
	_ =	sdelay $0x1  }
0xc1: {  	v14 =	vadd.s32 v10, v14;
	_ =	sdelay $0x3  }
0xc2: {  	s20 =	simm.s32 $0x13480;
	v13 =	vperm.xlane v13, v11  }
0xc3: {  	[tilespmem:s20], [sflag:$0x1] =	stream.indirect_vreg.gather [hbm4b:s2+s3], $0x80, v14, vm0, $0xb8;
	[tilespmem:$0x19480] =	vst v63  }
0xc4: {  	s21 =	simm.s32 $0x13C80;
	v13 =	vadd.s32 v10, v13  }
0xc5: {  	[tilespmem:s21], [sflag:$0x1] =	stream.indirect_vreg.gather [hbm4b:s9+s3], $0x80, v14, vm0, $0xb8;
	[tilespmem:$0x19480] =	vst v63  }
0xc6: {  	s22 =	simm.s32 $0x14480  }
0xc7: {  	[tilespmem:s22], [sflag:$0x1] =	stream.indirect_vreg.gather [hbm4b:s10+s3], $0x80, v14, vm0, $0xb8;
	[tilespmem:$0x19480] =	vst v63  }
0xc8: {  	s23 =	simm.s32 $0x14C80  }
0xc9: {  	[tilespmem:s23], [sflag:$0x1] =	stream.indirect_vreg.gather [hbm4b:s2+s3], $0x80, v13, vm0, $0xb8;
	[tilespmem:$0x19480] =	vst v63  }
0xca: {  	s1 =	simm.s32 $0x15480  }
0xcb: {  	[tilespmem:s1], [sflag:$0x1] =	stream.indirect_vreg.gather [hbm4b:s9+s3], $0x80, v13, vm0, $0xb8;
	[tilespmem:$0x19480] =	vst v63  }
0xcc: {  	s5 =	simm.s32 $0x15C80  }
0xcd: {  	[tilespmem:s5], [sflag:$0x1] =	stream.indirect_vreg.gather [hbm4b:s10+s3], $0x80, v13, vm0, $0xb8;
	[tilespmem:$0x19480] =	vst v63  }
0xce: {  	v13 =	vld [tilespmem:$0x1B0];
	_ =	sdelay $0x4  }
0xcf: {  	v14 =	vshrl.u32 v13, $0x3  }
0xd0: {  	v14 =	vmul.u32 $0x30, v14  }
0xd1: {  	v13 =	vand.u32 $0x7, v13  }
0xd2: {  	v13 =	vor.u32 v13, v14  }
0xd3: {  	v14 =	vperm.xlane v13, v9;
	_ =	sdelay $0x1  }
0xd4: {  	v14 =	vadd.s32 v10, v14;
	_ =	sdelay $0x3  }
0xd5: {  	s6 =	simm.s32 $0x16480;
	v13 =	vperm.xlane v13, v11  }
0xd6: {  	[tilespmem:s6], [sflag:$0x1] =	stream.indirect_vreg.gather [hbm4b:s2+s3], $0x80, v14, vm0, $0xb8;
	[tilespmem:$0x19480] =	vst v63  }
0xd7: {  	s7 =	simm.s32 $0x16C80;
	v13 =	vadd.s32 v10, v13  }
0xd8: {  	[tilespmem:s7], [sflag:$0x1] =	stream.indirect_vreg.gather [hbm4b:s9+s3], $0x80, v14, vm0, $0xb8;
	[tilespmem:$0x19480] =	vst v63  }
0xd9: {  	s8 =	simm.s32 $0x17480  }
0xda: {  	[tilespmem:s8], [sflag:$0x1] =	stream.indirect_vreg.gather [hbm4b:s10+s3], $0x80, v14, vm0, $0xb8;
	[tilespmem:$0x19480] =	vst v63  }
0xdb: {  	s11 =	simm.s32 $0x17C80  }
0xdc: {  	[tilespmem:s11], [sflag:$0x1] =	stream.indirect_vreg.gather [hbm4b:s2+s3], $0x80, v13, vm0, $0xb8;
	[tilespmem:$0x19480] =	vst v63  }
0xdd: {  	s13 =	simm.s32 $0x18480  }
0xde: {  	[tilespmem:s13], [sflag:$0x1] =	stream.indirect_vreg.gather [hbm4b:s9+s3], $0x80, v13, vm0, $0xb8;
	[tilespmem:$0x19480] =	vst v63  }
0xdf: {  	s18 =	simm.s32 $0x18C80  }
0xe0: {  	[tilespmem:s18], [sflag:$0x1] =	stream.indirect_vreg.gather [hbm4b:s10+s3], $0x80, v13, vm0, $0xb8;
	[tilespmem:$0x19480] =	vst v63  }
0xe1: {  	v13 =	vld [tilespmem:$0x0];
	_ =	sdelay $0x4  }
0xe2: {  	vm2 =	veq.s32 v13, $0x0  }
0xe3: {  	v14 =	vsel vm2, $0x1, v12;
	vm2 =	veq.s32 v13, $0x1  }
0xe4: {  	(xrf0) =	vadd.scan.msk.s32 $0xffff, v14;
	v14 =	vsel vm2, $0x1, v12  }
0xe5: {  	(xrf0) =	vadd.scan.msk.s32 $0xffff, v14  }
0xe6: {  	vm2 =	veq.s32 v13, $0x2  }
0xe7: {  	v14 =	vsel vm2, $0x1, v12;
	vm2 =	veq.s32 v13, $0x3  }
0xe8: {  	(xrf0) =	vadd.scan.msk.s32 $0xffff, v14;
	v14 =	vsel vm2, $0x1, v12;
	_ =	sdelay $0x1  }
0xe9: {  	v15, _, _ =	vpop (xrf0)  }
0xea: {  	vm2 =	veq.s32 v13, $0x4;
	(xrf0) =	vadd.scan.msk.s32 $0xffff, v14;
	v14, _, _ =	vpop (xrf0)  }
0xeb: {  	v16 =	vsel vm2, $0x1, v12;
	v14 =	vbroadcast v14, $0xF  }
0xec: {  	vm9 =	vcmask $0x704;
	v17 =	vld [tilespmem:$0x10];
	(xrf0) =	vadd.scan.msk.s32 $0xffff, v16  }
0xed: {  	v15 =	vbroadcast v15, $0xF;
	v14 =	vnsel vm9, $0x0, v14  }
0xee: {  	vm2 =	veq.s32 v13, $0x5  }
0xef: {  	v24 =	vsel vm2, $0x1, v12;
	vm2 =	veq.s32 v13, $0x6;
	v18, _, _ =	vpop (xrf0);
	v15 =	vnsel vm1, $0x0, v15  }
0xf0: {  	(xrf0) =	vadd.scan.msk.s32 $0xffff, v24;
	v26 =	vsel vm2, $0x1, v12;
	vm2 =	veq.s32 v13, $0x7;
	v13 =	vadd.s32 v14, v15;
	v14, _, _ =	vpop (xrf0)  }
0xf1: {  	(xrf0) =	vadd.scan.msk.s32 $0xffff, v26;
	v15 =	vsel vm2, $0x1, v12;
	vm2 =	veq.s32 v17, $0x0;
	v14 =	vbroadcast v14, $0xF  }
0xf2: {  	v25 =	vbroadcast v18, $0xF;
	(xrf0) =	vadd.scan.msk.s32 $0xffff, v15;
	v15 =	vsel vm2, $0x1, v12;
	v27, _, _ =	vpop (xrf0)  }
0xf3: {  	(xrf0) =	vadd.scan.msk.s32 $0xffff, v15;
	v15 =	vbroadcast v27, $0xF;
	v14 =	vnsel vm4, $0x0, v14  }
0xf4: {  	v16 =	vnsel vm3, $0x0, v25  }
0xf5: {  	v13 =	vadd.s32 v16, v13;
	v15 =	vnsel vm5, $0x0, v15  }
0xf6: {  	v13 =	vadd.s32 v14, v13;
	v14, _, _ =	vpop (xrf0)  }
0xf7: {  	vm2 =	veq.s32 v17, $0x1;
	v14 =	vbroadcast v14, $0xF  }
0xf8: {  	v28 =	vsel vm2, $0x1, v12;
	vm2 =	veq.s32 v17, $0x2;
	v13 =	vadd.s32 v15, v13;
	v15, _, _ =	vpop (xrf0)  }
0xf9: {  	v29 =	vsel vm2, $0x1, v12;
	(xrf0) =	vadd.scan.msk.s32 $0xffff, v28;
	v15 =	vbroadcast v15, $0xF;
	v30, _, _ =	vpop (xrf0);
	v14 =	vnsel vm6, $0x0, v14  }
0xfa: {  	(xrf0) =	vadd.scan.msk.s32 $0xffff, v29;
	v31, _, _ =	vpop (xrf0);
	v13 =	vadd.s32 v14, v13;
	v14 =	vbroadcast v30, $0xF  }
0xfb: {  	v15 =	vnsel vm7, $0x0, v15;
	v16 =	vbroadcast v31, $0xF  }
0xfc: {  	vm2 =	veq.s32 v17, $0x3;
	v13 =	vadd.s32 v15, v13;
	v14 =	vnsel vm8, $0x0, v14  }
0xfd: {  	v32 =	vsel vm2, $0x1, v12;
	v13 =	vadd.s32 v14, v13;
	v14 =	vnsel vm1, $0x0, v16  }
0xfe: {  	vm2 =	veq.s32 v17, $0x4;
	(xrf0) =	vadd.scan.msk.s32 $0xffff, v32  }
0xff: {  	v15 =	vsel vm2, $0x1, v12;
	v33, _, _ =	vpop (xrf0)  }
0x100: {  	vm2 =	veq.s32 v17, $0x5;
	(xrf0) =	vadd.scan.msk.s32 $0xffff, v15;
	v13 =	vadd.s32 v14, v13;
	v14, _, _ =	vpop (xrf0)  }
0x101: {  	v15 =	vld [tilespmem:$0x20];
	v34 =	vsel vm2, $0x1, v12;
	vm2 =	veq.s32 v17, $0x6;
	v14 =	vbroadcast v14, $0xF  }
0x102: {  	v16 =	vbroadcast v33, $0xF;
	(xrf0) =	vadd.scan.msk.s32 $0xffff, v34;
	v35 =	vsel vm2, $0x1, v12;
	vm2 =	veq.s32 v17, $0x7  }
0x103: {  	v17 =	vsel vm2, $0x1, v12;
	(xrf0) =	vadd.scan.msk.s32 $0xffff, v35;
	v14 =	vnsel vm3, $0x0, v14  }
0x104: {  	v16 =	vnsel vm9, $0x0, v16;
	v36, _, _ =	vpop (xrf0);
	(xrf0) =	vadd.scan.msk.s32 $0xffff, v17  }
0x105: {  	v13 =	vadd.s32 v16, v13  }
0x106: {  	vm2 =	veq.s32 v15, $0x0;
	v16 =	vbroadcast v36, $0xF;
	v13 =	vadd.s32 v14, v13;
	v14, _, _ =	vpop (xrf0)  }
0x107: {  	v37 =	vsel vm2, $0x1, v12;
	vm2 =	veq.s32 v15, $0x1;
	v14 =	vbroadcast v14, $0xF  }
0x108: {  	v39 =	vsel vm2, $0x1, v12;
	v16 =	vnsel vm4, $0x0, v16;
	v38, _, _ =	vpop (xrf0)  }
0x109: {  	v13 =	vadd.s32 v16, v13;
	(xrf0) =	vadd.scan.msk.s32 $0xffff, v37;
	v16 =	vbroadcast v38, $0xF;
	v18, _, _ =	vpop (xrf0);
	v14 =	vnsel vm5, $0x0, v14  }
0x10a: {  	(xrf0) =	vadd.scan.msk.s32 $0xffff, v39;
	v40, _, _ =	vpop (xrf0);
	v13 =	vadd.s32 v14, v13;
	v14 =	vbroadcast v18, $0xF  }
0x10b: {  	v16 =	vnsel vm6, $0x0, v16;
	v17 =	vbroadcast v40, $0xF  }
0x10c: {  	vm2 =	veq.s32 v15, $0x2;
	v13 =	vadd.s32 v16, v13;
	v14 =	vnsel vm7, $0x0, v14  }
0x10d: {  	v41 =	vsel vm2, $0x1, v12;
	v13 =	vadd.s32 v14, v13;
	v14 =	vnsel vm8, $0x0, v17  }
0x10e: {  	vm2 =	veq.s32 v15, $0x3;
	(xrf0) =	vadd.scan.msk.s32 $0xffff, v41  }
0x10f: {  	v42 =	vsel vm2, $0x1, v12;
	v43, _, _ =	vpop (xrf0)  }
0x110: {  	vm2 =	veq.s32 v15, $0x4;
	(xrf0) =	vadd.scan.msk.s32 $0xffff, v42;
	v13 =	vadd.s32 v14, v13;
	v14, _, _ =	vpop (xrf0)  }
0x111: {  	v45 =	vsel vm2, $0x1, v12;
	vm2 =	veq.s32 v15, $0x5;
	v14 =	vbroadcast v14, $0xF  }
0x112: {  	v47 =	vld [tilespmem:$0x30];
	v46 =	vsel vm2, $0x1, v12;
	vm2 =	veq.s32 v15, $0x6;
	v44 =	vbroadcast v43, $0xF;
	(xrf0) =	vadd.scan.msk.s32 $0xffff, v45  }
0x113: {  	v48 =	vsel vm2, $0x1, v12;
	(xrf0) =	vadd.scan.msk.s32 $0xffff, v46;
	v14 =	vnsel vm9, $0x0, v14  }
0x114: {  	vm2 =	veq.s32 v15, $0x7;
	v16 =	vnsel vm1, $0x0, v44;
	v49, _, _ =	vpop (xrf0);
	(xrf0) =	vadd.scan.msk.s32 $0xffff, v48  }
0x115: {  	v15 =	vsel vm2, $0x1, v12;
	v13 =	vadd.s32 v16, v13  }
0x116: {  	v16 =	vbroadcast v49, $0xF;
	v13 =	vadd.s32 v14, v13;
	v14, _, _ =	vpop (xrf0);
	(xrf0) =	vadd.scan.msk.s32 $0xffff, v15  }
0x117: {  	vm2 =	veq.s32 v47, $0x0;
	v14 =	vbroadcast v14, $0xF  }
0x118: {  	v50 =	vsel vm2, $0x1, v12;
	vm2 =	veq.s32 v47, $0x1;
	v16 =	vnsel vm3, $0x0, v16;
	v15, _, _ =	vpop (xrf0)  }
0x119: {  	v13 =	vadd.s32 v16, v13;
	v15 =	vbroadcast v15, $0xF;
	v51, _, _ =	vpop (xrf0);
	v14 =	vnsel vm4, $0x0, v14  }
0x11a: {  	v53 =	vsel vm2, $0x1, v12;
	(xrf0) =	vadd.scan.msk.s32 $0xffff, v50;
	v52, _, _ =	vpop (xrf0);
	v13 =	vadd.s32 v14, v13;
	v14 =	vbroadcast v51, $0xF  }
0x11b: {  	vm2 =	veq.s32 v47, $0x2;
	v15 =	vnsel vm5, $0x0, v15;
	v16 =	vbroadcast v52, $0xF  }
0x11c: {  	(xrf0) =	vadd.scan.msk.s32 $0xffff, v53;
	v13 =	vadd.s32 v15, v13;
	v15 =	vsel vm2, $0x1, v12;
	v14 =	vnsel vm6, $0x0, v14;
	v54, _, _ =	vpop (xrf0)  }
0x11d: {  	(xrf0) =	vadd.scan.msk.s32 $0xffff, v15;
	v13 =	vadd.s32 v14, v13;
	v14 =	vnsel vm7, $0x0, v16;
	v15 =	vbroadcast v54, $0xF;
	_ =	sdelay $0x1  }
0x11e: {  	v15 =	vnsel vm8, $0x0, v15  }
0x11f: {  	vm2 =	veq.s32 v47, $0x3;
	v13 =	vadd.s32 v14, v13;
	v14, _, _ =	vpop (xrf0)  }
0x120: {  	v55 =	vsel vm2, $0x1, v12;
	vm2 =	veq.s32 v47, $0x4;
	v14 =	vbroadcast v14, $0xF  }
0x121: {  	(xrf0) =	vadd.scan.msk.s32 $0xffff, v55;
	v56 =	vsel vm2, $0x1, v12;
	vm2 =	veq.s32 v47, $0x5;
	v13 =	vadd.s32 v15, v13;
	v15, _, _ =	vpop (xrf0)  }
0x122: {  	v57 =	vsel vm2, $0x1, v12;
	(xrf0) =	vadd.scan.msk.s32 $0xffff, v56;
	v14 =	vnsel vm1, $0x0, v14;
	v15 =	vbroadcast v15, $0xF  }
0x123: {  	v58 =	vld [tilespmem:$0x40];
	vm2 =	veq.s32 v47, $0x6;
	(xrf0) =	vadd.scan.msk.s32 $0xffff, v57  }
0x124: {  	v59 =	vsel vm2, $0x1, v12;
	v15 =	vnsel vm9, $0x0, v15  }
0x125: {  	v13 =	vadd.s32 v14, v13;
	v14, _, _ =	vpop (xrf0);
	(xrf0) =	vadd.scan.msk.s32 $0xffff, v59  }
0x126: {  	vm2 =	veq.s32 v47, $0x7;
	v14 =	vbroadcast v14, $0xF  }
0x127: {  	v60 =	vsel vm2, $0x1, v12;
	v13 =	vadd.s32 v15, v13;
	v15, _, _ =	vpop (xrf0)  }
0x128: {  	vm2 =	veq.s32 v58, $0x0;
	v14 =	vnsel vm3, $0x0, v14;
	v15 =	vbroadcast v15, $0xF;
	v61, _, _ =	vpop (xrf0)  }
0x129: {  	v63 =	vsel vm2, $0x1, v12;
	(xrf0) =	vadd.scan.msk.s32 $0xffff, v60;
	v13 =	vadd.s32 v14, v13;
	v14 =	vbroadcast v61, $0xF;
	v62, _, _ =	vpop (xrf0)  }
0x12a: {  	vm2 =	veq.s32 v58, $0x1;
	v15 =	vnsel vm4, $0x0, v15;
	v17 =	vbroadcast v62, $0xF  }
0x12b: {  	(xrf0) =	vadd.scan.msk.s32 $0xffff, v63;
	v13 =	vadd.s32 v15, v13;
	v14 =	vnsel vm5, $0x0, v14;
	v15 =	vsel vm2, $0x1, v12;
	v20, _, _ =	vpop (xrf0)  }
0x12c: {  	v13 =	vadd.s32 v14, v13;
	v14 =	vnsel vm6, $0x0, v17;
	(xrf0) =	vadd.scan.msk.s32 $0xffff, v15;
	v15 =	vbroadcast v20, $0xF;
	_ =	sdelay $0x1  }
0x12d: {  	v15 =	vnsel vm7, $0x0, v15  }
0x12e: {  	vm2 =	veq.s32 v58, $0x2;
	v13 =	vadd.s32 v14, v13;
	v14, _, _ =	vpop (xrf0)  }
0x12f: {  	v21 =	vsel vm2, $0x1, v12;
	vm2 =	veq.s32 v58, $0x3;
	v14 =	vbroadcast v14, $0xF  }
0x130: {  	(xrf0) =	vadd.scan.msk.s32 $0xffff, v21;
	v22 =	vsel vm2, $0x1, v12;
	vm2 =	veq.s32 v58, $0x4;
	v13 =	vadd.s32 v15, v13;
	v15, _, _ =	vpop (xrf0)  }
0x131: {  	v23 =	vsel vm2, $0x1, v12;
	(xrf0) =	vadd.scan.msk.s32 $0xffff, v22;
	v14 =	vnsel vm8, $0x0, v14;
	v15 =	vbroadcast v15, $0xF  }
0x132: {  	vm2 =	veq.s32 v58, $0x5;
	(xrf0) =	vadd.scan.msk.s32 $0xffff, v23  }
0x133: {  	v24 =	vsel vm2, $0x1, v12;
	v15 =	vnsel vm1, $0x0, v15  }
0x134: {  	v25 =	vld [tilespmem:$0x50];
	v13 =	vadd.s32 v14, v13;
	v14, _, _ =	vpop (xrf0);
	(xrf0) =	vadd.scan.msk.s32 $0xffff, v24  }
0x135: {  	vm2 =	veq.s32 v58, $0x6;
	v14 =	vbroadcast v14, $0xF  }
0x136: {  	v26 =	vsel vm2, $0x1, v12;
	v13 =	vadd.s32 v15, v13;
	v15, _, _ =	vpop (xrf0)  }
0x137: {  	vm2 =	veq.s32 v58, $0x7;
	v14 =	vnsel vm9, $0x0, v14;
	v15 =	vbroadcast v15, $0xF;
	v19, _, _ =	vpop (xrf0)  }
0x138: {  	v28 =	vsel vm2, $0x1, v12;
	(xrf0) =	vadd.scan.msk.s32 $0xffff, v26;
	v13 =	vadd.s32 v14, v13;
	v14 =	vbroadcast v19, $0xF;
	v27, _, _ =	vpop (xrf0)  }
0x139: {  	vm2 =	veq.s32 v25, $0x0;
	v15 =	vnsel vm3, $0x0, v15;
	v16 =	vbroadcast v27, $0xF  }
0x13a: {  	(xrf0) =	vadd.scan.msk.s32 $0xffff, v28;
	v13 =	vadd.s32 v15, v13;
	v14 =	vnsel vm4, $0x0, v14;
	v15 =	vsel vm2, $0x1, v12;
	v29, _, _ =	vpop (xrf0)  }
0x13b: {  	v13 =	vadd.s32 v14, v13;
	v14 =	vnsel vm5, $0x0, v16;
	(xrf0) =	vadd.scan.msk.s32 $0xffff, v15;
	v15 =	vbroadcast v29, $0xF;
	_ =	sdelay $0x1  }
0x13c: {  	v15 =	vnsel vm6, $0x0, v15  }
0x13d: {  	vm2 =	veq.s32 v25, $0x1;
	v13 =	vadd.s32 v14, v13;
	v14, _, _ =	vpop (xrf0)  }
0x13e: {  	v30 =	vsel vm2, $0x1, v12;
	vm2 =	veq.s32 v25, $0x2;
	v14 =	vbroadcast v14, $0xF  }
0x13f: {  	(xrf0) =	vadd.scan.msk.s32 $0xffff, v30;
	v31 =	vsel vm2, $0x1, v12;
	vm2 =	veq.s32 v25, $0x3;
	v13 =	vadd.s32 v15, v13;
	v15, _, _ =	vpop (xrf0)  }
0x140: {  	v32 =	vsel vm2, $0x1, v12;
	(xrf0) =	vadd.scan.msk.s32 $0xffff, v31;
	v14 =	vnsel vm7, $0x0, v14;
	v15 =	vbroadcast v15, $0xF  }
0x141: {  	(xrf0) =	vadd.scan.msk.s32 $0xffff, v32  }
0x142: {  	vm2 =	veq.s32 v25, $0x4;
	v15 =	vnsel vm8, $0x0, v15  }
0x143: {  	v33 =	vsel vm2, $0x1, v12;
	v13 =	vadd.s32 v14, v13;
	v14, _, _ =	vpop (xrf0)  }
0x144: {  	vm2 =	veq.s32 v25, $0x5;
	(xrf0) =	vadd.scan.msk.s32 $0xffff, v33;
	v14 =	vbroadcast v14, $0xF  }
0x145: {  	v35 =	vld [tilespmem:$0x60];
	v34 =	vsel vm2, $0x1, v12;
	vm2 =	veq.s32 v25, $0x6;
	v13 =	vadd.s32 v15, v13;
	v15, _, _ =	vpop (xrf0)  }
0x146: {  	v38 =	vsel vm2, $0x1, v12;
	(xrf0) =	vadd.scan.msk.s32 $0xffff, v34;
	v14 =	vnsel vm1, $0x0, v14;
	v15 =	vbroadcast v15, $0xF;
	v36, _, _ =	vpop (xrf0)  }
0x147: {  	v13 =	vadd.s32 v14, v13;
	v14 =	vbroadcast v36, $0xF;
	v37, _, _ =	vpop (xrf0);
	(xrf0) =	vadd.scan.msk.s32 $0xffff, v38  }
0x148: {  	vm2 =	veq.s32 v25, $0x7;
	v15 =	vnsel vm9, $0x0, v15;
	v17 =	vbroadcast v37, $0xF  }
0x149: {  	v13 =	vadd.s32 v15, v13;
	v14 =	vnsel vm3, $0x0, v14;
	v15 =	vsel vm2, $0x1, v12  }
0x14a: {  	v39, _, _ =	vpop (xrf0);
	vm2 =	veq.s32 v35, $0x0;
	v13 =	vadd.s32 v14, v13;
	v14 =	vnsel vm4, $0x0, v17  }
0x14b: {  	(xrf0) =	vadd.scan.msk.s32 $0xffff, v15;
	v15 =	vbroadcast v39, $0xF;
	v41 =	vsel vm2, $0x1, v12;
	vm2 =	veq.s32 v35, $0x1  }
0x14c: {  	v40, _, _ =	vpop (xrf0);
	(xrf0) =	vadd.scan.msk.s32 $0xffff, v41;
	v42 =	vsel vm2, $0x1, v12;
	vm2 =	veq.s32 v35, $0x2;
	v13 =	vadd.s32 v14, v13  }
0x14d: {  	v17 =	vbroadcast v40, $0xF;
	v14 =	vnsel vm5, $0x0, v15;
	(xrf0) =	vadd.scan.msk.s32 $0xffff, v42;
	v15 =	vsel vm2, $0x1, v12;
	v43, _, _ =	vpop (xrf0)  }
0x14e: {  	(xrf0) =	vadd.scan.msk.s32 $0xffff, v15;
	v15 =	vbroadcast v43, $0xF  }
0x14f: {  	v13 =	vadd.s32 v14, v13;
	v14 =	vnsel vm6, $0x0, v17  }
0x150: {  	v15 =	vnsel vm7, $0x0, v15  }
0x151: {  	vm2 =	veq.s32 v35, $0x3  }
0x152: {  	v44 =	vsel vm2, $0x1, v12;
	vm2 =	veq.s32 v35, $0x4;
	v13 =	vadd.s32 v14, v13;
	v14, _, _ =	vpop (xrf0)  }
0x153: {  	(xrf0) =	vadd.scan.msk.s32 $0xffff, v44;
	v45 =	vsel vm2, $0x1, v12;
	vm2 =	veq.s32 v35, $0x5;
	v13 =	vadd.s32 v15, v13;
	v15, _, _ =	vpop (xrf0)  }
0x154: {  	v46 =	vsel vm2, $0x1, v12;
	(xrf0) =	vadd.scan.msk.s32 $0xffff, v45;
	v14 =	vbroadcast v14, $0xF;
	v15 =	vbroadcast v15, $0xF  }
0x155: {  	(xrf0) =	vadd.scan.msk.s32 $0xffff, v46  }
0x156: {  	v48 =	vld [tilespmem:$0x70];
	v14 =	vnsel vm8, $0x0, v14;
	v47, _, _ =	vpop (xrf0);
	v15 =	vnsel vm1, $0x0, v15  }
0x157: {  	vm2 =	veq.s32 v35, $0x6;
	v13 =	vadd.s32 v14, v13;
	v14 =	vbroadcast v47, $0xF;
	v49, _, _ =	vpop (xrf0)  }
0x158: {  	v50 =	vsel vm2, $0x1, v12;
	vm2 =	veq.s32 v35, $0x7;
	v17 =	vbroadcast v49, $0xF  }
0x159: {  	v16 =	vsel vm2, $0x1, v12;
	(xrf0) =	vadd.scan.msk.s32 $0xffff, v50;
	v13 =	vadd.s32 v15, v13;
	v14 =	vnsel vm9, $0x0, v14;
	v15, _, _ =	vpop (xrf0)  }
0x15a: {  	v13 =	vadd.s32 v14, v13;
	v14 =	vnsel vm3, $0x0, v17;
	v15 =	vbroadcast v15, $0xF;
	v51, _, _ =	vpop (xrf0)  }
0x15b: {  	vm2 =	veq.s32 v48, $0x0;
	(xrf0) =	vadd.scan.msk.s32 $0xffff, v16;
	v13 =	vadd.s32 v14, v13;
	v14 =	vbroadcast v51, $0xF;
	v52, _, _ =	vpop (xrf0)  }
0x15c: {  	v53 =	vsel vm2, $0x1, v12;
	v15 =	vnsel vm4, $0x0, v15;
	v16 =	vbroadcast v52, $0xF  }
0x15d: {  	(xrf0) =	vadd.scan.msk.s32 $0xffff, v53;
	v13 =	vadd.s32 v15, v13;
	v14 =	vnsel vm5, $0x0, v14  }
0x15e: {  	vm2 =	veq.s32 v48, $0x1;
	v13 =	vadd.s32 v14, v13;
	v14 =	vnsel vm6, $0x0, v16  }
0x15f: {  	v54 =	vsel vm2, $0x1, v12;
	vm2 =	veq.s32 v48, $0x2;
	v15, _, _ =	vpop (xrf0)  }
0x160: {  	v55 =	vsel vm2, $0x1, v12;
	(xrf0) =	vadd.scan.msk.s32 $0xffff, v54;
	v15 =	vbroadcast v15, $0xF  }
0x161: {  	v13 =	vadd.s32 v14, v13;
	(xrf0) =	vadd.scan.msk.s32 $0xffff, v55;
	v14, _, _ =	vpop (xrf0)  }
0x162: {  	vm2 =	veq.s32 v48, $0x3;
	v15 =	vnsel vm7, $0x0, v15;
	v14 =	vbroadcast v14, $0xF  }
0x163: {  	v56 =	vld [tilespmem:$0x80];
	v17, _, _ =	vpop (xrf0);
	v13 =	vadd.s32 v15, v13;
	v15 =	vsel vm2, $0x1, v12;
	vm2 =	veq.s32 v48, $0x4  }
0x164: {  	v17 =	vbroadcast v17, $0xF;
	(xrf0) =	vadd.scan.msk.s32 $0xffff, v15;
	v15 =	vsel vm2, $0x1, v12;
	vm2 =	veq.s32 v48, $0x5  }
0x165: {  	v14 =	vnsel vm8, $0x0, v14;
	(xrf0) =	vadd.scan.msk.s32 $0xffff, v15;
	v15 =	vsel vm2, $0x1, v12;
	vm2 =	veq.s32 v48, $0x6  }
0x166: {  	v57, _, _ =	vpop (xrf0);
	v13 =	vadd.s32 v14, v13;
	v14 =	vsel vm2, $0x1, v12  }
0x167: {  	v58, _, _ =	vpop (xrf0);
	(xrf0) =	vadd.scan.msk.s32 $0xffff, v15;
	vm2 =	veq.s32 v48, $0x7;
	v15 =	vnsel vm1, $0x0, v17;
	v17 =	vbroadcast v57, $0xF  }
0x168: {  	v18 =	vbroadcast v58, $0xF;
	(xrf0) =	vadd.scan.msk.s32 $0xffff, v14;
	v14 =	vsel vm2, $0x1, v12;
	vm2 =	veq.s32 v56, $0x0  }
0x169: {  	v13 =	vadd.s32 v15, v13;
	(xrf0) =	vadd.scan.msk.s32 $0xffff, v14;
	v14 =	vsel vm2, $0x1, v12;
	v15 =	vnsel vm9, $0x0, v17  }
0x16a: {  	vm2 =	veq.s32 v56, $0x1;
	(xrf0) =	vadd.scan.msk.s32 $0xffff, v14;
	v13 =	vadd.s32 v15, v13;
	v15 =	vnsel vm3, $0x0, v18  }
0x16b: {  	v14 =	vsel vm2, $0x1, v12;
	vm2 =	veq.s32 v56, $0x2;
	v59, _, _ =	vpop (xrf0)  }
0x16c: {  	(xrf0) =	vadd.scan.msk.s32 $0xffff, v14;
	v14 =	vsel vm2, $0x1, v12;
	v60, _, _ =	vpop (xrf0)  }
0x16d: {  	v13 =	vadd.s32 v15, v13;
	vm2 =	veq.s32 v56, $0x3;
	(xrf0) =	vadd.scan.msk.s32 $0xffff, v14;
	v14 =	vbroadcast v59, $0xF;
	v15, _, _ =	vpop (xrf0)  }
0x16e: {  	v26 =	vld [tilespmem:$0x90];
	v63 =	vsel vm2, $0x1, v12;
	vm2 =	veq.s32 v56, $0x4;
	v61 =	vbroadcast v60, $0xF;
	v62, _, _ =	vpop (xrf0)  }
0x16f: {  	(xrf0) =	vadd.scan.msk.s32 $0xffff, v63;
	v24 =	vsel vm2, $0x1, v12;
	vm2 =	veq.s32 v56, $0x5;
	v15 =	vbroadcast v15, $0xF;
	v20, _, _ =	vpop (xrf0)  }
0x170: {  	v14 =	vnsel vm4, $0x0, v14;
	v22 =	vsel vm2, $0x1, v12;
	vm2 =	veq.s32 v56, $0x6;
	v25, _, _ =	vpop (xrf0);
	(xrf0) =	vadd.scan.msk.s32 $0xffff, v24  }
0x171: {  	v13 =	vadd.s32 v14, v13;
	v14 =	vnsel vm5, $0x0, v61;
	v27 =	vsel vm2, $0x1, v12  }
0x172: {  	vm2 =	veq.s32 v56, $0x7;
	v18 =	vbroadcast v62, $0xF;
	v13 =	vadd.s32 v14, v13  }
0x173: {  	v14 =	vnsel vm6, $0x0, v15;
	v31 =	vsel vm2, $0x1, v12;
	vm2 =	veq.s32 v26, $0x0;
	v15, _, _ =	vpop (xrf0)  }
0x174: {  	v17 =	vbroadcast v25, $0xF;
	v13 =	vadd.s32 v14, v13;
	(xrf0) =	vadd.scan.msk.s32 $0xffff, v22;
	v15 =	vbroadcast v15, $0xF;
	v21, _, _ =	vpop (xrf0)  }
0x175: {  	v32 =	vsel vm2, $0x1, v12;
	vm2 =	veq.s32 v26, $0x1;
	v14 =	vbroadcast v21, $0xF;
	v28, _, _ =	vpop (xrf0)  }
0x176: {  	v17 =	vnsel vm1, $0x0, v17;
	(xrf0) =	vadd.scan.msk.s32 $0xffff, v27;
	v15 =	vnsel vm9, $0x0, v15;
	v29 =	vbroadcast v28, $0xF;
	v30, _, _ =	vpop (xrf0)  }
0x177: {  	v15 =	vadd.s32 v15, v17;
	v14 =	vnsel vm3, $0x0, v14;
	v17 =	vbroadcast v30, $0xF  }
0x178: {  	v33 =	vsel vm2, $0x1, v12;
	(xrf0) =	vadd.scan.msk.s32 $0xffff, v31;
	v14 =	vadd.s32 v14, v15;
	v15 =	vnsel vm4, $0x0, v29  }
0x179: {  	vm2 =	veq.s32 v26, $0x2;
	(xrf0) =	vadd.scan.msk.s32 $0xffff, v32;
	v14 =	vadd.s32 v15, v14;
	v15 =	vnsel vm5, $0x0, v17  }
0x17a: {  	v36 =	vsel vm2, $0x1, v12;
	vm2 =	veq.s32 v26, $0x3;
	v34, _, _ =	vpop (xrf0);
	(xrf0) =	vadd.scan.msk.s32 $0xffff, v33  }
0x17b: {  	v49 =	vbroadcast v20, $0xF;
	v18 =	vnsel vm7, $0x0, v18;
	v37 =	vsel vm2, $0x1, v12;
	(xrf0) =	vadd.scan.msk.s32 $0xffff, v36  }
0x17c: {  	v13 =	vadd.s32 v18, v13;
	vm2 =	veq.s32 v26, $0x4;
	v14 =	vadd.s32 v15, v14;
	v15, _, _ =	vpop (xrf0);
	(xrf0) =	vadd.scan.msk.s32 $0xffff, v37  }
0x17d: {  	v46 =	vld [tilespmem:$0xA0];
	v38 =	vsel vm2, $0x1, v12;
	vm2 =	veq.s32 v26, $0x5;
	v35 =	vbroadcast v34, $0xF  }
0x17e: {  	v41 =	vsel vm2, $0x1, v12;
	vm2 =	veq.s32 v26, $0x6;
	v15 =	vbroadcast v15, $0xF;
	v39, _, _ =	vpop (xrf0);
	(xrf0) =	vadd.scan.msk.s32 $0xffff, v38  }
0x17f: {  	v44 =	vsel vm2, $0x1, v12;
	vm2 =	veq.s32 v26, $0x7;
	v16 =	vnsel vm6, $0x0, v35;
	v40, _, _ =	vpop (xrf0)  }
0x180: {  	v14 =	vadd.s32 v16, v14;
	v16 =	vbroadcast v39, $0xF;
	(xrf0) =	vadd.scan.msk.s32 $0xffff, v41;
	v15 =	vnsel vm7, $0x0, v15;
	v42, _, _ =	vpop (xrf0)  }
0x181: {  	v19 =	vsel vm2, $0x1, v12;
	v14 =	vadd.s32 v15, v14;
	v15 =	vbroadcast v40, $0xF;
	v43, _, _ =	vpop (xrf0)  }
0x182: {  	vm2 =	veq.s32 v46, $0x0;
	v16 =	vnsel vm8, $0x0, v16;
	v17 =	vbroadcast v42, $0xF;
	v45, _, _ =	vpop (xrf0);
	(xrf0) =	vadd.scan.msk.s32 $0xffff, v44  }
0x183: {  	v51 =	vsel vm2, $0x1, v12;
	v14 =	vadd.s32 v16, v14;
	v15 =	vnsel vm1, $0x0, v15  }
0x184: {  	v16 =	vbroadcast v43, $0xF;
	v14 =	vadd.s32 v15, v14;
	v15 =	vnsel vm9, $0x0, v17;
	v47, _, _ =	vpop (xrf0);
	(xrf0) =	vadd.scan.msk.s32 $0xffff, v19  }
0x185: {  	vm2 =	veq.s32 v46, $0x1;
	v14 =	vadd.s32 v15, v14;
	v15 =	vbroadcast v45, $0xF  }
0x186: {  	v52 =	vsel vm2, $0x1, v12;
	v16 =	vnsel vm3, $0x0, v16;
	v17 =	vbroadcast v47, $0xF;
	v48, _, _ =	vpop (xrf0);
	(xrf0) =	vadd.scan.msk.s32 $0xffff, v51  }
0x187: {  	v14 =	vadd.s32 v16, v14;
	v16 =	vbroadcast v48, $0xF;
	(xrf0) =	vadd.scan.msk.s32 $0xffff, v52;
	v15 =	vnsel vm4, $0x0, v15  }
0x188: {  	vm2 =	veq.s32 v46, $0x2;
	v14 =	vadd.s32 v15, v14;
	v15 =	vnsel vm5, $0x0, v17;
	v50, _, _ =	vpop (xrf0)  }
0x189: {  	v14 =	vadd.s32 v15, v14;
	v15 =	vnsel vm6, $0x0, v16;
	v16 =	vbroadcast v50, $0xF  }
0x18a: {  	v14 =	vadd.s32 v15, v14;
	v15 =	vsel vm2, $0x1, v12;
	vm2 =	veq.s32 v46, $0x3;
	v19, _, _ =	vpop (xrf0)  }
0x18b: {  	v53 =	vld [tilespmem:$0xB0];
	(xrf0) =	vadd.scan.msk.s32 $0xffff, v15;
	v15 =	vsel vm2, $0x1, v12;
	vm2 =	veq.s32 v46, $0x4;
	v19 =	vbroadcast v19, $0xF  }
0x18c: {  	v55, _, _ =	vpop (xrf0);
	v16 =	vnsel vm7, $0x0, v16;
	(xrf0) =	vadd.scan.msk.s32 $0xffff, v15;
	v15 =	vsel vm2, $0x1, v12;
	vm2 =	veq.s32 v46, $0x5  }
0x18d: {  	v56, _, _ =	vpop (xrf0);
	v14 =	vadd.s32 v16, v14;
	(xrf0) =	vadd.scan.msk.s32 $0xffff, v15;
	v15 =	vsel vm2, $0x1, v12;
	vm2 =	veq.s32 v46, $0x6  }
0x18e: {  	v54 =	vnsel vm8, $0x0, v19;
	v16 =	vbroadcast v55, $0xF;
	v19 =	vbroadcast v56, $0xF  }
0x18f: {  	(xrf0) =	vadd.scan.msk.s32 $0xffff, v15;
	v15 =	vsel vm2, $0x1, v12;
	vm2 =	veq.s32 v46, $0x7;
	v14 =	vadd.s32 v54, v14  }
0x190: {  	(xrf0) =	vadd.scan.msk.s32 $0xffff, v15;
	v15 =	vsel vm2, $0x1, v12;
	vm2 =	veq.s32 v53, $0x0;
	v16 =	vnsel vm1, $0x0, v16  }
0x191: {  	v59 =	vnsel vm9, $0x0, v19;
	(xrf0) =	vadd.scan.msk.s32 $0xffff, v15;
	v15 =	vsel vm2, $0x1, v12;
	vm2 =	veq.s32 v53, $0x1;
	v57, _, _ =	vpop (xrf0)  }
0x192: {  	(xrf0) =	vadd.scan.msk.s32 $0xffff, v15;
	v15 =	vsel vm2, $0x1, v12;
	vm2 =	veq.s32 v53, $0x2;
	v20 =	vbroadcast v57, $0xF;
	v58, _, _ =	vpop (xrf0)  }
0x193: {  	v14 =	vadd.s32 v16, v14;
	(xrf0) =	vadd.scan.msk.s32 $0xffff, v15;
	v15 =	vsel vm2, $0x1, v12;
	v60 =	vbroadcast v58, $0xF;
	v61, _, _ =	vpop (xrf0)  }
0x194: {  	v14 =	vadd.s32 v59, v14;
	(xrf0) =	vadd.scan.msk.s32 $0xffff, v15;
	v15 =	vnsel vm3, $0x0, v20;
	v62 =	vbroadcast v61, $0xF  }
0x195: {  	v17 =	vnsel vm8, $0x0, v49;
	v14 =	vadd.s32 v15, v14;
	v15 =	vnsel vm4, $0x0, v60  }
0x196: {  	vm2 =	veq.s32 v53, $0x3;
	v63, _, _ =	vpop (xrf0);
	v14 =	vadd.s32 v15, v14;
	v15 =	vnsel vm5, $0x0, v62  }
0x197: {  	v29 =	vsel vm2, $0x1, v12;
	vm2 =	veq.s32 v53, $0x4;
	v24, _, _ =	vpop (xrf0);
	v25 =	vbroadcast v63, $0xF  }
0x198: {  	v13 =	vadd.s32 v17, v13;
	v30 =	vsel vm2, $0x1, v12;
	v26, _, _ =	vpop (xrf0);
	v27 =	vbroadcast v24, $0xF  }
0x199: {  	[tilespmem:$0x300] =	vst v13;
	v14 =	vadd.s32 v15, v14;
	v16 =	vnsel vm6, $0x0, v25;
	v20 =	vbroadcast v26, $0xF;
	v15, _, _ =	vpop (xrf0)  }
0x19a: {  	v13 =	vadd.s32 v16, v14;
	v17 =	vnsel vm7, $0x0, v27;
	v28, _, _ =	vpop (xrf0);
	(xrf0) =	vadd.scan.msk.s32 $0xffff, v29;
	v15 =	vbroadcast v15, $0xF  }
0x19b: {  	v13 =	vadd.s32 v17, v13;
	v20 =	vnsel vm8, $0x0, v20;
	v19 =	vbroadcast v28, $0xF  }
0x19c: {  	v13 =	vadd.s32 v20, v13;
	v14, _, _ =	vpop (xrf0);
	(xrf0) =	vadd.scan.msk.s32 $0xffff, v30;
	v15 =	vnsel vm1, $0x0, v15  }
0x19d: {  	v31 =	vld [tilespmem:$0xC0];
	v14 =	vbroadcast v14, $0xF;
	v13 =	vadd.s32 v15, v13;
	v15 =	vnsel vm9, $0x0, v19  }
0x19e: {  	vm2 =	veq.s32 v53, $0x5  }
0x19f: {  	v32 =	vsel vm2, $0x1, v12;
	v14 =	vnsel vm3, $0x0, v14  }
0x1a0: {  	vm2 =	veq.s32 v53, $0x6;
	(xrf0) =	vadd.scan.msk.s32 $0xffff, v32;
	v13 =	vadd.s32 v15, v13;
	v15, _, _ =	vpop (xrf0)  }
0x1a1: {  	v33 =	vsel vm2, $0x1, v12;
	vm2 =	veq.s32 v53, $0x7;
	v15 =	vbroadcast v15, $0xF  }
0x1a2: {  	v34 =	vsel vm2, $0x1, v12;
	vm2 =	veq.s32 v31, $0x0;
	(xrf0) =	vadd.scan.msk.s32 $0xffff, v33;
	v13 =	vadd.s32 v14, v13;
	v14, _, _ =	vpop (xrf0)  }
0x1a3: {  	v35 =	vsel vm2, $0x1, v12;
	(xrf0) =	vadd.scan.msk.s32 $0xffff, v34;
	v14 =	vbroadcast v14, $0xF;
	v15 =	vnsel vm4, $0x0, v15  }
0x1a4: {  	(xrf0) =	vadd.scan.msk.s32 $0xffff, v35  }
0x1a5: {  	v14 =	vnsel vm5, $0x0, v14  }
0x1a6: {  	v13 =	vadd.s32 v15, v13;
	v15, _, _ =	vpop (xrf0)  }
0x1a7: {  	vm2 =	veq.s32 v31, $0x1;
	v15 =	vbroadcast v15, $0xF  }
0x1a8: {  	v36 =	vsel vm2, $0x1, v12;
	vm2 =	veq.s32 v31, $0x2;
	v13 =	vadd.s32 v14, v13;
	v14, _, _ =	vpop (xrf0)  }
0x1a9: {  	v37 =	vsel vm2, $0x1, v12;
	(xrf0) =	vadd.scan.msk.s32 $0xffff, v36;
	v14 =	vbroadcast v14, $0xF;
	v38, _, _ =	vpop (xrf0);
	v15 =	vnsel vm6, $0x0, v15  }
0x1aa: {  	(xrf0) =	vadd.scan.msk.s32 $0xffff, v37;
	v39, _, _ =	vpop (xrf0);
	v13 =	vadd.s32 v15, v13;
	v15 =	vbroadcast v38, $0xF  }
0x1ab: {  	vm2 =	veq.s32 v31, $0x3;
	v14 =	vnsel vm7, $0x0, v14;
	v16 =	vbroadcast v39, $0xF  }
0x1ac: {  	v40 =	vsel vm2, $0x1, v12;
	v13 =	vadd.s32 v14, v13;
	v14 =	vnsel vm8, $0x0, v15  }
0x1ad: {  	(xrf0) =	vadd.scan.msk.s32 $0xffff, v40;
	v13 =	vadd.s32 v14, v13;
	v14 =	vnsel vm1, $0x0, v16  }
0x1ae: {  	vm2 =	veq.s32 v31, $0x4  }
0x1af: {  	v15 =	vsel vm2, $0x1, v12;
	v41, _, _ =	vpop (xrf0);
	vm2 =	veq.s32 v31, $0x5  }
0x1b0: {  	(xrf0) =	vadd.scan.msk.s32 $0xffff, v15;
	v15 =	vld [tilespmem:$0xD0];
	v42 =	vsel vm2, $0x1, v12;
	vm2 =	veq.s32 v31, $0x6;
	v13 =	vadd.s32 v14, v13;
	v14, _, _ =	vpop (xrf0)  }
0x1b1: {  	(xrf0) =	vadd.scan.msk.s32 $0xffff, v42;
	v43 =	vsel vm2, $0x1, v12;
	vm2 =	veq.s32 v31, $0x7;
	v14 =	vbroadcast v14, $0xF  }
0x1b2: {  	v16 =	vbroadcast v41, $0xF;
	v17 =	vsel vm2, $0x1, v12;
	(xrf0) =	vadd.scan.msk.s32 $0xffff, v43  }
0x1b3: {  	v44, _, _ =	vpop (xrf0);
	(xrf0) =	vadd.scan.msk.s32 $0xffff, v17;
	v14 =	vnsel vm3, $0x0, v14  }
0x1b4: {  	v16 =	vnsel vm9, $0x0, v16  }
0x1b5: {  	v13 =	vadd.s32 v16, v13;
	v16 =	vbroadcast v44, $0xF;
	vm2 =	veq.s32 v15, $0x0  }
0x1b6: {  	v45 =	vsel vm2, $0x1, v12;
	vm2 =	veq.s32 v15, $0x1;
	v13 =	vadd.s32 v14, v13;
	v14, _, _ =	vpop (xrf0)  }
0x1b7: {  	v46 =	vsel vm2, $0x1, v12;
	(xrf0) =	vadd.scan.msk.s32 $0xffff, v45;
	v47, _, _ =	vpop (xrf0)  }
0x1b8: {  	v16 =	vnsel vm4, $0x0, v16;
	vm2 =	veq.s32 v15, $0x2;
	(xrf0) =	vadd.scan.msk.s32 $0xffff, v46;
	v48, _, _ =	vpop (xrf0)  }
0x1b9: {  	v50 =	vsel vm2, $0x1, v12;
	vm2 =	veq.s32 v15, $0x3;
	v14 =	vbroadcast v14, $0xF;
	v49, _, _ =	vpop (xrf0)  }
0x1ba: {  	v13 =	vadd.s32 v16, v13;
	v51 =	vsel vm2, $0x1, v12;
	vm2 =	veq.s32 v15, $0x4;
	(xrf0) =	vadd.scan.msk.s32 $0xffff, v50  }
0x1bb: {  	v55 =	vsel vm2, $0x1, v12;
	v16 =	vbroadcast v47, $0xF;
	v14 =	vnsel vm5, $0x0, v14  }
0x1bc: {  	vm2 =	veq.s32 v15, $0x5;
	v13 =	vadd.s32 v14, v13;
	v14 =	vbroadcast v48, $0xF  }
0x1bd: {  	v56 =	vsel vm2, $0x1, v12;
	v16 =	vnsel vm6, $0x0, v16;
	v17 =	vbroadcast v49, $0xF  }
0x1be: {  	vm2 =	veq.s32 v15, $0x6;
	v13 =	vadd.s32 v16, v13;
	v14 =	vnsel vm7, $0x0, v14;
	v52, _, _ =	vpop (xrf0)  }
0x1bf: {  	(xrf0) =	vadd.scan.msk.s32 $0xffff, v51;
	v13 =	vadd.s32 v14, v13;
	v14 =	vnsel vm8, $0x0, v17;
	v17 =	vbroadcast v52, $0xF;
	v54, _, _ =	vpop (xrf0)  }
0x1c0: {  	v57 =	vsel vm2, $0x1, v12;
	vm2 =	veq.s32 v15, $0x7;
	(xrf0) =	vadd.scan.msk.s32 $0xffff, v55;
	v18 =	vbroadcast v54, $0xF;
	v58, _, _ =	vpop (xrf0)  }
0x1c1: {  	v13 =	vadd.s32 v14, v13;
	v14 =	vnsel vm1, $0x0, v17;
	v15 =	vbroadcast v58, $0xF  }
0x1c2: {  	v13 =	vadd.s32 v14, v13;
	v14 =	vnsel vm9, $0x0, v18  }
0x1c3: {  	v53 =	vld [tilespmem:$0xE0];
	v15 =	vnsel vm3, $0x0, v15  }
0x1c4: {  	(xrf0) =	vadd.scan.msk.s32 $0xffff, v56  }
0x1c5: {  	v59 =	vsel vm2, $0x1, v12;
	(xrf0) =	vadd.scan.msk.s32 $0xffff, v57;
	v13 =	vadd.s32 v14, v13;
	v14, _, _ =	vpop (xrf0)  }
0x1c6: {  	(xrf0) =	vadd.scan.msk.s32 $0xffff, v59;
	v13 =	vadd.s32 v15, v13;
	v15, _, _ =	vpop (xrf0)  }
0x1c7: {  	v15 =	vbroadcast v15, $0xF  }
0x1c8: {  	vm2 =	veq.s32 v53, $0x0;
	v14 =	vbroadcast v14, $0xF  }
0x1c9: {  	v60 =	vsel vm2, $0x1, v12;
	vm2 =	veq.s32 v53, $0x1;
	v15 =	vnsel vm5, $0x0, v15  }
0x1ca: {  	v61 =	vsel vm2, $0x1, v12;
	vm2 =	veq.s32 v53, $0x2;
	(xrf0) =	vadd.scan.msk.s32 $0xffff, v60;
	v14 =	vnsel vm4, $0x0, v14;
	v62, _, _ =	vpop (xrf0)  }
0x1cb: {  	v63 =	vsel vm2, $0x1, v12;
	(xrf0) =	vadd.scan.msk.s32 $0xffff, v61;
	v13 =	vadd.s32 v14, v13;
	v20, _, _ =	vpop (xrf0)  }
0x1cc: {  	(xrf0) =	vadd.scan.msk.s32 $0xffff, v63;
	v13 =	vadd.s32 v15, v13;
	v15, _, _ =	vpop (xrf0)  }
0x1cd: {  	v14 =	vbroadcast v62, $0xF;
	v15 =	vbroadcast v15, $0xF  }
0x1ce: {  	vm2 =	veq.s32 v53, $0x3;
	v17 =	vbroadcast v20, $0xF  }
0x1cf: {  	v21 =	vsel vm2, $0x1, v12;
	v14 =	vnsel vm6, $0x0, v14;
	v15 =	vnsel vm8, $0x0, v15  }
0x1d0: {  	vm2 =	veq.s32 v53, $0x4;
	v13 =	vadd.s32 v14, v13;
	v14 =	vnsel vm7, $0x0, v17;
	v22, _, _ =	vpop (xrf0)  }
0x1d1: {  	v24 =	vsel vm2, $0x1, v12;
	v13 =	vadd.s32 v14, v13;
	(xrf0) =	vadd.scan.msk.s32 $0xffff, v21;
	v23, _, _ =	vpop (xrf0)  }
0x1d2: {  	v14 =	vbroadcast v22, $0xF;
	(xrf0) =	vadd.scan.msk.s32 $0xffff, v24;
	v13 =	vadd.s32 v15, v13;
	v15, _, _ =	vpop (xrf0)  }
0x1d3: {  	v25 =	vld [tilespmem:$0xF0];
	v17 =	vbroadcast v23, $0xF;
	v15 =	vbroadcast v15, $0xF  }
0x1d4: {  	vm2 =	veq.s32 v53, $0x5;
	v14 =	vnsel vm1, $0x0, v14  }
0x1d5: {  	v26 =	vsel vm2, $0x1, v12;
	v13 =	vadd.s32 v14, v13;
	v14 =	vnsel vm9, $0x0, v17  }
0x1d6: {  	vm2 =	veq.s32 v53, $0x6;
	v13 =	vadd.s32 v14, v13;
	v14 =	vnsel vm3, $0x0, v15  }
0x1d7: {  	v27 =	vsel vm2, $0x1, v12;
	vm2 =	veq.s32 v53, $0x7;
	(xrf0) =	vadd.scan.msk.s32 $0xffff, v26;
	v13 =	vadd.s32 v14, v13;
	v15, _, _ =	vpop (xrf0)  }
0x1d8: {  	(xrf0) =	vadd.scan.msk.s32 $0xffff, v27;
	v14 =	vsel vm2, $0x1, v12;
	vm2 =	veq.s32 v25, $0x0;
	v15 =	vbroadcast v15, $0xF;
	v28, _, _ =	vpop (xrf0)  }
0x1d9: {  	(xrf0) =	vadd.scan.msk.s32 $0xffff, v14;
	v14 =	vsel vm2, $0x1, v12;
	vm2 =	veq.s32 v25, $0x1;
	v16 =	vbroadcast v28, $0xF  }
0x1da: {  	(xrf0) =	vadd.scan.msk.s32 $0xffff, v14;
	v14 =	vsel vm2, $0x1, v12;
	v15 =	vnsel vm4, $0x0, v15  }
0x1db: {  	vm2 =	veq.s32 v25, $0x2;
	v13 =	vadd.s32 v15, v13;
	v15 =	vnsel vm5, $0x0, v16  }
0x1dc: {  	(xrf0) =	vadd.scan.msk.s32 $0xffff, v14;
	v14 =	vsel vm2, $0x1, v12;
	vm2 =	veq.s32 v25, $0x3  }
0x1dd: {  	(xrf0) =	vadd.scan.msk.s32 $0xffff, v14;
	v14 =	vsel vm2, $0x1, v12;
	vm2 =	veq.s32 v25, $0x4  }
0x1de: {  	v13 =	vadd.s32 v15, v13;
	v15, _, _ =	vpop (xrf0);
	(xrf0) =	vadd.scan.msk.s32 $0xffff, v14;
	v14 =	vsel vm2, $0x1, v12;
	vm2 =	veq.s32 v25, $0x5  }
0x1df: {  	v15 =	vbroadcast v15, $0xF;
	v29, _, _ =	vpop (xrf0);
	(xrf0) =	vadd.scan.msk.s32 $0xffff, v14;
	v14 =	vsel vm2, $0x1, v12;
	vm2 =	veq.s32 v25, $0x6  }
0x1e0: {  	v16 =	vbroadcast v29, $0xF;
	v30, _, _ =	vpop (xrf0);
	(xrf0) =	vadd.scan.msk.s32 $0xffff, v14;
	v14 =	vsel vm2, $0x1, v12;
	vm2 =	veq.s32 v25, $0x7  }
0x1e1: {  	v15 =	vnsel vm6, $0x0, v15;
	v17 =	vbroadcast v30, $0xF;
	v31, _, _ =	vpop (xrf0);
	(xrf0) =	vadd.scan.msk.s32 $0xffff, v14;
	v14 =	vsel vm2, $0x1, v12  }
0x1e2: {  	v13 =	vadd.s32 v15, v13;
	v15 =	vnsel vm7, $0x0, v16;
	v32 =	vbroadcast v31, $0xF;
	v33, _, _ =	vpop (xrf0);
	(xrf0) =	vadd.scan.msk.s32 $0xffff, v14  }
0x1e3: {  	v13 =	vadd.s32 v15, v13;
	v14 =	vnsel vm8, $0x0, v17;
	v15 =	vbroadcast v33, $0xF;
	v34, _, _ =	vpop (xrf0)  }
0x1e4: {  	v13 =	vadd.s32 v14, v13;
	v14 =	vnsel vm1, $0x0, v32;
	v35 =	vbroadcast v34, $0xF;
	v36, _, _ =	vpop (xrf0)  }
0x1e5: {  	v13 =	vadd.s32 v14, v13;
	v14 =	vnsel vm9, $0x0, v15;
	v15 =	vbroadcast v36, $0xF;
	v37, _, _ =	vpop (xrf0)  }
0x1e6: {  	v13 =	vadd.s32 v14, v13;
	v14 =	vnsel vm3, $0x0, v35;
	v38 =	vbroadcast v37, $0xF;
	v39, _, _ =	vpop (xrf0)  }
0x1e7: {  	v13 =	vadd.s32 v14, v13;
	v14 =	vnsel vm4, $0x0, v15;
	v15 =	vbroadcast v39, $0xF;
	v40, _, _ =	vpop (xrf0)  }
0x1e8: {  	v13 =	vadd.s32 v14, v13;
	v14 =	vnsel vm5, $0x0, v38;
	v41 =	vbroadcast v40, $0xF;
	v42, _, _ =	vpop (xrf0)  }
0x1e9: {  	v13 =	vadd.s32 v14, v13;
	v14 =	vnsel vm6, $0x0, v15;
	v15 =	vbroadcast v42, $0xF  }
0x1ea: {  	v13 =	vadd.s32 v14, v13;
	v14 =	vnsel vm7, $0x0, v41  }
0x1eb: {  	v13 =	vadd.s32 v14, v13;
	v14 =	vnsel vm8, $0x0, v15  }
0x1ec: {  	v13 =	vadd.s32 v14, v13  }
0x1ed: {  	s20 =	simm.s32 $0x300;
	s19 =	rddreg [dreg:$0x8];
	[tilespmem:$0x380] =	vst v13  }
0x1ee: {  	[hbm4b:s19+s3] =	stream.linear.scatter [tilespmem:s20], [sflag:$0x3], $0x100, $0x38;
	[tilespmem:$0x19480] =	vst v63  }
0x1ef: {  	_ =	swait.ge [sflag:s17], $0x100  }
0x1f0: {  	[sflag:s17] =	ssyncset.done $0x0  }
0x1f1: {  	[sflag:s17] =	ssyncadd.s32 $0xFFFFFF00  }
0x1f2: {  	[bflag:$0x0] =	sbarrier.arrive $0xFFFF  }
0x1f3: {  	s22 =	simm.s32 $0x400;
	s21 =	rddreg [dreg:$0x5]  }
0x1f4: {  	[tilespmem:s22], [sflag:$0x3] =	stream.linear.gather [hbm4b:s21+s3], $0x1000, $0x38;
	[tilespmem:$0x19480] =	vst v63  }
0x1f5: {  	_ =	swait.ge [sflag:s17], $0x1000  }
0x1f6: {  	[sflag:s17] =	ssyncset.done $0x0  }
0x1f7: {  	[sflag:s17] =	ssyncadd.s32 $0xFFFFF000  }
0x1f8: {  	v13 =	vld [tilespmem:$0x400]  }
0x1f9: {  	v14 =	vld [tilespmem:$0x480]  }
0x1fa: {  	v15 =	vld [tilespmem:$0x500]  }
0x1fb: {  	s23 =	sld [smem:$0x7F4];
	v43 =	vld [tilespmem:$0x580]  }
0x1fc: {  	s1 =	sld [smem:$0x7F2];
	v44 =	vld [tilespmem:$0x600]  }
0x1fd: {  	v45 =	vld [tilespmem:$0x680]  }
0x1fe: {  	s5 =	sld [smem:$0x7F1];
	v47 =	vld [tilespmem:$0x700];
	p4 =	seq.s32 s23, $0x1;
	v46 =	vadd.s32 v13, v14  }
0x1ff: {  	v48 =	vld [tilespmem:$0x780];
	v13 =	vpsel p4, $0x0, v13;
	v14 =	vpsel p3, $0x0, v14;
	p4 =	seq.s32 s1, $0x1;
	v19 =	vadd.s32 v15, v46  }
0x200: {  	s6 =	sld [smem:$0x7F0];
	v49 =	vld [tilespmem:$0x800];
	v13 =	vadd.s32 v13, v14;
	v14 =	vpsel !p4, $0x0, v15;
	v15 =	vadd.s32 v43, v19  }
0x201: {  	v50 =	vld [tilespmem:$0x880];
	p4 =	seq.s32 s5, $0x1;
	v13 =	vadd.s32 v14, v13;
	v14 =	vpsel !p2, $0x0, v43;
	v15 =	vadd.s32 v44, v15  }
0x202: {  	s7 =	sld [smem:$0x7EF];
	v51 =	vld [tilespmem:$0x900];
	v13 =	vadd.s32 v14, v13;
	v14 =	vpsel !p4, $0x0, v44;
	v15 =	vadd.s32 v45, v15  }
0x203: {  	v52 =	vld [tilespmem:$0x980];
	p4 =	seq.s32 s6, $0x1;
	v13 =	vadd.s32 v14, v13;
	v14 =	vpsel !p1, $0x0, v45;
	v15 =	vadd.s32 v47, v15  }
0x204: {  	s8 =	sld [smem:$0x7EE];
	v53 =	vld [tilespmem:$0xA00];
	v13 =	vadd.s32 v14, v13;
	v14 =	vpsel !p4, $0x0, v47;
	v15 =	vadd.s32 v48, v15  }
0x205: {  	v54 =	vld [tilespmem:$0xA80];
	p4 =	seq.s32 s7, $0x1;
	v13 =	vadd.s32 v14, v13;
	v14 =	vpsel !p0, $0x0, v48;
	v15 =	vadd.s32 v49, v15  }
0x206: {  	s11 =	sld [smem:$0x7ED];
	v55 =	vld [tilespmem:$0xB00];
	v13 =	vadd.s32 v14, v13;
	v14 =	vpsel !p4, $0x0, v49;
	v15 =	vadd.s32 v50, v15  }
0x207: {  	s13 =	sld [smem:$0x7FD];
	v56 =	vld [tilespmem:$0xB80];
	p4 =	seq.s32 s8, $0x1;
	v13 =	vadd.s32 v14, v13;
	v14 =	vpsel !p6, $0x0, v50;
	v15 =	vadd.s32 v51, v15  }
0x208: {  	s18 =	sld [smem:$0x7EC];
	v57 =	vld [tilespmem:$0xC00];
	v13 =	vadd.s32 v14, v13;
	v14 =	vpsel !p4, $0x0, v51;
	v15 =	vadd.s32 v52, v15  }
0x209: {  	s19 =	sld [smem:$0x7FC];
	v58 =	vld [tilespmem:$0xC80];
	p4 =	seq.s32 s11, $0x1;
	v13 =	vadd.s32 v14, v13;
	v14 =	vpsel !p5, $0x0, v52;
	v15 =	vadd.s32 v53, v15  }
0x20a: {  	s20 =	sld [smem:$0x7EB];
	v59 =	vld [tilespmem:$0xD00];
	v13 =	vadd.s32 v14, v13;
	v14 =	vpsel !p4, $0x0, v53;
	p4 =	seq.s32 s13, $0x1;
	v15 =	vadd.s32 v54, v15  }
0x20b: {  	s21 =	sld [smem:$0x7FB];
	v60 =	vld [tilespmem:$0xD80];
	v13 =	vadd.s32 v14, v13;
	v14 =	vpsel !p4, $0x0, v54;
	p4 =	seq.s32 s18, $0x1;
	v15 =	vadd.s32 v55, v15  }
0x20c: {  	s22 =	sld [smem:$0x7EA];
	v61 =	vld [tilespmem:$0xE00];
	v13 =	vadd.s32 v14, v13;
	v14 =	vpsel !p4, $0x0, v55;
	p4 =	seq.s32 s19, $0x1;
	v15 =	vadd.s32 v56, v15  }
0x20d: {  	v62 =	vld [tilespmem:$0xE80];
	s23 =	sld [smem:$0x7FA];
	v13 =	vadd.s32 v14, v13;
	v14 =	vpsel !p4, $0x0, v56;
	p4 =	seq.s32 s20, $0x1;
	v15 =	vadd.s32 v57, v15  }
0x20e: {  	v63 =	vld [tilespmem:$0xF00];
	s1 =	sld [smem:$0x7E9];
	v13 =	vadd.s32 v14, v13;
	v14 =	vpsel !p4, $0x0, v57;
	p4 =	seq.s32 s21, $0x1;
	v15 =	vadd.s32 v58, v15  }
0x20f: {  	v24 =	vld [tilespmem:$0xF80];
	s5 =	sld [smem:$0x7F9];
	v13 =	vadd.s32 v14, v13;
	v14 =	vpsel !p4, $0x0, v58;
	p4 =	seq.s32 s22, $0x1;
	v15 =	vadd.s32 v59, v15  }
0x210: {  	v25 =	vld [tilespmem:$0x1000];
	s6 =	sld [smem:$0x7E8];
	v13 =	vadd.s32 v14, v13;
	v14 =	vpsel !p4, $0x0, v59;
	p4 =	seq.s32 s23, $0x1;
	v15 =	vadd.s32 v60, v15  }
0x211: {  	v26 =	vld [tilespmem:$0x1080];
	s7 =	sld [smem:$0x7F8];
	v13 =	vadd.s32 v14, v13;
	v14 =	vpsel !p4, $0x0, v60;
	p4 =	seq.s32 s1, $0x1;
	v15 =	vadd.s32 v61, v15  }
0x212: {  	v27 =	vld [tilespmem:$0x1100];
	s8 =	sld [smem:$0x7E7];
	v13 =	vadd.s32 v14, v13;
	v14 =	vpsel !p4, $0x0, v61;
	p4 =	seq.s32 s5, $0x1;
	v15 =	vadd.s32 v62, v15  }
0x213: {  	v28 =	vld [tilespmem:$0x1180];
	s11 =	sld [smem:$0x7F7];
	v13 =	vadd.s32 v14, v13;
	v14 =	vpsel !p4, $0x0, v62;
	p4 =	seq.s32 s6, $0x1;
	v15 =	vadd.s32 v63, v15  }
0x214: {  	v29 =	vld [tilespmem:$0x1200];
	s13 =	sld [smem:$0x7E6];
	v13 =	vadd.s32 v14, v13;
	v14 =	vpsel !p4, $0x0, v63;
	p4 =	seq.s32 s7, $0x1;
	v15 =	vadd.s32 v24, v15  }
0x215: {  	v30 =	vld [tilespmem:$0x1280];
	s18 =	sld [smem:$0x7F6];
	v13 =	vadd.s32 v14, v13;
	v14 =	vpsel !p4, $0x0, v24;
	p4 =	seq.s32 s8, $0x1;
	v15 =	vadd.s32 v25, v15  }
0x216: {  	v31 =	vld [tilespmem:$0x1300];
	s19 =	sld [smem:$0x7E5];
	v13 =	vadd.s32 v14, v13;
	v14 =	vpsel !p4, $0x0, v25;
	p4 =	seq.s32 s11, $0x1;
	v15 =	vadd.s32 v26, v15  }
0x217: {  	v32 =	vld [tilespmem:$0x1380];
	s20 =	sld [smem:$0x7F5];
	v13 =	vadd.s32 v14, v13;
	v14 =	vpsel !p4, $0x0, v26;
	p4 =	seq.s32 s13, $0x1;
	v15 =	vadd.s32 v27, v15  }
0x218: {  	s21 =	sld [smem:$0x7E4];
	v13 =	vadd.s32 v14, v13;
	v14 =	vpsel !p4, $0x0, v27;
	p4 =	seq.s32 s18, $0x1;
	v15 =	vadd.s32 v28, v15  }
0x219: {  	v13 =	vadd.s32 v14, v13;
	v14 =	vpsel !p4, $0x0, v28;
	p4 =	seq.s32 s19, $0x1;
	v15 =	vadd.s32 v29, v15  }
0x21a: {  	v13 =	vadd.s32 v14, v13;
	v14 =	vpsel !p4, $0x0, v29;
	p4 =	seq.s32 s20, $0x1;
	v15 =	vadd.s32 v30, v15  }
0x21b: {  	v13 =	vadd.s32 v14, v13;
	v14 =	vpsel !p4, $0x0, v30;
	p4 =	seq.s32 s21, $0x1;
	v15 =	vadd.s32 v31, v15  }
0x21c: {  	v14 =	vadd.s32 v14, v13;
	v33 =	vpsel !p4, $0x0, v31;
	v13 =	vadd.s32 v32, v15  }
0x21d: {  	v14 =	vadd.s32 v33, v14;
	v15 =	vnsel vm1, $0x0, v13  }
0x21e: {  	vm2 =	vcmask $0x308;
	(xrf0) =	vadd.scan.msk.s32 $0xffff, v15;
	v15 =	vnsel vm1, $0x0, v14  }
0x21f: {  	(xrf0) =	vadd.scan.msk.s32 $0xffff, v15;
	v15 =	vsel vm2, $0x0, v13  }
0x220: {  	(xrf0) =	vadd.scan.msk.s32 $0xffff, v15;
	v15 =	vsel vm2, $0x0, v14;
	vm2 =	vcmask $0x70C  }
0x221: {  	(xrf0) =	vadd.scan.msk.s32 $0xffff, v15;
	v15 =	vsel vm2, $0x0, v13  }
0x222: {  	(xrf0) =	vadd.scan.msk.s32 $0xffff, v15;
	v15 =	vsel vm2, $0x0, v14;
	vm2 =	vcmask $0xB10  }
0x223: {  	(xrf0) =	vadd.scan.msk.s32 $0xffff, v15;
	v15 =	vsel vm2, $0x0, v13;
	_ =	sdelay $0x1  }
0x224: {  	v34, _, _ =	vpop (xrf0);
	(xrf0) =	vadd.scan.msk.s32 $0xffff, v15  }
0x225: {  	(v2sf) =	vpush v34, $0xF;
	v15, _, _ =	vpop (xrf0)  }
0x226: {  	v36 =	vsel vm2, $0x0, v14;
	vm2 =	vcmask $0xF14;
	(v2sf) =	vpush v15, $0xF;
	v35, _, _ =	vpop (xrf0)  }
0x227: {  	v38 =	vsel vm2, $0x0, v13;
	(xrf0) =	vadd.scan.msk.s32 $0xffff, v36;
	(v2sf) =	vpush v35, $0xF;
	v37, _, _ =	vpop (xrf0)  }
0x228: {  	v40 =	vsel vm2, $0x0, v14;
	vm2 =	vcmask $0x1318;
	(xrf0) =	vadd.scan.msk.s32 $0xffff, v38;
	(v2sf) =	vpush v37, $0xF;
	v39, _, _ =	vpop (xrf0)  }
0x229: {  	v42 =	vsel vm2, $0x0, v13;
	(xrf0) =	vadd.scan.msk.s32 $0xffff, v40;
	v41, _, _ =	vpop (xrf0)  }
0x22a: {  	v44 =	vsel vm2, $0x0, v14;
	vm2 =	vcmask $0x171C;
	v43, _, _ =	vpop (xrf0);
	(xrf0) =	vadd.scan.msk.s32 $0xffff, v42  }
0x22b: {  	v45 =	vsel vm2, $0x0, v13;
	(v2sf) =	vpush v39, $0xF;
	(xrf0) =	vadd.scan.msk.s32 $0xffff, v44  }
0x22c: {  	(v2sf) =	vpush v41, $0xF;
	(xrf0) =	vadd.scan.msk.s32 $0xffff, v45  }
0x22d: {  	v49 =	vld [tilespmem:s12+$0x0];
	v48 =	vsel vm2, $0x0, v14;
	vm2 =	vcmask $0x1B20;
	(v2sf) =	vpush v43, $0xF;
	v46, _, _ =	vpop (xrf0)  }
0x22e: {  	v14 =	vsel vm2, $0x0, v14;
	(v2sf) =	vpush v46, $0xF;
	v47, _, _ =	vpop (xrf0)  }
0x22f: {  	(v2sf) =	vpush v47, $0xF;
	v50, _, _ =	vpop (xrf0);
	(xrf0) =	vadd.scan.msk.s32 $0xffff, v48  }
0x230: {  	(v2sf) =	vpush v50, $0xF;
	(xrf0) =	vadd.scan.msk.s32 $0xffff, v14;
	v51, _, _ =	vpop (xrf0)  }
0x231: {  	(v2sf) =	vpush v51, $0xF;
	v14, _, _ =	vpop (xrf0)  }
0x232: {  	vm13 =	veq.s32 v49, $0x0;
	(v2sf) =	vpush v14, $0xF;
	v14, _, _ =	vpop (xrf0)  }
0x233: {  	(v2sf) =	vpush v14, $0xF;
	v14 =	vsel vm13, $0x1, v12  }
0x234: {  	s22 =	spop (v2sf)  }
0x235: {  	v52, _, _ =	vpop (xrf0);
	s8 =	spop (v2sf)  }
0x236: {  	(xrf0) =	vadd.scan.msk.s32 $0xffff, v14;
	s23 =	spop (v2sf);
	(v2sf) =	vpush v52, $0xF;
	v14, _, _ =	vpop (xrf0)  }
0x237: {  	vm14 =	veq.s32 v49, $0x1;
	s5 =	spop (v2sf);
	(v2sf) =	vpush v14, $0xF  }
0x238: {  	vm11 =	veq.s32 v49, $0x2;
	s0 =	sadd.s32 $0x7F, s22;
	v14 =	vsel vm14, $0x1, v12;
	s1 =	sadd.s32 $0x7F, s23  }
0x239: {  	vm10 =	veq.s32 v49, $0x3;
	s30 =	sshra.s32 s0, $0x7;
	s0 =	sand.u32 $0xFFFFFF80, s0;
	(xrf0) =	vadd.scan.msk.s32 $0xffff, v14;
	s1 =	sshra.s32 s1, $0x7;
	v14 =	vsel vm11, $0x1, v12  }
0x23a: {  	vm15 =	veq.s32 v49, $0x4;
	s6 =	spop (v2sf);
	s13 =	sadd.s32 s5, s0;
	s31 =	sadd.s32 s1, s30;
	(xrf0) =	vadd.scan.msk.s32 $0xffff, v14;
	v14 =	vsel vm10, $0x1, v12  }
0x23b: {  	s7 =	spop (v2sf);
	s6 =	sadd.s32 $0x7F, s6;
	s1 =	sshll.u32 s31, $0x7;
	(xrf0) =	vadd.scan.msk.s32 $0xffff, v14;
	v14 =	vsel vm15, $0x1, v12  }
0x23c: {  	vm9 =	veq.s32 v49, $0x5;
	vm12 =	veq.s32 v49, $0x6;
	v53 =	vsel vm13, $0xFFFFFFFF, v12;
	s18 =	spop (v2sf);
	s6 =	sshra.s32 s6, $0x7;
	s11 =	sadd.s32 s7, s1;
	(xrf0) =	vadd.scan.msk.s32 $0xffff, v14  }
0x23d: {  	v55 =	vsel vm14, $0xFFFFFFFF, v12;
	s0 =	sadd.s32 s6, s31;
	s7 =	spop (v2sf);
	s18 =	sadd.s32 $0x7F, s18;
	v14 =	vbroadcast v15, $0xF;
	v15 =	vsel vm9, $0x1, v12  }
0x23e: {  	v58 =	vsel vm11, $0xFFFFFFFF, v12;
	vm2 =	veq.s32 v49, $0x7;
	v54, _, _ =	vpop (xrf0);
	s19 =	sshll.u32 s0, $0x7;
	s5 =	sshra.s32 s18, $0x7;
	s20 =	spop (v2sf);
	(xrf0) =	vadd.scan.msk.s32 $0xffff, v15;
	v15 =	vsel vm12, $0x1, v12  }
0x23f: {  	v60 =	vsel vm10, $0xFFFFFFFF, v12;
	v16 =	vadd.s32 v53, v54;
	s19 =	sadd.s32 s7, s19;
	s1 =	sadd.s32 s5, s0;
	s21 =	spop (v2sf);
	v56, _, _ =	vpop (xrf0);
	(xrf0) =	vadd.scan.msk.s32 $0xffff, v15;
	v15 =	vsel vm2, $0x1, v12  }
0x240: {  	v62 =	vsel vm15, $0xFFFFFFFF, v12;
	v14 =	vadd.s32 v14, v16;
	s7 =	sadd.s32 $0x7F, s20;
	s22 =	sshll.u32 s1, $0x7;
	v57 =	vadd.s32 v55, v56;
	v59, _, _ =	vpop (xrf0);
	(xrf0) =	vadd.scan.msk.s32 $0xffff, v15;
	s23 =	spop (v2sf)  }
0x241: {  	v14 =	vnsel vm13, $0x0, v14;
	s20 =	sadd.s32 s21, s22;
	s21 =	sshra.s32 s7, $0x7;
	v16 =	vadd.s32 s13, v57;
	v15 =	vadd.s32 v58, v59;
	v61, _, _ =	vpop (xrf0);
	s6 =	spop (v2sf)  }
0x242: {  	s5 =	sadd.s32 s21, s1;
	v14 =	vsel vm14, v16, v14;
	s22 =	sadd.s32 $0x7F, s23;
	v15 =	vadd.s32 s11, v15;
	v16 =	vadd.s32 v60, v61;
	v63, _, _ =	vpop (xrf0);
	s23 =	spop (v2sf)  }
0x243: {  	s21 =	sshll.u32 s5, $0x7;
	s7 =	sshra.s32 s22, $0x7;
	v14 =	vsel vm11, v15, v14;
	v15 =	vadd.s32 s19, v16;
	v27 =	vadd.s32 v62, v63;
	s22 =	sadd.s32 $0x7F, s23  }
0x244: {  	v28 =	vsel vm9, $0xFFFFFFFF, v12;
	s21 =	sadd.s32 s6, s21;
	v29, _, _ =	vpop (xrf0);
	s18 =	sadd.s32 s7, s5;
	v14 =	vsel vm10, v15, v14;
	v15 =	vadd.s32 s20, v27;
	s7 =	sshra.s32 s22, $0x7  }
0x245: {  	v30 =	vsel vm12, $0xFFFFFFFF, v12;
	s23 =	sshll.u32 s18, $0x7;
	v14 =	vsel vm15, v15, v14;
	v15 =	vadd.s32 v28, v29;
	v23, _, _ =	vpop (xrf0);
	s22 =	spop (v2sf);
	s7 =	sadd.s32 s7, s18  }
0x246: {  	v24 =	vsel vm2, $0xFFFFFFFF, v12;
	v15 =	vadd.s32 s21, v15;
	v16 =	vadd.s32 v30, v23;
	v25, _, _ =	vpop (xrf0);
	s22 =	sadd.s32 s22, s23;
	s6 =	spop (v2sf);
	s23 =	sshll.u32 s7, $0x7  }
0x247: {  	v14 =	vsel vm9, v15, v14;
	v31 =	vadd.s32 v24, v25;
	s6 =	sadd.s32 s6, s23;
	v15 =	vadd.s32 s22, v16  }
0x248: {  	v14 =	vsel vm12, v15, v14;
	v15 =	vadd.s32 s6, v31  }
0x249: {  	v14 =	vsel vm2, v15, v14  }
0x24a: {  	vm2 =	vgt.s32 v14, $0x0  }
0x24b: {  	v14 =	vnsel vm2, $0x0, v14  }
0x24c: {  	(v2sf) =	vpush v54, $0xF;
	v14 =	vmin.u32 v14, $0x13FF  }
0x24d: {  	(v2sf) =	vpush v56, $0xF;
	[tilespmem:v1+s26+$0x0] =	vst.idx.msk $0xffff, v14  }
0x24e: {  	v14 =	vld [tilespmem:s12+$0x10]  }
0x24f: {  	(v2sf) =	vpush v59, $0xF  }
0x250: {  	(v2sf) =	vpush v61, $0xF  }
0x251: {  	(v2sf) =	vpush v63, $0xF;
	_ =	sdelay $0x1  }
0x252: {  	(v2sf) =	vpush v29, $0xF;
	vm15 =	veq.s32 v14, $0x0  }
0x253: {  	(v2sf) =	vpush v23, $0xF;
	vm14 =	veq.s32 v14, $0x1;
	v15 =	vsel vm15, $0x1, v12  }
0x254: {  	(v2sf) =	vpush v25, $0xF;
	(xrf0) =	vadd.scan.msk.s32 $0xffff, v15;
	v15 =	vsel vm14, $0x1, v12  }
0x255: {  	vm13 =	veq.s32 v14, $0x2;
	(xrf0) =	vadd.scan.msk.s32 $0xffff, v15  }
0x256: {  	vm12 =	veq.s32 v14, $0x3;
	v15 =	vsel vm13, $0x1, v12  }
0x257: {  	vm10 =	veq.s32 v14, $0x4;
	(xrf0) =	vadd.scan.msk.s32 $0xffff, v15;
	v15 =	vsel vm12, $0x1, v12  }
0x258: {  	(xrf0) =	vadd.scan.msk.s32 $0xffff, v15;
	v15 =	vsel vm10, $0x1, v12  }
0x259: {  	vm2 =	veq.s32 v14, $0x5;
	vm9 =	veq.s32 v14, $0x6;
	(xrf0) =	vadd.scan.msk.s32 $0xffff, v15  }
0x25a: {  	s23 =	spop (v2sf);
	vm11 =	veq.s32 v14, $0x7;
	v32 =	vsel vm15, $0xFFFFFFFF, v12;
	v34 =	vsel vm2, $0x1, v12;
	v33, _, _ =	vpop (xrf0)  }
0x25b: {  	s8 =	sadd.s32 s8, s23;
	s23 =	spop (v2sf);
	v35 =	vsel vm14, $0xFFFFFFFF, v12;
	v37 =	vsel vm9, $0x1, v12;
	(xrf0) =	vadd.scan.msk.s32 $0xffff, v34;
	v15 =	vadd.s32 v32, v33;
	v36, _, _ =	vpop (xrf0)  }
0x25c: {  	s13 =	sadd.s32 s23, s13;
	v38 =	vsel vm11, $0x1, v12;
	(xrf0) =	vadd.scan.msk.s32 $0xffff, v37;
	v14 =	vadd.s32 s8, v15;
	v15 =	vadd.s32 v35, v36  }
0x25d: {  	s23 =	spop (v2sf);
	v39 =	vsel vm13, $0xFFFFFFFF, v12;
	v40, _, _ =	vpop (xrf0);
	(xrf0) =	vadd.scan.msk.s32 $0xffff, v38;
	v14 =	vnsel vm15, $0x0, v14;
	v15 =	vadd.s32 s13, v15  }
0x25e: {  	v41 =	vsel vm12, $0xFFFFFFFF, v12;
	s11 =	sadd.s32 s23, s11;
	s23 =	spop (v2sf);
	v42, _, _ =	vpop (xrf0);
	v14 =	vsel vm14, v15, v14;
	v15 =	vadd.s32 v39, v40  }
0x25f: {  	v43 =	vsel vm10, $0xFFFFFFFF, v12;
	s19 =	sadd.s32 s23, s19;
	s23 =	spop (v2sf);
	v16 =	vadd.s32 v41, v42;
	v44, _, _ =	vpop (xrf0);
	v15 =	vadd.s32 s11, v15  }
0x260: {  	s20 =	sadd.s32 s23, s20;
	v45 =	vadd.s32 v43, v44;
	v14 =	vsel vm13, v15, v14;
	v15 =	vadd.s32 s19, v16  }
0x261: {  	v46 =	vsel vm2, $0xFFFFFFFF, v12;
	s23 =	spop (v2sf);
	v47, _, _ =	vpop (xrf0);
	v14 =	vsel vm12, v15, v14;
	v15 =	vadd.s32 s20, v45  }
0x262: {  	v48 =	vsel vm9, $0xFFFFFFFF, v12;
	s21 =	sadd.s32 s23, s21;
	s23 =	spop (v2sf);
	v49, _, _ =	vpop (xrf0);
	v14 =	vsel vm10, v15, v14;
	v15 =	vadd.s32 v46, v47  }
0x263: {  	v50 =	vsel vm11, $0xFFFFFFFF, v12;
	s22 =	sadd.s32 s23, s22;
	s23 =	spop (v2sf);
	v16 =	vadd.s32 v48, v49;
	v51, _, _ =	vpop (xrf0);
	v15 =	vadd.s32 s21, v15  }
0x264: {  	s6 =	sadd.s32 s23, s6;
	v52 =	vadd.s32 v50, v51;
	v14 =	vsel vm2, v15, v14;
	v15 =	vadd.s32 s22, v16  }
0x265: {  	v14 =	vsel vm9, v15, v14;
	v15 =	vadd.s32 s6, v52  }
0x266: {  	v14 =	vsel vm11, v15, v14  }
0x267: {  	vm2 =	vgt.s32 v14, $0x0  }
0x268: {  	v14 =	vnsel vm2, $0x0, v14  }
0x269: {  	(v2sf) =	vpush v33, $0xF;
	v14 =	vmin.u32 v14, $0x13FF  }
0x26a: {  	(v2sf) =	vpush v36, $0xF;
	[tilespmem:v2+s26+$0x0] =	vst.idx.msk $0xffff, v14  }
0x26b: {  	v14 =	vld [tilespmem:s12+$0x20]  }
0x26c: {  	(v2sf) =	vpush v40, $0xF  }
0x26d: {  	(v2sf) =	vpush v42, $0xF  }
0x26e: {  	(v2sf) =	vpush v44, $0xF;
	_ =	sdelay $0x1  }
0x26f: {  	(v2sf) =	vpush v47, $0xF;
	vm15 =	veq.s32 v14, $0x0  }
0x270: {  	(v2sf) =	vpush v49, $0xF;
	vm14 =	veq.s32 v14, $0x1;
	v15 =	vsel vm15, $0x1, v12  }
0x271: {  	(v2sf) =	vpush v51, $0xF;
	(xrf0) =	vadd.scan.msk.s32 $0xffff, v15;
	v15 =	vsel vm14, $0x1, v12  }
0x272: {  	vm13 =	veq.s32 v14, $0x2;
	(xrf0) =	vadd.scan.msk.s32 $0xffff, v15  }
0x273: {  	vm12 =	veq.s32 v14, $0x3;
	v15 =	vsel vm13, $0x1, v12  }
0x274: {  	vm10 =	veq.s32 v14, $0x4;
	(xrf0) =	vadd.scan.msk.s32 $0xffff, v15;
	v15 =	vsel vm12, $0x1, v12  }
0x275: {  	(xrf0) =	vadd.scan.msk.s32 $0xffff, v15;
	v15 =	vsel vm10, $0x1, v12  }
0x276: {  	vm2 =	veq.s32 v14, $0x5;
	vm9 =	veq.s32 v14, $0x6;
	(xrf0) =	vadd.scan.msk.s32 $0xffff, v15  }
0x277: {  	s23 =	spop (v2sf);
	vm11 =	veq.s32 v14, $0x7;
	v53 =	vsel vm15, $0xFFFFFFFF, v12;
	v55 =	vsel vm2, $0x1, v12;
	v54, _, _ =	vpop (xrf0)  }
0x278: {  	s8 =	sadd.s32 s8, s23;
	s23 =	spop (v2sf);
	v56 =	vsel vm14, $0xFFFFFFFF, v12;
	v58 =	vsel vm9, $0x1, v12;
	(xrf0) =	vadd.scan.msk.s32 $0xffff, v55;
	v15 =	vadd.s32 v53, v54;
	v57, _, _ =	vpop (xrf0)  }
0x279: {  	s13 =	sadd.s32 s23, s13;
	v59 =	vsel vm11, $0x1, v12;
	(xrf0) =	vadd.scan.msk.s32 $0xffff, v58;
	v14 =	vadd.s32 s8, v15;
	v15 =	vadd.s32 v56, v57  }
0x27a: {  	s23 =	spop (v2sf);
	v60 =	vsel vm13, $0xFFFFFFFF, v12;
	v61, _, _ =	vpop (xrf0);
	(xrf0) =	vadd.scan.msk.s32 $0xffff, v59;
	v14 =	vnsel vm15, $0x0, v14;
	v15 =	vadd.s32 s13, v15  }
0x27b: {  	s11 =	sadd.s32 s23, s11;
	s23 =	spop (v2sf);
	v62 =	vsel vm12, $0xFFFFFFFF, v12;
	v63, _, _ =	vpop (xrf0);
	v14 =	vsel vm14, v15, v14;
	v15 =	vadd.s32 v60, v61  }
0x27c: {  	s19 =	sadd.s32 s23, s19;
	s23 =	spop (v2sf);
	v28 =	vsel vm10, $0xFFFFFFFF, v12;
	v16 =	vadd.s32 v62, v63;
	v29, _, _ =	vpop (xrf0);
	v15 =	vadd.s32 s11, v15  }
0x27d: {  	s20 =	sadd.s32 s23, s20;
	v30 =	vadd.s32 v28, v29;
	v14 =	vsel vm13, v15, v14;
	v15 =	vadd.s32 s19, v16  }
0x27e: {  	s23 =	spop (v2sf);
	v31 =	vsel vm2, $0xFFFFFFFF, v12;
	v32, _, _ =	vpop (xrf0);
	v14 =	vsel vm12, v15, v14;
	v15 =	vadd.s32 s20, v30  }
0x27f: {  	s21 =	sadd.s32 s23, s21;
	s23 =	spop (v2sf);
	v33 =	vsel vm9, $0xFFFFFFFF, v12;
	v34, _, _ =	vpop (xrf0);
	v14 =	vsel vm10, v15, v14;
	v15 =	vadd.s32 v31, v32  }
0x280: {  	v35 =	vsel vm11, $0xFFFFFFFF, v12;
	s22 =	sadd.s32 s23, s22;
	s23 =	spop (v2sf);
	v16 =	vadd.s32 v33, v34;
	v36, _, _ =	vpop (xrf0);
	v15 =	vadd.s32 s21, v15  }
0x281: {  	s6 =	sadd.s32 s23, s6;
	v37 =	vadd.s32 v35, v36;
	v14 =	vsel vm2, v15, v14;
	v15 =	vadd.s32 s22, v16  }
0x282: {  	v14 =	vsel vm9, v15, v14;
	v15 =	vadd.s32 s6, v37  }
0x283: {  	v14 =	vsel vm11, v15, v14  }
0x284: {  	vm2 =	vgt.s32 v14, $0x0  }
0x285: {  	v14 =	vnsel vm2, $0x0, v14  }
0x286: {  	(v2sf) =	vpush v54, $0xF;
	v14 =	vmin.u32 v14, $0x13FF  }
0x287: {  	(v2sf) =	vpush v57, $0xF;
	[tilespmem:v3+s26+$0x0] =	vst.idx.msk $0xffff, v14  }
0x288: {  	v14 =	vld [tilespmem:s12+$0x30]  }
0x289: {  	(v2sf) =	vpush v61, $0xF  }
0x28a: {  	(v2sf) =	vpush v63, $0xF  }
0x28b: {  	(v2sf) =	vpush v29, $0xF;
	_ =	sdelay $0x1  }
0x28c: {  	(v2sf) =	vpush v32, $0xF;
	vm15 =	veq.s32 v14, $0x0  }
0x28d: {  	(v2sf) =	vpush v34, $0xF;
	vm14 =	veq.s32 v14, $0x1;
	v15 =	vsel vm15, $0x1, v12  }
0x28e: {  	(v2sf) =	vpush v36, $0xF;
	(xrf0) =	vadd.scan.msk.s32 $0xffff, v15;
	v15 =	vsel vm14, $0x1, v12  }
0x28f: {  	vm13 =	veq.s32 v14, $0x2;
	(xrf0) =	vadd.scan.msk.s32 $0xffff, v15  }
0x290: {  	vm12 =	veq.s32 v14, $0x3;
	v15 =	vsel vm13, $0x1, v12  }
0x291: {  	vm10 =	veq.s32 v14, $0x4;
	(xrf0) =	vadd.scan.msk.s32 $0xffff, v15;
	v15 =	vsel vm12, $0x1, v12  }
0x292: {  	(xrf0) =	vadd.scan.msk.s32 $0xffff, v15;
	v15 =	vsel vm10, $0x1, v12  }
0x293: {  	vm2 =	veq.s32 v14, $0x5;
	vm9 =	veq.s32 v14, $0x6;
	(xrf0) =	vadd.scan.msk.s32 $0xffff, v15  }
0x294: {  	s23 =	spop (v2sf);
	vm11 =	veq.s32 v14, $0x7;
	v38 =	vsel vm15, $0xFFFFFFFF, v12;
	v40 =	vsel vm2, $0x1, v12;
	v39, _, _ =	vpop (xrf0)  }
0x295: {  	s8 =	sadd.s32 s8, s23;
	s23 =	spop (v2sf);
	v41 =	vsel vm14, $0xFFFFFFFF, v12;
	v43 =	vsel vm9, $0x1, v12;
	(xrf0) =	vadd.scan.msk.s32 $0xffff, v40;
	v15 =	vadd.s32 v38, v39;
	v42, _, _ =	vpop (xrf0)  }
0x296: {  	s13 =	sadd.s32 s23, s13;
	v44 =	vsel vm11, $0x1, v12;
	(xrf0) =	vadd.scan.msk.s32 $0xffff, v43;
	v14 =	vadd.s32 s8, v15;
	v15 =	vadd.s32 v41, v42  }
0x297: {  	s23 =	spop (v2sf);
	v45 =	vsel vm13, $0xFFFFFFFF, v12;
	v46, _, _ =	vpop (xrf0);
	(xrf0) =	vadd.scan.msk.s32 $0xffff, v44;
	v14 =	vnsel vm15, $0x0, v14;
	v15 =	vadd.s32 s13, v15  }
0x298: {  	s11 =	sadd.s32 s23, s11;
	s23 =	spop (v2sf);
	v47 =	vsel vm12, $0xFFFFFFFF, v12;
	v48, _, _ =	vpop (xrf0);
	v14 =	vsel vm14, v15, v14;
	v15 =	vadd.s32 v45, v46  }
0x299: {  	s19 =	sadd.s32 s23, s19;
	s23 =	spop (v2sf);
	v49 =	vsel vm10, $0xFFFFFFFF, v12;
	v16 =	vadd.s32 v47, v48;
	v50, _, _ =	vpop (xrf0);
	v15 =	vadd.s32 s11, v15  }
0x29a: {  	s20 =	sadd.s32 s23, s20;
	v51 =	vadd.s32 v49, v50;
	v14 =	vsel vm13, v15, v14;
	v15 =	vadd.s32 s19, v16  }
0x29b: {  	s23 =	spop (v2sf);
	v52 =	vsel vm2, $0xFFFFFFFF, v12;
	v53, _, _ =	vpop (xrf0);
	v14 =	vsel vm12, v15, v14;
	v15 =	vadd.s32 s20, v51  }
0x29c: {  	s21 =	sadd.s32 s23, s21;
	s23 =	spop (v2sf);
	v54 =	vsel vm9, $0xFFFFFFFF, v12;
	v55, _, _ =	vpop (xrf0);
	v14 =	vsel vm10, v15, v14;
	v15 =	vadd.s32 v52, v53  }
0x29d: {  	v56 =	vsel vm11, $0xFFFFFFFF, v12;
	s22 =	sadd.s32 s23, s22;
	s23 =	spop (v2sf);
	v16 =	vadd.s32 v54, v55;
	v57, _, _ =	vpop (xrf0);
	v15 =	vadd.s32 s21, v15  }
0x29e: {  	s6 =	sadd.s32 s23, s6;
	v58 =	vadd.s32 v56, v57;
	v14 =	vsel vm2, v15, v14;
	v15 =	vadd.s32 s22, v16  }
0x29f: {  	v14 =	vsel vm9, v15, v14;
	v15 =	vadd.s32 s6, v58  }
0x2a0: {  	v14 =	vsel vm11, v15, v14  }
0x2a1: {  	vm2 =	vgt.s32 v14, $0x0  }
0x2a2: {  	v14 =	vnsel vm2, $0x0, v14  }
0x2a3: {  	(v2sf) =	vpush v39, $0xF;
	v14 =	vmin.u32 v14, $0x13FF  }
0x2a4: {  	(v2sf) =	vpush v42, $0xF;
	[tilespmem:v4+s26+$0x0] =	vst.idx.msk $0xffff, v14  }
0x2a5: {  	v14 =	vld [tilespmem:s12+$0x40]  }
0x2a6: {  	(v2sf) =	vpush v46, $0xF  }
0x2a7: {  	(v2sf) =	vpush v48, $0xF  }
0x2a8: {  	(v2sf) =	vpush v50, $0xF;
	_ =	sdelay $0x1  }
0x2a9: {  	(v2sf) =	vpush v53, $0xF;
	vm15 =	veq.s32 v14, $0x0  }
0x2aa: {  	(v2sf) =	vpush v55, $0xF;
	vm14 =	veq.s32 v14, $0x1;
	v15 =	vsel vm15, $0x1, v12  }
0x2ab: {  	(v2sf) =	vpush v57, $0xF;
	(xrf0) =	vadd.scan.msk.s32 $0xffff, v15;
	v15 =	vsel vm14, $0x1, v12  }
0x2ac: {  	vm13 =	veq.s32 v14, $0x2;
	(xrf0) =	vadd.scan.msk.s32 $0xffff, v15  }
0x2ad: {  	vm12 =	veq.s32 v14, $0x3;
	v15 =	vsel vm13, $0x1, v12  }
0x2ae: {  	vm10 =	veq.s32 v14, $0x4;
	(xrf0) =	vadd.scan.msk.s32 $0xffff, v15;
	v15 =	vsel vm12, $0x1, v12  }
0x2af: {  	(xrf0) =	vadd.scan.msk.s32 $0xffff, v15;
	v15 =	vsel vm10, $0x1, v12  }
0x2b0: {  	vm2 =	veq.s32 v14, $0x5;
	vm9 =	veq.s32 v14, $0x6;
	(xrf0) =	vadd.scan.msk.s32 $0xffff, v15  }
0x2b1: {  	s23 =	spop (v2sf);
	vm11 =	veq.s32 v14, $0x7;
	v59 =	vsel vm15, $0xFFFFFFFF, v12;
	v61 =	vsel vm2, $0x1, v12;
	v60, _, _ =	vpop (xrf0)  }
0x2b2: {  	s8 =	sadd.s32 s8, s23;
	s23 =	spop (v2sf);
	v62 =	vsel vm14, $0xFFFFFFFF, v12;
	v25 =	vsel vm9, $0x1, v12;
	(xrf0) =	vadd.scan.msk.s32 $0xffff, v61;
	v15 =	vadd.s32 v59, v60;
	v63, _, _ =	vpop (xrf0)  }
0x2b3: {  	s13 =	sadd.s32 s13, s23;
	v26 =	vsel vm11, $0x1, v12;
	(xrf0) =	vadd.scan.msk.s32 $0xffff, v25;
	v14 =	vadd.s32 s8, v15;
	v15 =	vadd.s32 v62, v63  }
0x2b4: {  	s23 =	spop (v2sf);
	v27 =	vsel vm13, $0xFFFFFFFF, v12;
	v28, _, _ =	vpop (xrf0);
	(xrf0) =	vadd.scan.msk.s32 $0xffff, v26;
	v14 =	vnsel vm15, $0x0, v14;
	v15 =	vadd.s32 s13, v15  }
0x2b5: {  	s11 =	sadd.s32 s23, s11;
	s23 =	spop (v2sf);
	v29 =	vsel vm12, $0xFFFFFFFF, v12;
	v30, _, _ =	vpop (xrf0);
	v14 =	vsel vm14, v15, v14;
	v15 =	vadd.s32 v27, v28  }
0x2b6: {  	s19 =	sadd.s32 s23, s19;
	s23 =	spop (v2sf);
	v31 =	vsel vm10, $0xFFFFFFFF, v12;
	v16 =	vadd.s32 v29, v30;
	v32, _, _ =	vpop (xrf0);
	v15 =	vadd.s32 s11, v15  }
0x2b7: {  	s20 =	sadd.s32 s23, s20;
	v33 =	vadd.s32 v31, v32;
	v14 =	vsel vm13, v15, v14;
	v15 =	vadd.s32 s19, v16  }
0x2b8: {  	s23 =	spop (v2sf);
	v34 =	vsel vm2, $0xFFFFFFFF, v12;
	v35, _, _ =	vpop (xrf0);
	v14 =	vsel vm12, v15, v14;
	v15 =	vadd.s32 s20, v33  }
0x2b9: {  	s21 =	sadd.s32 s23, s21;
	s23 =	spop (v2sf);
	v36 =	vsel vm9, $0xFFFFFFFF, v12;
	v37, _, _ =	vpop (xrf0);
	v14 =	vsel vm10, v15, v14;
	v15 =	vadd.s32 v34, v35  }
0x2ba: {  	v38 =	vsel vm11, $0xFFFFFFFF, v12;
	s22 =	sadd.s32 s23, s22;
	s23 =	spop (v2sf);
	v16 =	vadd.s32 v36, v37;
	v39, _, _ =	vpop (xrf0);
	v15 =	vadd.s32 s21, v15  }
0x2bb: {  	s6 =	sadd.s32 s23, s6;
	v40 =	vadd.s32 v38, v39;
	v14 =	vsel vm2, v15, v14;
	v15 =	vadd.s32 s22, v16  }
0x2bc: {  	v14 =	vsel vm9, v15, v14;
	v15 =	vadd.s32 s6, v40  }
0x2bd: {  	v14 =	vsel vm11, v15, v14  }
0x2be: {  	vm2 =	vgt.s32 v14, $0x0  }
0x2bf: {  	v14 =	vnsel vm2, $0x0, v14  }
0x2c0: {  	(v2sf) =	vpush v60, $0xF;
	v14 =	vmin.u32 v14, $0x13FF  }
0x2c1: {  	(v2sf) =	vpush v63, $0xF;
	[tilespmem:v5+s26+$0x0] =	vst.idx.msk $0xffff, v14  }
0x2c2: {  	v14 =	vld [tilespmem:s12+$0x50]  }
0x2c3: {  	(v2sf) =	vpush v28, $0xF  }
0x2c4: {  	(v2sf) =	vpush v30, $0xF  }
0x2c5: {  	(v2sf) =	vpush v32, $0xF;
	_ =	sdelay $0x1  }
0x2c6: {  	(v2sf) =	vpush v35, $0xF;
	vm15 =	veq.s32 v14, $0x0  }
0x2c7: {  	(v2sf) =	vpush v37, $0xF;
	vm14 =	veq.s32 v14, $0x1;
	v15 =	vsel vm15, $0x1, v12  }
0x2c8: {  	(v2sf) =	vpush v39, $0xF;
	(xrf0) =	vadd.scan.msk.s32 $0xffff, v15;
	v15 =	vsel vm14, $0x1, v12  }
0x2c9: {  	vm13 =	veq.s32 v14, $0x2;
	(xrf0) =	vadd.scan.msk.s32 $0xffff, v15  }
0x2ca: {  	vm12 =	veq.s32 v14, $0x3;
	v15 =	vsel vm13, $0x1, v12  }
0x2cb: {  	vm10 =	veq.s32 v14, $0x4;
	(xrf0) =	vadd.scan.msk.s32 $0xffff, v15;
	v15 =	vsel vm12, $0x1, v12  }
0x2cc: {  	(xrf0) =	vadd.scan.msk.s32 $0xffff, v15;
	v15 =	vsel vm10, $0x1, v12  }
0x2cd: {  	vm2 =	veq.s32 v14, $0x5;
	vm9 =	veq.s32 v14, $0x6;
	(xrf0) =	vadd.scan.msk.s32 $0xffff, v15  }
0x2ce: {  	s23 =	spop (v2sf);
	vm11 =	veq.s32 v14, $0x7;
	v41 =	vsel vm15, $0xFFFFFFFF, v12;
	v43 =	vsel vm2, $0x1, v12;
	v42, _, _ =	vpop (xrf0)  }
0x2cf: {  	s8 =	sadd.s32 s8, s23;
	s23 =	spop (v2sf);
	v44 =	vsel vm14, $0xFFFFFFFF, v12;
	v46 =	vsel vm9, $0x1, v12;
	(xrf0) =	vadd.scan.msk.s32 $0xffff, v43;
	v15 =	vadd.s32 v41, v42;
	v45, _, _ =	vpop (xrf0)  }
0x2d0: {  	s23 =	sadd.s32 s13, s23;
	v47 =	vsel vm11, $0x1, v12;
	(xrf0) =	vadd.scan.msk.s32 $0xffff, v46;
	v14 =	vadd.s32 s8, v15;
	v15 =	vadd.s32 v44, v45  }
0x2d1: {  	s13 =	spop (v2sf);
	v48 =	vsel vm13, $0xFFFFFFFF, v12;
	v49, _, _ =	vpop (xrf0);
	(xrf0) =	vadd.scan.msk.s32 $0xffff, v47;
	v14 =	vnsel vm15, $0x0, v14;
	v15 =	vadd.s32 s23, v15  }
0x2d2: {  	s11 =	sadd.s32 s13, s11;
	s13 =	spop (v2sf);
	v50 =	vsel vm12, $0xFFFFFFFF, v12;
	v51, _, _ =	vpop (xrf0);
	v14 =	vsel vm14, v15, v14;
	v15 =	vadd.s32 v48, v49  }
0x2d3: {  	s19 =	sadd.s32 s13, s19;
	s13 =	spop (v2sf);
	v52 =	vsel vm10, $0xFFFFFFFF, v12;
	v16 =	vadd.s32 v50, v51;
	v53, _, _ =	vpop (xrf0);
	v15 =	vadd.s32 s11, v15  }
0x2d4: {  	s20 =	sadd.s32 s13, s20;
	v54 =	vadd.s32 v52, v53;
	v14 =	vsel vm13, v15, v14;
	v15 =	vadd.s32 s19, v16  }
0x2d5: {  	s13 =	spop (v2sf);
	v55 =	vsel vm2, $0xFFFFFFFF, v12;
	v56, _, _ =	vpop (xrf0);
	v14 =	vsel vm12, v15, v14;
	v15 =	vadd.s32 s20, v54  }
0x2d6: {  	s21 =	sadd.s32 s13, s21;
	s13 =	spop (v2sf);
	v57 =	vsel vm9, $0xFFFFFFFF, v12;
	v58, _, _ =	vpop (xrf0);
	v14 =	vsel vm10, v15, v14;
	v15 =	vadd.s32 v55, v56  }
0x2d7: {  	v59 =	vsel vm11, $0xFFFFFFFF, v12;
	s22 =	sadd.s32 s13, s22;
	s13 =	spop (v2sf);
	v16 =	vadd.s32 v57, v58;
	v60, _, _ =	vpop (xrf0);
	v15 =	vadd.s32 s21, v15  }
0x2d8: {  	s13 =	sadd.s32 s13, s6;
	v61 =	vadd.s32 v59, v60;
	v14 =	vsel vm2, v15, v14;
	v15 =	vadd.s32 s22, v16  }
0x2d9: {  	v14 =	vsel vm9, v15, v14;
	v15 =	vadd.s32 s13, v61  }
0x2da: {  	v14 =	vsel vm11, v15, v14  }
0x2db: {  	vm2 =	vgt.s32 v14, $0x0  }
0x2dc: {  	v14 =	vnsel vm2, $0x0, v14  }
0x2dd: {  	(v2sf) =	vpush v42, $0xF;
	v14 =	vmin.u32 v14, $0x13FF  }
0x2de: {  	(v2sf) =	vpush v45, $0xF;
	[tilespmem:v6+s26+$0x0] =	vst.idx.msk $0xffff, v14  }
0x2df: {  	v14 =	vld [tilespmem:s12+$0x60]  }
0x2e0: {  	(v2sf) =	vpush v49, $0xF  }
0x2e1: {  	(v2sf) =	vpush v51, $0xF  }
0x2e2: {  	(v2sf) =	vpush v53, $0xF;
	_ =	sdelay $0x1  }
0x2e3: {  	(v2sf) =	vpush v56, $0xF;
	vm15 =	veq.s32 v14, $0x0  }
0x2e4: {  	(v2sf) =	vpush v58, $0xF;
	vm14 =	veq.s32 v14, $0x1;
	v15 =	vsel vm15, $0x1, v12  }
0x2e5: {  	(v2sf) =	vpush v60, $0xF;
	(xrf0) =	vadd.scan.msk.s32 $0xffff, v15;
	v15 =	vsel vm14, $0x1, v12  }
0x2e6: {  	vm13 =	veq.s32 v14, $0x2;
	(xrf0) =	vadd.scan.msk.s32 $0xffff, v15  }
0x2e7: {  	vm12 =	veq.s32 v14, $0x3;
	v15 =	vsel vm13, $0x1, v12  }
0x2e8: {  	vm10 =	veq.s32 v14, $0x4;
	(xrf0) =	vadd.scan.msk.s32 $0xffff, v15;
	v15 =	vsel vm12, $0x1, v12  }
0x2e9: {  	(xrf0) =	vadd.scan.msk.s32 $0xffff, v15;
	v15 =	vsel vm10, $0x1, v12  }
0x2ea: {  	vm2 =	veq.s32 v14, $0x5;
	vm9 =	veq.s32 v14, $0x6;
	(xrf0) =	vadd.scan.msk.s32 $0xffff, v15  }
0x2eb: {  	s6 =	spop (v2sf);
	vm11 =	veq.s32 v14, $0x7;
	v62 =	vsel vm15, $0xFFFFFFFF, v12;
	v27 =	vsel vm2, $0x1, v12;
	v63, _, _ =	vpop (xrf0)  }
0x2ec: {  	s6 =	sadd.s32 s8, s6;
	s8 =	spop (v2sf);
	v28 =	vsel vm14, $0xFFFFFFFF, v12;
	v30 =	vsel vm9, $0x1, v12;
	(xrf0) =	vadd.scan.msk.s32 $0xffff, v27;
	v15 =	vadd.s32 v62, v63;
	v29, _, _ =	vpop (xrf0)  }
0x2ed: {  	s23 =	sadd.s32 s23, s8;
	v31 =	vsel vm11, $0x1, v12;
	(xrf0) =	vadd.scan.msk.s32 $0xffff, v30;
	v14 =	vadd.s32 s6, v15;
	v15 =	vadd.s32 v28, v29  }
0x2ee: {  	s8 =	spop (v2sf);
	v32 =	vsel vm13, $0xFFFFFFFF, v12;
	v33, _, _ =	vpop (xrf0);
	(xrf0) =	vadd.scan.msk.s32 $0xffff, v31;
	v14 =	vnsel vm15, $0x0, v14;
	v15 =	vadd.s32 s23, v15  }
0x2ef: {  	s8 =	sadd.s32 s11, s8;
	s11 =	spop (v2sf);
	v34 =	vsel vm12, $0xFFFFFFFF, v12;
	v35, _, _ =	vpop (xrf0);
	v14 =	vsel vm14, v15, v14;
	v15 =	vadd.s32 v32, v33  }
0x2f0: {  	s19 =	sadd.s32 s11, s19;
	s11 =	spop (v2sf);
	v36 =	vsel vm10, $0xFFFFFFFF, v12;
	v16 =	vadd.s32 v34, v35;
	v37, _, _ =	vpop (xrf0);
	v15 =	vadd.s32 s8, v15  }
0x2f1: {  	s20 =	sadd.s32 s11, s20;
	v38 =	vadd.s32 v36, v37;
	v14 =	vsel vm13, v15, v14;
	v15 =	vadd.s32 s19, v16  }
0x2f2: {  	s11 =	spop (v2sf);
	v39 =	vsel vm2, $0xFFFFFFFF, v12;
	v40, _, _ =	vpop (xrf0);
	v14 =	vsel vm12, v15, v14;
	v15 =	vadd.s32 s20, v38  }
0x2f3: {  	s11 =	sadd.s32 s11, s21;
	s21 =	spop (v2sf);
	v41 =	vsel vm9, $0xFFFFFFFF, v12;
	v42, _, _ =	vpop (xrf0);
	v14 =	vsel vm10, v15, v14;
	v15 =	vadd.s32 v39, v40  }
0x2f4: {  	v43 =	vsel vm11, $0xFFFFFFFF, v12;
	s21 =	sadd.s32 s21, s22;
	s22 =	spop (v2sf);
	v16 =	vadd.s32 v41, v42;
	v44, _, _ =	vpop (xrf0);
	v15 =	vadd.s32 s11, v15  }
0x2f5: {  	s13 =	sadd.s32 s22, s13;
	v45 =	vadd.s32 v43, v44;
	v14 =	vsel vm2, v15, v14;
	v15 =	vadd.s32 s21, v16  }
0x2f6: {  	v14 =	vsel vm9, v15, v14;
	v15 =	vadd.s32 s13, v45  }
0x2f7: {  	v14 =	vsel vm11, v15, v14  }
0x2f8: {  	vm2 =	vgt.s32 v14, $0x0  }
0x2f9: {  	v14 =	vnsel vm2, $0x0, v14  }
0x2fa: {  	(v2sf) =	vpush v63, $0xF;
	v14 =	vmin.u32 v14, $0x13FF  }
0x2fb: {  	(v2sf) =	vpush v29, $0xF;
	[tilespmem:v7+s26+$0x0] =	vst.idx.msk $0xffff, v14  }
0x2fc: {  	v14 =	vld [tilespmem:s12+$0x70];
	_ =	sdelay $0x2  }
0x2fd: {  	(v2sf) =	vpush v33, $0xF  }
0x2fe: {  	(v2sf) =	vpush v35, $0xF  }
0x2ff: {  	vm15 =	veq.s32 v14, $0x0  }
0x300: {  	vm14 =	veq.s32 v14, $0x1;
	v15 =	vsel vm15, $0x1, v12  }
0x301: {  	(xrf0) =	vadd.scan.msk.s32 $0xffff, v15;
	v15 =	vsel vm14, $0x1, v12  }
0x302: {  	(v2sf) =	vpush v37, $0xF;
	(xrf0) =	vadd.scan.msk.s32 $0xffff, v15  }
0x303: {  	(v2sf) =	vpush v40, $0xF  }
0x304: {  	(v2sf) =	vpush v42, $0xF;
	vm12 =	veq.s32 v14, $0x2  }
0x305: {  	(v2sf) =	vpush v44, $0xF;
	vm13 =	veq.s32 v14, $0x3;
	v15 =	vsel vm12, $0x1, v12  }
0x306: {  	vm11 =	veq.s32 v14, $0x4;
	(xrf0) =	vadd.scan.msk.s32 $0xffff, v15;
	v15 =	vsel vm13, $0x1, v12  }
0x307: {  	s22 =	spop (v2sf);
	vm2 =	veq.s32 v14, $0x5;
	v46 =	vsel vm15, $0xFFFFFFFF, v12;
	(xrf0) =	vadd.scan.msk.s32 $0xffff, v15;
	v15 =	vsel vm11, $0x1, v12;
	v47, _, _ =	vpop (xrf0)  }
0x308: {  	s6 =	sadd.s32 s6, s22;
	s22 =	spop (v2sf);
	vm9 =	veq.s32 v14, $0x6;
	v49 =	vsel vm14, $0xFFFFFFFF, v12;
	(xrf0) =	vadd.scan.msk.s32 $0xffff, v15;
	v15 =	vadd.s32 v46, v47;
	v50, _, _ =	vpop (xrf0)  }
0x309: {  	s22 =	sadd.s32 s23, s22;
	vm10 =	veq.s32 v14, $0x7;
	v14 =	vadd.s32 s6, v15;
	v15 =	vadd.s32 v49, v50  }
0x30a: {  	v15 =	vadd.s32 s22, v15  }
0x30b: {  	v48 =	vsel vm2, $0x1, v12  }
0x30c: {  	v51 =	vsel vm9, $0x1, v12;
	(xrf0) =	vadd.scan.msk.s32 $0xffff, v48;
	v53, _, _ =	vpop (xrf0);
	v14 =	vnsel vm15, $0x0, v14;
	s22 =	spop (v2sf)  }
0x30d: {  	v52 =	vsel vm10, $0x1, v12;
	v55 =	vsel vm13, $0xFFFFFFFF, v12;
	(xrf0) =	vadd.scan.msk.s32 $0xffff, v51;
	v14 =	vsel vm14, v15, v14;
	s23 =	spop (v2sf);
	v15, _, _ =	vpop (xrf0)  }
0x30e: {  	v54 =	vsel vm12, $0xFFFFFFFF, v12;
	(xrf0) =	vadd.scan.msk.s32 $0xffff, v52;
	s6 =	sadd.s32 s8, s22;
	s8 =	sadd.s32 s19, s23;
	v15 =	vadd.s32 v55, v15  }
0x30f: {  	v16 =	vadd.s32 v54, v53;
	v15 =	vadd.s32 s8, v15  }
0x310: {  	v16 =	vadd.s32 s6, v16  }
0x311: {  	v57 =	vsel vm11, $0xFFFFFFFF, v12;
	v59 =	vsel vm2, $0xFFFFFFFF, v12;
	s19 =	spop (v2sf);
	v14 =	vsel vm12, v16, v14;
	v56, _, _ =	vpop (xrf0)  }
0x312: {  	v61 =	vsel vm9, $0xFFFFFFFF, v12;
	s6 =	sadd.s32 s19, s20;
	s20 =	spop (v2sf);
	v58 =	vadd.s32 v57, v56;
	v14 =	vsel vm13, v15, v14;
	v15, _, _ =	vpop (xrf0)  }
0x313: {  	v62 =	vsel vm10, $0xFFFFFFFF, v12;
	s22 =	spop (v2sf);
	v16 =	vadd.s32 s6, v58;
	s6 =	sadd.s32 s20, s11;
	v60, _, _ =	vpop (xrf0);
	v15 =	vadd.s32 v59, v15  }
0x314: {  	s8 =	sadd.s32 s22, s21;
	s23 =	spop (v2sf);
	v14 =	vsel vm11, v16, v14;
	v15 =	vadd.s32 s6, v15;
	v16 =	vadd.s32 v61, v60;
	v63, _, _ =	vpop (xrf0)  }
0x315: {  	s6 =	sadd.s32 s23, s13;
	v16 =	vadd.s32 s8, v16;
	v14 =	vsel vm2, v15, v14;
	v15 =	vadd.s32 v62, v63  }
0x316: {  	v15 =	vadd.s32 s6, v15;
	v14 =	vsel vm9, v16, v14  }
0x317: {  	v14 =	vsel vm10, v15, v14  }
0x318: {  	vm2 =	vgt.s32 v14, $0x0  }
0x319: {  	v14 =	vnsel vm2, $0x0, v14  }
0x31a: {  	v14 =	vmin.u32 v14, $0x13FF  }
0x31b: {  	s8 =	rddreg [dreg:$0x9];
	[tilespmem:v8+s26+$0x0] =	vst.idx.msk $0xffff, v14  }
0x31c: {  	[hbm4b:s8+s3] =	stream.linear.scatter [tilespmem:s26], [sflag:$0x3], $0x100, $0x38;
	[tilespmem:$0x19480] =	vst v63  }
0x31d: {  	_ =	swait.ge [sflag:s17], $0x100  }
0x31e: {  	[sflag:s17] =	ssyncset.done $0x0  }
0x31f: {  	[sflag:s17] =	ssyncadd.s32 $0xFFFFFF00  }
0x320: {  	_ =	swait.ge [sflag:s28], $0xC000  }
0x321: {  	[sflag:s28] =	ssyncset.done $0x0  }
0x322: {  	[sflag:s28] =	ssyncadd.s32 $0xFFFF4000  }
0x323: {  	v14 =	vld [tilespmem:$0x200];
	_ =	sdelay $0x4  }
0x324: {  	v15 =	vshrl.u32 v14, $0x3  }
0x325: {  	v15 =	vmul.u32 $0x30, v15  }
0x326: {  	v14 =	vand.u32 $0x7, v14  }
0x327: {  	v14 =	vor.u32 v14, v15  }
0x328: {  	v15 =	vperm.xlane v14, v9;
	_ =	sdelay $0x1  }
0x329: {  	v15 =	vadd.s32 v10, v15;
	_ =	sdelay $0x3  }
0x32a: {  	v14 =	vperm.xlane v14, v11  }
0x32b: {  	[hbm4b:s4+s3] =	stream.indirect_vreg.scatter [tilespmem:s24], [sflag:$0x2], $0x80, v15, vm0, $0xb8;
	[tilespmem:$0x19480] =	vst v63  }
0x32c: {  	v14 =	vadd.s32 v10, v14  }
0x32d: {  	[hbm4b:s14+s3] =	stream.indirect_vreg.scatter [tilespmem:s25], [sflag:$0x2], $0x80, v15, vm0, $0xb8;
	[tilespmem:$0x19480] =	vst v63  }
0x32e: {  	s11 =	simm.s32 $0x2480  }
0x32f: {  	[hbm4b:s15+s3] =	stream.indirect_vreg.scatter [tilespmem:s11], [sflag:$0x2], $0x80, v15, vm0, $0xb8;
	[tilespmem:$0x19480] =	vst v63  }
0x330: {  	s13 =	simm.s32 $0x2C80  }
0x331: {  	[hbm4b:s4+s3] =	stream.indirect_vreg.scatter [tilespmem:s13], [sflag:$0x2], $0x80, v14, vm0, $0xb8;
	[tilespmem:$0x19480] =	vst v63  }
0x332: {  	s19 =	simm.s32 $0x3480  }
0x333: {  	[hbm4b:s14+s3] =	stream.indirect_vreg.scatter [tilespmem:s19], [sflag:$0x2], $0x80, v14, vm0, $0xb8;
	[tilespmem:$0x19480] =	vst v63  }
0x334: {  	s20 =	simm.s32 $0x3C80  }
0x335: {  	[hbm4b:s15+s3] =	stream.indirect_vreg.scatter [tilespmem:s20], [sflag:$0x2], $0x80, v14, vm0, $0xb8;
	[tilespmem:$0x19480] =	vst v63  }
0x336: {  	v14 =	vld [tilespmem:$0x210];
	_ =	sdelay $0x4  }
0x337: {  	v15 =	vshrl.u32 v14, $0x3  }
0x338: {  	v15 =	vmul.u32 $0x30, v15  }
0x339: {  	v14 =	vand.u32 $0x7, v14  }
0x33a: {  	v14 =	vor.u32 v14, v15  }
0x33b: {  	v15 =	vperm.xlane v14, v9;
	_ =	sdelay $0x1  }
0x33c: {  	v15 =	vadd.s32 v10, v15;
	_ =	sdelay $0x3  }
0x33d: {  	s21 =	simm.s32 $0x4480;
	v14 =	vperm.xlane v14, v11  }
0x33e: {  	[hbm4b:s4+s3] =	stream.indirect_vreg.scatter [tilespmem:s21], [sflag:$0x2], $0x80, v15, vm0, $0xb8;
	[tilespmem:$0x19480] =	vst v63  }
0x33f: {  	s22 =	simm.s32 $0x4C80;
	v14 =	vadd.s32 v10, v14  }
0x340: {  	[hbm4b:s14+s3] =	stream.indirect_vreg.scatter [tilespmem:s22], [sflag:$0x2], $0x80, v15, vm0, $0xb8;
	[tilespmem:$0x19480] =	vst v63  }
0x341: {  	s23 =	simm.s32 $0x5480  }
0x342: {  	[hbm4b:s15+s3] =	stream.indirect_vreg.scatter [tilespmem:s23], [sflag:$0x2], $0x80, v15, vm0, $0xb8;
	[tilespmem:$0x19480] =	vst v63  }
0x343: {  	s8 =	simm.s32 $0x5C80  }
0x344: {  	[hbm4b:s4+s3] =	stream.indirect_vreg.scatter [tilespmem:s8], [sflag:$0x2], $0x80, v14, vm0, $0xb8;
	[tilespmem:$0x19480] =	vst v63  }
0x345: {  	s11 =	simm.s32 $0x6480  }
0x346: {  	[hbm4b:s14+s3] =	stream.indirect_vreg.scatter [tilespmem:s11], [sflag:$0x2], $0x80, v14, vm0, $0xb8;
	[tilespmem:$0x19480] =	vst v63  }
0x347: {  	s13 =	simm.s32 $0x6C80  }
0x348: {  	[hbm4b:s15+s3] =	stream.indirect_vreg.scatter [tilespmem:s13], [sflag:$0x2], $0x80, v14, vm0, $0xb8;
	[tilespmem:$0x19480] =	vst v63  }
0x349: {  	v14 =	vld [tilespmem:$0x220];
	_ =	sdelay $0x4  }
0x34a: {  	v15 =	vshrl.u32 v14, $0x3  }
0x34b: {  	v15 =	vmul.u32 $0x30, v15  }
0x34c: {  	v14 =	vand.u32 $0x7, v14  }
0x34d: {  	v14 =	vor.u32 v14, v15  }
0x34e: {  	v15 =	vperm.xlane v14, v9;
	_ =	sdelay $0x1  }
0x34f: {  	v15 =	vadd.s32 v10, v15;
	_ =	sdelay $0x3  }
0x350: {  	s19 =	simm.s32 $0x7480;
	v14 =	vperm.xlane v14, v11  }
0x351: {  	[hbm4b:s4+s3] =	stream.indirect_vreg.scatter [tilespmem:s19], [sflag:$0x2], $0x80, v15, vm0, $0xb8;
	[tilespmem:$0x19480] =	vst v63  }
0x352: {  	s20 =	simm.s32 $0x7C80;
	v14 =	vadd.s32 v10, v14  }
0x353: {  	[hbm4b:s14+s3] =	stream.indirect_vreg.scatter [tilespmem:s20], [sflag:$0x2], $0x80, v15, vm0, $0xb8;
	[tilespmem:$0x19480] =	vst v63  }
0x354: {  	s21 =	simm.s32 $0x8480  }
0x355: {  	[hbm4b:s15+s3] =	stream.indirect_vreg.scatter [tilespmem:s21], [sflag:$0x2], $0x80, v15, vm0, $0xb8;
	[tilespmem:$0x19480] =	vst v63  }
0x356: {  	s22 =	simm.s32 $0x8C80  }
0x357: {  	[hbm4b:s4+s3] =	stream.indirect_vreg.scatter [tilespmem:s22], [sflag:$0x2], $0x80, v14, vm0, $0xb8;
	[tilespmem:$0x19480] =	vst v63  }
0x358: {  	s23 =	simm.s32 $0x9480  }
0x359: {  	[hbm4b:s14+s3] =	stream.indirect_vreg.scatter [tilespmem:s23], [sflag:$0x2], $0x80, v14, vm0, $0xb8;
	[tilespmem:$0x19480] =	vst v63  }
0x35a: {  	s8 =	simm.s32 $0x9C80  }
0x35b: {  	[hbm4b:s15+s3] =	stream.indirect_vreg.scatter [tilespmem:s8], [sflag:$0x2], $0x80, v14, vm0, $0xb8;
	[tilespmem:$0x19480] =	vst v63  }
0x35c: {  	v14 =	vld [tilespmem:$0x230];
	_ =	sdelay $0x4  }
0x35d: {  	v15 =	vshrl.u32 v14, $0x3  }
0x35e: {  	v15 =	vmul.u32 $0x30, v15  }
0x35f: {  	v14 =	vand.u32 $0x7, v14  }
0x360: {  	v14 =	vor.u32 v14, v15  }
0x361: {  	v15 =	vperm.xlane v14, v9;
	_ =	sdelay $0x1  }
0x362: {  	v15 =	vadd.s32 v10, v15;
	_ =	sdelay $0x3  }
0x363: {  	s11 =	simm.s32 $0xA480;
	v14 =	vperm.xlane v14, v11  }
0x364: {  	[hbm4b:s4+s3] =	stream.indirect_vreg.scatter [tilespmem:s11], [sflag:$0x2], $0x80, v15, vm0, $0xb8;
	[tilespmem:$0x19480] =	vst v63  }
0x365: {  	s13 =	simm.s32 $0xAC80;
	v14 =	vadd.s32 v10, v14  }
0x366: {  	[hbm4b:s14+s3] =	stream.indirect_vreg.scatter [tilespmem:s13], [sflag:$0x2], $0x80, v15, vm0, $0xb8;
	[tilespmem:$0x19480] =	vst v63  }
0x367: {  	s19 =	simm.s32 $0xB480  }
0x368: {  	[hbm4b:s15+s3] =	stream.indirect_vreg.scatter [tilespmem:s19], [sflag:$0x2], $0x80, v15, vm0, $0xb8;
	[tilespmem:$0x19480] =	vst v63  }
0x369: {  	s20 =	simm.s32 $0xBC80  }
0x36a: {  	[hbm4b:s4+s3] =	stream.indirect_vreg.scatter [tilespmem:s20], [sflag:$0x2], $0x80, v14, vm0, $0xb8;
	[tilespmem:$0x19480] =	vst v63  }
0x36b: {  	s21 =	simm.s32 $0xC480  }
0x36c: {  	[hbm4b:s14+s3] =	stream.indirect_vreg.scatter [tilespmem:s21], [sflag:$0x2], $0x80, v14, vm0, $0xb8;
	[tilespmem:$0x19480] =	vst v63  }
0x36d: {  	s22 =	simm.s32 $0xCC80  }
0x36e: {  	[hbm4b:s15+s3] =	stream.indirect_vreg.scatter [tilespmem:s22], [sflag:$0x2], $0x80, v14, vm0, $0xb8;
	[tilespmem:$0x19480] =	vst v63  }
0x36f: {  	_ =	swait.ge [sflag:s29], $0xC000  }
0x370: {  	[sflag:s29] =	ssyncset.done $0x0  }
0x371: {  	[sflag:s29] =	ssyncadd.s32 $0xFFFF4000  }
0x372: {  	_ =	swait.ge [sflag:s28], $0xC000  }
0x373: {  	[sflag:s28] =	ssyncset.done $0x0  }
0x374: {  	[sflag:s28] =	ssyncadd.s32 $0xFFFF4000  }
0x375: {  	v14 =	vld [tilespmem:$0x280];
	_ =	sdelay $0x4  }
0x376: {  	v15 =	vshrl.u32 v14, $0x3  }
0x377: {  	v15 =	vmul.u32 $0x30, v15  }
0x378: {  	v14 =	vand.u32 $0x7, v14  }
0x379: {  	v14 =	vor.u32 v14, v15  }
0x37a: {  	v15 =	vperm.xlane v14, v9;
	_ =	sdelay $0x1  }
0x37b: {  	v15 =	vadd.s32 v10, v15;
	_ =	sdelay $0x3  }
0x37c: {  	s23 =	simm.s32 $0xD480;
	v14 =	vperm.xlane v14, v11  }
0x37d: {  	[hbm4b:s4+s3] =	stream.indirect_vreg.scatter [tilespmem:s23], [sflag:$0x2], $0x80, v15, vm0, $0xb8;
	[tilespmem:$0x19480] =	vst v63  }
0x37e: {  	s8 =	simm.s32 $0xDC80;
	v14 =	vadd.s32 v10, v14  }
0x37f: {  	[hbm4b:s14+s3] =	stream.indirect_vreg.scatter [tilespmem:s8], [sflag:$0x2], $0x80, v15, vm0, $0xb8;
	[tilespmem:$0x19480] =	vst v63  }
0x380: {  	s11 =	simm.s32 $0xE480  }
0x381: {  	[hbm4b:s15+s3] =	stream.indirect_vreg.scatter [tilespmem:s11], [sflag:$0x2], $0x80, v15, vm0, $0xb8;
	[tilespmem:$0x19480] =	vst v63  }
0x382: {  	s13 =	simm.s32 $0xEC80  }
0x383: {  	[hbm4b:s4+s3] =	stream.indirect_vreg.scatter [tilespmem:s13], [sflag:$0x2], $0x80, v14, vm0, $0xb8;
	[tilespmem:$0x19480] =	vst v63  }
0x384: {  	s19 =	simm.s32 $0xF480  }
0x385: {  	[hbm4b:s14+s3] =	stream.indirect_vreg.scatter [tilespmem:s19], [sflag:$0x2], $0x80, v14, vm0, $0xb8;
	[tilespmem:$0x19480] =	vst v63  }
0x386: {  	s20 =	simm.s32 $0xFC80  }
0x387: {  	[hbm4b:s15+s3] =	stream.indirect_vreg.scatter [tilespmem:s20], [sflag:$0x2], $0x80, v14, vm0, $0xb8;
	[tilespmem:$0x19480] =	vst v63  }
0x388: {  	v14 =	vld [tilespmem:$0x290];
	_ =	sdelay $0x4  }
0x389: {  	v15 =	vshrl.u32 v14, $0x3  }
0x38a: {  	v15 =	vmul.u32 $0x30, v15  }
0x38b: {  	v14 =	vand.u32 $0x7, v14  }
0x38c: {  	v14 =	vor.u32 v14, v15  }
0x38d: {  	v15 =	vperm.xlane v14, v9;
	_ =	sdelay $0x1  }
0x38e: {  	v15 =	vadd.s32 v10, v15;
	_ =	sdelay $0x3  }
0x38f: {  	s21 =	simm.s32 $0x10480;
	v14 =	vperm.xlane v14, v11  }
0x390: {  	[hbm4b:s4+s3] =	stream.indirect_vreg.scatter [tilespmem:s21], [sflag:$0x2], $0x80, v15, vm0, $0xb8;
	[tilespmem:$0x19480] =	vst v63  }
0x391: {  	s22 =	simm.s32 $0x10C80;
	v14 =	vadd.s32 v10, v14  }
0x392: {  	[hbm4b:s14+s3] =	stream.indirect_vreg.scatter [tilespmem:s22], [sflag:$0x2], $0x80, v15, vm0, $0xb8;
	[tilespmem:$0x19480] =	vst v63  }
0x393: {  	s23 =	simm.s32 $0x11480  }
0x394: {  	[hbm4b:s15+s3] =	stream.indirect_vreg.scatter [tilespmem:s23], [sflag:$0x2], $0x80, v15, vm0, $0xb8;
	[tilespmem:$0x19480] =	vst v63  }
0x395: {  	s8 =	simm.s32 $0x11C80  }
0x396: {  	[hbm4b:s4+s3] =	stream.indirect_vreg.scatter [tilespmem:s8], [sflag:$0x2], $0x80, v14, vm0, $0xb8;
	[tilespmem:$0x19480] =	vst v63  }
0x397: {  	s11 =	simm.s32 $0x12480  }
0x398: {  	[hbm4b:s14+s3] =	stream.indirect_vreg.scatter [tilespmem:s11], [sflag:$0x2], $0x80, v14, vm0, $0xb8;
	[tilespmem:$0x19480] =	vst v63  }
0x399: {  	s13 =	simm.s32 $0x12C80  }
0x39a: {  	[hbm4b:s15+s3] =	stream.indirect_vreg.scatter [tilespmem:s13], [sflag:$0x2], $0x80, v14, vm0, $0xb8;
	[tilespmem:$0x19480] =	vst v63  }
0x39b: {  	v14 =	vld [tilespmem:$0x2A0];
	_ =	sdelay $0x4  }
0x39c: {  	v15 =	vshrl.u32 v14, $0x3  }
0x39d: {  	v15 =	vmul.u32 $0x30, v15  }
0x39e: {  	v14 =	vand.u32 $0x7, v14  }
0x39f: {  	v14 =	vor.u32 v14, v15  }
0x3a0: {  	v15 =	vperm.xlane v14, v9;
	_ =	sdelay $0x1  }
0x3a1: {  	v15 =	vadd.s32 v10, v15;
	_ =	sdelay $0x3  }
0x3a2: {  	s19 =	simm.s32 $0x13480;
	v14 =	vperm.xlane v14, v11  }
0x3a3: {  	[hbm4b:s4+s3] =	stream.indirect_vreg.scatter [tilespmem:s19], [sflag:$0x2], $0x80, v15, vm0, $0xb8;
	[tilespmem:$0x19480] =	vst v63  }
0x3a4: {  	s20 =	simm.s32 $0x13C80;
	v14 =	vadd.s32 v10, v14  }
0x3a5: {  	[hbm4b:s14+s3] =	stream.indirect_vreg.scatter [tilespmem:s20], [sflag:$0x2], $0x80, v15, vm0, $0xb8;
	[tilespmem:$0x19480] =	vst v63  }
0x3a6: {  	s21 =	simm.s32 $0x14480  }
0x3a7: {  	[hbm4b:s15+s3] =	stream.indirect_vreg.scatter [tilespmem:s21], [sflag:$0x2], $0x80, v15, vm0, $0xb8;
	[tilespmem:$0x19480] =	vst v63  }
0x3a8: {  	s22 =	simm.s32 $0x14C80  }
0x3a9: {  	[hbm4b:s4+s3] =	stream.indirect_vreg.scatter [tilespmem:s22], [sflag:$0x2], $0x80, v14, vm0, $0xb8;
	[tilespmem:$0x19480] =	vst v63  }
0x3aa: {  	s23 =	simm.s32 $0x15480  }
0x3ab: {  	[hbm4b:s14+s3] =	stream.indirect_vreg.scatter [tilespmem:s23], [sflag:$0x2], $0x80, v14, vm0, $0xb8;
	[tilespmem:$0x19480] =	vst v63  }
0x3ac: {  	s8 =	simm.s32 $0x15C80  }
0x3ad: {  	[hbm4b:s15+s3] =	stream.indirect_vreg.scatter [tilespmem:s8], [sflag:$0x2], $0x80, v14, vm0, $0xb8;
	[tilespmem:$0x19480] =	vst v63  }
0x3ae: {  	v14 =	vld [tilespmem:$0x2B0];
	_ =	sdelay $0x4  }
0x3af: {  	v15 =	vshrl.u32 v14, $0x3  }
0x3b0: {  	v15 =	vmul.u32 $0x30, v15  }
0x3b1: {  	v14 =	vand.u32 $0x7, v14  }
0x3b2: {  	v14 =	vor.u32 v14, v15  }
0x3b3: {  	v15 =	vperm.xlane v14, v9;
	_ =	sdelay $0x1  }
0x3b4: {  	v15 =	vadd.s32 v10, v15;
	_ =	sdelay $0x3  }
0x3b5: {  	s11 =	simm.s32 $0x16480;
	v14 =	vperm.xlane v14, v11  }
0x3b6: {  	[hbm4b:s4+s3] =	stream.indirect_vreg.scatter [tilespmem:s11], [sflag:$0x2], $0x80, v15, vm0, $0xb8;
	[tilespmem:$0x19480] =	vst v63  }
0x3b7: {  	s13 =	simm.s32 $0x16C80;
	v14 =	vadd.s32 v10, v14  }
0x3b8: {  	[hbm4b:s14+s3] =	stream.indirect_vreg.scatter [tilespmem:s13], [sflag:$0x2], $0x80, v15, vm0, $0xb8;
	[tilespmem:$0x19480] =	vst v63  }
0x3b9: {  	s19 =	simm.s32 $0x17480  }
0x3ba: {  	[hbm4b:s15+s3] =	stream.indirect_vreg.scatter [tilespmem:s19], [sflag:$0x2], $0x80, v15, vm0, $0xb8;
	[tilespmem:$0x19480] =	vst v63  }
0x3bb: {  	s20 =	simm.s32 $0x17C80  }
0x3bc: {  	[hbm4b:s4+s3] =	stream.indirect_vreg.scatter [tilespmem:s20], [sflag:$0x2], $0x80, v14, vm0, $0xb8;
	[tilespmem:$0x19480] =	vst v63  }
0x3bd: {  	s21 =	simm.s32 $0x18480  }
0x3be: {  	[hbm4b:s14+s3] =	stream.indirect_vreg.scatter [tilespmem:s21], [sflag:$0x2], $0x80, v14, vm0, $0xb8;
	[tilespmem:$0x19480] =	vst v63  }
0x3bf: {  	s22 =	simm.s32 $0x18C80  }
0x3c0: {  	[hbm4b:s15+s3] =	stream.indirect_vreg.scatter [tilespmem:s22], [sflag:$0x2], $0x80, v14, vm0, $0xb8;
	[tilespmem:$0x19480] =	vst v63  }
0x3c1: {  	_ =	swait.ge [sflag:s29], $0xC000  }
0x3c2: {  	s23 =	sld [smem:$0x7F3];
	_ =	sdelay $0x2  }
0x3c3: {  	p4 =	seq.s32 s23, $0x1  }
.Ltmp2:
0x3c4: {  	_ = 	snop;
	(pc) =	sbr.rel @p4 .LBB2_3-.Ltmp2, $3  }
0x3c5: {  	_ =	sdelay $0x1  }
0x3c6: {  	[sflag:s29] =	ssyncset.done $0x0  }
0x3c7: {  	[sflag:s29] =	ssyncadd.s32 $0xFFFF4000  }
0x3c8: {  	vm2 =	vcmask $0x1B20  }
0x3c9: {  	v13 =	vsel vm2, $0x0, v13  }
0x3ca: {  	(xrf0) =	vadd.scan.msk.s32 $0xffff, v13;
	_ =	sdelay $0x5  }
0x3cb: {  	v13, _, _ =	vpop (xrf0)  }
0x3cc: {  	(v2sf) =	vpush v13, $0xF;
	_ =	sdelay $0xa  }
0x3cd: {  	v14 =	vadd.s32 $0x1, v0;
	v15 =	vmov s31  }
0x3ce: {  	v18 =	vmov s0;
	v49 =	vmov s1;
	v20 =	vmov s5  }
0x3cf: {  	v21 =	vmov s18;
	v52 =	vmov s7;
	v13 =	vmov s30  }
0x3d0: {  	v26 =	vadd.s32 $0x21, v0;
	vm9 =	vlt.s32 v15, v14;
	vm2 =	vlt.s32 v13, v14  }
0x3d1: {  	v17 =	vsel vm9, $0x1, v12;
	v16 =	vsel vm2, $0x1, v12;
	vm2 =	vlt.s32 v18, v14;
	s23 =	spop (v2sf)  }
0x3d2: {  	v16 =	vadd.s32 v16, v17;
	v19 =	vsel vm2, $0x1, v12;
	vm2 =	vlt.s32 v49, v14;
	s0 =	sadd.s32 $0x7F, s23  }
0x3d3: {  	v16 =	vadd.s32 v19, v16;
	v50 =	vsel vm2, $0x1, v12;
	vm2 =	vlt.s32 v20, v14;
	s0 =	sshra.s32 s0, $0x7  }
0x3d4: {  	v16 =	vadd.s32 v50, v16;
	v51 =	vsel vm2, $0x1, v12;
	vm2 =	vlt.s32 v21, v14;
	s0 =	sadd.s32 s0, s7  }
0x3d5: {  	v22 =	vsel vm2, $0x1, v12;
	vm2 =	vlt.s32 v52, v14;
	v23 =	vmov s0  }
0x3d6: {  	v24 =	vsel vm2, $0x1, v12;
	vm2 =	vlt.s32 v23, v14;
	v14 =	vadd.s32 $0x11, v0  }
0x3d7: {  	v16 =	vadd.s32 v51, v16;
	v53 =	vsel vm2, $0x1, v12;
	vm2 =	vlt.s32 v13, v14  }
0x3d8: {  	v16 =	vadd.s32 v22, v16;
	v54 =	vsel vm2, $0x1, v12;
	vm2 =	vlt.s32 v15, v14  }
0x3d9: {  	v16 =	vadd.s32 v24, v16;
	v55 =	vsel vm2, $0x1, v12;
	vm2 =	vlt.s32 v18, v14  }
0x3da: {  	v16 =	vadd.s32 v53, v16;
	v56 =	vsel vm2, $0x1, v12;
	vm2 =	vlt.s32 v49, v14  }
0x3db: {  	v16 =	vmin.u32 v16, $0x7;
	v57 =	vsel vm2, $0x1, v12;
	vm2 =	vlt.s32 v20, v14  }
0x3dc: {  	v22 =	vadd.s32 v54, v55;
	v58 =	vsel vm2, $0x1, v12;
	vm2 =	vlt.s32 v21, v14  }
0x3dd: {  	v22 =	vadd.s32 v56, v22;
	v25 =	vsel vm2, $0x1, v12;
	vm2 =	vlt.s32 v52, v14  }
0x3de: {  	v22 =	vadd.s32 v57, v22;
	v59 =	vsel vm2, $0x1, v12;
	vm2 =	vlt.s32 v13, v26  }
0x3df: {  	v22 =	vadd.s32 v58, v22;
	v60 =	vsel vm2, $0x1, v12;
	vm2 =	vlt.s32 v15, v26  }
0x3e0: {  	v13 =	vadd.s32 v25, v22;
	v15 =	vsel vm2, $0x1, v12;
	vm2 =	vlt.s32 v23, v14  }
0x3e1: {  	v14 =	vadd.s32 v60, v15;
	v15 =	vsel vm2, $0x1, v12;
	vm2 =	vlt.s32 v18, v26  }
0x3e2: {  	v13 =	vadd.s32 v59, v13;
	v18 =	vsel vm2, $0x1, v12;
	vm2 =	vlt.s32 v49, v26  }
0x3e3: {  	v14 =	vadd.s32 v18, v14;
	v17 =	vsel vm2, $0x1, v12;
	vm2 =	vlt.s32 v20, v26  }
0x3e4: {  	v14 =	vadd.s32 v17, v14;
	v61 =	vsel vm2, $0x1, v12;
	vm2 =	vlt.s32 v21, v26  }
0x3e5: {  	v14 =	vadd.s32 v61, v14;
	v62 =	vsel vm2, $0x1, v12;
	vm2 =	vlt.s32 v52, v26  }
0x3e6: {  	v14 =	vadd.s32 v62, v14;
	v63 =	vsel vm2, $0x1, v12;
	vm2 =	vlt.s32 v23, v26  }
0x3e7: {  	v13 =	vadd.s32 v15, v13;
	v14 =	vadd.s32 v63, v14;
	v15 =	vsel vm2, $0x1, v12  }
0x3e8: {  	[tilespmem:$0x1400] =	vst v16;
	v13 =	vmin.u32 v13, $0x7;
	v14 =	vadd.s32 v15, v14  }
0x3e9: {  	[tilespmem:$0x1410] =	vst v13;
	v13 =	vmin.u32 v14, $0x7  }
.Ltmp3:
0x3ea: {  	s31 =	simm.s32 $0x1400;
	s30 =	rddreg [dreg:$0x4];
	[tilespmem:$0x1420] =	vst v13;
	(pc) =	sbr.rel .LBB2_3-.Ltmp3, $4  }
0x3eb: {  	[hbm4b:s30+s3] =	stream.linear.scatter [tilespmem:s31], [sflag:$0x3], $0x80, $0x38;
	[tilespmem:$0x19480] =	vst v63  }
0x3ec: {  	_ =	swait.ge [sflag:s17], $0x80  }
0x3ed: {  	[sflag:s17] =	ssyncset.done $0x0  }
0x3ee: {  	[sflag:s17] =	ssyncadd.s32 $0xFFFFFF80  }
.LBB2_4:
0x3ef: {  	_ =	sfence.sel $0x180000  }
0x3f0: {  	[bflag:$0x0] =	sbarrier.arrive $0xFFFF  }
0x3f1: {  	_ =	strace $0x90000047  }
0x3f2: {  	s0 =	stileid.u32;
	[bflag:$0x2] =	sbarrier.arrive $0xFFFF  }
0x3f3: {  	p0 =	sne.s32 s0, $0x0;
	s0 =	rddreg [dreg:$0x3]  }
0x3f4: {  	s0 =	sadd.s32 @!p0 $0x100000, s0  }
0x3f5: {  	[sflag:s0] =	ssyncadd.tile.s32 @!p0 $0x1;
	_ =	shalt  }
.Lfunc_end2:
_tile_overlayer_lowered:
.L_overlay_start_2:
0x3f6: {  	(tag) =	ssettag $0x2  }
0x3f7: {  	s0 =	rddreg [dreg:$0x0];
	s2 =	stileid.u32  }
0x3f8: {  	s1 =	rddreg [dreg:$0x1];
	p0 =	sne.s32 s2, $0x0  }
0x3f9: {  	s3 =	rddreg [dreg:$0x2];
	[bflag:$0x3] =	sbarrier.arrive $0xFFFF;
	s2 =	simm.s32 @!p0 $0x1C03  }
0x3fa: {  	[timem:s3], [sflag:s2] =	dma.local @!p0 [hbm:s0], s1  }
0x3fb: {  	s0 =	simm.s32 @!p0 $0x3  }
0x3fc: {  	_ =	swait.ge @!p0 [sflag:s0], s1  }
0x3fd: {  	s1 =	ssub.s32 @!p0 $0x0, s1;
	[sflag:s0] =	ssyncset.done @!p0 $0x0  }
0x3fe: {  	[sflag:s0] =	ssyncadd.s32 @!p0 s1  }
0x3ff: {  	[bflag:$0x3] =	sbarrier.arrive $0xFFFF  }
0x400: {  	_ =	shalt  }

// kernel: kernel.9.cloned.1.call-start
scs
__scs_entry_jumppad:
0x0: {  	(pc) =	sbr.rel $0x88, $3  }
0x1: {  	(tag) =	ssettag $0x0;
	lr =	simm.s32 $0x1  }
0x2: {  	[smem:$0x3F9D] =	sst lr;
	_ =	strace $0xD0000000  }
0x3: {  	_ = 	snop  }
0x4: {  	_ = 	snop  }
0x5: {  	_ = 	snop  }
0x6: {  	_ = 	snop  }
0x7: {  	_ = 	snop  }
__scs_overlays_trampoline_lowered:
0x8: {  	[smem:$0x3FAC] =	sst s0  }
0x9: {  	[smem:$0x3FAD] =	sst s1  }
0xa: {  	[smem:$0x3FAE] =	sst s2  }
0xb: {  	[smem:$0x3FAF] =	sst s3  }
0xc: {  	[smem:$0x3FB0] =	sst s4  }
0xd: {  	[smem:$0x3FB1] =	sst s5  }
0xe: {  	[smem:$0x3FB2] =	sst s6  }
0xf: {  	[smem:$0x3FB3] =	sst s7  }
0x10: {  	[smem:$0x3FB4] =	sst s8  }
0x11: {  	[smem:$0x3FB5] =	sst s9;
	s0 =	simm.s32 @!p0 $0x0  }
0x12: {  	s1 =	sld [smem:$0x3F9B];
	s0 =	simm.s32 @p0 $0x1  }
0x13: {  	[smem:$0x3FB6] =	sst s0;
	s0 =	simm.s32 @!p1 $0x0  }
0x14: {  	s2 =	sld [smem:$0x3F9A];
	s0 =	simm.s32 @p1 $0x1  }
0x15: {  	[smem:$0x3FB7] =	sst s0;
	s0 =	simm.s32 @!p2 $0x0  }
0x16: {  	s3 =	sld [smem:$0x3FDB];
	s0 =	simm.s32 @p2 $0x1  }
0x17: {  	s4 =	simm.s32 $0x1BF5;
	[smem:$0x3FB9] =	sst s0  }
0x18: {  	s0 =	sld [smem:$0x3F9C];
	_ =	swait.ge [sflag:s4], $0x0  }
0x19: {  	s7 =	sld [smem:$0x3F9D]  }
0x1a: {  	s8 =	sadd.s32 $0xFFFFE003, lr  }
0x1b: {  	s9 =	sadd.s32 $0xFFFFFEF7, lr;
	s5 =	simm.s32 $0xFFFFFFFF;
	p2 =	slt.u32 s8, $0xFFFFF086  }
0x1c: {  	p1 =	slt.u32 s9, $0xF7A;
	s5 =	simm.s32 @!p2 $0x0  }
0x1d: {  	s5 =	simm.s32 @p1 $0x1;
	p0 =	seq.s32 s7, s2  }
0x1e: {  	s7 =	smul.u32 @!p0 $0xF7A, s2;
	p2 =	seq.s32 @!p0 s5, $0x0  }
0x1f: {  	s9 =	smul.u32 $0xF7A, s1;
	s8 =	simm.s32 @!p0 $0x1BF5;
	p2 =	por !p2, p0  }
0x20: {  	[sflag:s8] =	ssyncset.s32 @!p0 $0xFFFFF086;
	s6 =	sadd.s32 @!p0 s3, s7;
	s7 =	simm.s32 @!p0 $0x108  }
0x21: {  	s3 =	sadd.s32 s3, s9;
	s6 =	sadd.s32 @!p0 $0x88, s6;
	s7 =	simm.s32 @p2 $0x1082  }
0x22: {  	[simem:s7], [sflag:s8] =	dma.local @!p0 [hbm:s6], $0xF7A  }
0x23: {  	s9 =	sor.u32 $0xD0000000, s2;
	s6 =	simm.s32 $0x108;
	_ =	swait.ge @!p0 [sflag:s8], $0x0  }
0x24: {  	s3 =	sadd.s32 $0x88, s3;
	s6 =	simm.s32 @!p1 $0x1082;
	[sflag:s4] =	ssyncset.s32 $0xFFFFF086  }
0x25: {  	[simem:s6], [sflag:s4] =	dma.local [hbm:s3], $0xF7A  }
0x26: {  	[smem:$0x3F9D] =	sst s1;
	(tag) =	ssettag s2;
	_ =	strace s9  }
0x27: {  	s1 =	sld [smem:$0x3FAD]  }
0x28: {  	s2 =	sld [smem:$0x3FAE]  }
0x29: {  	s4 =	sld [smem:$0x3FB0]  }
0x2a: {  	p0 =	seq.s32 s5, $0x0;
	s5 =	sld [smem:$0x3FB1]  }
0x2b: {  	s6 =	sld [smem:$0x3FB2]  }
0x2c: {  	s7 =	sld [smem:$0x3FB3]  }
0x2d: {  	s3 =	simm.s32 $0x108;
	s8 =	sld [smem:$0x3FB4]  }
0x2e: {  	s3 =	simm.s32 @!p0 $0x1082;
	s9 =	sld [smem:$0x3FB5]  }
0x2f: {  	lr =	sadd.s32 s0, s3;
	s0 =	sld [smem:$0x3FAC]  }
0x30: {  	s3 =	sld [smem:$0x3FAF]  }
0x31: {  	[smem:$0x3FB8] =	sst s10  }
0x32: {  	s10 =	sld [smem:$0x3FB6];
	_ =	sdelay $0x3  }
0x33: {  	p0 =	seq.s32 s10, $0x1;
	s10 =	sld [smem:$0x3FB8];
	_ =	sdelay $0x3  }
0x34: {  	[smem:$0x3FB8] =	sst s10  }
0x35: {  	s10 =	sld [smem:$0x3FB7];
	_ =	sdelay $0x3  }
0x36: {  	p1 =	seq.s32 s10, $0x1;
	s10 =	sld [smem:$0x3FB8];
	_ =	sdelay $0x3  }
0x37: {  	[smem:$0x3FB8] =	sst s10  }
0x38: {  	s10 =	sld [smem:$0x3FB9]  }
0x39: {  	_ = 	snop;
	(pc) =	sbr.ind lr, $3  }
0x3a: {  	_ = 	snop  }
0x3b: {  	_ = 	snop  }
0x3c: {  	p2 =	seq.s32 s10, $0x1;
	s10 =	sld [smem:$0x3FB8]  }
0x3d: {  	_ =	shalt  }
0x3e: {  	_ =	shalt  }
0x3f: {  	_ =	shalt  }
0x40: {  	_ =	shalt  }
0x41: {  	_ =	shalt  }
0x42: {  	_ =	shalt  }
0x43: {  	_ =	shalt  }
0x44: {  	_ =	shalt  }
0x45: {  	_ =	shalt  }
0x46: {  	_ =	shalt  }
0x47: {  	_ =	shalt  }
0x48: {  	_ =	shalt  }
0x49: {  	_ =	shalt  }
0x4a: {  	_ =	shalt  }
0x4b: {  	_ =	shalt  }
0x4c: {  	_ =	shalt  }
0x4d: {  	_ =	shalt  }
0x4e: {  	_ =	shalt  }
0x4f: {  	_ =	shalt  }
0x50: {  	_ =	shalt  }
0x51: {  	_ =	shalt  }
0x52: {  	_ =	shalt  }
0x53: {  	_ =	shalt  }
0x54: {  	_ =	shalt  }
0x55: {  	_ =	shalt  }
0x56: {  	_ =	shalt  }
0x57: {  	_ =	shalt  }
0x58: {  	_ =	shalt  }
0x59: {  	_ =	shalt  }
0x5a: {  	_ =	shalt  }
0x5b: {  	_ =	shalt  }
0x5c: {  	_ =	shalt  }
0x5d: {  	_ =	shalt  }
0x5e: {  	_ =	shalt  }
0x5f: {  	_ =	shalt  }
0x60: {  	_ =	shalt  }
0x61: {  	_ =	shalt  }
0x62: {  	_ =	shalt  }
0x63: {  	_ =	shalt  }
0x64: {  	_ =	shalt  }
0x65: {  	_ =	shalt  }
0x66: {  	_ =	shalt  }
0x67: {  	_ =	shalt  }
0x68: {  	_ =	shalt  }
0x69: {  	_ =	shalt  }
0x6a: {  	_ =	shalt  }
0x6b: {  	_ =	shalt  }
0x6c: {  	_ =	shalt  }
0x6d: {  	_ =	shalt  }
0x6e: {  	_ =	shalt  }
0x6f: {  	_ =	shalt  }
0x70: {  	_ =	shalt  }
0x71: {  	_ =	shalt  }
0x72: {  	_ =	shalt  }
0x73: {  	_ =	shalt  }
0x74: {  	_ =	shalt  }
0x75: {  	_ =	shalt  }
0x76: {  	_ =	shalt  }
0x77: {  	_ =	shalt  }
0x78: {  	_ =	shalt  }
0x79: {  	_ =	shalt  }
0x7a: {  	_ =	shalt  }
0x7b: {  	_ =	shalt  }
0x7c: {  	_ =	shalt  }
0x7d: {  	_ =	shalt  }
0x7e: {  	_ =	shalt  }
0x7f: {  	_ =	shalt  }
0x80: {  	_ =	shalt  }
0x81: {  	_ =	shalt  }
0x82: {  	_ =	shalt  }
0x83: {  	_ =	shalt  }
0x84: {  	_ =	shalt  }
0x85: {  	_ =	shalt  }
0x86: {  	_ =	shalt  }
0x87: {  	_ =	shalt  }
.Lfunc_end0:
.L_simem_size_0:
called_computation.1_lowered:
.L_overlay_start_0:
0x88: {  	s2 =	sld [smem:$0x3FD9]  }
0x89: {  	s3 =	sld [smem:$0x3FFE];
	_ =	sdelay $0x1  }
0x8a: {  	s1 =	srdreg.scid  }
0x8b: {  	s0 =	sand.u32 $0x1, s1  }
0x8c: {  	s16 =	sshll.u32 s0, $0xA;
	s2 =	sadd.s32 s3, s2  }
0x8d: {  	s2 =	sadd.s32 s2, s16  }
0x8e: {  	[smem:$0x3FC4] =	sst s2  }
0x8f: {  	_ = 	snop  }
0x90: {  	(tm) =	ssettm $0x1  }
0x91: {  	s17 =	sld [smem:$0x3FFB];
	_ =	sdelay $0x3  }
0x92: {  	_ =	strace s17  }
0x93: {  	s2 =	sld [smem:$0x3FFC];
	_ =	sdelay $0x3  }
0x94: {  	_ =	strace s2  }
0x95: {  	s2 =	sld [smem:$0x3FFD];
	_ =	sdelay $0x3  }
0x96: {  	_ =	strace s2  }
0x97: {  	_ =	strace $0x8FFFFFFF  }
0x98: {  	s18 =	sld [smem:$0x3FDB];
	_ =	sdelay $0x1  }
0x99: {  	s19 =	simm.s32 $_scs_section_size  }
0x9a: {  	s4 =	simm.s32 $_size__tile_overlayer_lowered;
	s5 =	simm.s32 $_tile_overlayer_lowered  }
0x9b: {  	s22 =	simm.s32 $0x1BFF;
	s21 =	sshll.u32 s5, $0x1;
	s2 =	sadd.s32 s19, s18  }
0x9c: {  	s6 =	simm.s32 $0x0;
	s20 =	sshll.u32 s4, $0x1;
	s4 =	sadd.s32 s21, s2  }
0x9d: {  	[timem:s6], [sflag:s22] =	dma.local [hbm:s4], s20  }
0x9e: {  	_ =	swait.ge [sflag:s22], s20  }
0x9f: {  	s3 =	ssub.s32 $0x0, s20;
	[sflag:s22] =	ssyncset.done $0x0  }
0xa0: {  	[sflag:s22] =	ssyncadd.s32 s3;
	_ =	sdelay $0x1  }
0xa1: {  	s23 =	simm.s32 $0x1B8B  }
0xa2: {  	_ =	swait.ge [sflag:s23], $0x1  }
0xa3: {  	[sflag:s23] =	ssyncset.done $0x0  }
0xa4: {  	s25 =	simm.s32 $0x1B8E;
	s24 =	sld [smem:$0x3FFE];
	[sflag:s23] =	ssyncadd.s32 $0xFFFFFFFF  }
0xa5: {  	s26 =	simm.s32 $execute0_lowered;
	[smem:$0x3FD2] =	sst s25  }
0xa6: {  	s4 =	sshll.u32 s26, $0x1;
	_ =	strace $0x80000049;
	[dreg:$0x1] =	wrdreg $0xFFFFFFFF  }
0xa7: {  	s28 =	simm.s32 $_size_execute0_lowered;
	s2 =	sadd.s32 s2, s4;
	[dreg:$0x0] =	wrdreg $0x0  }
0xa8: {  	s4 =	sshll.u32 s28, $0x1;
	[dreg:$0x2] =	wrdreg s2  }
0xa9: {  	[dreg:$0x3] =	wrdreg s4  }
0xaa: {  	[dreg:$0x4] =	wrdreg $0xC0  }
0xab: {  	_ =	task [dreg:s6], $0x5FFFF  }
0xac: {  	[dreg:$0x1] =	wrdreg $0xFFFFFFFF  }
0xad: {  	[dreg:$0x0] =	wrdreg $0x60  }
0xae: {  	[dreg:$0x2] =	wrdreg s24  }
0xaf: {  	[dreg:$0x3] =	wrdreg $0x9  }
0xb0: {  	_ =	task.clear_ibuf [dreg:s6], $0x4FFFF;
	_ =	strace $0x90000049  }
0xb1: {  	s29 =	simm.s32 $0x9;
	_ =	strace $0x8000004B  }
0xb2: {  	_ =	swait.ge [sflag:s29], $0x1  }
0xb3: {  	[sflag:s29] =	ssyncadd.s32 $0xFFFFFFFF  }
0xb4: {  	_ =	strace $0x9000004B  }
0xb5: {  	_ =	sfence  }
0xb6: {  	s30 =	sld [smem:$0x0];
	_ =	sdelay $0x2  }
0xb7: {  	s31 =	sshll.u32 s1, $0xD;
	s1 =	sshrl.u32 s1, $0x2  }
0xb8: {  	s3 =	sand.u32 $0x4000, s31;
	s1 =	sadd.s32 s1, s30  }
0xb9: {  	s0 =	sor.u32 s3, s0;
	s1 =	sshll.u32 s1, $0x11  }
0xba: {  	s0 =	sor.u32 s1, s0  }
0xbb: {  	s0 =	sadd.s32 $0x8F2B, s0  }
0xbc: {  	[sflag:s0] =	ssyncadd.remote.s32 $0x1  }
0xbd: {  	_ =	sfence.sel $0xFFFF  }
0xbe: {  	[dreg:$0x0] =	wrdreg $0xFFFFFFFF;
	(pc) =	sbr.abs _section_cstart, $3  }
0xbf: {  	[dreg:$0x1] =	wrdreg $0xFFFFFFFF  }
0xc0: {  	_ =	task.clear_ibuf [dreg:s6], $0x2FFFF;
	_ =	strace $0x9FFFFFFF  }
0xc1: {  	(tm) =	ssettm $0x7FFFFFFF  }
tec
execute0_lowered:
.L_overlay_start_1:
0x0: {  	(tag) =	ssettag $0x1  }
0x1: {  	s0 =	srdreg.scid;
	s2 =	stileid.u32  }
0x2: {  	s1 =	rddreg [dreg:$0x0];
	s7 =	simm.s32 $0x2;
	s10 =	simm.s32 $0x900  }
0x3: {  	s11 =	simm.s32 $0x1100;
	s12 =	simm.s32 $0x1900;
	s13 =	simm.s32 $0x2100  }
0x4: {  	s14 =	simm.s32 $0x2900;
	s15 =	simm.s32 $0x3100;
	s16 =	simm.s32 $0x3900  }
0x5: {  	s17 =	simm.s32 $0x4100;
	s18 =	simm.s32 $0x4900;
	s19 =	simm.s32 $0x5100  }
0x6: {  	s20 =	simm.s32 $0x5900;
	s21 =	simm.s32 $0x6100;
	s22 =	simm.s32 $0x6900  }
0x7: {  	s23 =	simm.s32 $0x7100;
	s24 =	simm.s32 $0x7900;
	s28 =	simm.s32 $0x9100  }
0x8: {  	s29 =	simm.s32 $0x9900;
	s30 =	simm.s32 $0xA100;
	s31 =	simm.s32 $0xA900  }
0x9: {  	s0 =	sand.u32 $0x1, s0;
	s3 =	sshll.u32 s2, $0x1;
	s2 =	simm.s32 $0x0  }
0xa: {  	s3 =	sor.u32 s0, s3;
	[smem:$0x7FF] =	sst s2;
	s0 =	ssub.s32 $0x2, s0  }
0xb: {  	s4 =	sshll.u32 s3, $0x5;
	s5 =	smul.u32 $0x1800, s3;
	_ =	strace $0x8000004A  }
0xc: {  	s3 =	sadd.s32 $0xC00, s1;
	s6 =	sshrl.u32 s0, $0x1;
	s4 =	sadd.s32 s4, s1  }
0xd: {  	s0 =	ssub.s32 s0, s6;
	s5 =	sadd.s32 s5, s1;
	s4 =	sadd.s32 $0x79200, s4  }
0xe: {  	s6 =	smax.u32 s0, $0x1;
	s0 =	simm.s32 $0x1;
	[dreg:$0x2] =	wrdreg s4  }
0xf: {  	v2 =	vlaneseq.u32;
	s25 =	sadd.s32 $0x79600, s5;
	s26 =	sadd.s32 $0xA9600, s5;
	s4 =	sadd.s32 $0xD00, s1  }
0x10: {  	vm0 =	vmmov $0xffff;
	v1 =	vshrl.u32 v2, $0x3;
	s5 =	sadd.s32 $0xE00, s1;
	s1 =	simm.s32 $0x100;
	[dreg:$0x3] =	wrdreg s25  }
0x11: {  	v0 =	vand.u32 $0x7, v2;
	v2 =	vor.u32 $0x8, v2;
	v1 =	vmul.u32 $0x8, v1;
	[dreg:$0x4] =	wrdreg s26;
	s25 =	simm.s32 $0x8100;
	s26 =	simm.s32 $0x8900  }
.LBB2_1:
0x12: {  	s9 =	rddreg [dreg:$0x2]  }
0x13: {  	[tilespmem:s2], [sflag:$0x2] =	stream.linear.gather [hbm4b:s9+s2], $0x100, $0x38;
	[tilespmem:$0xC100] =	vst v63  }
0x14: {  	_ =	swait.ge [sflag:s7], $0x100  }
0x15: {  	[sflag:s7] =	ssyncset.done $0x0  }
0x16: {  	[sflag:s7] =	ssyncadd.s32 $0xFFFFFF00  }
0x17: {  	v3 =	vld [tilespmem:$0x0];
	_ =	sdelay $0x4  }
0x18: {  	v4 =	vshrl.u32 v3, $0x3  }
0x19: {  	v4 =	vmul.u32 $0x30, v4  }
0x1a: {  	v3 =	vand.u32 $0x7, v3  }
0x1b: {  	v3 =	vor.u32 v3, v4  }
0x1c: {  	v4 =	vperm.xlane v3, v0;
	_ =	sdelay $0x1  }
0x1d: {  	v4 =	vadd.s32 v1, v4;
	_ =	sdelay $0x3  }
0x1e: {  	v3 =	vperm.xlane v3, v2  }
0x1f: {  	[tilespmem:s1], [sflag:$0x1] =	stream.indirect_vreg.gather [hbm4b:s3+s2], $0x80, v4, vm0, $0xb8;
	[tilespmem:$0xC100] =	vst v63  }
0x20: {  	v3 =	vadd.s32 v1, v3  }
0x21: {  	[tilespmem:s10], [sflag:$0x1] =	stream.indirect_vreg.gather [hbm4b:s4+s2], $0x80, v4, vm0, $0xb8;
	[tilespmem:$0xC100] =	vst v63  }
0x22: {  	_ = 	snop  }
0x23: {  	[tilespmem:s11], [sflag:$0x1] =	stream.indirect_vreg.gather [hbm4b:s5+s2], $0x80, v4, vm0, $0xb8;
	[tilespmem:$0xC100] =	vst v63  }
0x24: {  	_ = 	snop  }
0x25: {  	[tilespmem:s12], [sflag:$0x1] =	stream.indirect_vreg.gather [hbm4b:s3+s2], $0x80, v3, vm0, $0xb8;
	[tilespmem:$0xC100] =	vst v63  }
0x26: {  	_ = 	snop  }
0x27: {  	[tilespmem:s13], [sflag:$0x1] =	stream.indirect_vreg.gather [hbm4b:s4+s2], $0x80, v3, vm0, $0xb8;
	[tilespmem:$0xC100] =	vst v63  }
0x28: {  	_ = 	snop  }
0x29: {  	[tilespmem:s14], [sflag:$0x1] =	stream.indirect_vreg.gather [hbm4b:s5+s2], $0x80, v3, vm0, $0xb8;
	[tilespmem:$0xC100] =	vst v63  }
0x2a: {  	v3 =	vld [tilespmem:$0x10];
	_ =	sdelay $0x4  }
0x2b: {  	v57 =	vshrl.u32 v3, $0x3  }
0x2c: {  	v4 =	vmul.u32 $0x30, v57  }
0x2d: {  	v3 =	vand.u32 $0x7, v3  }
0x2e: {  	v3 =	vor.u32 v3, v4  }
0x2f: {  	v4 =	vperm.xlane v3, v0;
	_ =	sdelay $0x1  }
0x30: {  	v4 =	vadd.s32 v1, v4;
	_ =	sdelay $0x3  }
0x31: {  	v3 =	vperm.xlane v3, v2  }
0x32: {  	[tilespmem:s15], [sflag:$0x1] =	stream.indirect_vreg.gather [hbm4b:s3+s2], $0x80, v4, vm0, $0xb8;
	[tilespmem:$0xC100] =	vst v63  }
0x33: {  	v3 =	vadd.s32 v1, v3  }
0x34: {  	[tilespmem:s16], [sflag:$0x1] =	stream.indirect_vreg.gather [hbm4b:s4+s2], $0x80, v4, vm0, $0xb8;
	[tilespmem:$0xC100] =	vst v63  }
0x35: {  	_ = 	snop  }
0x36: {  	[tilespmem:s17], [sflag:$0x1] =	stream.indirect_vreg.gather [hbm4b:s5+s2], $0x80, v4, vm0, $0xb8;
	[tilespmem:$0xC100] =	vst v63  }
0x37: {  	_ = 	snop  }
0x38: {  	[tilespmem:s18], [sflag:$0x1] =	stream.indirect_vreg.gather [hbm4b:s3+s2], $0x80, v3, vm0, $0xb8;
	[tilespmem:$0xC100] =	vst v63  }
0x39: {  	_ = 	snop  }
0x3a: {  	[tilespmem:s19], [sflag:$0x1] =	stream.indirect_vreg.gather [hbm4b:s4+s2], $0x80, v3, vm0, $0xb8;
	[tilespmem:$0xC100] =	vst v63  }
0x3b: {  	_ = 	snop  }
0x3c: {  	[tilespmem:s20], [sflag:$0x1] =	stream.indirect_vreg.gather [hbm4b:s5+s2], $0x80, v3, vm0, $0xb8;
	[tilespmem:$0xC100] =	vst v63  }
0x3d: {  	v3 =	vld [tilespmem:$0x20];
	_ =	sdelay $0x4  }
0x3e: {  	v58 =	vshrl.u32 v3, $0x3  }
0x3f: {  	v4 =	vmul.u32 $0x30, v58  }
0x40: {  	v3 =	vand.u32 $0x7, v3  }
0x41: {  	v3 =	vor.u32 v3, v4  }
0x42: {  	v4 =	vperm.xlane v3, v0;
	_ =	sdelay $0x1  }
0x43: {  	v4 =	vadd.s32 v1, v4;
	_ =	sdelay $0x3  }
0x44: {  	v3 =	vperm.xlane v3, v2  }
0x45: {  	[tilespmem:s21], [sflag:$0x1] =	stream.indirect_vreg.gather [hbm4b:s3+s2], $0x80, v4, vm0, $0xb8;
	[tilespmem:$0xC100] =	vst v63  }
0x46: {  	v3 =	vadd.s32 v1, v3  }
0x47: {  	[tilespmem:s22], [sflag:$0x1] =	stream.indirect_vreg.gather [hbm4b:s4+s2], $0x80, v4, vm0, $0xb8;
	[tilespmem:$0xC100] =	vst v63  }
0x48: {  	_ = 	snop  }
0x49: {  	[tilespmem:s23], [sflag:$0x1] =	stream.indirect_vreg.gather [hbm4b:s5+s2], $0x80, v4, vm0, $0xb8;
	[tilespmem:$0xC100] =	vst v63  }
0x4a: {  	_ = 	snop  }
0x4b: {  	[tilespmem:s24], [sflag:$0x1] =	stream.indirect_vreg.gather [hbm4b:s3+s2], $0x80, v3, vm0, $0xb8;
	[tilespmem:$0xC100] =	vst v63  }
0x4c: {  	_ = 	snop  }
0x4d: {  	[tilespmem:s25], [sflag:$0x1] =	stream.indirect_vreg.gather [hbm4b:s4+s2], $0x80, v3, vm0, $0xb8;
	[tilespmem:$0xC100] =	vst v63  }
0x4e: {  	_ = 	snop  }
0x4f: {  	[tilespmem:s26], [sflag:$0x1] =	stream.indirect_vreg.gather [hbm4b:s5+s2], $0x80, v3, vm0, $0xb8;
	[tilespmem:$0xC100] =	vst v63  }
0x50: {  	v3 =	vld [tilespmem:$0x30];
	_ =	sdelay $0x4  }
0x51: {  	v59 =	vshrl.u32 v3, $0x3  }
0x52: {  	v4 =	vmul.u32 $0x30, v59  }
0x53: {  	v3 =	vand.u32 $0x7, v3  }
0x54: {  	v3 =	vor.u32 v3, v4  }
0x55: {  	v4 =	vperm.xlane v3, v0;
	_ =	sdelay $0x1  }
0x56: {  	v4 =	vadd.s32 v1, v4;
	_ =	sdelay $0x3  }
0x57: {  	v3 =	vperm.xlane v3, v2  }
0x58: {  	[tilespmem:s28], [sflag:$0x1] =	stream.indirect_vreg.gather [hbm4b:s3+s2], $0x80, v4, vm0, $0xb8;
	[tilespmem:$0xC100] =	vst v63  }
0x59: {  	v3 =	vadd.s32 v1, v3  }
0x5a: {  	[tilespmem:s29], [sflag:$0x1] =	stream.indirect_vreg.gather [hbm4b:s4+s2], $0x80, v4, vm0, $0xb8;
	[tilespmem:$0xC100] =	vst v63  }
0x5b: {  	_ = 	snop  }
0x5c: {  	[tilespmem:s30], [sflag:$0x1] =	stream.indirect_vreg.gather [hbm4b:s5+s2], $0x80, v4, vm0, $0xb8;
	[tilespmem:$0xC100] =	vst v63  }
0x5d: {  	_ = 	snop  }
0x5e: {  	[tilespmem:s31], [sflag:$0x1] =	stream.indirect_vreg.gather [hbm4b:s3+s2], $0x80, v3, vm0, $0xb8;
	[tilespmem:$0xC100] =	vst v63  }
0x5f: {  	s8 =	simm.s32 $0xB100  }
0x60: {  	[tilespmem:s8], [sflag:$0x1] =	stream.indirect_vreg.gather [hbm4b:s4+s2], $0x80, v3, vm0, $0xb8;
	[tilespmem:$0xC100] =	vst v63  }
0x61: {  	s8 =	simm.s32 $0xB900  }
0x62: {  	[tilespmem:s8], [sflag:$0x1] =	stream.indirect_vreg.gather [hbm4b:s5+s2], $0x80, v3, vm0, $0xb8;
	[tilespmem:$0xC100] =	vst v63  }
0x63: {  	_ =	swait.ge [sflag:s0], $0xC000  }
0x64: {  	[sflag:s0] =	ssyncset.done $0x0  }
0x65: {  	s9 =	rddreg [dreg:$0x3];
	[sflag:s0] =	ssyncadd.s32 $0xFFFF4000  }
0x66: {  	[hbm4b:s9+s2] =	stream.linear.scatter [tilespmem:s1], [sflag:$0x2], $0xC000, $0x38;
	[tilespmem:$0xC100] =	vst v63  }
0x67: {  	_ =	swait.ge [sflag:s7], $0xC000  }
0x68: {  	[sflag:s7] =	ssyncset.done $0x0  }
0x69: {  	[sflag:s7] =	ssyncadd.s32 $0xFFFF4000  }
0x6a: {  	v3 =	vld [tilespmem:$0x80];
	_ =	sdelay $0x4  }
0x6b: {  	v60 =	vshrl.u32 v3, $0x3  }
0x6c: {  	v4 =	vmul.u32 $0x30, v60  }
0x6d: {  	v3 =	vand.u32 $0x7, v3  }
0x6e: {  	v3 =	vor.u32 v3, v4  }
0x6f: {  	v4 =	vperm.xlane v3, v0;
	_ =	sdelay $0x1  }
0x70: {  	v4 =	vadd.s32 v1, v4;
	_ =	sdelay $0x3  }
0x71: {  	v3 =	vperm.xlane v3, v2  }
0x72: {  	[tilespmem:s1], [sflag:$0x1] =	stream.indirect_vreg.gather [hbm4b:s3+s2], $0x80, v4, vm0, $0xb8;
	[tilespmem:$0xC100] =	vst v63  }
0x73: {  	v3 =	vadd.s32 v1, v3  }
0x74: {  	[tilespmem:s10], [sflag:$0x1] =	stream.indirect_vreg.gather [hbm4b:s4+s2], $0x80, v4, vm0, $0xb8;
	[tilespmem:$0xC100] =	vst v63  }
0x75: {  	_ = 	snop  }
0x76: {  	[tilespmem:s11], [sflag:$0x1] =	stream.indirect_vreg.gather [hbm4b:s5+s2], $0x80, v4, vm0, $0xb8;
	[tilespmem:$0xC100] =	vst v63  }
0x77: {  	_ = 	snop  }
0x78: {  	[tilespmem:s12], [sflag:$0x1] =	stream.indirect_vreg.gather [hbm4b:s3+s2], $0x80, v3, vm0, $0xb8;
	[tilespmem:$0xC100] =	vst v63  }
0x79: {  	_ = 	snop  }
0x7a: {  	[tilespmem:s13], [sflag:$0x1] =	stream.indirect_vreg.gather [hbm4b:s4+s2], $0x80, v3, vm0, $0xb8;
	[tilespmem:$0xC100] =	vst v63  }
0x7b: {  	_ = 	snop  }
0x7c: {  	[tilespmem:s14], [sflag:$0x1] =	stream.indirect_vreg.gather [hbm4b:s5+s2], $0x80, v3, vm0, $0xb8;
	[tilespmem:$0xC100] =	vst v63  }
0x7d: {  	v3 =	vld [tilespmem:$0x90];
	_ =	sdelay $0x4  }
0x7e: {  	v61 =	vshrl.u32 v3, $0x3  }
0x7f: {  	v4 =	vmul.u32 $0x30, v61  }
0x80: {  	v3 =	vand.u32 $0x7, v3  }
0x81: {  	v3 =	vor.u32 v3, v4  }
0x82: {  	v4 =	vperm.xlane v3, v0;
	_ =	sdelay $0x1  }
0x83: {  	v4 =	vadd.s32 v1, v4;
	_ =	sdelay $0x3  }
0x84: {  	v3 =	vperm.xlane v3, v2  }
0x85: {  	[tilespmem:s15], [sflag:$0x1] =	stream.indirect_vreg.gather [hbm4b:s3+s2], $0x80, v4, vm0, $0xb8;
	[tilespmem:$0xC100] =	vst v63  }
0x86: {  	v3 =	vadd.s32 v1, v3  }
0x87: {  	[tilespmem:s16], [sflag:$0x1] =	stream.indirect_vreg.gather [hbm4b:s4+s2], $0x80, v4, vm0, $0xb8;
	[tilespmem:$0xC100] =	vst v63  }
0x88: {  	_ = 	snop  }
0x89: {  	[tilespmem:s17], [sflag:$0x1] =	stream.indirect_vreg.gather [hbm4b:s5+s2], $0x80, v4, vm0, $0xb8;
	[tilespmem:$0xC100] =	vst v63  }
0x8a: {  	_ = 	snop  }
0x8b: {  	[tilespmem:s18], [sflag:$0x1] =	stream.indirect_vreg.gather [hbm4b:s3+s2], $0x80, v3, vm0, $0xb8;
	[tilespmem:$0xC100] =	vst v63  }
0x8c: {  	_ = 	snop  }
0x8d: {  	[tilespmem:s19], [sflag:$0x1] =	stream.indirect_vreg.gather [hbm4b:s4+s2], $0x80, v3, vm0, $0xb8;
	[tilespmem:$0xC100] =	vst v63  }
0x8e: {  	_ = 	snop  }
0x8f: {  	[tilespmem:s20], [sflag:$0x1] =	stream.indirect_vreg.gather [hbm4b:s5+s2], $0x80, v3, vm0, $0xb8;
	[tilespmem:$0xC100] =	vst v63  }
0x90: {  	v3 =	vld [tilespmem:$0xA0];
	_ =	sdelay $0x4  }
0x91: {  	v62 =	vshrl.u32 v3, $0x3  }
0x92: {  	v4 =	vmul.u32 $0x30, v62  }
0x93: {  	v3 =	vand.u32 $0x7, v3  }
0x94: {  	v3 =	vor.u32 v3, v4  }
0x95: {  	v4 =	vperm.xlane v3, v0;
	_ =	sdelay $0x1  }
0x96: {  	v4 =	vadd.s32 v1, v4;
	_ =	sdelay $0x3  }
0x97: {  	v3 =	vperm.xlane v3, v2  }
0x98: {  	[tilespmem:s21], [sflag:$0x1] =	stream.indirect_vreg.gather [hbm4b:s3+s2], $0x80, v4, vm0, $0xb8;
	[tilespmem:$0xC100] =	vst v63  }
0x99: {  	v3 =	vadd.s32 v1, v3  }
0x9a: {  	[tilespmem:s22], [sflag:$0x1] =	stream.indirect_vreg.gather [hbm4b:s4+s2], $0x80, v4, vm0, $0xb8;
	[tilespmem:$0xC100] =	vst v63  }
0x9b: {  	_ = 	snop  }
0x9c: {  	[tilespmem:s23], [sflag:$0x1] =	stream.indirect_vreg.gather [hbm4b:s5+s2], $0x80, v4, vm0, $0xb8;
	[tilespmem:$0xC100] =	vst v63  }
0x9d: {  	_ = 	snop  }
0x9e: {  	[tilespmem:s24], [sflag:$0x1] =	stream.indirect_vreg.gather [hbm4b:s3+s2], $0x80, v3, vm0, $0xb8;
	[tilespmem:$0xC100] =	vst v63  }
0x9f: {  	_ = 	snop  }
0xa0: {  	[tilespmem:s25], [sflag:$0x1] =	stream.indirect_vreg.gather [hbm4b:s4+s2], $0x80, v3, vm0, $0xb8;
	[tilespmem:$0xC100] =	vst v63  }
0xa1: {  	_ = 	snop  }
0xa2: {  	[tilespmem:s26], [sflag:$0x1] =	stream.indirect_vreg.gather [hbm4b:s5+s2], $0x80, v3, vm0, $0xb8;
	[tilespmem:$0xC100] =	vst v63  }
0xa3: {  	v3 =	vld [tilespmem:$0xB0];
	_ =	sdelay $0x4  }
0xa4: {  	v63 =	vshrl.u32 v3, $0x3  }
0xa5: {  	v4 =	vmul.u32 $0x30, v63  }
0xa6: {  	v3 =	vand.u32 $0x7, v3  }
0xa7: {  	v3 =	vor.u32 v3, v4  }
0xa8: {  	v4 =	vperm.xlane v3, v0;
	_ =	sdelay $0x1  }
0xa9: {  	v4 =	vadd.s32 v1, v4;
	_ =	sdelay $0x3  }
0xaa: {  	v3 =	vperm.xlane v3, v2  }
0xab: {  	[tilespmem:s28], [sflag:$0x1] =	stream.indirect_vreg.gather [hbm4b:s3+s2], $0x80, v4, vm0, $0xb8;
	[tilespmem:$0xC100] =	vst v63  }
0xac: {  	v3 =	vadd.s32 v1, v3  }
0xad: {  	[tilespmem:s29], [sflag:$0x1] =	stream.indirect_vreg.gather [hbm4b:s4+s2], $0x80, v4, vm0, $0xb8;
	[tilespmem:$0xC100] =	vst v63  }
0xae: {  	_ = 	snop  }
0xaf: {  	[tilespmem:s30], [sflag:$0x1] =	stream.indirect_vreg.gather [hbm4b:s5+s2], $0x80, v4, vm0, $0xb8;
	[tilespmem:$0xC100] =	vst v63  }
0xb0: {  	_ = 	snop  }
0xb1: {  	[tilespmem:s31], [sflag:$0x1] =	stream.indirect_vreg.gather [hbm4b:s3+s2], $0x80, v3, vm0, $0xb8;
	[tilespmem:$0xC100] =	vst v63  }
0xb2: {  	s9 =	simm.s32 $0xB100  }
0xb3: {  	[tilespmem:s9], [sflag:$0x1] =	stream.indirect_vreg.gather [hbm4b:s4+s2], $0x80, v3, vm0, $0xb8;
	[tilespmem:$0xC100] =	vst v63  }
0xb4: {  	_ = 	snop  }
0xb5: {  	[tilespmem:s8], [sflag:$0x1] =	stream.indirect_vreg.gather [hbm4b:s5+s2], $0x80, v3, vm0, $0xb8;
	[tilespmem:$0xC100] =	vst v63  }
0xb6: {  	_ =	swait.ge [sflag:s0], $0xC000  }
0xb7: {  	p0 =	sne.s32 s6, $0x1;
	[sflag:s0] =	ssyncset.done $0x0  }
.Ltmp0:
0xb8: {  	s8 =	rddreg [dreg:$0x4];
	[sflag:s0] =	ssyncadd.s32 $0xFFFF4000;
	(pc) =	sbr.rel @p0 .LBB2_1-.Ltmp0, $4  }
0xb9: {  	[hbm4b:s8+s2] =	stream.linear.scatter [tilespmem:s1], [sflag:$0x2], $0xC000, $0x38;
	[tilespmem:$0xC100] =	vst v63  }
0xba: {  	_ =	swait.ge [sflag:s7], $0xC000  }
0xbb: {  	[sflag:s7] =	ssyncset.done $0x0  }
0xbc: {  	s6 =	sadd.s32 $0xFFFFFFFF, s6;
	[sflag:s7] =	ssyncadd.s32 $0xFFFF4000  }
0xbd: {  	_ =	sfence.sel $0x180000  }
0xbe: {  	[bflag:$0x0] =	sbarrier.arrive $0xFFFF  }
0xbf: {  	_ =	strace $0x9000004A  }
0xc0: {  	s0 =	stileid.u32;
	[bflag:$0x2] =	sbarrier.arrive $0xFFFF  }
0xc1: {  	p0 =	sne.s32 s0, $0x0;
	s0 =	rddreg [dreg:$0x1]  }
0xc2: {  	s0 =	sadd.s32 @!p0 $0x100000, s0  }
0xc3: {  	[sflag:s0] =	ssyncadd.tile.s32 @!p0 $0x1;
	_ =	shalt  }
.Lfunc_end2:
_tile_overlayer_lowered:
.L_overlay_start_2:
0xc4: {  	(tag) =	ssettag $0x2  }
0xc5: {  	s0 =	rddreg [dreg:$0x0];
	s2 =	stileid.u32  }
0xc6: {  	s1 =	rddreg [dreg:$0x1];
	p0 =	sne.s32 s2, $0x0  }
0xc7: {  	s3 =	rddreg [dreg:$0x2];
	[bflag:$0x3] =	sbarrier.arrive $0xFFFF;
	s2 =	simm.s32 @!p0 $0x1C02  }
0xc8: {  	[timem:s3], [sflag:s2] =	dma.local @!p0 [hbm:s0], s1  }
0xc9: {  	s0 =	simm.s32 @!p0 $0x2  }
0xca: {  	_ =	swait.ge @!p0 [sflag:s0], s1  }
0xcb: {  	s1 =	ssub.s32 @!p0 $0x0, s1;
	[sflag:s0] =	ssyncset.done @!p0 $0x0  }
0xcc: {  	[sflag:s0] =	ssyncadd.s32 @!p0 s1  }
0xcd: {  	[bflag:$0x3] =	sbarrier.arrive $0xFFFF  }
0xce: {  	_ =	shalt  }

</sc_bundles>
